<compile_context>
chip_gen: v7x
topology: tpu7x:2x2x1
jax: 0.10.2.dev20260603
libtpu: 0.0.44.dev20260713+nightly
codegen_flags: <defaults>
</compile_context>

<pallas_src>
import functools

import jax
import jax.numpy as jnp
from jax import lax
from jax.experimental import pallas as pl
from jax.experimental.pallas import tpu as pltpu
from jax.experimental.pallas import tpu_sc as plsc

_N = 10000
_H = 256
_HH = 128
_E = 160000
_NC = 2
_NS = 16
_KB = 128
_EPT = _E // _NS
_NBK = _EPT // _KB
_KT = _EPT - _NBK * _KB
_NPAIR = _NBK // 2
_NPAD = 10112
_TRASH = _NPAD - 8
_RPT = _NPAD // _NS
_EPP = 10240
_NBD = _EPP * _NS // _KB // (_NC * _NS)


def _sc_body_seg(tab, src, dst, zeros128, s_out,
                 acc, idxs, idxd, gidx, rows, t_src, t_dst, t_gidx, t_rows,
                 gsem0, gsem1):
    c = lax.axis_index("c")
    s = lax.axis_index("s")
    r0 = s * _RPT

    pltpu.sync_copy(zeros128.at[pl.ds(r0, _RPT)], acc.at[pl.ds(r0, _RPT)])
    plsc.subcore_barrier()

    ebase = s * _EPT
    gsems = (gsem0, gsem1)

    def load_and_fire(b, i):
        off = ebase + i * _KB
        pltpu.sync_copy(src.at[pl.ds(off, _KB)], idxs.at[b])
        pltpu.sync_copy(dst.at[pl.ds(off, _KB)], idxd.at[b])
        for j in range(_KB // 16):
            sl = pl.ds(j * 16, 16)
            gidx[b, sl] = idxs[b, sl] * 2 + c
        pltpu.async_copy(tab.at[gidx.at[b]], rows.at[b], gsems[b])

    def wait_and_scatter(b):
        pltpu.make_async_copy(tab.at[gidx.at[b]], rows.at[b], gsems[b]).wait()
        pltpu.sync_copy(rows.at[b], acc.at[idxd.at[b]], add=True)

    load_and_fire(0, 0)
    load_and_fire(1, 1)

    def pairbody(g, carry):
        wait_and_scatter(0)
        load_and_fire(0, 2 * g + 2)
        wait_and_scatter(1)
        load_and_fire(1, 2 * g + 3)
        return carry

    lax.fori_loop(0, _NPAIR - 1, pairbody, 0)
    wait_and_scatter(0)
    wait_and_scatter(1)

    offt = ebase + _NBK * _KB
    pltpu.sync_copy(src.at[pl.ds(offt, _KT)], t_src)
    pltpu.sync_copy(dst.at[pl.ds(offt, _KT)], t_dst)
    t_gidx[...] = t_src[...] * 2 + c
    pltpu.async_copy(tab.at[t_gidx], t_rows, gsem0).wait()
    pltpu.sync_copy(t_rows, acc.at[t_dst], add=True)

    plsc.subcore_barrier()

    pltpu.sync_copy(acc.at[pl.ds(r0, _RPT)], s_out.at[c, pl.ds(r0, _RPT)])


def _sc_body_deg(dstp, zeros128, ones128, deg_out,
                 acc, dstall, ones_v, dsem):
    c = lax.axis_index("c")
    s = lax.axis_index("s")
    r0 = s * _RPT

    pltpu.sync_copy(zeros128.at[pl.ds(r0, _RPT)], acc.at[pl.ds(r0, _RPT)])
    pltpu.sync_copy(ones128, ones_v)
    pltpu.sync_copy(dstp.at[c * _NS + s], dstall)
    plsc.subcore_barrier()

    def batch(i, carry):
        pltpu.async_copy(ones_v, acc.at[dstall.at[i]], dsem, add=True)
        return carry

    lax.fori_loop(0, _NBD, batch, 0)

    def drain(i, carry):
        pltpu.make_async_copy(ones_v, acc.at[dstall.at[0]], dsem).wait()
        return carry

    lax.fori_loop(0, _NBD, drain, 0)
    plsc.subcore_barrier()

    pltpu.sync_copy(acc.at[pl.ds(r0, _RPT)], deg_out.at[c, pl.ds(r0, _RPT)])


@functools.lru_cache(maxsize=None)
def _sc_kernels():
    mesh = plsc.VectorSubcoreMesh(core_axis_name="c", subcore_axis_name="s",
                                  num_cores=_NC, num_subcores=_NS)
    seg = pl.kernel(
        _sc_body_seg,
        out_type=(jax.ShapeDtypeStruct((_NC, _NPAD, _HH), jnp.float32),),
        mesh=mesh,
        scratch_types=(
            pltpu.VMEM_SHARED((_NPAD, _HH), jnp.float32),
            pltpu.VMEM((2, _KB), jnp.int32),
            pltpu.VMEM((2, _KB), jnp.int32),
            pltpu.VMEM((2, _KB), jnp.int32),
            pltpu.VMEM((2, _KB, _HH), jnp.float32),
            pltpu.VMEM((_KT,), jnp.int32),
            pltpu.VMEM((_KT,), jnp.int32),
            pltpu.VMEM((_KT,), jnp.int32),
            pltpu.VMEM((_KT, _HH), jnp.float32),
            pltpu.SemaphoreType.DMA,
            pltpu.SemaphoreType.DMA,
        ),
    )
    deg = pl.kernel(
        _sc_body_deg,
        out_type=(jax.ShapeDtypeStruct((_NC, _NPAD, _HH), jnp.float32),),
        mesh=mesh,
        scratch_types=(
            pltpu.VMEM_SHARED((_NPAD, _HH), jnp.float32),
            pltpu.VMEM((_NBD, _KB), jnp.int32),
            pltpu.VMEM((_KB, _HH), jnp.float32),
            pltpu.SemaphoreType.DMA,
        ),
    )
    return seg, deg


_BN = 400


def _tc_body(s_ref, deg_ref, h_ref, wt_ref, wih_ref, whh_ref, bm_ref,
             bih_ref, bhh_ref, out_ref):
    h = h_ref[...]
    deg = deg_ref[:, 0:1]
    wt = wt_ref[...]
    f32 = jnp.float32
    a = jnp.dot(s_ref[0], wt[0:_HH], preferred_element_type=f32,
                precision=lax.Precision.HIGHEST)
    a = a + jnp.dot(s_ref[1], wt[_HH:_H], preferred_element_type=f32,
                    precision=lax.Precision.HIGHEST)
    hb = jnp.dot(h, wt[_H:], preferred_element_type=f32)
    a = a + deg * (hb + bm_ref[...])
    gi = jnp.dot(a, wih_ref[...], preferred_element_type=f32) + bih_ref[...]
    gh = jnp.dot(h, whh_ref[...], preferred_element_type=f32) + bhh_ref[...]
    r = jax.nn.sigmoid(gi[:, :_H] + gh[:, :_H])
    z = jax.nn.sigmoid(gi[:, _H:2 * _H] + gh[:, _H:2 * _H])
    n = jnp.tanh(gi[:, 2 * _H:] + r * gh[:, 2 * _H:])
    out_ref[...] = (1.0 - z) * n + z * h


def _tc_round(S, deg16, h, wt, wih, whh, bm, bih, bhh):
    full = lambda shape: pl.BlockSpec(shape, lambda i: (0,) * len(shape))
    return pl.pallas_call(
        _tc_body,
        grid=(_N // _BN,),
        in_specs=[
            pl.BlockSpec((_NC, _BN, _HH), lambda i: (0, i, 0)),
            pl.BlockSpec((_BN, 16), lambda i: (i, 0)),
            pl.BlockSpec((_BN, _H), lambda i: (i, 0)),
            full((2 * _H, 2 * _H)),
            full((2 * _H, 3 * _H)),
            full((_H, 3 * _H)),
            full((1, 2 * _H)),
            full((1, 3 * _H)),
            full((1, 3 * _H)),
        ],
        out_specs=pl.BlockSpec((_BN, _H), lambda i: (i, 0)),
        out_shape=jax.ShapeDtypeStruct((_N, _H), jnp.float32),
    )(S, deg16, h, wt, wih, whh, bm, bih, bhh)


def kernel(x, edge_index, W_m1, b_m1, Wih1, Whh1, bih1, bhh1,
           W_m2, b_m2, Wih2, Whh2, bih2, bhh2):
    src = edge_index[0]
    dst = edge_index[1]
    zeros128 = jnp.zeros((_NPAD, _HH), jnp.float32)
    ones128 = jnp.ones((_KB, _HH), jnp.float32)

    pad_e = _EPP - _E // _NS
    dpad = jnp.pad(dst.reshape(_NS, _E // _NS), ((0, 0), (0, pad_e)),
                   constant_values=_TRASH)
    dstp_deg = dpad.reshape(_NC * _NS, _NBD, _KB)

    bf = lambda v: v.astype(jnp.bfloat16).astype(jnp.float32)
    sc_seg, sc_deg = _sc_kernels()
    degF, = sc_deg(dstp_deg, zeros128, ones128)
    deg16 = (degF[0] + degF[1])[:, :16]
    S1, = sc_seg(bf(x).reshape(2 * _N, _HH), src, dst, zeros128)
    h1 = _tc_round(S1, deg16, x, bf(W_m1.T), Wih1.T, Whh1.T,
                   b_m1[None], bih1[None], bhh1[None])
    S2, = sc_seg(bf(h1).reshape(2 * _N, _HH), src, dst, zeros128)
    h2 = _tc_round(S2, deg16, h1, bf(W_m2.T), Wih2.T, Whh2.T,
                   b_m2[None], bih2[None], bhh2[None])
    return h2

# --- scband reference (transcript-rebuilt; emitter-appended) ---
"""Pipeline reference for scband-dgm-graphs-51307679318503 (READ-ONLY COPY).

The authoritative reference and input builder live on the scoring server;
editing this copy changes nothing except your own understanding.
"""

import jax, jax.numpy as jnp
import numpy as np

H = 256
N = 10000
E = 160000


def _gru_cell(x_in, h, Wih, Whh, bih, bhh):
    # PyTorch GRUCell math
    gi = x_in @ Wih.T + bih
    gh = h @ Whh.T + bhh
    i_r, i_z, i_n = jnp.split(gi, 3, axis=-1)
    h_r, h_z, h_n = jnp.split(gh, 3, axis=-1)
    r = jax.nn.sigmoid(i_r + h_r)
    z = jax.nn.sigmoid(i_z + h_z)
    n = jnp.tanh(i_n + r * h_n)
    return (1.0 - z) * n + z * h


def setup_inputs(seed: int = 0):
    key = jax.random.key(seed)
    ks = jax.random.split(key, 16)
    s = 0.05
    inp = {}
    inp["x"] = jax.random.normal(ks[0], (N, H), dtype=jnp.float32)
    inp["edge_index"] = jax.random.randint(ks[1], (2, E), 0, N, dtype=jnp.int32)
    # round 1: m_uv_1 Linear(2h -> 2h), f_n_1 GRUCell(input=2h, hidden=h)
    inp["W_m1"] = jax.random.normal(ks[2], (2 * H, 2 * H), dtype=jnp.float32) * s
    inp["b_m1"] = jax.random.normal(ks[3], (2 * H,), dtype=jnp.float32) * s
    inp["Wih1"] = jax.random.normal(ks[4], (3 * H, 2 * H), dtype=jnp.float32) * s
    inp["Whh1"] = jax.random.normal(ks[5], (3 * H, H), dtype=jnp.float32) * s
    inp["bih1"] = jax.random.normal(ks[6], (3 * H,), dtype=jnp.float32) * s
    inp["bhh1"] = jax.random.normal(ks[7], (3 * H,), dtype=jnp.float32) * s
    # round 2: m_uv_2 Linear(2h -> 2h), f_n_2 GRUCell(input=2h, hidden=h)
    inp["W_m2"] = jax.random.normal(ks[8], (2 * H, 2 * H), dtype=jnp.float32) * s
    inp["b_m2"] = jax.random.normal(ks[9], (2 * H,), dtype=jnp.float32) * s
    inp["Wih2"] = jax.random.normal(ks[10], (3 * H, 2 * H), dtype=jnp.float32) * s
    inp["Whh2"] = jax.random.normal(ks[11], (3 * H, H), dtype=jnp.float32) * s
    inp["bih2"] = jax.random.normal(ks[12], (3 * H,), dtype=jnp.float32) * s
    inp["bhh2"] = jax.random.normal(ks[13], (3 * H,), dtype=jnp.float32) * s
    return inp


def reference(x, edge_index, W_m1, b_m1, Wih1, Whh1, bih1, bhh1,
              W_m2, b_m2, Wih2, Whh2, bih2, bhh2):
    # Two rounds of DeepGMG-style message passing:
    #   m_uv = Linear(cat(h_u, h_v)); a_v = sum_{u in N(v)} m_uv; h_v = GRUCell(a_v, h_v)
    src = edge_index[0]
    dst = edge_index[1]

    # round 1
    m1 = jnp.concatenate([x[src], x[dst]], axis=-1) @ W_m1.T + b_m1  # [E, 2H]
    a1 = jax.ops.segment_sum(m1, dst, num_segments=N)                 # [N, 2H]
    h1 = _gru_cell(a1, x, Wih1, Whh1, bih1, bhh1)                     # [N, H]

    # round 2
    m2 = jnp.concatenate([h1[src], h1[dst]], axis=-1) @ W_m2.T + b_m2
    a2 = jax.ops.segment_sum(m2, dst, num_segments=N)
    h2 = _gru_cell(a2, h1, Wih2, Whh2, bih2, bhh2)
    return h2

if __name__ == "__main__":
    import jax
    _d = setup_inputs()
    print(jax.jit(kernel)(*tuple(_d.values())))

</pallas_src>

<mosaic_0001>
#map = affine_map<(d0, d1) -> (0, 0)>
#map1 = affine_map<(d0, d1) -> (0)>
#map2 = affine_map<(d0, d1) -> (0, 0, 0)>
module attributes {stable_mosaic.version = 14 : i64} {
  func.func @_sc_body_seg(%arg0: i32, %arg1: i32, %arg2: memref<20000x128xf32, #tpu.memory_space<hbm>>, %arg3: memref<160000xi32, #tpu.memory_space<hbm>>, %arg4: memref<160000xi32, #tpu.memory_space<hbm>>, %arg5: memref<10112x128xf32, #tpu.memory_space<hbm>>, %arg6: memref<2x10112x128xf32, #tpu.memory_space<hbm>>, %arg7: memref<10112x128xf32, #tpu.memory_space<vmem_shared>>, %arg8: memref<2x128xi32, #tpu.memory_space<vmem>>, %arg9: memref<2x128xi32, #tpu.memory_space<vmem>>, %arg10: memref<2x128xi32, #tpu.memory_space<vmem>>, %arg11: memref<2x128x128xf32, #tpu.memory_space<vmem>>, %arg12: memref<16xi32, #tpu.memory_space<vmem>>, %arg13: memref<16xi32, #tpu.memory_space<vmem>>, %arg14: memref<16xi32, #tpu.memory_space<vmem>>, %arg15: memref<16x128xf32, #tpu.memory_space<vmem>>, %arg16: memref<!tpu.dma_semaphore, #tpu.memory_space<semaphore_mem>>, %arg17: memref<!tpu.dma_semaphore, #tpu.memory_space<semaphore_mem>>) attributes {dimension_semantics = [#tpu.dimension_semantics<core_parallel>, #tpu.dimension_semantics<subcore_parallel>], iteration_bounds = array<i64: 2, 16>, scalar_prefetch = 0 : i64, scratch_operands = 11 : i64, tpu.core_type = #tpu.core_type<sc_vector_subcore>, window_params = [{transform_indices = #map}, {transform_indices = #map1}, {transform_indices = #map1}, {transform_indices = #map}, {transform_indices = #map2}]} {
    %mul3A = arith.constant 632 : i32
    %mul3A_0 = arith.muli %arg1, %mul3A : i32
    "tpu.region"() ({
      %run_scoped3A_339 = tpu.sem_alloc : memref<!tpu.dma_semaphore, #tpu.memory_space<semaphore_mem>>
      %dma_start3A_340 = arith.constant 0 : i32
      %dma_start3A_341 = tpu.memref_slice %arg7[%mul3A_0, %dma_start3A_340] : memref<10112x128xf32, #tpu.memory_space<vmem_shared>> -> memref<632x128xf32, #tpu.memory_space<vmem_shared>>
      %dma_start3A_342 = arith.constant 0 : i32
      %dma_start3A_343 = tpu.memref_slice %arg5[%mul3A_0, %dma_start3A_342] : memref<10112x128xf32, #tpu.memory_space<hbm>> -> memref<632x128xf32, #tpu.memory_space<hbm>>
      tpu.enqueue_dma source(%dma_start3A_343 : memref<632x128xf32, #tpu.memory_space<hbm>>) target(%dma_start3A_341 : memref<632x128xf32, #tpu.memory_space<vmem_shared>>) target_semaphore(%run_scoped3A_339 : memref<!tpu.dma_semaphore, #tpu.memory_space<semaphore_mem>>)
      %dma_wait3A_344 = arith.constant 0 : i32
      %dma_wait3A_345 = tpu.memref_slice %arg7[%mul3A_0, %dma_wait3A_344] : memref<10112x128xf32, #tpu.memory_space<vmem_shared>> -> memref<632x128xf32, #tpu.memory_space<vmem_shared>>
      %dma_wait3A_346 = arith.constant 0 : i32
      %dma_wait3A_347 = tpu.memref_slice %arg5[%mul3A_0, %dma_wait3A_346] : memref<10112x128xf32, #tpu.memory_space<hbm>> -> memref<632x128xf32, #tpu.memory_space<hbm>>
      tpu.wait_dma2 semaphore(%run_scoped3A_339 : memref<!tpu.dma_semaphore, #tpu.memory_space<semaphore_mem>>) src(%dma_wait3A_347 : memref<632x128xf32, #tpu.memory_space<hbm>>) dst(%dma_wait3A_345 : memref<632x128xf32, #tpu.memory_space<vmem_shared>>)
      tpu.yield
    }) : () -> ()
    %barrier3A = arith.constant 0 : index
    tpu.barrier barrier_id(%barrier3A)
    %mul3A_1 = arith.constant 10000 : i32
    %mul3A_2 = arith.muli %arg1, %mul3A_1 : i32
    %add3A = arith.constant 0 : i32
    %add3A_3 = arith.addi %mul3A_2, %add3A : i32
    %run_scoped3A = arith.constant 0 : i32
    "tpu.region"() ({
      %run_scoped3A_339 = tpu.sem_alloc : memref<!tpu.dma_semaphore, #tpu.memory_space<semaphore_mem>>
      %dma_start3A_340 = arith.constant 0 : i32
      %dma_start3A_341 = tpu.memref_slice %arg8[%run_scoped3A, %dma_start3A_340] : memref<2x128xi32, #tpu.memory_space<vmem>> -> memref<1x128xi32, #tpu.memory_space<vmem>>
      %dma_start3A_342 = tpu.memref_squeeze %dma_start3A_341 : memref<1x128xi32, #tpu.memory_space<vmem>> -> memref<128xi32, #tpu.memory_space<vmem>>
      %dma_start3A_343 = tpu.memref_slice %arg3[%add3A_3] : memref<160000xi32, #tpu.memory_space<hbm>> -> memref<128xi32, #tpu.memory_space<hbm>>
      %dma_start3A_344 = arith.constant 0 : i32
      %dma_start3A_345 = tpu.memref_slice %arg8[%run_scoped3A, %dma_start3A_344] : memref<2x128xi32, #tpu.memory_space<vmem>> -> memref<1x128xi32, #tpu.memory_space<vmem>>
      %dma_start3A_346 = tpu.memref_squeeze %dma_start3A_345 : memref<1x128xi32, #tpu.memory_space<vmem>> -> memref<128xi32, #tpu.memory_space<vmem>>
      %dma_start3A_347 = tpu.memref_slice %arg3[%add3A_3] : memref<160000xi32, #tpu.memory_space<hbm>> -> memref<128xi32, #tpu.memory_space<hbm>>
      tpu.enqueue_dma source(%dma_start3A_347 : memref<128xi32, #tpu.memory_space<hbm>>) target(%dma_start3A_346 : memref<128xi32, #tpu.memory_space<vmem>>) target_semaphore(%run_scoped3A_339 : memref<!tpu.dma_semaphore, #tpu.memory_space<semaphore_mem>>)
      %dma_wait3A_348 = arith.constant 0 : i32
      %dma_wait3A_349 = tpu.memref_slice %arg8[%run_scoped3A, %dma_wait3A_348] : memref<2x128xi32, #tpu.memory_space<vmem>> -> memref<1x128xi32, #tpu.memory_space<vmem>>
      %dma_wait3A_350 = tpu.memref_squeeze %dma_wait3A_349 : memref<1x128xi32, #tpu.memory_space<vmem>> -> memref<128xi32, #tpu.memory_space<vmem>>
      %dma_wait3A_351 = tpu.memref_slice %arg3[%add3A_3] : memref<160000xi32, #tpu.memory_space<hbm>> -> memref<128xi32, #tpu.memory_space<hbm>>
      %dma_wait3A_352 = arith.constant 0 : i32
      %dma_wait3A_353 = tpu.memref_slice %arg8[%run_scoped3A, %dma_wait3A_352] : memref<2x128xi32, #tpu.memory_space<vmem>> -> memref<1x128xi32, #tpu.memory_space<vmem>>
      %dma_wait3A_354 = tpu.memref_squeeze %dma_wait3A_353 : memref<1x128xi32, #tpu.memory_space<vmem>> -> memref<128xi32, #tpu.memory_space<vmem>>
      %dma_wait3A_355 = tpu.memref_slice %arg3[%add3A_3] : memref<160000xi32, #tpu.memory_space<hbm>> -> memref<128xi32, #tpu.memory_space<hbm>>
      tpu.wait_dma2 semaphore(%run_scoped3A_339 : memref<!tpu.dma_semaphore, #tpu.memory_space<semaphore_mem>>) src(%dma_wait3A_355 : memref<128xi32, #tpu.memory_space<hbm>>) dst(%dma_wait3A_354 : memref<128xi32, #tpu.memory_space<vmem>>)
      tpu.yield
    }) : () -> ()
    %run_scoped3A_4 = arith.constant 0 : i32
    "tpu.region"() ({
      %run_scoped3A_339 = tpu.sem_alloc : memref<!tpu.dma_semaphore, #tpu.memory_space<semaphore_mem>>
      %dma_start3A_340 = arith.constant 0 : i32
      %dma_start3A_341 = tpu.memref_slice %arg9[%run_scoped3A_4, %dma_start3A_340] : memref<2x128xi32, #tpu.memory_space<vmem>> -> memref<1x128xi32, #tpu.memory_space<vmem>>
      %dma_start3A_342 = tpu.memref_squeeze %dma_start3A_341 : memref<1x128xi32, #tpu.memory_space<vmem>> -> memref<128xi32, #tpu.memory_space<vmem>>
      %dma_start3A_343 = tpu.memref_slice %arg4[%add3A_3] : memref<160000xi32, #tpu.memory_space<hbm>> -> memref<128xi32, #tpu.memory_space<hbm>>
      %dma_start3A_344 = arith.constant 0 : i32
      %dma_start3A_345 = tpu.memref_slice %arg9[%run_scoped3A_4, %dma_start3A_344] : memref<2x128xi32, #tpu.memory_space<vmem>> -> memref<1x128xi32, #tpu.memory_space<vmem>>
      %dma_start3A_346 = tpu.memref_squeeze %dma_start3A_345 : memref<1x128xi32, #tpu.memory_space<vmem>> -> memref<128xi32, #tpu.memory_space<vmem>>
      %dma_start3A_347 = tpu.memref_slice %arg4[%add3A_3] : memref<160000xi32, #tpu.memory_space<hbm>> -> memref<128xi32, #tpu.memory_space<hbm>>
      tpu.enqueue_dma source(%dma_start3A_347 : memref<128xi32, #tpu.memory_space<hbm>>) target(%dma_start3A_346 : memref<128xi32, #tpu.memory_space<vmem>>) target_semaphore(%run_scoped3A_339 : memref<!tpu.dma_semaphore, #tpu.memory_space<semaphore_mem>>)
      %dma_wait3A_348 = arith.constant 0 : i32
      %dma_wait3A_349 = tpu.memref_slice %arg9[%run_scoped3A_4, %dma_wait3A_348] : memref<2x128xi32, #tpu.memory_space<vmem>> -> memref<1x128xi32, #tpu.memory_space<vmem>>
      %dma_wait3A_350 = tpu.memref_squeeze %dma_wait3A_349 : memref<1x128xi32, #tpu.memory_space<vmem>> -> memref<128xi32, #tpu.memory_space<vmem>>
      %dma_wait3A_351 = tpu.memref_slice %arg4[%add3A_3] : memref<160000xi32, #tpu.memory_space<hbm>> -> memref<128xi32, #tpu.memory_space<hbm>>
      %dma_wait3A_352 = arith.constant 0 : i32
      %dma_wait3A_353 = tpu.memref_slice %arg9[%run_scoped3A_4, %dma_wait3A_352] : memref<2x128xi32, #tpu.memory_space<vmem>> -> memref<1x128xi32, #tpu.memory_space<vmem>>
      %dma_wait3A_354 = tpu.memref_squeeze %dma_wait3A_353 : memref<1x128xi32, #tpu.memory_space<vmem>> -> memref<128xi32, #tpu.memory_space<vmem>>
      %dma_wait3A_355 = tpu.memref_slice %arg4[%add3A_3] : memref<160000xi32, #tpu.memory_space<hbm>> -> memref<128xi32, #tpu.memory_space<hbm>>
      tpu.wait_dma2 semaphore(%run_scoped3A_339 : memref<!tpu.dma_semaphore, #tpu.memory_space<semaphore_mem>>) src(%dma_wait3A_355 : memref<128xi32, #tpu.memory_space<hbm>>) dst(%dma_wait3A_354 : memref<128xi32, #tpu.memory_space<vmem>>)
      tpu.yield
    }) : () -> ()
    %get3A = arith.constant 0 : i32
    %get3A_5 = arith.index_cast %get3A : i32 to index
    %get3A_6 = arith.constant 0 : index
    %get3A_7 = tpu.vector_load %arg8[%get3A_5, %get3A_6] {strides = array<i32>} : memref<2x128xi32, #tpu.memory_space<vmem>>, vector<1x16xi32>,
    %get3A_8 = vector.shape_cast %get3A_7 : vector<1x16xi32> to vector<16xi32>
    %mul3A_9 = arith.constant 2 : i32
    %mul3A_10 = vector.broadcast %mul3A_9 : i32 to vector<16xi32>
    %mul3A_11 = arith.muli %get3A_8, %mul3A_10 : vector<16xi32>
    %add3A_12 = vector.broadcast %arg0 : i32 to vector<16xi32>
    %add3A_13 = arith.addi %mul3A_11, %add3A_12 : vector<16xi32>
    %swap3A = arith.constant 0 : i32
    %swap3A_14 = arith.index_cast %swap3A : i32 to index
    %swap3A_15 = arith.constant 0 : index
    %swap3A_16 = tpu.vector_load %arg10[%swap3A_14, %swap3A_15] {strides = array<i32>} : memref<2x128xi32, #tpu.memory_space<vmem>>, vector<1x16xi32>,
    %swap3A_17 = vector.shape_cast %swap3A_16 : vector<1x16xi32> to vector<16xi32>
    %swap3A_18 = vector.shape_cast %add3A_13 : vector<16xi32> to vector<1x16xi32>
    tpu.vector_store %arg10[%swap3A_14, %swap3A_15], %swap3A_18 {strides = array<i32>} : memref<2x128xi32, #tpu.memory_space<vmem>>, vector<1x16xi32>,
    %get3A_19 = arith.constant 0 : i32
    %get3A_20 = arith.index_cast %get3A_19 : i32 to index
    %get3A_21 = arith.constant 16 : index
    %get3A_22 = tpu.vector_load %arg8[%get3A_20, %get3A_21] {strides = array<i32>} : memref<2x128xi32, #tpu.memory_space<vmem>>, vector<1x16xi32>,
    %get3A_23 = vector.shape_cast %get3A_22 : vector<1x16xi32> to vector<16xi32>
    %mul3A_24 = arith.constant 2 : i32
    %mul3A_25 = vector.broadcast %mul3A_24 : i32 to vector<16xi32>
    %mul3A_26 = arith.muli %get3A_23, %mul3A_25 : vector<16xi32>
    %add3A_27 = vector.broadcast %arg0 : i32 to vector<16xi32>
    %add3A_28 = arith.addi %mul3A_26, %add3A_27 : vector<16xi32>
    %swap3A_29 = arith.constant 0 : i32
    %swap3A_30 = arith.index_cast %swap3A_29 : i32 to index
    %swap3A_31 = arith.constant 16 : index
    %swap3A_32 = tpu.vector_load %arg10[%swap3A_30, %swap3A_31] {strides = array<i32>} : memref<2x128xi32, #tpu.memory_space<vmem>>, vector<1x16xi32>,
    %swap3A_33 = vector.shape_cast %swap3A_32 : vector<1x16xi32> to vector<16xi32>
    %swap3A_34 = vector.shape_cast %add3A_28 : vector<16xi32> to vector<1x16xi32>
    tpu.vector_store %arg10[%swap3A_30, %swap3A_31], %swap3A_34 {strides = array<i32>} : memref<2x128xi32, #tpu.memory_space<vmem>>, vector<1x16xi32>,
    %get3A_35 = arith.constant 0 : i32
    %get3A_36 = arith.index_cast %get3A_35 : i32 to index
    %get3A_37 = arith.constant 32 : index
    %get3A_38 = tpu.vector_load %arg8[%get3A_36, %get3A_37] {strides = array<i32>} : memref<2x128xi32, #tpu.memory_space<vmem>>, vector<1x16xi32>,
    %get3A_39 = vector.shape_cast %get3A_38 : vector<1x16xi32> to vector<16xi32>
    %mul3A_40 = arith.constant 2 : i32
    %mul3A_41 = vector.broadcast %mul3A_40 : i32 to vector<16xi32>
    %mul3A_42 = arith.muli %get3A_39, %mul3A_41 : vector<16xi32>
    %add3A_43 = vector.broadcast %arg0 : i32 to vector<16xi32>
    %add3A_44 = arith.addi %mul3A_42, %add3A_43 : vector<16xi32>
    %swap3A_45 = arith.constant 0 : i32
    %swap3A_46 = arith.index_cast %swap3A_45 : i32 to index
    %swap3A_47 = arith.constant 32 : index
    %swap3A_48 = tpu.vector_load %arg10[%swap3A_46, %swap3A_47] {strides = array<i32>} : memref<2x128xi32, #tpu.memory_space<vmem>>, vector<1x16xi32>,
    %swap3A_49 = vector.shape_cast %swap3A_48 : vector<1x16xi32> to vector<16xi32>
    %swap3A_50 = vector.shape_cast %add3A_44 : vector<16xi32> to vector<1x16xi32>
    tpu.vector_store %arg10[%swap3A_46, %swap3A_47], %swap3A_50 {strides = array<i32>} : memref<2x128xi32, #tpu.memory_space<vmem>>, vector<1x16xi32>,
    %get3A_51 = arith.constant 0 : i32
    %get3A_52 = arith.index_cast %get3A_51 : i32 to index
    %get3A_53 = arith.constant 48 : index
    %get3A_54 = tpu.vector_load %arg8[%get3A_52, %get3A_53] {strides = array<i32>} : memref<2x128xi32, #tpu.memory_space<vmem>>, vector<1x16xi32>,
    %get3A_55 = vector.shape_cast %get3A_54 : vector<1x16xi32> to vector<16xi32>
    %mul3A_56 = arith.constant 2 : i32
    %mul3A_57 = vector.broadcast %mul3A_56 : i32 to vector<16xi32>
    %mul3A_58 = arith.muli %get3A_55, %mul3A_57 : vector<16xi32>
    %add3A_59 = vector.broadcast %arg0 : i32 to vector<16xi32>
    %add3A_60 = arith.addi %mul3A_58, %add3A_59 : vector<16xi32>
    %swap3A_61 = arith.constant 0 : i32
    %swap3A_62 = arith.index_cast %swap3A_61 : i32 to index
    %swap3A_63 = arith.constant 48 : index
    %swap3A_64 = tpu.vector_load %arg10[%swap3A_62, %swap3A_63] {strides = array<i32>} : memref<2x128xi32, #tpu.memory_space<vmem>>, vector<1x16xi32>,
    %swap3A_65 = vector.shape_cast %swap3A_64 : vector<1x16xi32> to vector<16xi32>
    %swap3A_66 = vector.shape_cast %add3A_60 : vector<16xi32> to vector<1x16xi32>
    tpu.vector_store %arg10[%swap3A_62, %swap3A_63], %swap3A_66 {strides = array<i32>} : memref<2x128xi32, #tpu.memory_space<vmem>>, vector<1x16xi32>,
    %get3A_67 = arith.constant 0 : i32
    %get3A_68 = arith.index_cast %get3A_67 : i32 to index
    %get3A_69 = arith.constant 64 : index
    %get3A_70 = tpu.vector_load %arg8[%get3A_68, %get3A_69] {strides = array<i32>} : memref<2x128xi32, #tpu.memory_space<vmem>>, vector<1x16xi32>,
    %get3A_71 = vector.shape_cast %get3A_70 : vector<1x16xi32> to vector<16xi32>
    %mul3A_72 = arith.constant 2 : i32
    %mul3A_73 = vector.broadcast %mul3A_72 : i32 to vector<16xi32>
    %mul3A_74 = arith.muli %get3A_71, %mul3A_73 : vector<16xi32>
    %add3A_75 = vector.broadcast %arg0 : i32 to vector<16xi32>
    %add3A_76 = arith.addi %mul3A_74, %add3A_75 : vector<16xi32>
    %swap3A_77 = arith.constant 0 : i32
    %swap3A_78 = arith.index_cast %swap3A_77 : i32 to index
    %swap3A_79 = arith.constant 64 : index
    %swap3A_80 = tpu.vector_load %arg10[%swap3A_78, %swap3A_79] {strides = array<i32>} : memref<2x128xi32, #tpu.memory_space<vmem>>, vector<1x16xi32>,
    %swap3A_81 = vector.shape_cast %swap3A_80 : vector<1x16xi32> to vector<16xi32>
    %swap3A_82 = vector.shape_cast %add3A_76 : vector<16xi32> to vector<1x16xi32>
    tpu.vector_store %arg10[%swap3A_78, %swap3A_79], %swap3A_82 {strides = array<i32>} : memref<2x128xi32, #tpu.memory_space<vmem>>, vector<1x16xi32>,
    %get3A_83 = arith.constant 0 : i32
    %get3A_84 = arith.index_cast %get3A_83 : i32 to index
    %get3A_85 = arith.constant 80 : index
    %get3A_86 = tpu.vector_load %arg8[%get3A_84, %get3A_85] {strides = array<i32>} : memref<2x128xi32, #tpu.memory_space<vmem>>, vector<1x16xi32>,
    %get3A_87 = vector.shape_cast %get3A_86 : vector<1x16xi32> to vector<16xi32>
    %mul3A_88 = arith.constant 2 : i32
    %mul3A_89 = vector.broadcast %mul3A_88 : i32 to vector<16xi32>
    %mul3A_90 = arith.muli %get3A_87, %mul3A_89 : vector<16xi32>
    %add3A_91 = vector.broadcast %arg0 : i32 to vector<16xi32>
    %add3A_92 = arith.addi %mul3A_90, %add3A_91 : vector<16xi32>
    %swap3A_93 = arith.constant 0 : i32
    %swap3A_94 = arith.index_cast %swap3A_93 : i32 to index
    %swap3A_95 = arith.constant 80 : index
    %swap3A_96 = tpu.vector_load %arg10[%swap3A_94, %swap3A_95] {strides = array<i32>} : memref<2x128xi32, #tpu.memory_space<vmem>>, vector<1x16xi32>,
    %swap3A_97 = vector.shape_cast %swap3A_96 : vector<1x16xi32> to vector<16xi32>
    %swap3A_98 = vector.shape_cast %add3A_92 : vector<16xi32> to vector<1x16xi32>
    tpu.vector_store %arg10[%swap3A_94, %swap3A_95], %swap3A_98 {strides = array<i32>} : memref<2x128xi32, #tpu.memory_space<vmem>>, vector<1x16xi32>,
    %get3A_99 = arith.constant 0 : i32
    %get3A_100 = arith.index_cast %get3A_99 : i32 to index
    %get3A_101 = arith.constant 96 : index
    %get3A_102 = tpu.vector_load %arg8[%get3A_100, %get3A_101] {strides = array<i32>} : memref<2x128xi32, #tpu.memory_space<vmem>>, vector<1x16xi32>,
    %get3A_103 = vector.shape_cast %get3A_102 : vector<1x16xi32> to vector<16xi32>
    %mul3A_104 = arith.constant 2 : i32
    %mul3A_105 = vector.broadcast %mul3A_104 : i32 to vector<16xi32>
    %mul3A_106 = arith.muli %get3A_103, %mul3A_105 : vector<16xi32>
    %add3A_107 = vector.broadcast %arg0 : i32 to vector<16xi32>
    %add3A_108 = arith.addi %mul3A_106, %add3A_107 : vector<16xi32>
    %swap3A_109 = arith.constant 0 : i32
    %swap3A_110 = arith.index_cast %swap3A_109 : i32 to index
    %swap3A_111 = arith.constant 96 : index
    %swap3A_112 = tpu.vector_load %arg10[%swap3A_110, %swap3A_111] {strides = array<i32>} : memref<2x128xi32, #tpu.memory_space<vmem>>, vector<1x16xi32>,
    %swap3A_113 = vector.shape_cast %swap3A_112 : vector<1x16xi32> to vector<16xi32>
    %swap3A_114 = vector.shape_cast %add3A_108 : vector<16xi32> to vector<1x16xi32>
    tpu.vector_store %arg10[%swap3A_110, %swap3A_111], %swap3A_114 {strides = array<i32>} : memref<2x128xi32, #tpu.memory_space<vmem>>, vector<1x16xi32>,
    %get3A_115 = arith.constant 0 : i32
    %get3A_116 = arith.index_cast %get3A_115 : i32 to index
    %get3A_117 = arith.constant 112 : index
    %get3A_118 = tpu.vector_load %arg8[%get3A_116, %get3A_117] {strides = array<i32>} : memref<2x128xi32, #tpu.memory_space<vmem>>, vector<1x16xi32>,
    %get3A_119 = vector.shape_cast %get3A_118 : vector<1x16xi32> to vector<16xi32>
    %mul3A_120 = arith.constant 2 : i32
    %mul3A_121 = vector.broadcast %mul3A_120 : i32 to vector<16xi32>
    %mul3A_122 = arith.muli %get3A_119, %mul3A_121 : vector<16xi32>
    %add3A_123 = vector.broadcast %arg0 : i32 to vector<16xi32>
    %add3A_124 = arith.addi %mul3A_122, %add3A_123 : vector<16xi32>
    %swap3A_125 = arith.constant 0 : i32
    %swap3A_126 = arith.index_cast %swap3A_125 : i32 to index
    %swap3A_127 = arith.constant 112 : index
    %swap3A_128 = tpu.vector_load %arg10[%swap3A_126, %swap3A_127] {strides = array<i32>} : memref<2x128xi32, #tpu.memory_space<vmem>>, vector<1x16xi32>,
    %swap3A_129 = vector.shape_cast %swap3A_128 : vector<1x16xi32> to vector<16xi32>
    %swap3A_130 = vector.shape_cast %add3A_124 : vector<16xi32> to vector<1x16xi32>
    tpu.vector_store %arg10[%swap3A_126, %swap3A_127], %swap3A_130 {strides = array<i32>} : memref<2x128xi32, #tpu.memory_space<vmem>>, vector<1x16xi32>,
    %dma_start3A = arith.constant 0 : i32
    %dma_start3A_131 = arith.constant 0 : i32
    %dma_start3A_132 = arith.constant 0 : i32
    %dma_start3A_133 = arith.constant 0 : i32
    %dma_start3A_134 = tpu.memref_slice %arg11[%dma_start3A_131, %dma_start3A_132, %dma_start3A_133] : memref<2x128x128xf32, #tpu.memory_space<vmem>> -> memref<1x128x128xf32, #tpu.memory_space<vmem>>
    %dma_start3A_135 = tpu.memref_squeeze %dma_start3A_134 : memref<1x128x128xf32, #tpu.memory_space<vmem>> -> memref<128x128xf32, #tpu.memory_space<vmem>>
    %dma_start3A_136 = arith.constant 0 : i32
    %dma_start3A_137 = tpu.memref_slice %arg10[%dma_start3A, %dma_start3A_136] : memref<2x128xi32, #tpu.memory_space<vmem>> -> memref<1x128xi32, #tpu.memory_space<vmem>>
    %dma_start3A_138 = tpu.memref_squeeze %dma_start3A_137 : memref<1x128xi32, #tpu.memory_space<vmem>> -> memref<128xi32, #tpu.memory_space<vmem>>
    %dma_start3A_139 = arith.constant 0 : i32
    %dma_start3A_140 = arith.constant 0 : i32
    %dma_start3A_141 = tpu.memref_slice %arg2[%dma_start3A_139, %dma_start3A_140] : memref<20000x128xf32, #tpu.memory_space<hbm>> -> memref<20000x128xf32, #tpu.memory_space<hbm>>
    tpu.enqueue_indirect_dma source(%dma_start3A_141 : memref<20000x128xf32, #tpu.memory_space<hbm>>) target(%dma_start3A_135 : memref<128x128xf32, #tpu.memory_space<vmem>>) offsets(%dma_start3A_138 : memref<128xi32, #tpu.memory_space<vmem>>) semaphore(%arg16 : memref<!tpu.dma_semaphore, #tpu.memory_space<semaphore_mem>>)
    %add3A_142 = arith.constant 128 : i32
    %add3A_143 = arith.addi %mul3A_2, %add3A_142 : i32
    %run_scoped3A_144 = arith.constant 1 : i32
    "tpu.region"() ({
      %run_scoped3A_339 = tpu.sem_alloc : memref<!tpu.dma_semaphore, #tpu.memory_space<semaphore_mem>>
      %dma_start3A_340 = arith.constant 0 : i32
      %dma_start3A_341 = tpu.memref_slice %arg8[%run_scoped3A_144, %dma_start3A_340] : memref<2x128xi32, #tpu.memory_space<vmem>> -> memref<1x128xi32, #tpu.memory_space<vmem>>
      %dma_start3A_342 = tpu.memref_squeeze %dma_start3A_341 : memref<1x128xi32, #tpu.memory_space<vmem>> -> memref<128xi32, #tpu.memory_space<vmem>>
      %dma_start3A_343 = tpu.memref_slice %arg3[%add3A_143] : memref<160000xi32, #tpu.memory_space<hbm>> -> memref<128xi32, #tpu.memory_space<hbm>>
      %dma_start3A_344 = arith.constant 0 : i32
      %dma_start3A_345 = tpu.memref_slice %arg8[%run_scoped3A_144, %dma_start3A_344] : memref<2x128xi32, #tpu.memory_space<vmem>> -> memref<1x128xi32, #tpu.memory_space<vmem>>
      %dma_start3A_346 = tpu.memref_squeeze %dma_start3A_345 : memref<1x128xi32, #tpu.memory_space<vmem>> -> memref<128xi32, #tpu.memory_space<vmem>>
      %dma_start3A_347 = tpu.memref_slice %arg3[%add3A_143] : memref<160000xi32, #tpu.memory_space<hbm>> -> memref<128xi32, #tpu.memory_space<hbm>>
      tpu.enqueue_dma source(%dma_start3A_347 : memref<128xi32, #tpu.memory_space<hbm>>) target(%dma_start3A_346 : memref<128xi32, #tpu.memory_space<vmem>>) target_semaphore(%run_scoped3A_339 : memref<!tpu.dma_semaphore, #tpu.memory_space<semaphore_mem>>)
      %dma_wait3A_348 = arith.constant 0 : i32
      %dma_wait3A_349 = tpu.memref_slice %arg8[%run_scoped3A_144, %dma_wait3A_348] : memref<2x128xi32, #tpu.memory_space<vmem>> -> memref<1x128xi32, #tpu.memory_space<vmem>>
      %dma_wait3A_350 = tpu.memref_squeeze %dma_wait3A_349 : memref<1x128xi32, #tpu.memory_space<vmem>> -> memref<128xi32, #tpu.memory_space<vmem>>
      %dma_wait3A_351 = tpu.memref_slice %arg3[%add3A_143] : memref<160000xi32, #tpu.memory_space<hbm>> -> memref<128xi32, #tpu.memory_space<hbm>>
      %dma_wait3A_352 = arith.constant 0 : i32
      %dma_wait3A_353 = tpu.memref_slice %arg8[%run_scoped3A_144, %dma_wait3A_352] : memref<2x128xi32, #tpu.memory_space<vmem>> -> memref<1x128xi32, #tpu.memory_space<vmem>>
      %dma_wait3A_354 = tpu.memref_squeeze %dma_wait3A_353 : memref<1x128xi32, #tpu.memory_space<vmem>> -> memref<128xi32, #tpu.memory_space<vmem>>
      %dma_wait3A_355 = tpu.memref_slice %arg3[%add3A_143] : memref<160000xi32, #tpu.memory_space<hbm>> -> memref<128xi32, #tpu.memory_space<hbm>>
      tpu.wait_dma2 semaphore(%run_scoped3A_339 : memref<!tpu.dma_semaphore, #tpu.memory_space<semaphore_mem>>) src(%dma_wait3A_355 : memref<128xi32, #tpu.memory_space<hbm>>) dst(%dma_wait3A_354 : memref<128xi32, #tpu.memory_space<vmem>>)
      tpu.yield
    }) : () -> ()
    %run_scoped3A_145 = arith.constant 1 : i32
    "tpu.region"() ({
      %run_scoped3A_339 = tpu.sem_alloc : memref<!tpu.dma_semaphore, #tpu.memory_space<semaphore_mem>>
      %dma_start3A_340 = arith.constant 0 : i32
      %dma_start3A_341 = tpu.memref_slice %arg9[%run_scoped3A_145, %dma_start3A_340] : memref<2x128xi32, #tpu.memory_space<vmem>> -> memref<1x128xi32, #tpu.memory_space<vmem>>
      %dma_start3A_342 = tpu.memref_squeeze %dma_start3A_341 : memref<1x128xi32, #tpu.memory_space<vmem>> -> memref<128xi32, #tpu.memory_space<vmem>>
      %dma_start3A_343 = tpu.memref_slice %arg4[%add3A_143] : memref<160000xi32, #tpu.memory_space<hbm>> -> memref<128xi32, #tpu.memory_space<hbm>>
      %dma_start3A_344 = arith.constant 0 : i32
      %dma_start3A_345 = tpu.memref_slice %arg9[%run_scoped3A_145, %dma_start3A_344] : memref<2x128xi32, #tpu.memory_space<vmem>> -> memref<1x128xi32, #tpu.memory_space<vmem>>
      %dma_start3A_346 = tpu.memref_squeeze %dma_start3A_345 : memref<1x128xi32, #tpu.memory_space<vmem>> -> memref<128xi32, #tpu.memory_space<vmem>>
      %dma_start3A_347 = tpu.memref_slice %arg4[%add3A_143] : memref<160000xi32, #tpu.memory_space<hbm>> -> memref<128xi32, #tpu.memory_space<hbm>>
      tpu.enqueue_dma source(%dma_start3A_347 : memref<128xi32, #tpu.memory_space<hbm>>) target(%dma_start3A_346 : memref<128xi32, #tpu.memory_space<vmem>>) target_semaphore(%run_scoped3A_339 : memref<!tpu.dma_semaphore, #tpu.memory_space<semaphore_mem>>)
      %dma_wait3A_348 = arith.constant 0 : i32
      %dma_wait3A_349 = tpu.memref_slice %arg9[%run_scoped3A_145, %dma_wait3A_348] : memref<2x128xi32, #tpu.memory_space<vmem>> -> memref<1x128xi32, #tpu.memory_space<vmem>>
      %dma_wait3A_350 = tpu.memref_squeeze %dma_wait3A_349 : memref<1x128xi32, #tpu.memory_space<vmem>> -> memref<128xi32, #tpu.memory_space<vmem>>
      %dma_wait3A_351 = tpu.memref_slice %arg4[%add3A_143] : memref<160000xi32, #tpu.memory_space<hbm>> -> memref<128xi32, #tpu.memory_space<hbm>>
      %dma_wait3A_352 = arith.constant 0 : i32
      %dma_wait3A_353 = tpu.memref_slice %arg9[%run_scoped3A_145, %dma_wait3A_352] : memref<2x128xi32, #tpu.memory_space<vmem>> -> memref<1x128xi32, #tpu.memory_space<vmem>>
      %dma_wait3A_354 = tpu.memref_squeeze %dma_wait3A_353 : memref<1x128xi32, #tpu.memory_space<vmem>> -> memref<128xi32, #tpu.memory_space<vmem>>
      %dma_wait3A_355 = tpu.memref_slice %arg4[%add3A_143] : memref<160000xi32, #tpu.memory_space<hbm>> -> memref<128xi32, #tpu.memory_space<hbm>>
      tpu.wait_dma2 semaphore(%run_scoped3A_339 : memref<!tpu.dma_semaphore, #tpu.memory_space<semaphore_mem>>) src(%dma_wait3A_355 : memref<128xi32, #tpu.memory_space<hbm>>) dst(%dma_wait3A_354 : memref<128xi32, #tpu.memory_space<vmem>>)
      tpu.yield
    }) : () -> ()
    %get3A_146 = arith.constant 1 : i32
    %get3A_147 = arith.index_cast %get3A_146 : i32 to index
    %get3A_148 = arith.constant 0 : index
    %get3A_149 = tpu.vector_load %arg8[%get3A_147, %get3A_148] {strides = array<i32>} : memref<2x128xi32, #tpu.memory_space<vmem>>, vector<1x16xi32>,
    %get3A_150 = vector.shape_cast %get3A_149 : vector<1x16xi32> to vector<16xi32>
    %mul3A_151 = arith.constant 2 : i32
    %mul3A_152 = vector.broadcast %mul3A_151 : i32 to vector<16xi32>
    %mul3A_153 = arith.muli %get3A_150, %mul3A_152 : vector<16xi32>
    %add3A_154 = vector.broadcast %arg0 : i32 to vector<16xi32>
    %add3A_155 = arith.addi %mul3A_153, %add3A_154 : vector<16xi32>
    %swap3A_156 = arith.constant 1 : i32
    %swap3A_157 = arith.index_cast %swap3A_156 : i32 to index
    %swap3A_158 = arith.constant 0 : index
    %swap3A_159 = tpu.vector_load %arg10[%swap3A_157, %swap3A_158] {strides = array<i32>} : memref<2x128xi32, #tpu.memory_space<vmem>>, vector<1x16xi32>,
    %swap3A_160 = vector.shape_cast %swap3A_159 : vector<1x16xi32> to vector<16xi32>
    %swap3A_161 = vector.shape_cast %add3A_155 : vector<16xi32> to vector<1x16xi32>
    tpu.vector_store %arg10[%swap3A_157, %swap3A_158], %swap3A_161 {strides = array<i32>} : memref<2x128xi32, #tpu.memory_space<vmem>>, vector<1x16xi32>,
    %get3A_162 = arith.constant 1 : i32
    %get3A_163 = arith.index_cast %get3A_162 : i32 to index
    %get3A_164 = arith.constant 16 : index
    %get3A_165 = tpu.vector_load %arg8[%get3A_163, %get3A_164] {strides = array<i32>} : memref<2x128xi32, #tpu.memory_space<vmem>>, vector<1x16xi32>,
    %get3A_166 = vector.shape_cast %get3A_165 : vector<1x16xi32> to vector<16xi32>
    %mul3A_167 = arith.constant 2 : i32
    %mul3A_168 = vector.broadcast %mul3A_167 : i32 to vector<16xi32>
    %mul3A_169 = arith.muli %get3A_166, %mul3A_168 : vector<16xi32>
    %add3A_170 = vector.broadcast %arg0 : i32 to vector<16xi32>
    %add3A_171 = arith.addi %mul3A_169, %add3A_170 : vector<16xi32>
    %swap3A_172 = arith.constant 1 : i32
    %swap3A_173 = arith.index_cast %swap3A_172 : i32 to index
    %swap3A_174 = arith.constant 16 : index
    %swap3A_175 = tpu.vector_load %arg10[%swap3A_173, %swap3A_174] {strides = array<i32>} : memref<2x128xi32, #tpu.memory_space<vmem>>, vector<1x16xi32>,
    %swap3A_176 = vector.shape_cast %swap3A_175 : vector<1x16xi32> to vector<16xi32>
    %swap3A_177 = vector.shape_cast %add3A_171 : vector<16xi32> to vector<1x16xi32>
    tpu.vector_store %arg10[%swap3A_173, %swap3A_174], %swap3A_177 {strides = array<i32>} : memref<2x128xi32, #tpu.memory_space<vmem>>, vector<1x16xi32>,
    %get3A_178 = arith.constant 1 : i32
    %get3A_179 = arith.index_cast %get3A_178 : i32 to index
    %get3A_180 = arith.constant 32 : index
    %get3A_181 = tpu.vector_load %arg8[%get3A_179, %get3A_180] {strides = array<i32>} : memref<2x128xi32, #tpu.memory_space<vmem>>, vector<1x16xi32>,
    %get3A_182 = vector.shape_cast %get3A_181 : vector<1x16xi32> to vector<16xi32>
    %mul3A_183 = arith.constant 2 : i32
    %mul3A_184 = vector.broadcast %mul3A_183 : i32 to vector<16xi32>
    %mul3A_185 = arith.muli %get3A_182, %mul3A_184 : vector<16xi32>
    %add3A_186 = vector.broadcast %arg0 : i32 to vector<16xi32>
    %add3A_187 = arith.addi %mul3A_185, %add3A_186 : vector<16xi32>
    %swap3A_188 = arith.constant 1 : i32
    %swap3A_189 = arith.index_cast %swap3A_188 : i32 to index
    %swap3A_190 = arith.constant 32 : index
    %swap3A_191 = tpu.vector_load %arg10[%swap3A_189, %swap3A_190] {strides = array<i32>} : memref<2x128xi32, #tpu.memory_space<vmem>>, vector<1x16xi32>,
    %swap3A_192 = vector.shape_cast %swap3A_191 : vector<1x16xi32> to vector<16xi32>
    %swap3A_193 = vector.shape_cast %add3A_187 : vector<16xi32> to vector<1x16xi32>
    tpu.vector_store %arg10[%swap3A_189, %swap3A_190], %swap3A_193 {strides = array<i32>} : memref<2x128xi32, #tpu.memory_space<vmem>>, vector<1x16xi32>,
    %get3A_194 = arith.constant 1 : i32
    %get3A_195 = arith.index_cast %get3A_194 : i32 to index
    %get3A_196 = arith.constant 48 : index
    %get3A_197 = tpu.vector_load %arg8[%get3A_195, %get3A_196] {strides = array<i32>} : memref<2x128xi32, #tpu.memory_space<vmem>>, vector<1x16xi32>,
    %get3A_198 = vector.shape_cast %get3A_197 : vector<1x16xi32> to vector<16xi32>
    %mul3A_199 = arith.constant 2 : i32
    %mul3A_200 = vector.broadcast %mul3A_199 : i32 to vector<16xi32>
    %mul3A_201 = arith.muli %get3A_198, %mul3A_200 : vector<16xi32>
    %add3A_202 = vector.broadcast %arg0 : i32 to vector<16xi32>
    %add3A_203 = arith.addi %mul3A_201, %add3A_202 : vector<16xi32>
    %swap3A_204 = arith.constant 1 : i32
    %swap3A_205 = arith.index_cast %swap3A_204 : i32 to index
    %swap3A_206 = arith.constant 48 : index
    %swap3A_207 = tpu.vector_load %arg10[%swap3A_205, %swap3A_206] {strides = array<i32>} : memref<2x128xi32, #tpu.memory_space<vmem>>, vector<1x16xi32>,
    %swap3A_208 = vector.shape_cast %swap3A_207 : vector<1x16xi32> to vector<16xi32>
    %swap3A_209 = vector.shape_cast %add3A_203 : vector<16xi32> to vector<1x16xi32>
    tpu.vector_store %arg10[%swap3A_205, %swap3A_206], %swap3A_209 {strides = array<i32>} : memref<2x128xi32, #tpu.memory_space<vmem>>, vector<1x16xi32>,
    %get3A_210 = arith.constant 1 : i32
    %get3A_211 = arith.index_cast %get3A_210 : i32 to index
    %get3A_212 = arith.constant 64 : index
    %get3A_213 = tpu.vector_load %arg8[%get3A_211, %get3A_212] {strides = array<i32>} : memref<2x128xi32, #tpu.memory_space<vmem>>, vector<1x16xi32>,
    %get3A_214 = vector.shape_cast %get3A_213 : vector<1x16xi32> to vector<16xi32>
    %mul3A_215 = arith.constant 2 : i32
    %mul3A_216 = vector.broadcast %mul3A_215 : i32 to vector<16xi32>
    %mul3A_217 = arith.muli %get3A_214, %mul3A_216 : vector<16xi32>
    %add3A_218 = vector.broadcast %arg0 : i32 to vector<16xi32>
    %add3A_219 = arith.addi %mul3A_217, %add3A_218 : vector<16xi32>
    %swap3A_220 = arith.constant 1 : i32
    %swap3A_221 = arith.index_cast %swap3A_220 : i32 to index
    %swap3A_222 = arith.constant 64 : index
    %swap3A_223 = tpu.vector_load %arg10[%swap3A_221, %swap3A_222] {strides = array<i32>} : memref<2x128xi32, #tpu.memory_space<vmem>>, vector<1x16xi32>,
    %swap3A_224 = vector.shape_cast %swap3A_223 : vector<1x16xi32> to vector<16xi32>
    %swap3A_225 = vector.shape_cast %add3A_219 : vector<16xi32> to vector<1x16xi32>
    tpu.vector_store %arg10[%swap3A_221, %swap3A_222], %swap3A_225 {strides = array<i32>} : memref<2x128xi32, #tpu.memory_space<vmem>>, vector<1x16xi32>,
    %get3A_226 = arith.constant 1 : i32
    %get3A_227 = arith.index_cast %get3A_226 : i32 to index
    %get3A_228 = arith.constant 80 : index
    %get3A_229 = tpu.vector_load %arg8[%get3A_227, %get3A_228] {strides = array<i32>} : memref<2x128xi32, #tpu.memory_space<vmem>>, vector<1x16xi32>,
    %get3A_230 = vector.shape_cast %get3A_229 : vector<1x16xi32> to vector<16xi32>
    %mul3A_231 = arith.constant 2 : i32
    %mul3A_232 = vector.broadcast %mul3A_231 : i32 to vector<16xi32>
    %mul3A_233 = arith.muli %get3A_230, %mul3A_232 : vector<16xi32>
    %add3A_234 = vector.broadcast %arg0 : i32 to vector<16xi32>
    %add3A_235 = arith.addi %mul3A_233, %add3A_234 : vector<16xi32>
    %swap3A_236 = arith.constant 1 : i32
    %swap3A_237 = arith.index_cast %swap3A_236 : i32 to index
    %swap3A_238 = arith.constant 80 : index
    %swap3A_239 = tpu.vector_load %arg10[%swap3A_237, %swap3A_238] {strides = array<i32>} : memref<2x128xi32, #tpu.memory_space<vmem>>, vector<1x16xi32>,
    %swap3A_240 = vector.shape_cast %swap3A_239 : vector<1x16xi32> to vector<16xi32>
    %swap3A_241 = vector.shape_cast %add3A_235 : vector<16xi32> to vector<1x16xi32>
    tpu.vector_store %arg10[%swap3A_237, %swap3A_238], %swap3A_241 {strides = array<i32>} : memref<2x128xi32, #tpu.memory_space<vmem>>, vector<1x16xi32>,
    %get3A_242 = arith.constant 1 : i32
    %get3A_243 = arith.index_cast %get3A_242 : i32 to index
    %get3A_244 = arith.constant 96 : index
    %get3A_245 = tpu.vector_load %arg8[%get3A_243, %get3A_244] {strides = array<i32>} : memref<2x128xi32, #tpu.memory_space<vmem>>, vector<1x16xi32>,
    %get3A_246 = vector.shape_cast %get3A_245 : vector<1x16xi32> to vector<16xi32>
    %mul3A_247 = arith.constant 2 : i32
    %mul3A_248 = vector.broadcast %mul3A_247 : i32 to vector<16xi32>
    %mul3A_249 = arith.muli %get3A_246, %mul3A_248 : vector<16xi32>
    %add3A_250 = vector.broadcast %arg0 : i32 to vector<16xi32>
    %add3A_251 = arith.addi %mul3A_249, %add3A_250 : vector<16xi32>
    %swap3A_252 = arith.constant 1 : i32
    %swap3A_253 = arith.index_cast %swap3A_252 : i32 to index
    %swap3A_254 = arith.constant 96 : index
    %swap3A_255 = tpu.vector_load %arg10[%swap3A_253, %swap3A_254] {strides = array<i32>} : memref<2x128xi32, #tpu.memory_space<vmem>>, vector<1x16xi32>,
    %swap3A_256 = vector.shape_cast %swap3A_255 : vector<1x16xi32> to vector<16xi32>
    %swap3A_257 = vector.shape_cast %add3A_251 : vector<16xi32> to vector<1x16xi32>
    tpu.vector_store %arg10[%swap3A_253, %swap3A_254], %swap3A_257 {strides = array<i32>} : memref<2x128xi32, #tpu.memory_space<vmem>>, vector<1x16xi32>,
    %get3A_258 = arith.constant 1 : i32
    %get3A_259 = arith.index_cast %get3A_258 : i32 to index
    %get3A_260 = arith.constant 112 : index
    %get3A_261 = tpu.vector_load %arg8[%get3A_259, %get3A_260] {strides = array<i32>} : memref<2x128xi32, #tpu.memory_space<vmem>>, vector<1x16xi32>,
    %get3A_262 = vector.shape_cast %get3A_261 : vector<1x16xi32> to vector<16xi32>
    %mul3A_263 = arith.constant 2 : i32
    %mul3A_264 = vector.broadcast %mul3A_263 : i32 to vector<16xi32>
    %mul3A_265 = arith.muli %get3A_262, %mul3A_264 : vector<16xi32>
    %add3A_266 = vector.broadcast %arg0 : i32 to vector<16xi32>
    %add3A_267 = arith.addi %mul3A_265, %add3A_266 : vector<16xi32>
    %swap3A_268 = arith.constant 1 : i32
    %swap3A_269 = arith.index_cast %swap3A_268 : i32 to index
    %swap3A_270 = arith.constant 112 : index
    %swap3A_271 = tpu.vector_load %arg10[%swap3A_269, %swap3A_270] {strides = array<i32>} : memref<2x128xi32, #tpu.memory_space<vmem>>, vector<1x16xi32>,
    %swap3A_272 = vector.shape_cast %swap3A_271 : vector<1x16xi32> to vector<16xi32>
    %swap3A_273 = vector.shape_cast %add3A_267 : vector<16xi32> to vector<1x16xi32>
    tpu.vector_store %arg10[%swap3A_269, %swap3A_270], %swap3A_273 {strides = array<i32>} : memref<2x128xi32, #tpu.memory_space<vmem>>, vector<1x16xi32>,
    %dma_start3A_274 = arith.constant 1 : i32
    %dma_start3A_275 = arith.constant 1 : i32
    %dma_start3A_276 = arith.constant 0 : i32
    %dma_start3A_277 = arith.constant 0 : i32
    %dma_start3A_278 = tpu.memref_slice %arg11[%dma_start3A_275, %dma_start3A_276, %dma_start3A_277] : memref<2x128x128xf32, #tpu.memory_space<vmem>> -> memref<1x128x128xf32, #tpu.memory_space<vmem>>
    %dma_start3A_279 = tpu.memref_squeeze %dma_start3A_278 : memref<1x128x128xf32, #tpu.memory_space<vmem>> -> memref<128x128xf32, #tpu.memory_space<vmem>>
    %dma_start3A_280 = arith.constant 0 : i32
    %dma_start3A_281 = tpu.memref_slice %arg10[%dma_start3A_274, %dma_start3A_280] : memref<2x128xi32, #tpu.memory_space<vmem>> -> memref<1x128xi32, #tpu.memory_space<vmem>>
    %dma_start3A_282 = tpu.memref_squeeze %dma_start3A_281 : memref<1x128xi32, #tpu.memory_space<vmem>> -> memref<128xi32, #tpu.memory_space<vmem>>
    %dma_start3A_283 = arith.constant 0 : i32
    %dma_start3A_284 = arith.constant 0 : i32
    %dma_start3A_285 = tpu.memref_slice %arg2[%dma_start3A_283, %dma_start3A_284] : memref<20000x128xf32, #tpu.memory_space<hbm>> -> memref<20000x128xf32, #tpu.memory_space<hbm>>
    tpu.enqueue_indirect_dma source(%dma_start3A_285 : memref<20000x128xf32, #tpu.memory_space<hbm>>) target(%dma_start3A_279 : memref<128x128xf32, #tpu.memory_space<vmem>>) offsets(%dma_start3A_282 : memref<128xi32, #tpu.memory_space<vmem>>) semaphore(%arg17 : memref<!tpu.dma_semaphore, #tpu.memory_space<semaphore_mem>>)
    %scan3A = arith.constant 0 : i32
    %scan3A_286 = arith.constant 0 : i32
    %scan3A_287 = arith.constant 38 : i32
    %scan3A_288 = arith.addi %scan3A_286, %scan3A_287 : i32
    %scan3A_289 = arith.constant 1 : i32
    scf.for %scan3A_339 = %scan3A_286 to %scan3A_288 step %scan3A_289  : i32 {
      %dma_wait3A_340 = arith.constant 0 : i32
      %dma_wait3A_341 = arith.constant 0 : i32
      %dma_wait3A_342 = arith.constant 0 : i32
      %dma_wait3A_343 = arith.constant 0 : i32
      %dma_wait3A_344 = tpu.memref_slice %arg11[%dma_wait3A_341, %dma_wait3A_342, %dma_wait3A_343] : memref<2x128x128xf32, #tpu.memory_space<vmem>> -> memref<1x128x128xf32, #tpu.memory_space<vmem>>
      %dma_wait3A_345 = tpu.memref_squeeze %dma_wait3A_344 : memref<1x128x128xf32, #tpu.memory_space<vmem>> -> memref<128x128xf32, #tpu.memory_space<vmem>>
      %dma_wait3A_346 = arith.constant 0 : i32
      %dma_wait3A_347 = tpu.memref_slice %arg10[%dma_wait3A_340, %dma_wait3A_346] : memref<2x128xi32, #tpu.memory_space<vmem>> -> memref<1x128xi32, #tpu.memory_space<vmem>>
      %dma_wait3A_348 = tpu.memref_squeeze %dma_wait3A_347 : memref<1x128xi32, #tpu.memory_space<vmem>> -> memref<128xi32, #tpu.memory_space<vmem>>
      %dma_wait3A_349 = arith.constant 0 : i32
      %dma_wait3A_350 = arith.constant 0 : i32
      %dma_wait3A_351 = tpu.memref_slice %arg2[%dma_wait3A_349, %dma_wait3A_350] : memref<20000x128xf32, #tpu.memory_space<hbm>> -> memref<20000x128xf32, #tpu.memory_space<hbm>>
      tpu.wait_indirect_dma semaphore(%arg16 : memref<!tpu.dma_semaphore, #tpu.memory_space<semaphore_mem>>) src(%dma_wait3A_351 : memref<20000x128xf32, #tpu.memory_space<hbm>>) dst(%dma_wait3A_345 : memref<128x128xf32, #tpu.memory_space<vmem>>)
      %run_scoped3A_352 = arith.constant 0 : i32
      %run_scoped3A_353 = arith.constant 0 : i32
      "tpu.region"() ({
        %run_scoped3A_666 = tpu.sem_alloc : memref<!tpu.dma_semaphore, #tpu.memory_space<semaphore_mem>>
        %dma_start3A_667 = arith.constant 0 : i32
        %dma_start3A_668 = arith.constant 0 : i32
        %dma_start3A_669 = tpu.memref_slice %arg11[%run_scoped3A_352, %dma_start3A_667, %dma_start3A_668] : memref<2x128x128xf32, #tpu.memory_space<vmem>> -> memref<1x128x128xf32, #tpu.memory_space<vmem>>
        %dma_start3A_670 = tpu.memref_squeeze %dma_start3A_669 : memref<1x128x128xf32, #tpu.memory_space<vmem>> -> memref<128x128xf32, #tpu.memory_space<vmem>>
        %dma_start3A_671 = arith.constant 0 : i32
        %dma_start3A_672 = tpu.memref_slice %arg9[%run_scoped3A_353, %dma_start3A_671] : memref<2x128xi32, #tpu.memory_space<vmem>> -> memref<1x128xi32, #tpu.memory_space<vmem>>
        %dma_start3A_673 = tpu.memref_squeeze %dma_start3A_672 : memref<1x128xi32, #tpu.memory_space<vmem>> -> memref<128xi32, #tpu.memory_space<vmem>>
        %dma_start3A_674 = arith.constant 0 : i32
        %dma_start3A_675 = arith.constant 0 : i32
        %dma_start3A_676 = tpu.memref_slice %arg7[%dma_start3A_674, %dma_start3A_675] : memref<10112x128xf32, #tpu.memory_space<vmem_shared>> -> memref<10112x128xf32, #tpu.memory_space<vmem_shared>>
        tpu.enqueue_indirect_dma source(%dma_start3A_670 : memref<128x128xf32, #tpu.memory_space<vmem>>) target(%dma_start3A_676 : memref<10112x128xf32, #tpu.memory_space<vmem_shared>>) offsets(%dma_start3A_673 : memref<128xi32, #tpu.memory_space<vmem>>) semaphore(%run_scoped3A_666 : memref<!tpu.dma_semaphore, #tpu.memory_space<semaphore_mem>>) {add = true}
        %dma_wait3A_677 = arith.constant 0 : i32
        %dma_wait3A_678 = arith.constant 0 : i32
        %dma_wait3A_679 = tpu.memref_slice %arg11[%run_scoped3A_352, %dma_wait3A_677, %dma_wait3A_678] : memref<2x128x128xf32, #tpu.memory_space<vmem>> -> memref<1x128x128xf32, #tpu.memory_space<vmem>>
        %dma_wait3A_680 = tpu.memref_squeeze %dma_wait3A_679 : memref<1x128x128xf32, #tpu.memory_space<vmem>> -> memref<128x128xf32, #tpu.memory_space<vmem>>
        %dma_wait3A_681 = arith.constant 0 : i32
        %dma_wait3A_682 = tpu.memref_slice %arg9[%run_scoped3A_353, %dma_wait3A_681] : memref<2x128xi32, #tpu.memory_space<vmem>> -> memref<1x128xi32, #tpu.memory_space<vmem>>
        %dma_wait3A_683 = tpu.memref_squeeze %dma_wait3A_682 : memref<1x128xi32, #tpu.memory_space<vmem>> -> memref<128xi32, #tpu.memory_space<vmem>>
        %dma_wait3A_684 = arith.constant 0 : i32
        %dma_wait3A_685 = arith.constant 0 : i32
        %dma_wait3A_686 = tpu.memref_slice %arg7[%dma_wait3A_684, %dma_wait3A_685] : memref<10112x128xf32, #tpu.memory_space<vmem_shared>> -> memref<10112x128xf32, #tpu.memory_space<vmem_shared>>
        tpu.wait_indirect_dma semaphore(%run_scoped3A_666 : memref<!tpu.dma_semaphore, #tpu.memory_space<semaphore_mem>>) src(%dma_wait3A_680 : memref<128x128xf32, #tpu.memory_space<vmem>>) dst(%dma_wait3A_686 : memref<10112x128xf32, #tpu.memory_space<vmem_shared>>)
        tpu.yield
      }) : () -> ()
      %mul3A_354 = arith.constant 2 : i32
      %mul3A_355 = arith.muli %mul3A_354, %scan3A_339 : i32
      %add3A_356 = arith.constant 2 : i32
      %add3A_357 = arith.addi %mul3A_355, %add3A_356 : i32
      %mul3A_358 = arith.constant 128 : i32
      %mul3A_359 = arith.muli %add3A_357, %mul3A_358 : i32
      %add3A_360 = arith.addi %mul3A_2, %mul3A_359 : i32
      %run_scoped3A_361 = arith.constant 0 : i32
      "tpu.region"() ({
        %run_scoped3A_666 = tpu.sem_alloc : memref<!tpu.dma_semaphore, #tpu.memory_space<semaphore_mem>>
        %dma_start3A_667 = arith.constant 0 : i32
        %dma_start3A_668 = tpu.memref_slice %arg8[%run_scoped3A_361, %dma_start3A_667] : memref<2x128xi32, #tpu.memory_space<vmem>> -> memref<1x128xi32, #tpu.memory_space<vmem>>
        %dma_start3A_669 = tpu.memref_squeeze %dma_start3A_668 : memref<1x128xi32, #tpu.memory_space<vmem>> -> memref<128xi32, #tpu.memory_space<vmem>>
        %dma_start3A_670 = tpu.memref_slice %arg3[%add3A_360] : memref<160000xi32, #tpu.memory_space<hbm>> -> memref<128xi32, #tpu.memory_space<hbm>>
        %dma_start3A_671 = arith.constant 0 : i32
        %dma_start3A_672 = tpu.memref_slice %arg8[%run_scoped3A_361, %dma_start3A_671] : memref<2x128xi32, #tpu.memory_space<vmem>> -> memref<1x128xi32, #tpu.memory_space<vmem>>
        %dma_start3A_673 = tpu.memref_squeeze %dma_start3A_672 : memref<1x128xi32, #tpu.memory_space<vmem>> -> memref<128xi32, #tpu.memory_space<vmem>>
        %dma_start3A_674 = tpu.memref_slice %arg3[%add3A_360] : memref<160000xi32, #tpu.memory_space<hbm>> -> memref<128xi32, #tpu.memory_space<hbm>>
        tpu.enqueue_dma source(%dma_start3A_674 : memref<128xi32, #tpu.memory_space<hbm>>) target(%dma_start3A_673 : memref<128xi32, #tpu.memory_space<vmem>>) target_semaphore(%run_scoped3A_666 : memref<!tpu.dma_semaphore, #tpu.memory_space<semaphore_mem>>)
        %dma_wait3A_675 = arith.constant 0 : i32
        %dma_wait3A_676 = tpu.memref_slice %arg8[%run_scoped3A_361, %dma_wait3A_675] : memref<2x128xi32, #tpu.memory_space<vmem>> -> memref<1x128xi32, #tpu.memory_space<vmem>>
        %dma_wait3A_677 = tpu.memref_squeeze %dma_wait3A_676 : memref<1x128xi32, #tpu.memory_space<vmem>> -> memref<128xi32, #tpu.memory_space<vmem>>
        %dma_wait3A_678 = tpu.memref_slice %arg3[%add3A_360] : memref<160000xi32, #tpu.memory_space<hbm>> -> memref<128xi32, #tpu.memory_space<hbm>>
        %dma_wait3A_679 = arith.constant 0 : i32
        %dma_wait3A_680 = tpu.memref_slice %arg8[%run_scoped3A_361, %dma_wait3A_679] : memref<2x128xi32, #tpu.memory_space<vmem>> -> memref<1x128xi32, #tpu.memory_space<vmem>>
        %dma_wait3A_681 = tpu.memref_squeeze %dma_wait3A_680 : memref<1x128xi32, #tpu.memory_space<vmem>> -> memref<128xi32, #tpu.memory_space<vmem>>
        %dma_wait3A_682 = tpu.memref_slice %arg3[%add3A_360] : memref<160000xi32, #tpu.memory_space<hbm>> -> memref<128xi32, #tpu.memory_space<hbm>>
        tpu.wait_dma2 semaphore(%run_scoped3A_666 : memref<!tpu.dma_semaphore, #tpu.memory_space<semaphore_mem>>) src(%dma_wait3A_682 : memref<128xi32, #tpu.memory_space<hbm>>) dst(%dma_wait3A_681 : memref<128xi32, #tpu.memory_space<vmem>>)
        tpu.yield
      }) : () -> ()
      %run_scoped3A_362 = arith.constant 0 : i32
      "tpu.region"() ({
        %run_scoped3A_666 = tpu.sem_alloc : memref<!tpu.dma_semaphore, #tpu.memory_space<semaphore_mem>>
        %dma_start3A_667 = arith.constant 0 : i32
        %dma_start3A_668 = tpu.memref_slice %arg9[%run_scoped3A_362, %dma_start3A_667] : memref<2x128xi32, #tpu.memory_space<vmem>> -> memref<1x128xi32, #tpu.memory_space<vmem>>
        %dma_start3A_669 = tpu.memref_squeeze %dma_start3A_668 : memref<1x128xi32, #tpu.memory_space<vmem>> -> memref<128xi32, #tpu.memory_space<vmem>>
        %dma_start3A_670 = tpu.memref_slice %arg4[%add3A_360] : memref<160000xi32, #tpu.memory_space<hbm>> -> memref<128xi32, #tpu.memory_space<hbm>>
        %dma_start3A_671 = arith.constant 0 : i32
        %dma_start3A_672 = tpu.memref_slice %arg9[%run_scoped3A_362, %dma_start3A_671] : memref<2x128xi32, #tpu.memory_space<vmem>> -> memref<1x128xi32, #tpu.memory_space<vmem>>
        %dma_start3A_673 = tpu.memref_squeeze %dma_start3A_672 : memref<1x128xi32, #tpu.memory_space<vmem>> -> memref<128xi32, #tpu.memory_space<vmem>>
        %dma_start3A_674 = tpu.memref_slice %arg4[%add3A_360] : memref<160000xi32, #tpu.memory_space<hbm>> -> memref<128xi32, #tpu.memory_space<hbm>>
        tpu.enqueue_dma source(%dma_start3A_674 : memref<128xi32, #tpu.memory_space<hbm>>) target(%dma_start3A_673 : memref<128xi32, #tpu.memory_space<vmem>>) target_semaphore(%run_scoped3A_666 : memref<!tpu.dma_semaphore, #tpu.memory_space<semaphore_mem>>)
        %dma_wait3A_675 = arith.constant 0 : i32
        %dma_wait3A_676 = tpu.memref_slice %arg9[%run_scoped3A_362, %dma_wait3A_675] : memref<2x128xi32, #tpu.memory_space<vmem>> -> memref<1x128xi32, #tpu.memory_space<vmem>>
        %dma_wait3A_677 = tpu.memref_squeeze %dma_wait3A_676 : memref<1x128xi32, #tpu.memory_space<vmem>> -> memref<128xi32, #tpu.memory_space<vmem>>
        %dma_wait3A_678 = tpu.memref_slice %arg4[%add3A_360] : memref<160000xi32, #tpu.memory_space<hbm>> -> memref<128xi32, #tpu.memory_space<hbm>>
        %dma_wait3A_679 = arith.constant 0 : i32
        %dma_wait3A_680 = tpu.memref_slice %arg9[%run_scoped3A_362, %dma_wait3A_679] : memref<2x128xi32, #tpu.memory_space<vmem>> -> memref<1x128xi32, #tpu.memory_space<vmem>>
        %dma_wait3A_681 = tpu.memref_squeeze %dma_wait3A_680 : memref<1x128xi32, #tpu.memory_space<vmem>> -> memref<128xi32, #tpu.memory_space<vmem>>
        %dma_wait3A_682 = tpu.memref_slice %arg4[%add3A_360] : memref<160000xi32, #tpu.memory_space<hbm>> -> memref<128xi32, #tpu.memory_space<hbm>>
        tpu.wait_dma2 semaphore(%run_scoped3A_666 : memref<!tpu.dma_semaphore, #tpu.memory_space<semaphore_mem>>) src(%dma_wait3A_682 : memref<128xi32, #tpu.memory_space<hbm>>) dst(%dma_wait3A_681 : memref<128xi32, #tpu.memory_space<vmem>>)
        tpu.yield
      }) : () -> ()
      %get3A_363 = arith.constant 0 : i32
      %get3A_364 = arith.index_cast %get3A_363 : i32 to index
      %get3A_365 = arith.constant 0 : index
      %get3A_366 = tpu.vector_load %arg8[%get3A_364, %get3A_365] {strides = array<i32>} : memref<2x128xi32, #tpu.memory_space<vmem>>, vector<1x16xi32>,
      %get3A_367 = vector.shape_cast %get3A_366 : vector<1x16xi32> to vector<16xi32>
      %mul3A_368 = arith.constant 2 : i32
      %mul3A_369 = vector.broadcast %mul3A_368 : i32 to vector<16xi32>
      %mul3A_370 = arith.muli %get3A_367, %mul3A_369 : vector<16xi32>
      %add3A_371 = vector.broadcast %arg0 : i32 to vector<16xi32>
      %add3A_372 = arith.addi %mul3A_370, %add3A_371 : vector<16xi32>
      %swap3A_373 = arith.constant 0 : i32
      %swap3A_374 = arith.index_cast %swap3A_373 : i32 to index
      %swap3A_375 = arith.constant 0 : index
      %swap3A_376 = tpu.vector_load %arg10[%swap3A_374, %swap3A_375] {strides = array<i32>} : memref<2x128xi32, #tpu.memory_space<vmem>>, vector<1x16xi32>,
      %swap3A_377 = vector.shape_cast %swap3A_376 : vector<1x16xi32> to vector<16xi32>
      %swap3A_378 = vector.shape_cast %add3A_372 : vector<16xi32> to vector<1x16xi32>
      tpu.vector_store %arg10[%swap3A_374, %swap3A_375], %swap3A_378 {strides = array<i32>} : memref<2x128xi32, #tpu.memory_space<vmem>>, vector<1x16xi32>,
      %get3A_379 = arith.constant 0 : i32
      %get3A_380 = arith.index_cast %get3A_379 : i32 to index
      %get3A_381 = arith.constant 16 : index
      %get3A_382 = tpu.vector_load %arg8[%get3A_380, %get3A_381] {strides = array<i32>} : memref<2x128xi32, #tpu.memory_space<vmem>>, vector<1x16xi32>,
      %get3A_383 = vector.shape_cast %get3A_382 : vector<1x16xi32> to vector<16xi32>
      %mul3A_384 = arith.constant 2 : i32
      %mul3A_385 = vector.broadcast %mul3A_384 : i32 to vector<16xi32>
      %mul3A_386 = arith.muli %get3A_383, %mul3A_385 : vector<16xi32>
      %add3A_387 = vector.broadcast %arg0 : i32 to vector<16xi32>
      %add3A_388 = arith.addi %mul3A_386, %add3A_387 : vector<16xi32>
      %swap3A_389 = arith.constant 0 : i32
      %swap3A_390 = arith.index_cast %swap3A_389 : i32 to index
      %swap3A_391 = arith.constant 16 : index
      %swap3A_392 = tpu.vector_load %arg10[%swap3A_390, %swap3A_391] {strides = array<i32>} : memref<2x128xi32, #tpu.memory_space<vmem>>, vector<1x16xi32>,
      %swap3A_393 = vector.shape_cast %swap3A_392 : vector<1x16xi32> to vector<16xi32>
      %swap3A_394 = vector.shape_cast %add3A_388 : vector<16xi32> to vector<1x16xi32>
      tpu.vector_store %arg10[%swap3A_390, %swap3A_391], %swap3A_394 {strides = array<i32>} : memref<2x128xi32, #tpu.memory_space<vmem>>, vector<1x16xi32>,
      %get3A_395 = arith.constant 0 : i32
      %get3A_396 = arith.index_cast %get3A_395 : i32 to index
      %get3A_397 = arith.constant 32 : index
      %get3A_398 = tpu.vector_load %arg8[%get3A_396, %get3A_397] {strides = array<i32>} : memref<2x128xi32, #tpu.memory_space<vmem>>, vector<1x16xi32>,
      %get3A_399 = vector.shape_cast %get3A_398 : vector<1x16xi32> to vector<16xi32>
      %mul3A_400 = arith.constant 2 : i32
      %mul3A_401 = vector.broadcast %mul3A_400 : i32 to vector<16xi32>
      %mul3A_402 = arith.muli %get3A_399, %mul3A_401 : vector<16xi32>
      %add3A_403 = vector.broadcast %arg0 : i32 to vector<16xi32>
      %add3A_404 = arith.addi %mul3A_402, %add3A_403 : vector<16xi32>
      %swap3A_405 = arith.constant 0 : i32
      %swap3A_406 = arith.index_cast %swap3A_405 : i32 to index
      %swap3A_407 = arith.constant 32 : index
      %swap3A_408 = tpu.vector_load %arg10[%swap3A_406, %swap3A_407] {strides = array<i32>} : memref<2x128xi32, #tpu.memory_space<vmem>>, vector<1x16xi32>,
      %swap3A_409 = vector.shape_cast %swap3A_408 : vector<1x16xi32> to vector<16xi32>
      %swap3A_410 = vector.shape_cast %add3A_404 : vector<16xi32> to vector<1x16xi32>
      tpu.vector_store %arg10[%swap3A_406, %swap3A_407], %swap3A_410 {strides = array<i32>} : memref<2x128xi32, #tpu.memory_space<vmem>>, vector<1x16xi32>,
      %get3A_411 = arith.constant 0 : i32
      %get3A_412 = arith.index_cast %get3A_411 : i32 to index
      %get3A_413 = arith.constant 48 : index
      %get3A_414 = tpu.vector_load %arg8[%get3A_412, %get3A_413] {strides = array<i32>} : memref<2x128xi32, #tpu.memory_space<vmem>>, vector<1x16xi32>,
      %get3A_415 = vector.shape_cast %get3A_414 : vector<1x16xi32> to vector<16xi32>
      %mul3A_416 = arith.constant 2 : i32
      %mul3A_417 = vector.broadcast %mul3A_416 : i32 to vector<16xi32>
      %mul3A_418 = arith.muli %get3A_415, %mul3A_417 : vector<16xi32>
      %add3A_419 = vector.broadcast %arg0 : i32 to vector<16xi32>
      %add3A_420 = arith.addi %mul3A_418, %add3A_419 : vector<16xi32>
      %swap3A_421 = arith.constant 0 : i32
      %swap3A_422 = arith.index_cast %swap3A_421 : i32 to index
      %swap3A_423 = arith.constant 48 : index
      %swap3A_424 = tpu.vector_load %arg10[%swap3A_422, %swap3A_423] {strides = array<i32>} : memref<2x128xi32, #tpu.memory_space<vmem>>, vector<1x16xi32>,
      %swap3A_425 = vector.shape_cast %swap3A_424 : vector<1x16xi32> to vector<16xi32>
      %swap3A_426 = vector.shape_cast %add3A_420 : vector<16xi32> to vector<1x16xi32>
      tpu.vector_store %arg10[%swap3A_422, %swap3A_423], %swap3A_426 {strides = array<i32>} : memref<2x128xi32, #tpu.memory_space<vmem>>, vector<1x16xi32>,
      %get3A_427 = arith.constant 0 : i32
      %get3A_428 = arith.index_cast %get3A_427 : i32 to index
      %get3A_429 = arith.constant 64 : index
      %get3A_430 = tpu.vector_load %arg8[%get3A_428, %get3A_429] {strides = array<i32>} : memref<2x128xi32, #tpu.memory_space<vmem>>, vector<1x16xi32>,
      %get3A_431 = vector.shape_cast %get3A_430 : vector<1x16xi32> to vector<16xi32>
      %mul3A_432 = arith.constant 2 : i32
      %mul3A_433 = vector.broadcast %mul3A_432 : i32 to vector<16xi32>
      %mul3A_434 = arith.muli %get3A_431, %mul3A_433 : vector<16xi32>
      %add3A_435 = vector.broadcast %arg0 : i32 to vector<16xi32>
      %add3A_436 = arith.addi %mul3A_434, %add3A_435 : vector<16xi32>
      %swap3A_437 = arith.constant 0 : i32
      %swap3A_438 = arith.index_cast %swap3A_437 : i32 to index
      %swap3A_439 = arith.constant 64 : index
      %swap3A_440 = tpu.vector_load %arg10[%swap3A_438, %swap3A_439] {strides = array<i32>} : memref<2x128xi32, #tpu.memory_space<vmem>>, vector<1x16xi32>,
      %swap3A_441 = vector.shape_cast %swap3A_440 : vector<1x16xi32> to vector<16xi32>
      %swap3A_442 = vector.shape_cast %add3A_436 : vector<16xi32> to vector<1x16xi32>
      tpu.vector_store %arg10[%swap3A_438, %swap3A_439], %swap3A_442 {strides = array<i32>} : memref<2x128xi32, #tpu.memory_space<vmem>>, vector<1x16xi32>,
      %get3A_443 = arith.constant 0 : i32
      %get3A_444 = arith.index_cast %get3A_443 : i32 to index
      %get3A_445 = arith.constant 80 : index
      %get3A_446 = tpu.vector_load %arg8[%get3A_444, %get3A_445] {strides = array<i32>} : memref<2x128xi32, #tpu.memory_space<vmem>>, vector<1x16xi32>,
      %get3A_447 = vector.shape_cast %get3A_446 : vector<1x16xi32> to vector<16xi32>
      %mul3A_448 = arith.constant 2 : i32
      %mul3A_449 = vector.broadcast %mul3A_448 : i32 to vector<16xi32>
      %mul3A_450 = arith.muli %get3A_447, %mul3A_449 : vector<16xi32>
      %add3A_451 = vector.broadcast %arg0 : i32 to vector<16xi32>
      %add3A_452 = arith.addi %mul3A_450, %add3A_451 : vector<16xi32>
      %swap3A_453 = arith.constant 0 : i32
      %swap3A_454 = arith.index_cast %swap3A_453 : i32 to index
      %swap3A_455 = arith.constant 80 : index
      %swap3A_456 = tpu.vector_load %arg10[%swap3A_454, %swap3A_455] {strides = array<i32>} : memref<2x128xi32, #tpu.memory_space<vmem>>, vector<1x16xi32>,
      %swap3A_457 = vector.shape_cast %swap3A_456 : vector<1x16xi32> to vector<16xi32>
      %swap3A_458 = vector.shape_cast %add3A_452 : vector<16xi32> to vector<1x16xi32>
      tpu.vector_store %arg10[%swap3A_454, %swap3A_455], %swap3A_458 {strides = array<i32>} : memref<2x128xi32, #tpu.memory_space<vmem>>, vector<1x16xi32>,
      %get3A_459 = arith.constant 0 : i32
      %get3A_460 = arith.index_cast %get3A_459 : i32 to index
      %get3A_461 = arith.constant 96 : index
      %get3A_462 = tpu.vector_load %arg8[%get3A_460, %get3A_461] {strides = array<i32>} : memref<2x128xi32, #tpu.memory_space<vmem>>, vector<1x16xi32>,
      %get3A_463 = vector.shape_cast %get3A_462 : vector<1x16xi32> to vector<16xi32>
      %mul3A_464 = arith.constant 2 : i32
      %mul3A_465 = vector.broadcast %mul3A_464 : i32 to vector<16xi32>
      %mul3A_466 = arith.muli %get3A_463, %mul3A_465 : vector<16xi32>
      %add3A_467 = vector.broadcast %arg0 : i32 to vector<16xi32>
      %add3A_468 = arith.addi %mul3A_466, %add3A_467 : vector<16xi32>
      %swap3A_469 = arith.constant 0 : i32
      %swap3A_470 = arith.index_cast %swap3A_469 : i32 to index
      %swap3A_471 = arith.constant 96 : index
      %swap3A_472 = tpu.vector_load %arg10[%swap3A_470, %swap3A_471] {strides = array<i32>} : memref<2x128xi32, #tpu.memory_space<vmem>>, vector<1x16xi32>,
      %swap3A_473 = vector.shape_cast %swap3A_472 : vector<1x16xi32> to vector<16xi32>
      %swap3A_474 = vector.shape_cast %add3A_468 : vector<16xi32> to vector<1x16xi32>
      tpu.vector_store %arg10[%swap3A_470, %swap3A_471], %swap3A_474 {strides = array<i32>} : memref<2x128xi32, #tpu.memory_space<vmem>>, vector<1x16xi32>,
      %get3A_475 = arith.constant 0 : i32
      %get3A_476 = arith.index_cast %get3A_475 : i32 to index
      %get3A_477 = arith.constant 112 : index
      %get3A_478 = tpu.vector_load %arg8[%get3A_476, %get3A_477] {strides = array<i32>} : memref<2x128xi32, #tpu.memory_space<vmem>>, vector<1x16xi32>,
      %get3A_479 = vector.shape_cast %get3A_478 : vector<1x16xi32> to vector<16xi32>
      %mul3A_480 = arith.constant 2 : i32
      %mul3A_481 = vector.broadcast %mul3A_480 : i32 to vector<16xi32>
      %mul3A_482 = arith.muli %get3A_479, %mul3A_481 : vector<16xi32>
      %add3A_483 = vector.broadcast %arg0 : i32 to vector<16xi32>
      %add3A_484 = arith.addi %mul3A_482, %add3A_483 : vector<16xi32>
      %swap3A_485 = arith.constant 0 : i32
      %swap3A_486 = arith.index_cast %swap3A_485 : i32 to index
      %swap3A_487 = arith.constant 112 : index
      %swap3A_488 = tpu.vector_load %arg10[%swap3A_486, %swap3A_487] {strides = array<i32>} : memref<2x128xi32, #tpu.memory_space<vmem>>, vector<1x16xi32>,
      %swap3A_489 = vector.shape_cast %swap3A_488 : vector<1x16xi32> to vector<16xi32>
      %swap3A_490 = vector.shape_cast %add3A_484 : vector<16xi32> to vector<1x16xi32>
      tpu.vector_store %arg10[%swap3A_486, %swap3A_487], %swap3A_490 {strides = array<i32>} : memref<2x128xi32, #tpu.memory_space<vmem>>, vector<1x16xi32>,
      %dma_start3A_491 = arith.constant 0 : i32
      %dma_start3A_492 = arith.constant 0 : i32
      %dma_start3A_493 = arith.constant 0 : i32
      %dma_start3A_494 = arith.constant 0 : i32
      %dma_start3A_495 = tpu.memref_slice %arg11[%dma_start3A_492, %dma_start3A_493, %dma_start3A_494] : memref<2x128x128xf32, #tpu.memory_space<vmem>> -> memref<1x128x128xf32, #tpu.memory_space<vmem>>
      %dma_start3A_496 = tpu.memref_squeeze %dma_start3A_495 : memref<1x128x128xf32, #tpu.memory_space<vmem>> -> memref<128x128xf32, #tpu.memory_space<vmem>>
      %dma_start3A_497 = arith.constant 0 : i32
      %dma_start3A_498 = tpu.memref_slice %arg10[%dma_start3A_491, %dma_start3A_497] : memref<2x128xi32, #tpu.memory_space<vmem>> -> memref<1x128xi32, #tpu.memory_space<vmem>>
      %dma_start3A_499 = tpu.memref_squeeze %dma_start3A_498 : memref<1x128xi32, #tpu.memory_space<vmem>> -> memref<128xi32, #tpu.memory_space<vmem>>
      %dma_start3A_500 = arith.constant 0 : i32
      %dma_start3A_501 = arith.constant 0 : i32
      %dma_start3A_502 = tpu.memref_slice %arg2[%dma_start3A_500, %dma_start3A_501] : memref<20000x128xf32, #tpu.memory_space<hbm>> -> memref<20000x128xf32, #tpu.memory_space<hbm>>
      tpu.enqueue_indirect_dma source(%dma_start3A_502 : memref<20000x128xf32, #tpu.memory_space<hbm>>) target(%dma_start3A_496 : memref<128x128xf32, #tpu.memory_space<vmem>>) offsets(%dma_start3A_499 : memref<128xi32, #tpu.memory_space<vmem>>) semaphore(%arg16 : memref<!tpu.dma_semaphore, #tpu.memory_space<semaphore_mem>>)
      %dma_wait3A_503 = arith.constant 1 : i32
      %dma_wait3A_504 = arith.constant 1 : i32
      %dma_wait3A_505 = arith.constant 0 : i32
      %dma_wait3A_506 = arith.constant 0 : i32
      %dma_wait3A_507 = tpu.memref_slice %arg11[%dma_wait3A_504, %dma_wait3A_505, %dma_wait3A_506] : memref<2x128x128xf32, #tpu.memory_space<vmem>> -> memref<1x128x128xf32, #tpu.memory_space<vmem>>
      %dma_wait3A_508 = tpu.memref_squeeze %dma_wait3A_507 : memref<1x128x128xf32, #tpu.memory_space<vmem>> -> memref<128x128xf32, #tpu.memory_space<vmem>>
      %dma_wait3A_509 = arith.constant 0 : i32
      %dma_wait3A_510 = tpu.memref_slice %arg10[%dma_wait3A_503, %dma_wait3A_509] : memref<2x128xi32, #tpu.memory_space<vmem>> -> memref<1x128xi32, #tpu.memory_space<vmem>>
      %dma_wait3A_511 = tpu.memref_squeeze %dma_wait3A_510 : memref<1x128xi32, #tpu.memory_space<vmem>> -> memref<128xi32, #tpu.memory_space<vmem>>
      %dma_wait3A_512 = arith.constant 0 : i32
      %dma_wait3A_513 = arith.constant 0 : i32
      %dma_wait3A_514 = tpu.memref_slice %arg2[%dma_wait3A_512, %dma_wait3A_513] : memref<20000x128xf32, #tpu.memory_space<hbm>> -> memref<20000x128xf32, #tpu.memory_space<hbm>>
      tpu.wait_indirect_dma semaphore(%arg17 : memref<!tpu.dma_semaphore, #tpu.memory_space<semaphore_mem>>) src(%dma_wait3A_514 : memref<20000x128xf32, #tpu.memory_space<hbm>>) dst(%dma_wait3A_508 : memref<128x128xf32, #tpu.memory_space<vmem>>)
      %run_scoped3A_515 = arith.constant 1 : i32
      %run_scoped3A_516 = arith.constant 1 : i32
      "tpu.region"() ({
        %run_scoped3A_666 = tpu.sem_alloc : memref<!tpu.dma_semaphore, #tpu.memory_space<semaphore_mem>>
        %dma_start3A_667 = arith.constant 0 : i32
        %dma_start3A_668 = arith.constant 0 : i32
        %dma_start3A_669 = tpu.memref_slice %arg11[%run_scoped3A_515, %dma_start3A_667, %dma_start3A_668] : memref<2x128x128xf32, #tpu.memory_space<vmem>> -> memref<1x128x128xf32, #tpu.memory_space<vmem>>
        %dma_start3A_670 = tpu.memref_squeeze %dma_start3A_669 : memref<1x128x128xf32, #tpu.memory_space<vmem>> -> memref<128x128xf32, #tpu.memory_space<vmem>>
        %dma_start3A_671 = arith.constant 0 : i32
        %dma_start3A_672 = tpu.memref_slice %arg9[%run_scoped3A_516, %dma_start3A_671] : memref<2x128xi32, #tpu.memory_space<vmem>> -> memref<1x128xi32, #tpu.memory_space<vmem>>
        %dma_start3A_673 = tpu.memref_squeeze %dma_start3A_672 : memref<1x128xi32, #tpu.memory_space<vmem>> -> memref<128xi32, #tpu.memory_space<vmem>>
        %dma_start3A_674 = arith.constant 0 : i32
        %dma_start3A_675 = arith.constant 0 : i32
        %dma_start3A_676 = tpu.memref_slice %arg7[%dma_start3A_674, %dma_start3A_675] : memref<10112x128xf32, #tpu.memory_space<vmem_shared>> -> memref<10112x128xf32, #tpu.memory_space<vmem_shared>>
        tpu.enqueue_indirect_dma source(%dma_start3A_670 : memref<128x128xf32, #tpu.memory_space<vmem>>) target(%dma_start3A_676 : memref<10112x128xf32, #tpu.memory_space<vmem_shared>>) offsets(%dma_start3A_673 : memref<128xi32, #tpu.memory_space<vmem>>) semaphore(%run_scoped3A_666 : memref<!tpu.dma_semaphore, #tpu.memory_space<semaphore_mem>>) {add = true}
        %dma_wait3A_677 = arith.constant 0 : i32
        %dma_wait3A_678 = arith.constant 0 : i32
        %dma_wait3A_679 = tpu.memref_slice %arg11[%run_scoped3A_515, %dma_wait3A_677, %dma_wait3A_678] : memref<2x128x128xf32, #tpu.memory_space<vmem>> -> memref<1x128x128xf32, #tpu.memory_space<vmem>>
        %dma_wait3A_680 = tpu.memref_squeeze %dma_wait3A_679 : memref<1x128x128xf32, #tpu.memory_space<vmem>> -> memref<128x128xf32, #tpu.memory_space<vmem>>
        %dma_wait3A_681 = arith.constant 0 : i32
        %dma_wait3A_682 = tpu.memref_slice %arg9[%run_scoped3A_516, %dma_wait3A_681] : memref<2x128xi32, #tpu.memory_space<vmem>> -> memref<1x128xi32, #tpu.memory_space<vmem>>
        %dma_wait3A_683 = tpu.memref_squeeze %dma_wait3A_682 : memref<1x128xi32, #tpu.memory_space<vmem>> -> memref<128xi32, #tpu.memory_space<vmem>>
        %dma_wait3A_684 = arith.constant 0 : i32
        %dma_wait3A_685 = arith.constant 0 : i32
        %dma_wait3A_686 = tpu.memref_slice %arg7[%dma_wait3A_684, %dma_wait3A_685] : memref<10112x128xf32, #tpu.memory_space<vmem_shared>> -> memref<10112x128xf32, #tpu.memory_space<vmem_shared>>
        tpu.wait_indirect_dma semaphore(%run_scoped3A_666 : memref<!tpu.dma_semaphore, #tpu.memory_space<semaphore_mem>>) src(%dma_wait3A_680 : memref<128x128xf32, #tpu.memory_space<vmem>>) dst(%dma_wait3A_686 : memref<10112x128xf32, #tpu.memory_space<vmem_shared>>)
        tpu.yield
      }) : () -> ()
      %mul3A_517 = arith.constant 2 : i32
      %mul3A_518 = arith.muli %mul3A_517, %scan3A_339 : i32
      %add3A_519 = arith.constant 3 : i32
      %add3A_520 = arith.addi %mul3A_518, %add3A_519 : i32
      %mul3A_521 = arith.constant 128 : i32
      %mul3A_522 = arith.muli %add3A_520, %mul3A_521 : i32
      %add3A_523 = arith.addi %mul3A_2, %mul3A_522 : i32
      %run_scoped3A_524 = arith.constant 1 : i32
      "tpu.region"() ({
        %run_scoped3A_666 = tpu.sem_alloc : memref<!tpu.dma_semaphore, #tpu.memory_space<semaphore_mem>>
        %dma_start3A_667 = arith.constant 0 : i32
        %dma_start3A_668 = tpu.memref_slice %arg8[%run_scoped3A_524, %dma_start3A_667] : memref<2x128xi32, #tpu.memory_space<vmem>> -> memref<1x128xi32, #tpu.memory_space<vmem>>
        %dma_start3A_669 = tpu.memref_squeeze %dma_start3A_668 : memref<1x128xi32, #tpu.memory_space<vmem>> -> memref<128xi32, #tpu.memory_space<vmem>>
        %dma_start3A_670 = tpu.memref_slice %arg3[%add3A_523] : memref<160000xi32, #tpu.memory_space<hbm>> -> memref<128xi32, #tpu.memory_space<hbm>>
        %dma_start3A_671 = arith.constant 0 : i32
        %dma_start3A_672 = tpu.memref_slice %arg8[%run_scoped3A_524, %dma_start3A_671] : memref<2x128xi32, #tpu.memory_space<vmem>> -> memref<1x128xi32, #tpu.memory_space<vmem>>
        %dma_start3A_673 = tpu.memref_squeeze %dma_start3A_672 : memref<1x128xi32, #tpu.memory_space<vmem>> -> memref<128xi32, #tpu.memory_space<vmem>>
        %dma_start3A_674 = tpu.memref_slice %arg3[%add3A_523] : memref<160000xi32, #tpu.memory_space<hbm>> -> memref<128xi32, #tpu.memory_space<hbm>>
        tpu.enqueue_dma source(%dma_start3A_674 : memref<128xi32, #tpu.memory_space<hbm>>) target(%dma_start3A_673 : memref<128xi32, #tpu.memory_space<vmem>>) target_semaphore(%run_scoped3A_666 : memref<!tpu.dma_semaphore, #tpu.memory_space<semaphore_mem>>)
        %dma_wait3A_675 = arith.constant 0 : i32
        %dma_wait3A_676 = tpu.memref_slice %arg8[%run_scoped3A_524, %dma_wait3A_675] : memref<2x128xi32, #tpu.memory_space<vmem>> -> memref<1x128xi32, #tpu.memory_space<vmem>>
        %dma_wait3A_677 = tpu.memref_squeeze %dma_wait3A_676 : memref<1x128xi32, #tpu.memory_space<vmem>> -> memref<128xi32, #tpu.memory_space<vmem>>
        %dma_wait3A_678 = tpu.memref_slice %arg3[%add3A_523] : memref<160000xi32, #tpu.memory_space<hbm>> -> memref<128xi32, #tpu.memory_space<hbm>>
        %dma_wait3A_679 = arith.constant 0 : i32
        %dma_wait3A_680 = tpu.memref_slice %arg8[%run_scoped3A_524, %dma_wait3A_679] : memref<2x128xi32, #tpu.memory_space<vmem>> -> memref<1x128xi32, #tpu.memory_space<vmem>>
        %dma_wait3A_681 = tpu.memref_squeeze %dma_wait3A_680 : memref<1x128xi32, #tpu.memory_space<vmem>> -> memref<128xi32, #tpu.memory_space<vmem>>
        %dma_wait3A_682 = tpu.memref_slice %arg3[%add3A_523] : memref<160000xi32, #tpu.memory_space<hbm>> -> memref<128xi32, #tpu.memory_space<hbm>>
        tpu.wait_dma2 semaphore(%run_scoped3A_666 : memref<!tpu.dma_semaphore, #tpu.memory_space<semaphore_mem>>) src(%dma_wait3A_682 : memref<128xi32, #tpu.memory_space<hbm>>) dst(%dma_wait3A_681 : memref<128xi32, #tpu.memory_space<vmem>>)
        tpu.yield
      }) : () -> ()
      %run_scoped3A_525 = arith.constant 1 : i32
      "tpu.region"() ({
        %run_scoped3A_666 = tpu.sem_alloc : memref<!tpu.dma_semaphore, #tpu.memory_space<semaphore_mem>>
        %dma_start3A_667 = arith.constant 0 : i32
        %dma_start3A_668 = tpu.memref_slice %arg9[%run_scoped3A_525, %dma_start3A_667] : memref<2x128xi32, #tpu.memory_space<vmem>> -> memref<1x128xi32, #tpu.memory_space<vmem>>
        %dma_start3A_669 = tpu.memref_squeeze %dma_start3A_668 : memref<1x128xi32, #tpu.memory_space<vmem>> -> memref<128xi32, #tpu.memory_space<vmem>>
        %dma_start3A_670 = tpu.memref_slice %arg4[%add3A_523] : memref<160000xi32, #tpu.memory_space<hbm>> -> memref<128xi32, #tpu.memory_space<hbm>>
        %dma_start3A_671 = arith.constant 0 : i32
        %dma_start3A_672 = tpu.memref_slice %arg9[%run_scoped3A_525, %dma_start3A_671] : memref<2x128xi32, #tpu.memory_space<vmem>> -> memref<1x128xi32, #tpu.memory_space<vmem>>
        %dma_start3A_673 = tpu.memref_squeeze %dma_start3A_672 : memref<1x128xi32, #tpu.memory_space<vmem>> -> memref<128xi32, #tpu.memory_space<vmem>>
        %dma_start3A_674 = tpu.memref_slice %arg4[%add3A_523] : memref<160000xi32, #tpu.memory_space<hbm>> -> memref<128xi32, #tpu.memory_space<hbm>>
        tpu.enqueue_dma source(%dma_start3A_674 : memref<128xi32, #tpu.memory_space<hbm>>) target(%dma_start3A_673 : memref<128xi32, #tpu.memory_space<vmem>>) target_semaphore(%run_scoped3A_666 : memref<!tpu.dma_semaphore, #tpu.memory_space<semaphore_mem>>)
        %dma_wait3A_675 = arith.constant 0 : i32
        %dma_wait3A_676 = tpu.memref_slice %arg9[%run_scoped3A_525, %dma_wait3A_675] : memref<2x128xi32, #tpu.memory_space<vmem>> -> memref<1x128xi32, #tpu.memory_space<vmem>>
        %dma_wait3A_677 = tpu.memref_squeeze %dma_wait3A_676 : memref<1x128xi32, #tpu.memory_space<vmem>> -> memref<128xi32, #tpu.memory_space<vmem>>
        %dma_wait3A_678 = tpu.memref_slice %arg4[%add3A_523] : memref<160000xi32, #tpu.memory_space<hbm>> -> memref<128xi32, #tpu.memory_space<hbm>>
        %dma_wait3A_679 = arith.constant 0 : i32
        %dma_wait3A_680 = tpu.memref_slice %arg9[%run_scoped3A_525, %dma_wait3A_679] : memref<2x128xi32, #tpu.memory_space<vmem>> -> memref<1x128xi32, #tpu.memory_space<vmem>>
        %dma_wait3A_681 = tpu.memref_squeeze %dma_wait3A_680 : memref<1x128xi32, #tpu.memory_space<vmem>> -> memref<128xi32, #tpu.memory_space<vmem>>
        %dma_wait3A_682 = tpu.memref_slice %arg4[%add3A_523] : memref<160000xi32, #tpu.memory_space<hbm>> -> memref<128xi32, #tpu.memory_space<hbm>>
        tpu.wait_dma2 semaphore(%run_scoped3A_666 : memref<!tpu.dma_semaphore, #tpu.memory_space<semaphore_mem>>) src(%dma_wait3A_682 : memref<128xi32, #tpu.memory_space<hbm>>) dst(%dma_wait3A_681 : memref<128xi32, #tpu.memory_space<vmem>>)
        tpu.yield
      }) : () -> ()
      %get3A_526 = arith.constant 1 : i32
      %get3A_527 = arith.index_cast %get3A_526 : i32 to index
      %get3A_528 = arith.constant 0 : index
      %get3A_529 = tpu.vector_load %arg8[%get3A_527, %get3A_528] {strides = array<i32>} : memref<2x128xi32, #tpu.memory_space<vmem>>, vector<1x16xi32>,
      %get3A_530 = vector.shape_cast %get3A_529 : vector<1x16xi32> to vector<16xi32>
      %mul3A_531 = arith.constant 2 : i32
      %mul3A_532 = vector.broadcast %mul3A_531 : i32 to vector<16xi32>
      %mul3A_533 = arith.muli %get3A_530, %mul3A_532 : vector<16xi32>
      %add3A_534 = vector.broadcast %arg0 : i32 to vector<16xi32>
      %add3A_535 = arith.addi %mul3A_533, %add3A_534 : vector<16xi32>
      %swap3A_536 = arith.constant 1 : i32
      %swap3A_537 = arith.index_cast %swap3A_536 : i32 to index
      %swap3A_538 = arith.constant 0 : index
      %swap3A_539 = tpu.vector_load %arg10[%swap3A_537, %swap3A_538] {strides = array<i32>} : memref<2x128xi32, #tpu.memory_space<vmem>>, vector<1x16xi32>,
      %swap3A_540 = vector.shape_cast %swap3A_539 : vector<1x16xi32> to vector<16xi32>
      %swap3A_541 = vector.shape_cast %add3A_535 : vector<16xi32> to vector<1x16xi32>
      tpu.vector_store %arg10[%swap3A_537, %swap3A_538], %swap3A_541 {strides = array<i32>} : memref<2x128xi32, #tpu.memory_space<vmem>>, vector<1x16xi32>,
      %get3A_542 = arith.constant 1 : i32
      %get3A_543 = arith.index_cast %get3A_542 : i32 to index
      %get3A_544 = arith.constant 16 : index
      %get3A_545 = tpu.vector_load %arg8[%get3A_543, %get3A_544] {strides = array<i32>} : memref<2x128xi32, #tpu.memory_space<vmem>>, vector<1x16xi32>,
      %get3A_546 = vector.shape_cast %get3A_545 : vector<1x16xi32> to vector<16xi32>
      %mul3A_547 = arith.constant 2 : i32
      %mul3A_548 = vector.broadcast %mul3A_547 : i32 to vector<16xi32>
      %mul3A_549 = arith.muli %get3A_546, %mul3A_548 : vector<16xi32>
      %add3A_550 = vector.broadcast %arg0 : i32 to vector<16xi32>
      %add3A_551 = arith.addi %mul3A_549, %add3A_550 : vector<16xi32>
      %swap3A_552 = arith.constant 1 : i32
      %swap3A_553 = arith.index_cast %swap3A_552 : i32 to index
      %swap3A_554 = arith.constant 16 : index
      %swap3A_555 = tpu.vector_load %arg10[%swap3A_553, %swap3A_554] {strides = array<i32>} : memref<2x128xi32, #tpu.memory_space<vmem>>, vector<1x16xi32>,
      %swap3A_556 = vector.shape_cast %swap3A_555 : vector<1x16xi32> to vector<16xi32>
      %swap3A_557 = vector.shape_cast %add3A_551 : vector<16xi32> to vector<1x16xi32>
      tpu.vector_store %arg10[%swap3A_553, %swap3A_554], %swap3A_557 {strides = array<i32>} : memref<2x128xi32, #tpu.memory_space<vmem>>, vector<1x16xi32>,
      %get3A_558 = arith.constant 1 : i32
      %get3A_559 = arith.index_cast %get3A_558 : i32 to index
      %get3A_560 = arith.constant 32 : index
      %get3A_561 = tpu.vector_load %arg8[%get3A_559, %get3A_560] {strides = array<i32>} : memref<2x128xi32, #tpu.memory_space<vmem>>, vector<1x16xi32>,
      %get3A_562 = vector.shape_cast %get3A_561 : vector<1x16xi32> to vector<16xi32>
      %mul3A_563 = arith.constant 2 : i32
      %mul3A_564 = vector.broadcast %mul3A_563 : i32 to vector<16xi32>
      %mul3A_565 = arith.muli %get3A_562, %mul3A_564 : vector<16xi32>
      %add3A_566 = vector.broadcast %arg0 : i32 to vector<16xi32>
      %add3A_567 = arith.addi %mul3A_565, %add3A_566 : vector<16xi32>
      %swap3A_568 = arith.constant 1 : i32
      %swap3A_569 = arith.index_cast %swap3A_568 : i32 to index
      %swap3A_570 = arith.constant 32 : index
      %swap3A_571 = tpu.vector_load %arg10[%swap3A_569, %swap3A_570] {strides = array<i32>} : memref<2x128xi32, #tpu.memory_space<vmem>>, vector<1x16xi32>,
      %swap3A_572 = vector.shape_cast %swap3A_571 : vector<1x16xi32> to vector<16xi32>
      %swap3A_573 = vector.shape_cast %add3A_567 : vector<16xi32> to vector<1x16xi32>
      tpu.vector_store %arg10[%swap3A_569, %swap3A_570], %swap3A_573 {strides = array<i32>} : memref<2x128xi32, #tpu.memory_space<vmem>>, vector<1x16xi32>,
      %get3A_574 = arith.constant 1 : i32
      %get3A_575 = arith.index_cast %get3A_574 : i32 to index
      %get3A_576 = arith.constant 48 : index
      %get3A_577 = tpu.vector_load %arg8[%get3A_575, %get3A_576] {strides = array<i32>} : memref<2x128xi32, #tpu.memory_space<vmem>>, vector<1x16xi32>,
      %get3A_578 = vector.shape_cast %get3A_577 : vector<1x16xi32> to vector<16xi32>
      %mul3A_579 = arith.constant 2 : i32
      %mul3A_580 = vector.broadcast %mul3A_579 : i32 to vector<16xi32>
      %mul3A_581 = arith.muli %get3A_578, %mul3A_580 : vector<16xi32>
      %add3A_582 = vector.broadcast %arg0 : i32 to vector<16xi32>
      %add3A_583 = arith.addi %mul3A_581, %add3A_582 : vector<16xi32>
      %swap3A_584 = arith.constant 1 : i32
      %swap3A_585 = arith.index_cast %swap3A_584 : i32 to index
      %swap3A_586 = arith.constant 48 : index
      %swap3A_587 = tpu.vector_load %arg10[%swap3A_585, %swap3A_586] {strides = array<i32>} : memref<2x128xi32, #tpu.memory_space<vmem>>, vector<1x16xi32>,
      %swap3A_588 = vector.shape_cast %swap3A_587 : vector<1x16xi32> to vector<16xi32>
      %swap3A_589 = vector.shape_cast %add3A_583 : vector<16xi32> to vector<1x16xi32>
      tpu.vector_store %arg10[%swap3A_585, %swap3A_586], %swap3A_589 {strides = array<i32>} : memref<2x128xi32, #tpu.memory_space<vmem>>, vector<1x16xi32>,
      %get3A_590 = arith.constant 1 : i32
      %get3A_591 = arith.index_cast %get3A_590 : i32 to index
      %get3A_592 = arith.constant 64 : index
      %get3A_593 = tpu.vector_load %arg8[%get3A_591, %get3A_592] {strides = array<i32>} : memref<2x128xi32, #tpu.memory_space<vmem>>, vector<1x16xi32>,
      %get3A_594 = vector.shape_cast %get3A_593 : vector<1x16xi32> to vector<16xi32>
      %mul3A_595 = arith.constant 2 : i32
      %mul3A_596 = vector.broadcast %mul3A_595 : i32 to vector<16xi32>
      %mul3A_597 = arith.muli %get3A_594, %mul3A_596 : vector<16xi32>
      %add3A_598 = vector.broadcast %arg0 : i32 to vector<16xi32>
      %add3A_599 = arith.addi %mul3A_597, %add3A_598 : vector<16xi32>
      %swap3A_600 = arith.constant 1 : i32
      %swap3A_601 = arith.index_cast %swap3A_600 : i32 to index
      %swap3A_602 = arith.constant 64 : index
      %swap3A_603 = tpu.vector_load %arg10[%swap3A_601, %swap3A_602] {strides = array<i32>} : memref<2x128xi32, #tpu.memory_space<vmem>>, vector<1x16xi32>,
      %swap3A_604 = vector.shape_cast %swap3A_603 : vector<1x16xi32> to vector<16xi32>
      %swap3A_605 = vector.shape_cast %add3A_599 : vector<16xi32> to vector<1x16xi32>
      tpu.vector_store %arg10[%swap3A_601, %swap3A_602], %swap3A_605 {strides = array<i32>} : memref<2x128xi32, #tpu.memory_space<vmem>>, vector<1x16xi32>,
      %get3A_606 = arith.constant 1 : i32
      %get3A_607 = arith.index_cast %get3A_606 : i32 to index
      %get3A_608 = arith.constant 80 : index
      %get3A_609 = tpu.vector_load %arg8[%get3A_607, %get3A_608] {strides = array<i32>} : memref<2x128xi32, #tpu.memory_space<vmem>>, vector<1x16xi32>,
      %get3A_610 = vector.shape_cast %get3A_609 : vector<1x16xi32> to vector<16xi32>
      %mul3A_611 = arith.constant 2 : i32
      %mul3A_612 = vector.broadcast %mul3A_611 : i32 to vector<16xi32>
      %mul3A_613 = arith.muli %get3A_610, %mul3A_612 : vector<16xi32>
      %add3A_614 = vector.broadcast %arg0 : i32 to vector<16xi32>
      %add3A_615 = arith.addi %mul3A_613, %add3A_614 : vector<16xi32>
      %swap3A_616 = arith.constant 1 : i32
      %swap3A_617 = arith.index_cast %swap3A_616 : i32 to index
      %swap3A_618 = arith.constant 80 : index
      %swap3A_619 = tpu.vector_load %arg10[%swap3A_617, %swap3A_618] {strides = array<i32>} : memref<2x128xi32, #tpu.memory_space<vmem>>, vector<1x16xi32>,
      %swap3A_620 = vector.shape_cast %swap3A_619 : vector<1x16xi32> to vector<16xi32>
      %swap3A_621 = vector.shape_cast %add3A_615 : vector<16xi32> to vector<1x16xi32>
      tpu.vector_store %arg10[%swap3A_617, %swap3A_618], %swap3A_621 {strides = array<i32>} : memref<2x128xi32, #tpu.memory_space<vmem>>, vector<1x16xi32>,
      %get3A_622 = arith.constant 1 : i32
      %get3A_623 = arith.index_cast %get3A_622 : i32 to index
      %get3A_624 = arith.constant 96 : index
      %get3A_625 = tpu.vector_load %arg8[%get3A_623, %get3A_624] {strides = array<i32>} : memref<2x128xi32, #tpu.memory_space<vmem>>, vector<1x16xi32>,
      %get3A_626 = vector.shape_cast %get3A_625 : vector<1x16xi32> to vector<16xi32>
      %mul3A_627 = arith.constant 2 : i32
      %mul3A_628 = vector.broadcast %mul3A_627 : i32 to vector<16xi32>
      %mul3A_629 = arith.muli %get3A_626, %mul3A_628 : vector<16xi32>
      %add3A_630 = vector.broadcast %arg0 : i32 to vector<16xi32>
      %add3A_631 = arith.addi %mul3A_629, %add3A_630 : vector<16xi32>
      %swap3A_632 = arith.constant 1 : i32
      %swap3A_633 = arith.index_cast %swap3A_632 : i32 to index
      %swap3A_634 = arith.constant 96 : index
      %swap3A_635 = tpu.vector_load %arg10[%swap3A_633, %swap3A_634] {strides = array<i32>} : memref<2x128xi32, #tpu.memory_space<vmem>>, vector<1x16xi32>,
      %swap3A_636 = vector.shape_cast %swap3A_635 : vector<1x16xi32> to vector<16xi32>
      %swap3A_637 = vector.shape_cast %add3A_631 : vector<16xi32> to vector<1x16xi32>
      tpu.vector_store %arg10[%swap3A_633, %swap3A_634], %swap3A_637 {strides = array<i32>} : memref<2x128xi32, #tpu.memory_space<vmem>>, vector<1x16xi32>,
      %get3A_638 = arith.constant 1 : i32
      %get3A_639 = arith.index_cast %get3A_638 : i32 to index
      %get3A_640 = arith.constant 112 : index
      %get3A_641 = tpu.vector_load %arg8[%get3A_639, %get3A_640] {strides = array<i32>} : memref<2x128xi32, #tpu.memory_space<vmem>>, vector<1x16xi32>,
      %get3A_642 = vector.shape_cast %get3A_641 : vector<1x16xi32> to vector<16xi32>
      %mul3A_643 = arith.constant 2 : i32
      %mul3A_644 = vector.broadcast %mul3A_643 : i32 to vector<16xi32>
      %mul3A_645 = arith.muli %get3A_642, %mul3A_644 : vector<16xi32>
      %add3A_646 = vector.broadcast %arg0 : i32 to vector<16xi32>
      %add3A_647 = arith.addi %mul3A_645, %add3A_646 : vector<16xi32>
      %swap3A_648 = arith.constant 1 : i32
      %swap3A_649 = arith.index_cast %swap3A_648 : i32 to index
      %swap3A_650 = arith.constant 112 : index
      %swap3A_651 = tpu.vector_load %arg10[%swap3A_649, %swap3A_650] {strides = array<i32>} : memref<2x128xi32, #tpu.memory_space<vmem>>, vector<1x16xi32>,
      %swap3A_652 = vector.shape_cast %swap3A_651 : vector<1x16xi32> to vector<16xi32>
      %swap3A_653 = vector.shape_cast %add3A_647 : vector<16xi32> to vector<1x16xi32>
      tpu.vector_store %arg10[%swap3A_649, %swap3A_650], %swap3A_653 {strides = array<i32>} : memref<2x128xi32, #tpu.memory_space<vmem>>, vector<1x16xi32>,
      %dma_start3A_654 = arith.constant 1 : i32
      %dma_start3A_655 = arith.constant 1 : i32
      %dma_start3A_656 = arith.constant 0 : i32
      %dma_start3A_657 = arith.constant 0 : i32
      %dma_start3A_658 = tpu.memref_slice %arg11[%dma_start3A_655, %dma_start3A_656, %dma_start3A_657] : memref<2x128x128xf32, #tpu.memory_space<vmem>> -> memref<1x128x128xf32, #tpu.memory_space<vmem>>
      %dma_start3A_659 = tpu.memref_squeeze %dma_start3A_658 : memref<1x128x128xf32, #tpu.memory_space<vmem>> -> memref<128x128xf32, #tpu.memory_space<vmem>>
      %dma_start3A_660 = arith.constant 0 : i32
      %dma_start3A_661 = tpu.memref_slice %arg10[%dma_start3A_654, %dma_start3A_660] : memref<2x128xi32, #tpu.memory_space<vmem>> -> memref<1x128xi32, #tpu.memory_space<vmem>>
      %dma_start3A_662 = tpu.memref_squeeze %dma_start3A_661 : memref<1x128xi32, #tpu.memory_space<vmem>> -> memref<128xi32, #tpu.memory_space<vmem>>
      %dma_start3A_663 = arith.constant 0 : i32
      %dma_start3A_664 = arith.constant 0 : i32
      %dma_start3A_665 = tpu.memref_slice %arg2[%dma_start3A_663, %dma_start3A_664] : memref<20000x128xf32, #tpu.memory_space<hbm>> -> memref<20000x128xf32, #tpu.memory_space<hbm>>
      tpu.enqueue_indirect_dma source(%dma_start3A_665 : memref<20000x128xf32, #tpu.memory_space<hbm>>) target(%dma_start3A_659 : memref<128x128xf32, #tpu.memory_space<vmem>>) offsets(%dma_start3A_662 : memref<128xi32, #tpu.memory_space<vmem>>) semaphore(%arg17 : memref<!tpu.dma_semaphore, #tpu.memory_space<semaphore_mem>>)
    }
    %scan3A_290 = arith.constant 38 : i32
    %dma_wait3A = arith.constant 0 : i32
    %dma_wait3A_291 = arith.constant 0 : i32
    %dma_wait3A_292 = arith.constant 0 : i32
    %dma_wait3A_293 = arith.constant 0 : i32
    %dma_wait3A_294 = tpu.memref_slice %arg11[%dma_wait3A_291, %dma_wait3A_292, %dma_wait3A_293] : memref<2x128x128xf32, #tpu.memory_space<vmem>> -> memref<1x128x128xf32, #tpu.memory_space<vmem>>
    %dma_wait3A_295 = tpu.memref_squeeze %dma_wait3A_294 : memref<1x128x128xf32, #tpu.memory_space<vmem>> -> memref<128x128xf32, #tpu.memory_space<vmem>>
    %dma_wait3A_296 = arith.constant 0 : i32
    %dma_wait3A_297 = tpu.memref_slice %arg10[%dma_wait3A, %dma_wait3A_296] : memref<2x128xi32, #tpu.memory_space<vmem>> -> memref<1x128xi32, #tpu.memory_space<vmem>>
    %dma_wait3A_298 = tpu.memref_squeeze %dma_wait3A_297 : memref<1x128xi32, #tpu.memory_space<vmem>> -> memref<128xi32, #tpu.memory_space<vmem>>
    %dma_wait3A_299 = arith.constant 0 : i32
    %dma_wait3A_300 = arith.constant 0 : i32
    %dma_wait3A_301 = tpu.memref_slice %arg2[%dma_wait3A_299, %dma_wait3A_300] : memref<20000x128xf32, #tpu.memory_space<hbm>> -> memref<20000x128xf32, #tpu.memory_space<hbm>>
    tpu.wait_indirect_dma semaphore(%arg16 : memref<!tpu.dma_semaphore, #tpu.memory_space<semaphore_mem>>) src(%dma_wait3A_301 : memref<20000x128xf32, #tpu.memory_space<hbm>>) dst(%dma_wait3A_295 : memref<128x128xf32, #tpu.memory_space<vmem>>)
    %run_scoped3A_302 = arith.constant 0 : i32
    %run_scoped3A_303 = arith.constant 0 : i32
    "tpu.region"() ({
      %run_scoped3A_339 = tpu.sem_alloc : memref<!tpu.dma_semaphore, #tpu.memory_space<semaphore_mem>>
      %dma_start3A_340 = arith.constant 0 : i32
      %dma_start3A_341 = arith.constant 0 : i32
      %dma_start3A_342 = tpu.memref_slice %arg11[%run_scoped3A_302, %dma_start3A_340, %dma_start3A_341] : memref<2x128x128xf32, #tpu.memory_space<vmem>> -> memref<1x128x128xf32, #tpu.memory_space<vmem>>
      %dma_start3A_343 = tpu.memref_squeeze %dma_start3A_342 : memref<1x128x128xf32, #tpu.memory_space<vmem>> -> memref<128x128xf32, #tpu.memory_space<vmem>>
      %dma_start3A_344 = arith.constant 0 : i32
      %dma_start3A_345 = tpu.memref_slice %arg9[%run_scoped3A_303, %dma_start3A_344] : memref<2x128xi32, #tpu.memory_space<vmem>> -> memref<1x128xi32, #tpu.memory_space<vmem>>
      %dma_start3A_346 = tpu.memref_squeeze %dma_start3A_345 : memref<1x128xi32, #tpu.memory_space<vmem>> -> memref<128xi32, #tpu.memory_space<vmem>>
      %dma_start3A_347 = arith.constant 0 : i32
      %dma_start3A_348 = arith.constant 0 : i32
      %dma_start3A_349 = tpu.memref_slice %arg7[%dma_start3A_347, %dma_start3A_348] : memref<10112x128xf32, #tpu.memory_space<vmem_shared>> -> memref<10112x128xf32, #tpu.memory_space<vmem_shared>>
      tpu.enqueue_indirect_dma source(%dma_start3A_343 : memref<128x128xf32, #tpu.memory_space<vmem>>) target(%dma_start3A_349 : memref<10112x128xf32, #tpu.memory_space<vmem_shared>>) offsets(%dma_start3A_346 : memref<128xi32, #tpu.memory_space<vmem>>) semaphore(%run_scoped3A_339 : memref<!tpu.dma_semaphore, #tpu.memory_space<semaphore_mem>>) {add = true}
      %dma_wait3A_350 = arith.constant 0 : i32
      %dma_wait3A_351 = arith.constant 0 : i32
      %dma_wait3A_352 = tpu.memref_slice %arg11[%run_scoped3A_302, %dma_wait3A_350, %dma_wait3A_351] : memref<2x128x128xf32, #tpu.memory_space<vmem>> -> memref<1x128x128xf32, #tpu.memory_space<vmem>>
      %dma_wait3A_353 = tpu.memref_squeeze %dma_wait3A_352 : memref<1x128x128xf32, #tpu.memory_space<vmem>> -> memref<128x128xf32, #tpu.memory_space<vmem>>
      %dma_wait3A_354 = arith.constant 0 : i32
      %dma_wait3A_355 = tpu.memref_slice %arg9[%run_scoped3A_303, %dma_wait3A_354] : memref<2x128xi32, #tpu.memory_space<vmem>> -> memref<1x128xi32, #tpu.memory_space<vmem>>
      %dma_wait3A_356 = tpu.memref_squeeze %dma_wait3A_355 : memref<1x128xi32, #tpu.memory_space<vmem>> -> memref<128xi32, #tpu.memory_space<vmem>>
      %dma_wait3A_357 = arith.constant 0 : i32
      %dma_wait3A_358 = arith.constant 0 : i32
      %dma_wait3A_359 = tpu.memref_slice %arg7[%dma_wait3A_357, %dma_wait3A_358] : memref<10112x128xf32, #tpu.memory_space<vmem_shared>> -> memref<10112x128xf32, #tpu.memory_space<vmem_shared>>
      tpu.wait_indirect_dma semaphore(%run_scoped3A_339 : memref<!tpu.dma_semaphore, #tpu.memory_space<semaphore_mem>>) src(%dma_wait3A_353 : memref<128x128xf32, #tpu.memory_space<vmem>>) dst(%dma_wait3A_359 : memref<10112x128xf32, #tpu.memory_space<vmem_shared>>)
      tpu.yield
    }) : () -> ()
    %dma_wait3A_304 = arith.constant 1 : i32
    %dma_wait3A_305 = arith.constant 1 : i32
    %dma_wait3A_306 = arith.constant 0 : i32
    %dma_wait3A_307 = arith.constant 0 : i32
    %dma_wait3A_308 = tpu.memref_slice %arg11[%dma_wait3A_305, %dma_wait3A_306, %dma_wait3A_307] : memref<2x128x128xf32, #tpu.memory_space<vmem>> -> memref<1x128x128xf32, #tpu.memory_space<vmem>>
    %dma_wait3A_309 = tpu.memref_squeeze %dma_wait3A_308 : memref<1x128x128xf32, #tpu.memory_space<vmem>> -> memref<128x128xf32, #tpu.memory_space<vmem>>
    %dma_wait3A_310 = arith.constant 0 : i32
    %dma_wait3A_311 = tpu.memref_slice %arg10[%dma_wait3A_304, %dma_wait3A_310] : memref<2x128xi32, #tpu.memory_space<vmem>> -> memref<1x128xi32, #tpu.memory_space<vmem>>
    %dma_wait3A_312 = tpu.memref_squeeze %dma_wait3A_311 : memref<1x128xi32, #tpu.memory_space<vmem>> -> memref<128xi32, #tpu.memory_space<vmem>>
    %dma_wait3A_313 = arith.constant 0 : i32
    %dma_wait3A_314 = arith.constant 0 : i32
    %dma_wait3A_315 = tpu.memref_slice %arg2[%dma_wait3A_313, %dma_wait3A_314] : memref<20000x128xf32, #tpu.memory_space<hbm>> -> memref<20000x128xf32, #tpu.memory_space<hbm>>
    tpu.wait_indirect_dma semaphore(%arg17 : memref<!tpu.dma_semaphore, #tpu.memory_space<semaphore_mem>>) src(%dma_wait3A_315 : memref<20000x128xf32, #tpu.memory_space<hbm>>) dst(%dma_wait3A_309 : memref<128x128xf32, #tpu.memory_space<vmem>>)
    %run_scoped3A_316 = arith.constant 1 : i32
    %run_scoped3A_317 = arith.constant 1 : i32
    "tpu.region"() ({
      %run_scoped3A_339 = tpu.sem_alloc : memref<!tpu.dma_semaphore, #tpu.memory_space<semaphore_mem>>
      %dma_start3A_340 = arith.constant 0 : i32
      %dma_start3A_341 = arith.constant 0 : i32
      %dma_start3A_342 = tpu.memref_slice %arg11[%run_scoped3A_316, %dma_start3A_340, %dma_start3A_341] : memref<2x128x128xf32, #tpu.memory_space<vmem>> -> memref<1x128x128xf32, #tpu.memory_space<vmem>>
      %dma_start3A_343 = tpu.memref_squeeze %dma_start3A_342 : memref<1x128x128xf32, #tpu.memory_space<vmem>> -> memref<128x128xf32, #tpu.memory_space<vmem>>
      %dma_start3A_344 = arith.constant 0 : i32
      %dma_start3A_345 = tpu.memref_slice %arg9[%run_scoped3A_317, %dma_start3A_344] : memref<2x128xi32, #tpu.memory_space<vmem>> -> memref<1x128xi32, #tpu.memory_space<vmem>>
      %dma_start3A_346 = tpu.memref_squeeze %dma_start3A_345 : memref<1x128xi32, #tpu.memory_space<vmem>> -> memref<128xi32, #tpu.memory_space<vmem>>
      %dma_start3A_347 = arith.constant 0 : i32
      %dma_start3A_348 = arith.constant 0 : i32
      %dma_start3A_349 = tpu.memref_slice %arg7[%dma_start3A_347, %dma_start3A_348] : memref<10112x128xf32, #tpu.memory_space<vmem_shared>> -> memref<10112x128xf32, #tpu.memory_space<vmem_shared>>
      tpu.enqueue_indirect_dma source(%dma_start3A_343 : memref<128x128xf32, #tpu.memory_space<vmem>>) target(%dma_start3A_349 : memref<10112x128xf32, #tpu.memory_space<vmem_shared>>) offsets(%dma_start3A_346 : memref<128xi32, #tpu.memory_space<vmem>>) semaphore(%run_scoped3A_339 : memref<!tpu.dma_semaphore, #tpu.memory_space<semaphore_mem>>) {add = true}
      %dma_wait3A_350 = arith.constant 0 : i32
      %dma_wait3A_351 = arith.constant 0 : i32
      %dma_wait3A_352 = tpu.memref_slice %arg11[%run_scoped3A_316, %dma_wait3A_350, %dma_wait3A_351] : memref<2x128x128xf32, #tpu.memory_space<vmem>> -> memref<1x128x128xf32, #tpu.memory_space<vmem>>
      %dma_wait3A_353 = tpu.memref_squeeze %dma_wait3A_352 : memref<1x128x128xf32, #tpu.memory_space<vmem>> -> memref<128x128xf32, #tpu.memory_space<vmem>>
      %dma_wait3A_354 = arith.constant 0 : i32
      %dma_wait3A_355 = tpu.memref_slice %arg9[%run_scoped3A_317, %dma_wait3A_354] : memref<2x128xi32, #tpu.memory_space<vmem>> -> memref<1x128xi32, #tpu.memory_space<vmem>>
      %dma_wait3A_356 = tpu.memref_squeeze %dma_wait3A_355 : memref<1x128xi32, #tpu.memory_space<vmem>> -> memref<128xi32, #tpu.memory_space<vmem>>
      %dma_wait3A_357 = arith.constant 0 : i32
      %dma_wait3A_358 = arith.constant 0 : i32
      %dma_wait3A_359 = tpu.memref_slice %arg7[%dma_wait3A_357, %dma_wait3A_358] : memref<10112x128xf32, #tpu.memory_space<vmem_shared>> -> memref<10112x128xf32, #tpu.memory_space<vmem_shared>>
      tpu.wait_indirect_dma semaphore(%run_scoped3A_339 : memref<!tpu.dma_semaphore, #tpu.memory_space<semaphore_mem>>) src(%dma_wait3A_353 : memref<128x128xf32, #tpu.memory_space<vmem>>) dst(%dma_wait3A_359 : memref<10112x128xf32, #tpu.memory_space<vmem_shared>>)
      tpu.yield
    }) : () -> ()
    %add3A_318 = arith.constant 9984 : i32
    %add3A_319 = arith.addi %mul3A_2, %add3A_318 : i32
    "tpu.region"() ({
      %run_scoped3A_339 = tpu.sem_alloc : memref<!tpu.dma_semaphore, #tpu.memory_space<semaphore_mem>>
      %dma_start3A_340 = tpu.memref_slice %arg3[%add3A_319] : memref<160000xi32, #tpu.memory_space<hbm>> -> memref<16xi32, #tpu.memory_space<hbm>>
      %dma_start3A_341 = tpu.memref_slice %arg3[%add3A_319] : memref<160000xi32, #tpu.memory_space<hbm>> -> memref<16xi32, #tpu.memory_space<hbm>>
      tpu.enqueue_dma source(%dma_start3A_341 : memref<16xi32, #tpu.memory_space<hbm>>) target(%arg12 : memref<16xi32, #tpu.memory_space<vmem>>) target_semaphore(%run_scoped3A_339 : memref<!tpu.dma_semaphore, #tpu.memory_space<semaphore_mem>>)
      %dma_wait3A_342 = tpu.memref_slice %arg3[%add3A_319] : memref<160000xi32, #tpu.memory_space<hbm>> -> memref<16xi32, #tpu.memory_space<hbm>>
      %dma_wait3A_343 = tpu.memref_slice %arg3[%add3A_319] : memref<160000xi32, #tpu.memory_space<hbm>> -> memref<16xi32, #tpu.memory_space<hbm>>
      tpu.wait_dma2 semaphore(%run_scoped3A_339 : memref<!tpu.dma_semaphore, #tpu.memory_space<semaphore_mem>>) src(%dma_wait3A_343 : memref<16xi32, #tpu.memory_space<hbm>>) dst(%arg12 : memref<16xi32, #tpu.memory_space<vmem>>)
      tpu.yield
    }) : () -> ()
    "tpu.region"() ({
      %run_scoped3A_339 = tpu.sem_alloc : memref<!tpu.dma_semaphore, #tpu.memory_space<semaphore_mem>>
      %dma_start3A_340 = tpu.memref_slice %arg4[%add3A_319] : memref<160000xi32, #tpu.memory_space<hbm>> -> memref<16xi32, #tpu.memory_space<hbm>>
      %dma_start3A_341 = tpu.memref_slice %arg4[%add3A_319] : memref<160000xi32, #tpu.memory_space<hbm>> -> memref<16xi32, #tpu.memory_space<hbm>>
      tpu.enqueue_dma source(%dma_start3A_341 : memref<16xi32, #tpu.memory_space<hbm>>) target(%arg13 : memref<16xi32, #tpu.memory_space<vmem>>) target_semaphore(%run_scoped3A_339 : memref<!tpu.dma_semaphore, #tpu.memory_space<semaphore_mem>>)
      %dma_wait3A_342 = tpu.memref_slice %arg4[%add3A_319] : memref<160000xi32, #tpu.memory_space<hbm>> -> memref<16xi32, #tpu.memory_space<hbm>>
      %dma_wait3A_343 = tpu.memref_slice %arg4[%add3A_319] : memref<160000xi32, #tpu.memory_space<hbm>> -> memref<16xi32, #tpu.memory_space<hbm>>
      tpu.wait_dma2 semaphore(%run_scoped3A_339 : memref<!tpu.dma_semaphore, #tpu.memory_space<semaphore_mem>>) src(%dma_wait3A_343 : memref<16xi32, #tpu.memory_space<hbm>>) dst(%arg13 : memref<16xi32, #tpu.memory_space<vmem>>)
      tpu.yield
    }) : () -> ()
    %get3A_320 = arith.constant 0 : index
    %get3A_321 = tpu.vector_load %arg12[%get3A_320] {strides = array<i32>} : memref<16xi32, #tpu.memory_space<vmem>>, vector<16xi32>,
    %get3A_322 = vector.shape_cast %get3A_321 : vector<16xi32> to vector<16xi32>
    %mul3A_323 = arith.constant 2 : i32
    %mul3A_324 = vector.broadcast %mul3A_323 : i32 to vector<16xi32>
    %mul3A_325 = arith.muli %get3A_322, %mul3A_324 : vector<16xi32>
    %add3A_326 = vector.broadcast %arg0 : i32 to vector<16xi32>
    %add3A_327 = arith.addi %mul3A_325, %add3A_326 : vector<16xi32>
    %swap3A_328 = arith.constant 0 : index
    %swap3A_329 = tpu.vector_load %arg14[%swap3A_328] {strides = array<i32>} : memref<16xi32, #tpu.memory_space<vmem>>, vector<16xi32>,
    %swap3A_330 = vector.shape_cast %swap3A_329 : vector<16xi32> to vector<16xi32>
    %swap3A_331 = vector.shape_cast %add3A_327 : vector<16xi32> to vector<16xi32>
    tpu.vector_store %arg14[%swap3A_328], %swap3A_331 {strides = array<i32>} : memref<16xi32, #tpu.memory_space<vmem>>, vector<16xi32>,
    %dma_start3A_332 = arith.constant 0 : i32
    %dma_start3A_333 = arith.constant 0 : i32
    %dma_start3A_334 = tpu.memref_slice %arg2[%dma_start3A_332, %dma_start3A_333] : memref<20000x128xf32, #tpu.memory_space<hbm>> -> memref<20000x128xf32, #tpu.memory_space<hbm>>
    tpu.enqueue_indirect_dma source(%dma_start3A_334 : memref<20000x128xf32, #tpu.memory_space<hbm>>) target(%arg15 : memref<16x128xf32, #tpu.memory_space<vmem>>) offsets(%arg14 : memref<16xi32, #tpu.memory_space<vmem>>) semaphore(%arg16 : memref<!tpu.dma_semaphore, #tpu.memory_space<semaphore_mem>>)
    %dma_wait3A_335 = arith.constant 0 : i32
    %dma_wait3A_336 = arith.constant 0 : i32
    %dma_wait3A_337 = tpu.memref_slice %arg2[%dma_wait3A_335, %dma_wait3A_336] : memref<20000x128xf32, #tpu.memory_space<hbm>> -> memref<20000x128xf32, #tpu.memory_space<hbm>>
    tpu.wait_indirect_dma semaphore(%arg16 : memref<!tpu.dma_semaphore, #tpu.memory_space<semaphore_mem>>) src(%dma_wait3A_337 : memref<20000x128xf32, #tpu.memory_space<hbm>>) dst(%arg15 : memref<16x128xf32, #tpu.memory_space<vmem>>)
    "tpu.region"() ({
      %run_scoped3A_339 = tpu.sem_alloc : memref<!tpu.dma_semaphore, #tpu.memory_space<semaphore_mem>>
      %dma_start3A_340 = arith.constant 0 : i32
      %dma_start3A_341 = arith.constant 0 : i32
      %dma_start3A_342 = tpu.memref_slice %arg7[%dma_start3A_340, %dma_start3A_341] : memref<10112x128xf32, #tpu.memory_space<vmem_shared>> -> memref<10112x128xf32, #tpu.memory_space<vmem_shared>>
      tpu.enqueue_indirect_dma source(%arg15 : memref<16x128xf32, #tpu.memory_space<vmem>>) target(%dma_start3A_342 : memref<10112x128xf32, #tpu.memory_space<vmem_shared>>) offsets(%arg13 : memref<16xi32, #tpu.memory_space<vmem>>) semaphore(%run_scoped3A_339 : memref<!tpu.dma_semaphore, #tpu.memory_space<semaphore_mem>>) {add = true}
      %dma_wait3A_343 = arith.constant 0 : i32
      %dma_wait3A_344 = arith.constant 0 : i32
      %dma_wait3A_345 = tpu.memref_slice %arg7[%dma_wait3A_343, %dma_wait3A_344] : memref<10112x128xf32, #tpu.memory_space<vmem_shared>> -> memref<10112x128xf32, #tpu.memory_space<vmem_shared>>
      tpu.wait_indirect_dma semaphore(%run_scoped3A_339 : memref<!tpu.dma_semaphore, #tpu.memory_space<semaphore_mem>>) src(%arg15 : memref<16x128xf32, #tpu.memory_space<vmem>>) dst(%dma_wait3A_345 : memref<10112x128xf32, #tpu.memory_space<vmem_shared>>)
      tpu.yield
    }) : () -> ()
    %barrier3A_338 = arith.constant 0 : index
    tpu.barrier barrier_id(%barrier3A_338)
    "tpu.region"() ({
      %run_scoped3A_339 = tpu.sem_alloc : memref<!tpu.dma_semaphore, #tpu.memory_space<semaphore_mem>>
      %dma_start3A_340 = arith.constant 0 : i32
      %dma_start3A_341 = tpu.memref_slice %arg6[%arg0, %mul3A_0, %dma_start3A_340] : memref<2x10112x128xf32, #tpu.memory_space<hbm>> -> memref<1x632x128xf32, #tpu.memory_space<hbm>>
      %dma_start3A_342 = tpu.memref_squeeze %dma_start3A_341 : memref<1x632x128xf32, #tpu.memory_space<hbm>> -> memref<632x128xf32, #tpu.memory_space<hbm>>
      %dma_start3A_343 = arith.constant 0 : i32
      %dma_start3A_344 = tpu.memref_slice %arg7[%mul3A_0, %dma_start3A_343] : memref<10112x128xf32, #tpu.memory_space<vmem_shared>> -> memref<632x128xf32, #tpu.memory_space<vmem_shared>>
      tpu.enqueue_dma source(%dma_start3A_344 : memref<632x128xf32, #tpu.memory_space<vmem_shared>>) target(%dma_start3A_342 : memref<632x128xf32, #tpu.memory_space<hbm>>) target_semaphore(%run_scoped3A_339 : memref<!tpu.dma_semaphore, #tpu.memory_space<semaphore_mem>>)
      %dma_wait3A_345 = arith.constant 0 : i32
      %dma_wait3A_346 = tpu.memref_slice %arg6[%arg0, %mul3A_0, %dma_wait3A_345] : memref<2x10112x128xf32, #tpu.memory_space<hbm>> -> memref<1x632x128xf32, #tpu.memory_space<hbm>>
      %dma_wait3A_347 = tpu.memref_squeeze %dma_wait3A_346 : memref<1x632x128xf32, #tpu.memory_space<hbm>> -> memref<632x128xf32, #tpu.memory_space<hbm>>
      %dma_wait3A_348 = arith.constant 0 : i32
      %dma_wait3A_349 = tpu.memref_slice %arg7[%mul3A_0, %dma_wait3A_348] : memref<10112x128xf32, #tpu.memory_space<vmem_shared>> -> memref<632x128xf32, #tpu.memory_space<vmem_shared>>
      tpu.wait_dma2 semaphore(%run_scoped3A_339 : memref<!tpu.dma_semaphore, #tpu.memory_space<semaphore_mem>>) src(%dma_wait3A_349 : memref<632x128xf32, #tpu.memory_space<vmem_shared>>) dst(%dma_wait3A_347 : memref<632x128xf32, #tpu.memory_space<hbm>>)
      tpu.yield
    }) : () -> ()
    return
  }
}

#map = affine_map<(d0, d1) -> (0, 0, 0)>
#map1 = affine_map<(d0, d1) -> (0, 0)>
module attributes {stable_mosaic.version = 14 : i64} {
  func.func @_sc_body_deg(%arg0: i32, %arg1: i32, %arg2: memref<32x40x128xi32, #tpu.memory_space<hbm>>, %arg3: memref<10112x128xf32, #tpu.memory_space<hbm>>, %arg4: memref<128x128xf32, #tpu.memory_space<hbm>>, %arg5: memref<2x10112x128xf32, #tpu.memory_space<hbm>>, %arg6: memref<10112x128xf32, #tpu.memory_space<vmem_shared>>, %arg7: memref<40x128xi32, #tpu.memory_space<vmem>>, %arg8: memref<128x128xf32, #tpu.memory_space<vmem>>, %arg9: memref<!tpu.dma_semaphore, #tpu.memory_space<semaphore_mem>>) attributes {dimension_semantics = [#tpu.dimension_semantics<core_parallel>, #tpu.dimension_semantics<subcore_parallel>], iteration_bounds = array<i64: 2, 16>, scalar_prefetch = 0 : i64, scratch_operands = 4 : i64, tpu.core_type = #tpu.core_type<sc_vector_subcore>, window_params = [{transform_indices = #map}, {transform_indices = #map1}, {transform_indices = #map1}, {transform_indices = #map}]} {
    %mul3A = arith.constant 632 : i32
    %mul3A_0 = arith.muli %arg1, %mul3A : i32
    "tpu.region"() ({
      %run_scoped3A = tpu.sem_alloc : memref<!tpu.dma_semaphore, #tpu.memory_space<semaphore_mem>>
      %dma_start3A = arith.constant 0 : i32
      %dma_start3A_15 = tpu.memref_slice %arg6[%mul3A_0, %dma_start3A] : memref<10112x128xf32, #tpu.memory_space<vmem_shared>> -> memref<632x128xf32, #tpu.memory_space<vmem_shared>>
      %dma_start3A_16 = arith.constant 0 : i32
      %dma_start3A_17 = tpu.memref_slice %arg3[%mul3A_0, %dma_start3A_16] : memref<10112x128xf32, #tpu.memory_space<hbm>> -> memref<632x128xf32, #tpu.memory_space<hbm>>
      tpu.enqueue_dma source(%dma_start3A_17 : memref<632x128xf32, #tpu.memory_space<hbm>>) target(%dma_start3A_15 : memref<632x128xf32, #tpu.memory_space<vmem_shared>>) target_semaphore(%run_scoped3A : memref<!tpu.dma_semaphore, #tpu.memory_space<semaphore_mem>>)
      %dma_wait3A = arith.constant 0 : i32
      %dma_wait3A_18 = tpu.memref_slice %arg6[%mul3A_0, %dma_wait3A] : memref<10112x128xf32, #tpu.memory_space<vmem_shared>> -> memref<632x128xf32, #tpu.memory_space<vmem_shared>>
      %dma_wait3A_19 = arith.constant 0 : i32
      %dma_wait3A_20 = tpu.memref_slice %arg3[%mul3A_0, %dma_wait3A_19] : memref<10112x128xf32, #tpu.memory_space<hbm>> -> memref<632x128xf32, #tpu.memory_space<hbm>>
      tpu.wait_dma2 semaphore(%run_scoped3A : memref<!tpu.dma_semaphore, #tpu.memory_space<semaphore_mem>>) src(%dma_wait3A_20 : memref<632x128xf32, #tpu.memory_space<hbm>>) dst(%dma_wait3A_18 : memref<632x128xf32, #tpu.memory_space<vmem_shared>>)
      tpu.yield
    }) : () -> ()
    "tpu.region"() ({
      %run_scoped3A = tpu.sem_alloc : memref<!tpu.dma_semaphore, #tpu.memory_space<semaphore_mem>>
      tpu.enqueue_dma source(%arg4 : memref<128x128xf32, #tpu.memory_space<hbm>>) target(%arg8 : memref<128x128xf32, #tpu.memory_space<vmem>>) target_semaphore(%run_scoped3A : memref<!tpu.dma_semaphore, #tpu.memory_space<semaphore_mem>>)
      tpu.wait_dma2 semaphore(%run_scoped3A : memref<!tpu.dma_semaphore, #tpu.memory_space<semaphore_mem>>) src(%arg4 : memref<128x128xf32, #tpu.memory_space<hbm>>) dst(%arg8 : memref<128x128xf32, #tpu.memory_space<vmem>>)
      tpu.yield
    }) : () -> ()
    %mul3A_1 = arith.constant 16 : i32
    %mul3A_2 = arith.muli %arg0, %mul3A_1 : i32
    %add3A = arith.addi %mul3A_2, %arg1 : i32
    "tpu.region"() ({
      %run_scoped3A = tpu.sem_alloc : memref<!tpu.dma_semaphore, #tpu.memory_space<semaphore_mem>>
      %dma_start3A = arith.constant 0 : i32
      %dma_start3A_15 = arith.constant 0 : i32
      %dma_start3A_16 = tpu.memref_slice %arg2[%add3A, %dma_start3A, %dma_start3A_15] : memref<32x40x128xi32, #tpu.memory_space<hbm>> -> memref<1x40x128xi32, #tpu.memory_space<hbm>>
      %dma_start3A_17 = tpu.memref_squeeze %dma_start3A_16 : memref<1x40x128xi32, #tpu.memory_space<hbm>> -> memref<40x128xi32, #tpu.memory_space<hbm>>
      %dma_start3A_18 = arith.constant 0 : i32
      %dma_start3A_19 = arith.constant 0 : i32
      %dma_start3A_20 = tpu.memref_slice %arg2[%add3A, %dma_start3A_18, %dma_start3A_19] : memref<32x40x128xi32, #tpu.memory_space<hbm>> -> memref<1x40x128xi32, #tpu.memory_space<hbm>>
      %dma_start3A_21 = tpu.memref_squeeze %dma_start3A_20 : memref<1x40x128xi32, #tpu.memory_space<hbm>> -> memref<40x128xi32, #tpu.memory_space<hbm>>
      tpu.enqueue_dma source(%dma_start3A_21 : memref<40x128xi32, #tpu.memory_space<hbm>>) target(%arg7 : memref<40x128xi32, #tpu.memory_space<vmem>>) target_semaphore(%run_scoped3A : memref<!tpu.dma_semaphore, #tpu.memory_space<semaphore_mem>>)
      %dma_wait3A = arith.constant 0 : i32
      %dma_wait3A_22 = arith.constant 0 : i32
      %dma_wait3A_23 = tpu.memref_slice %arg2[%add3A, %dma_wait3A, %dma_wait3A_22] : memref<32x40x128xi32, #tpu.memory_space<hbm>> -> memref<1x40x128xi32, #tpu.memory_space<hbm>>
      %dma_wait3A_24 = tpu.memref_squeeze %dma_wait3A_23 : memref<1x40x128xi32, #tpu.memory_space<hbm>> -> memref<40x128xi32, #tpu.memory_space<hbm>>
      %dma_wait3A_25 = arith.constant 0 : i32
      %dma_wait3A_26 = arith.constant 0 : i32
      %dma_wait3A_27 = tpu.memref_slice %arg2[%add3A, %dma_wait3A_25, %dma_wait3A_26] : memref<32x40x128xi32, #tpu.memory_space<hbm>> -> memref<1x40x128xi32, #tpu.memory_space<hbm>>
      %dma_wait3A_28 = tpu.memref_squeeze %dma_wait3A_27 : memref<1x40x128xi32, #tpu.memory_space<hbm>> -> memref<40x128xi32, #tpu.memory_space<hbm>>
      tpu.wait_dma2 semaphore(%run_scoped3A : memref<!tpu.dma_semaphore, #tpu.memory_space<semaphore_mem>>) src(%dma_wait3A_28 : memref<40x128xi32, #tpu.memory_space<hbm>>) dst(%arg7 : memref<40x128xi32, #tpu.memory_space<vmem>>)
      tpu.yield
    }) : () -> ()
    %barrier3A = arith.constant 0 : index
    tpu.barrier barrier_id(%barrier3A)
    %scan3A = arith.constant 0 : i32
    %scan3A_3 = arith.constant 0 : i32
    %scan3A_4 = arith.constant 40 : i32
    %scan3A_5 = arith.addi %scan3A_3, %scan3A_4 : i32
    %scan3A_6 = arith.constant 1 : i32
    scf.for %scan3A_15 = %scan3A_3 to %scan3A_5 step %scan3A_6  : i32 {
      %dma_start3A = arith.constant 0 : i32
      %dma_start3A_16 = tpu.memref_slice %arg7[%scan3A_15, %dma_start3A] : memref<40x128xi32, #tpu.memory_space<vmem>> -> memref<1x128xi32, #tpu.memory_space<vmem>>
      %dma_start3A_17 = tpu.memref_squeeze %dma_start3A_16 : memref<1x128xi32, #tpu.memory_space<vmem>> -> memref<128xi32, #tpu.memory_space<vmem>>
      %dma_start3A_18 = arith.constant 0 : i32
      %dma_start3A_19 = arith.constant 0 : i32
      %dma_start3A_20 = tpu.memref_slice %arg6[%dma_start3A_18, %dma_start3A_19] : memref<10112x128xf32, #tpu.memory_space<vmem_shared>> -> memref<10112x128xf32, #tpu.memory_space<vmem_shared>>
      tpu.enqueue_indirect_dma source(%arg8 : memref<128x128xf32, #tpu.memory_space<vmem>>) target(%dma_start3A_20 : memref<10112x128xf32, #tpu.memory_space<vmem_shared>>) offsets(%dma_start3A_17 : memref<128xi32, #tpu.memory_space<vmem>>) semaphore(%arg9 : memref<!tpu.dma_semaphore, #tpu.memory_space<semaphore_mem>>) {add = true}
    }
    %scan3A_7 = arith.constant 40 : i32
    %scan3A_8 = arith.constant 0 : i32
    %scan3A_9 = arith.constant 0 : i32
    %scan3A_10 = arith.constant 40 : i32
    %scan3A_11 = arith.addi %scan3A_9, %scan3A_10 : i32
    %scan3A_12 = arith.constant 1 : i32
    scf.for %scan3A_15 = %scan3A_9 to %scan3A_11 step %scan3A_12  : i32 {
      %dma_wait3A = arith.constant 0 : i32
      %dma_wait3A_16 = arith.constant 0 : i32
      %dma_wait3A_17 = tpu.memref_slice %arg7[%dma_wait3A, %dma_wait3A_16] : memref<40x128xi32, #tpu.memory_space<vmem>> -> memref<1x128xi32, #tpu.memory_space<vmem>>
      %dma_wait3A_18 = tpu.memref_squeeze %dma_wait3A_17 : memref<1x128xi32, #tpu.memory_space<vmem>> -> memref<128xi32, #tpu.memory_space<vmem>>
      %dma_wait3A_19 = arith.constant 0 : i32
      %dma_wait3A_20 = arith.constant 0 : i32
      %dma_wait3A_21 = tpu.memref_slice %arg6[%dma_wait3A_19, %dma_wait3A_20] : memref<10112x128xf32, #tpu.memory_space<vmem_shared>> -> memref<10112x128xf32, #tpu.memory_space<vmem_shared>>
      tpu.wait_indirect_dma semaphore(%arg9 : memref<!tpu.dma_semaphore, #tpu.memory_space<semaphore_mem>>) src(%arg8 : memref<128x128xf32, #tpu.memory_space<vmem>>) dst(%dma_wait3A_21 : memref<10112x128xf32, #tpu.memory_space<vmem_shared>>)
    }
    %scan3A_13 = arith.constant 40 : i32
    %barrier3A_14 = arith.constant 0 : index
    tpu.barrier barrier_id(%barrier3A_14)
    "tpu.region"() ({
      %run_scoped3A = tpu.sem_alloc : memref<!tpu.dma_semaphore, #tpu.memory_space<semaphore_mem>>
      %dma_start3A = arith.constant 0 : i32
      %dma_start3A_15 = tpu.memref_slice %arg5[%arg0, %mul3A_0, %dma_start3A] : memref<2x10112x128xf32, #tpu.memory_space<hbm>> -> memref<1x632x128xf32, #tpu.memory_space<hbm>>
      %dma_start3A_16 = tpu.memref_squeeze %dma_start3A_15 : memref<1x632x128xf32, #tpu.memory_space<hbm>> -> memref<632x128xf32, #tpu.memory_space<hbm>>
      %dma_start3A_17 = arith.constant 0 : i32
      %dma_start3A_18 = tpu.memref_slice %arg6[%mul3A_0, %dma_start3A_17] : memref<10112x128xf32, #tpu.memory_space<vmem_shared>> -> memref<632x128xf32, #tpu.memory_space<vmem_shared>>
      tpu.enqueue_dma source(%dma_start3A_18 : memref<632x128xf32, #tpu.memory_space<vmem_shared>>) target(%dma_start3A_16 : memref<632x128xf32, #tpu.memory_space<hbm>>) target_semaphore(%run_scoped3A : memref<!tpu.dma_semaphore, #tpu.memory_space<semaphore_mem>>)
      %dma_wait3A = arith.constant 0 : i32
      %dma_wait3A_19 = tpu.memref_slice %arg5[%arg0, %mul3A_0, %dma_wait3A] : memref<2x10112x128xf32, #tpu.memory_space<hbm>> -> memref<1x632x128xf32, #tpu.memory_space<hbm>>
      %dma_wait3A_20 = tpu.memref_squeeze %dma_wait3A_19 : memref<1x632x128xf32, #tpu.memory_space<hbm>> -> memref<632x128xf32, #tpu.memory_space<hbm>>
      %dma_wait3A_21 = arith.constant 0 : i32
      %dma_wait3A_22 = tpu.memref_slice %arg6[%mul3A_0, %dma_wait3A_21] : memref<10112x128xf32, #tpu.memory_space<vmem_shared>> -> memref<632x128xf32, #tpu.memory_space<vmem_shared>>
      tpu.wait_dma2 semaphore(%run_scoped3A : memref<!tpu.dma_semaphore, #tpu.memory_space<semaphore_mem>>) src(%dma_wait3A_22 : memref<632x128xf32, #tpu.memory_space<vmem_shared>>) dst(%dma_wait3A_20 : memref<632x128xf32, #tpu.memory_space<hbm>>)
      tpu.yield
    }) : () -> ()
    return
  }
}

#map = affine_map<(d0, d1) -> (0, 0)>
#map1 = affine_map<(d0, d1) -> (0)>
#map2 = affine_map<(d0, d1) -> (0, 0, 0)>
module attributes {stable_mosaic.version = 14 : i64} {
  func.func @_sc_body_seg(%arg0: i32, %arg1: i32, %arg2: memref<20000x128xf32, #tpu.memory_space<hbm>>, %arg3: memref<160000xi32, #tpu.memory_space<hbm>>, %arg4: memref<160000xi32, #tpu.memory_space<hbm>>, %arg5: memref<10112x128xf32, #tpu.memory_space<hbm>>, %arg6: memref<2x10112x128xf32, #tpu.memory_space<hbm>>, %arg7: memref<10112x128xf32, #tpu.memory_space<vmem_shared>>, %arg8: memref<2x128xi32, #tpu.memory_space<vmem>>, %arg9: memref<2x128xi32, #tpu.memory_space<vmem>>, %arg10: memref<2x128xi32, #tpu.memory_space<vmem>>, %arg11: memref<2x128x128xf32, #tpu.memory_space<vmem>>, %arg12: memref<16xi32, #tpu.memory_space<vmem>>, %arg13: memref<16xi32, #tpu.memory_space<vmem>>, %arg14: memref<16xi32, #tpu.memory_space<vmem>>, %arg15: memref<16x128xf32, #tpu.memory_space<vmem>>, %arg16: memref<!tpu.dma_semaphore, #tpu.memory_space<semaphore_mem>>, %arg17: memref<!tpu.dma_semaphore, #tpu.memory_space<semaphore_mem>>) attributes {dimension_semantics = [#tpu.dimension_semantics<core_parallel>, #tpu.dimension_semantics<subcore_parallel>], iteration_bounds = array<i64: 2, 16>, scalar_prefetch = 0 : i64, scratch_operands = 11 : i64, tpu.core_type = #tpu.core_type<sc_vector_subcore>, window_params = [{transform_indices = #map}, {transform_indices = #map1}, {transform_indices = #map1}, {transform_indices = #map}, {transform_indices = #map2}]} {
    %mul3A = arith.constant 632 : i32
    %mul3A_0 = arith.muli %arg1, %mul3A : i32
    "tpu.region"() ({
      %run_scoped3A_339 = tpu.sem_alloc : memref<!tpu.dma_semaphore, #tpu.memory_space<semaphore_mem>>
      %dma_start3A_340 = arith.constant 0 : i32
      %dma_start3A_341 = tpu.memref_slice %arg7[%mul3A_0, %dma_start3A_340] : memref<10112x128xf32, #tpu.memory_space<vmem_shared>> -> memref<632x128xf32, #tpu.memory_space<vmem_shared>>
      %dma_start3A_342 = arith.constant 0 : i32
      %dma_start3A_343 = tpu.memref_slice %arg5[%mul3A_0, %dma_start3A_342] : memref<10112x128xf32, #tpu.memory_space<hbm>> -> memref<632x128xf32, #tpu.memory_space<hbm>>
      tpu.enqueue_dma source(%dma_start3A_343 : memref<632x128xf32, #tpu.memory_space<hbm>>) target(%dma_start3A_341 : memref<632x128xf32, #tpu.memory_space<vmem_shared>>) target_semaphore(%run_scoped3A_339 : memref<!tpu.dma_semaphore, #tpu.memory_space<semaphore_mem>>)
      %dma_wait3A_344 = arith.constant 0 : i32
      %dma_wait3A_345 = tpu.memref_slice %arg7[%mul3A_0, %dma_wait3A_344] : memref<10112x128xf32, #tpu.memory_space<vmem_shared>> -> memref<632x128xf32, #tpu.memory_space<vmem_shared>>
      %dma_wait3A_346 = arith.constant 0 : i32
      %dma_wait3A_347 = tpu.memref_slice %arg5[%mul3A_0, %dma_wait3A_346] : memref<10112x128xf32, #tpu.memory_space<hbm>> -> memref<632x128xf32, #tpu.memory_space<hbm>>
      tpu.wait_dma2 semaphore(%run_scoped3A_339 : memref<!tpu.dma_semaphore, #tpu.memory_space<semaphore_mem>>) src(%dma_wait3A_347 : memref<632x128xf32, #tpu.memory_space<hbm>>) dst(%dma_wait3A_345 : memref<632x128xf32, #tpu.memory_space<vmem_shared>>)
      tpu.yield
    }) : () -> ()
    %barrier3A = arith.constant 0 : index
    tpu.barrier barrier_id(%barrier3A)
    %mul3A_1 = arith.constant 10000 : i32
    %mul3A_2 = arith.muli %arg1, %mul3A_1 : i32
    %add3A = arith.constant 0 : i32
    %add3A_3 = arith.addi %mul3A_2, %add3A : i32
    %run_scoped3A = arith.constant 0 : i32
    "tpu.region"() ({
      %run_scoped3A_339 = tpu.sem_alloc : memref<!tpu.dma_semaphore, #tpu.memory_space<semaphore_mem>>
      %dma_start3A_340 = arith.constant 0 : i32
      %dma_start3A_341 = tpu.memref_slice %arg8[%run_scoped3A, %dma_start3A_340] : memref<2x128xi32, #tpu.memory_space<vmem>> -> memref<1x128xi32, #tpu.memory_space<vmem>>
      %dma_start3A_342 = tpu.memref_squeeze %dma_start3A_341 : memref<1x128xi32, #tpu.memory_space<vmem>> -> memref<128xi32, #tpu.memory_space<vmem>>
      %dma_start3A_343 = tpu.memref_slice %arg3[%add3A_3] : memref<160000xi32, #tpu.memory_space<hbm>> -> memref<128xi32, #tpu.memory_space<hbm>>
      %dma_start3A_344 = arith.constant 0 : i32
      %dma_start3A_345 = tpu.memref_slice %arg8[%run_scoped3A, %dma_start3A_344] : memref<2x128xi32, #tpu.memory_space<vmem>> -> memref<1x128xi32, #tpu.memory_space<vmem>>
      %dma_start3A_346 = tpu.memref_squeeze %dma_start3A_345 : memref<1x128xi32, #tpu.memory_space<vmem>> -> memref<128xi32, #tpu.memory_space<vmem>>
      %dma_start3A_347 = tpu.memref_slice %arg3[%add3A_3] : memref<160000xi32, #tpu.memory_space<hbm>> -> memref<128xi32, #tpu.memory_space<hbm>>
      tpu.enqueue_dma source(%dma_start3A_347 : memref<128xi32, #tpu.memory_space<hbm>>) target(%dma_start3A_346 : memref<128xi32, #tpu.memory_space<vmem>>) target_semaphore(%run_scoped3A_339 : memref<!tpu.dma_semaphore, #tpu.memory_space<semaphore_mem>>)
      %dma_wait3A_348 = arith.constant 0 : i32
      %dma_wait3A_349 = tpu.memref_slice %arg8[%run_scoped3A, %dma_wait3A_348] : memref<2x128xi32, #tpu.memory_space<vmem>> -> memref<1x128xi32, #tpu.memory_space<vmem>>
      %dma_wait3A_350 = tpu.memref_squeeze %dma_wait3A_349 : memref<1x128xi32, #tpu.memory_space<vmem>> -> memref<128xi32, #tpu.memory_space<vmem>>
      %dma_wait3A_351 = tpu.memref_slice %arg3[%add3A_3] : memref<160000xi32, #tpu.memory_space<hbm>> -> memref<128xi32, #tpu.memory_space<hbm>>
      %dma_wait3A_352 = arith.constant 0 : i32
      %dma_wait3A_353 = tpu.memref_slice %arg8[%run_scoped3A, %dma_wait3A_352] : memref<2x128xi32, #tpu.memory_space<vmem>> -> memref<1x128xi32, #tpu.memory_space<vmem>>
      %dma_wait3A_354 = tpu.memref_squeeze %dma_wait3A_353 : memref<1x128xi32, #tpu.memory_space<vmem>> -> memref<128xi32, #tpu.memory_space<vmem>>
      %dma_wait3A_355 = tpu.memref_slice %arg3[%add3A_3] : memref<160000xi32, #tpu.memory_space<hbm>> -> memref<128xi32, #tpu.memory_space<hbm>>
      tpu.wait_dma2 semaphore(%run_scoped3A_339 : memref<!tpu.dma_semaphore, #tpu.memory_space<semaphore_mem>>) src(%dma_wait3A_355 : memref<128xi32, #tpu.memory_space<hbm>>) dst(%dma_wait3A_354 : memref<128xi32, #tpu.memory_space<vmem>>)
      tpu.yield
    }) : () -> ()
    %run_scoped3A_4 = arith.constant 0 : i32
    "tpu.region"() ({
      %run_scoped3A_339 = tpu.sem_alloc : memref<!tpu.dma_semaphore, #tpu.memory_space<semaphore_mem>>
      %dma_start3A_340 = arith.constant 0 : i32
      %dma_start3A_341 = tpu.memref_slice %arg9[%run_scoped3A_4, %dma_start3A_340] : memref<2x128xi32, #tpu.memory_space<vmem>> -> memref<1x128xi32, #tpu.memory_space<vmem>>
      %dma_start3A_342 = tpu.memref_squeeze %dma_start3A_341 : memref<1x128xi32, #tpu.memory_space<vmem>> -> memref<128xi32, #tpu.memory_space<vmem>>
      %dma_start3A_343 = tpu.memref_slice %arg4[%add3A_3] : memref<160000xi32, #tpu.memory_space<hbm>> -> memref<128xi32, #tpu.memory_space<hbm>>
      %dma_start3A_344 = arith.constant 0 : i32
      %dma_start3A_345 = tpu.memref_slice %arg9[%run_scoped3A_4, %dma_start3A_344] : memref<2x128xi32, #tpu.memory_space<vmem>> -> memref<1x128xi32, #tpu.memory_space<vmem>>
      %dma_start3A_346 = tpu.memref_squeeze %dma_start3A_345 : memref<1x128xi32, #tpu.memory_space<vmem>> -> memref<128xi32, #tpu.memory_space<vmem>>
      %dma_start3A_347 = tpu.memref_slice %arg4[%add3A_3] : memref<160000xi32, #tpu.memory_space<hbm>> -> memref<128xi32, #tpu.memory_space<hbm>>
      tpu.enqueue_dma source(%dma_start3A_347 : memref<128xi32, #tpu.memory_space<hbm>>) target(%dma_start3A_346 : memref<128xi32, #tpu.memory_space<vmem>>) target_semaphore(%run_scoped3A_339 : memref<!tpu.dma_semaphore, #tpu.memory_space<semaphore_mem>>)
      %dma_wait3A_348 = arith.constant 0 : i32
      %dma_wait3A_349 = tpu.memref_slice %arg9[%run_scoped3A_4, %dma_wait3A_348] : memref<2x128xi32, #tpu.memory_space<vmem>> -> memref<1x128xi32, #tpu.memory_space<vmem>>
      %dma_wait3A_350 = tpu.memref_squeeze %dma_wait3A_349 : memref<1x128xi32, #tpu.memory_space<vmem>> -> memref<128xi32, #tpu.memory_space<vmem>>
      %dma_wait3A_351 = tpu.memref_slice %arg4[%add3A_3] : memref<160000xi32, #tpu.memory_space<hbm>> -> memref<128xi32, #tpu.memory_space<hbm>>
      %dma_wait3A_352 = arith.constant 0 : i32
      %dma_wait3A_353 = tpu.memref_slice %arg9[%run_scoped3A_4, %dma_wait3A_352] : memref<2x128xi32, #tpu.memory_space<vmem>> -> memref<1x128xi32, #tpu.memory_space<vmem>>
      %dma_wait3A_354 = tpu.memref_squeeze %dma_wait3A_353 : memref<1x128xi32, #tpu.memory_space<vmem>> -> memref<128xi32, #tpu.memory_space<vmem>>
      %dma_wait3A_355 = tpu.memref_slice %arg4[%add3A_3] : memref<160000xi32, #tpu.memory_space<hbm>> -> memref<128xi32, #tpu.memory_space<hbm>>
      tpu.wait_dma2 semaphore(%run_scoped3A_339 : memref<!tpu.dma_semaphore, #tpu.memory_space<semaphore_mem>>) src(%dma_wait3A_355 : memref<128xi32, #tpu.memory_space<hbm>>) dst(%dma_wait3A_354 : memref<128xi32, #tpu.memory_space<vmem>>)
      tpu.yield
    }) : () -> ()
    %get3A = arith.constant 0 : i32
    %get3A_5 = arith.index_cast %get3A : i32 to index
    %get3A_6 = arith.constant 0 : index
    %get3A_7 = tpu.vector_load %arg8[%get3A_5, %get3A_6] {strides = array<i32>} : memref<2x128xi32, #tpu.memory_space<vmem>>, vector<1x16xi32>,
    %get3A_8 = vector.shape_cast %get3A_7 : vector<1x16xi32> to vector<16xi32>
    %mul3A_9 = arith.constant 2 : i32
    %mul3A_10 = vector.broadcast %mul3A_9 : i32 to vector<16xi32>
    %mul3A_11 = arith.muli %get3A_8, %mul3A_10 : vector<16xi32>
    %add3A_12 = vector.broadcast %arg0 : i32 to vector<16xi32>
    %add3A_13 = arith.addi %mul3A_11, %add3A_12 : vector<16xi32>
    %swap3A = arith.constant 0 : i32
    %swap3A_14 = arith.index_cast %swap3A : i32 to index
    %swap3A_15 = arith.constant 0 : index
    %swap3A_16 = tpu.vector_load %arg10[%swap3A_14, %swap3A_15] {strides = array<i32>} : memref<2x128xi32, #tpu.memory_space<vmem>>, vector<1x16xi32>,
    %swap3A_17 = vector.shape_cast %swap3A_16 : vector<1x16xi32> to vector<16xi32>
    %swap3A_18 = vector.shape_cast %add3A_13 : vector<16xi32> to vector<1x16xi32>
    tpu.vector_store %arg10[%swap3A_14, %swap3A_15], %swap3A_18 {strides = array<i32>} : memref<2x128xi32, #tpu.memory_space<vmem>>, vector<1x16xi32>,
    %get3A_19 = arith.constant 0 : i32
    %get3A_20 = arith.index_cast %get3A_19 : i32 to index
    %get3A_21 = arith.constant 16 : index
    %get3A_22 = tpu.vector_load %arg8[%get3A_20, %get3A_21] {strides = array<i32>} : memref<2x128xi32, #tpu.memory_space<vmem>>, vector<1x16xi32>,
    %get3A_23 = vector.shape_cast %get3A_22 : vector<1x16xi32> to vector<16xi32>
    %mul3A_24 = arith.constant 2 : i32
    %mul3A_25 = vector.broadcast %mul3A_24 : i32 to vector<16xi32>
    %mul3A_26 = arith.muli %get3A_23, %mul3A_25 : vector<16xi32>
    %add3A_27 = vector.broadcast %arg0 : i32 to vector<16xi32>
    %add3A_28 = arith.addi %mul3A_26, %add3A_27 : vector<16xi32>
    %swap3A_29 = arith.constant 0 : i32
    %swap3A_30 = arith.index_cast %swap3A_29 : i32 to index
    %swap3A_31 = arith.constant 16 : index
    %swap3A_32 = tpu.vector_load %arg10[%swap3A_30, %swap3A_31] {strides = array<i32>} : memref<2x128xi32, #tpu.memory_space<vmem>>, vector<1x16xi32>,
    %swap3A_33 = vector.shape_cast %swap3A_32 : vector<1x16xi32> to vector<16xi32>
    %swap3A_34 = vector.shape_cast %add3A_28 : vector<16xi32> to vector<1x16xi32>
    tpu.vector_store %arg10[%swap3A_30, %swap3A_31], %swap3A_34 {strides = array<i32>} : memref<2x128xi32, #tpu.memory_space<vmem>>, vector<1x16xi32>,
    %get3A_35 = arith.constant 0 : i32
    %get3A_36 = arith.index_cast %get3A_35 : i32 to index
    %get3A_37 = arith.constant 32 : index
    %get3A_38 = tpu.vector_load %arg8[%get3A_36, %get3A_37] {strides = array<i32>} : memref<2x128xi32, #tpu.memory_space<vmem>>, vector<1x16xi32>,
    %get3A_39 = vector.shape_cast %get3A_38 : vector<1x16xi32> to vector<16xi32>
    %mul3A_40 = arith.constant 2 : i32
    %mul3A_41 = vector.broadcast %mul3A_40 : i32 to vector<16xi32>
    %mul3A_42 = arith.muli %get3A_39, %mul3A_41 : vector<16xi32>
    %add3A_43 = vector.broadcast %arg0 : i32 to vector<16xi32>
    %add3A_44 = arith.addi %mul3A_42, %add3A_43 : vector<16xi32>
    %swap3A_45 = arith.constant 0 : i32
    %swap3A_46 = arith.index_cast %swap3A_45 : i32 to index
    %swap3A_47 = arith.constant 32 : index
    %swap3A_48 = tpu.vector_load %arg10[%swap3A_46, %swap3A_47] {strides = array<i32>} : memref<2x128xi32, #tpu.memory_space<vmem>>, vector<1x16xi32>,
    %swap3A_49 = vector.shape_cast %swap3A_48 : vector<1x16xi32> to vector<16xi32>
    %swap3A_50 = vector.shape_cast %add3A_44 : vector<16xi32> to vector<1x16xi32>
    tpu.vector_store %arg10[%swap3A_46, %swap3A_47], %swap3A_50 {strides = array<i32>} : memref<2x128xi32, #tpu.memory_space<vmem>>, vector<1x16xi32>,
    %get3A_51 = arith.constant 0 : i32
    %get3A_52 = arith.index_cast %get3A_51 : i32 to index
    %get3A_53 = arith.constant 48 : index
    %get3A_54 = tpu.vector_load %arg8[%get3A_52, %get3A_53] {strides = array<i32>} : memref<2x128xi32, #tpu.memory_space<vmem>>, vector<1x16xi32>,
    %get3A_55 = vector.shape_cast %get3A_54 : vector<1x16xi32> to vector<16xi32>
    %mul3A_56 = arith.constant 2 : i32
    %mul3A_57 = vector.broadcast %mul3A_56 : i32 to vector<16xi32>
    %mul3A_58 = arith.muli %get3A_55, %mul3A_57 : vector<16xi32>
    %add3A_59 = vector.broadcast %arg0 : i32 to vector<16xi32>
    %add3A_60 = arith.addi %mul3A_58, %add3A_59 : vector<16xi32>
    %swap3A_61 = arith.constant 0 : i32
    %swap3A_62 = arith.index_cast %swap3A_61 : i32 to index
    %swap3A_63 = arith.constant 48 : index
    %swap3A_64 = tpu.vector_load %arg10[%swap3A_62, %swap3A_63] {strides = array<i32>} : memref<2x128xi32, #tpu.memory_space<vmem>>, vector<1x16xi32>,
    %swap3A_65 = vector.shape_cast %swap3A_64 : vector<1x16xi32> to vector<16xi32>
    %swap3A_66 = vector.shape_cast %add3A_60 : vector<16xi32> to vector<1x16xi32>
    tpu.vector_store %arg10[%swap3A_62, %swap3A_63], %swap3A_66 {strides = array<i32>} : memref<2x128xi32, #tpu.memory_space<vmem>>, vector<1x16xi32>,
    %get3A_67 = arith.constant 0 : i32
    %get3A_68 = arith.index_cast %get3A_67 : i32 to index
    %get3A_69 = arith.constant 64 : index
    %get3A_70 = tpu.vector_load %arg8[%get3A_68, %get3A_69] {strides = array<i32>} : memref<2x128xi32, #tpu.memory_space<vmem>>, vector<1x16xi32>,
    %get3A_71 = vector.shape_cast %get3A_70 : vector<1x16xi32> to vector<16xi32>
    %mul3A_72 = arith.constant 2 : i32
    %mul3A_73 = vector.broadcast %mul3A_72 : i32 to vector<16xi32>
    %mul3A_74 = arith.muli %get3A_71, %mul3A_73 : vector<16xi32>
    %add3A_75 = vector.broadcast %arg0 : i32 to vector<16xi32>
    %add3A_76 = arith.addi %mul3A_74, %add3A_75 : vector<16xi32>
    %swap3A_77 = arith.constant 0 : i32
    %swap3A_78 = arith.index_cast %swap3A_77 : i32 to index
    %swap3A_79 = arith.constant 64 : index
    %swap3A_80 = tpu.vector_load %arg10[%swap3A_78, %swap3A_79] {strides = array<i32>} : memref<2x128xi32, #tpu.memory_space<vmem>>, vector<1x16xi32>,
    %swap3A_81 = vector.shape_cast %swap3A_80 : vector<1x16xi32> to vector<16xi32>
    %swap3A_82 = vector.shape_cast %add3A_76 : vector<16xi32> to vector<1x16xi32>
    tpu.vector_store %arg10[%swap3A_78, %swap3A_79], %swap3A_82 {strides = array<i32>} : memref<2x128xi32, #tpu.memory_space<vmem>>, vector<1x16xi32>,
    %get3A_83 = arith.constant 0 : i32
    %get3A_84 = arith.index_cast %get3A_83 : i32 to index
    %get3A_85 = arith.constant 80 : index
    %get3A_86 = tpu.vector_load %arg8[%get3A_84, %get3A_85] {strides = array<i32>} : memref<2x128xi32, #tpu.memory_space<vmem>>, vector<1x16xi32>,
    %get3A_87 = vector.shape_cast %get3A_86 : vector<1x16xi32> to vector<16xi32>
    %mul3A_88 = arith.constant 2 : i32
    %mul3A_89 = vector.broadcast %mul3A_88 : i32 to vector<16xi32>
    %mul3A_90 = arith.muli %get3A_87, %mul3A_89 : vector<16xi32>
    %add3A_91 = vector.broadcast %arg0 : i32 to vector<16xi32>
    %add3A_92 = arith.addi %mul3A_90, %add3A_91 : vector<16xi32>
    %swap3A_93 = arith.constant 0 : i32
    %swap3A_94 = arith.index_cast %swap3A_93 : i32 to index
    %swap3A_95 = arith.constant 80 : index
    %swap3A_96 = tpu.vector_load %arg10[%swap3A_94, %swap3A_95] {strides = array<i32>} : memref<2x128xi32, #tpu.memory_space<vmem>>, vector<1x16xi32>,
    %swap3A_97 = vector.shape_cast %swap3A_96 : vector<1x16xi32> to vector<16xi32>
    %swap3A_98 = vector.shape_cast %add3A_92 : vector<16xi32> to vector<1x16xi32>
    tpu.vector_store %arg10[%swap3A_94, %swap3A_95], %swap3A_98 {strides = array<i32>} : memref<2x128xi32, #tpu.memory_space<vmem>>, vector<1x16xi32>,
    %get3A_99 = arith.constant 0 : i32
    %get3A_100 = arith.index_cast %get3A_99 : i32 to index
    %get3A_101 = arith.constant 96 : index
    %get3A_102 = tpu.vector_load %arg8[%get3A_100, %get3A_101] {strides = array<i32>} : memref<2x128xi32, #tpu.memory_space<vmem>>, vector<1x16xi32>,
    %get3A_103 = vector.shape_cast %get3A_102 : vector<1x16xi32> to vector<16xi32>
    %mul3A_104 = arith.constant 2 : i32
    %mul3A_105 = vector.broadcast %mul3A_104 : i32 to vector<16xi32>
    %mul3A_106 = arith.muli %get3A_103, %mul3A_105 : vector<16xi32>
    %add3A_107 = vector.broadcast %arg0 : i32 to vector<16xi32>
    %add3A_108 = arith.addi %mul3A_106, %add3A_107 : vector<16xi32>
    %swap3A_109 = arith.constant 0 : i32
    %swap3A_110 = arith.index_cast %swap3A_109 : i32 to index
    %swap3A_111 = arith.constant 96 : index
    %swap3A_112 = tpu.vector_load %arg10[%swap3A_110, %swap3A_111] {strides = array<i32>} : memref<2x128xi32, #tpu.memory_space<vmem>>, vector<1x16xi32>,
    %swap3A_113 = vector.shape_cast %swap3A_112 : vector<1x16xi32> to vector<16xi32>
    %swap3A_114 = vector.shape_cast %add3A_108 : vector<16xi32> to vector<1x16xi32>
    tpu.vector_store %arg10[%swap3A_110, %swap3A_111], %swap3A_114 {strides = array<i32>} : memref<2x128xi32, #tpu.memory_space<vmem>>, vector<1x16xi32>,
    %get3A_115 = arith.constant 0 : i32
    %get3A_116 = arith.index_cast %get3A_115 : i32 to index
    %get3A_117 = arith.constant 112 : index
    %get3A_118 = tpu.vector_load %arg8[%get3A_116, %get3A_117] {strides = array<i32>} : memref<2x128xi32, #tpu.memory_space<vmem>>, vector<1x16xi32>,
    %get3A_119 = vector.shape_cast %get3A_118 : vector<1x16xi32> to vector<16xi32>
    %mul3A_120 = arith.constant 2 : i32
    %mul3A_121 = vector.broadcast %mul3A_120 : i32 to vector<16xi32>
    %mul3A_122 = arith.muli %get3A_119, %mul3A_121 : vector<16xi32>
    %add3A_123 = vector.broadcast %arg0 : i32 to vector<16xi32>
    %add3A_124 = arith.addi %mul3A_122, %add3A_123 : vector<16xi32>
    %swap3A_125 = arith.constant 0 : i32
    %swap3A_126 = arith.index_cast %swap3A_125 : i32 to index
    %swap3A_127 = arith.constant 112 : index
    %swap3A_128 = tpu.vector_load %arg10[%swap3A_126, %swap3A_127] {strides = array<i32>} : memref<2x128xi32, #tpu.memory_space<vmem>>, vector<1x16xi32>,
    %swap3A_129 = vector.shape_cast %swap3A_128 : vector<1x16xi32> to vector<16xi32>
    %swap3A_130 = vector.shape_cast %add3A_124 : vector<16xi32> to vector<1x16xi32>
    tpu.vector_store %arg10[%swap3A_126, %swap3A_127], %swap3A_130 {strides = array<i32>} : memref<2x128xi32, #tpu.memory_space<vmem>>, vector<1x16xi32>,
    %dma_start3A = arith.constant 0 : i32
    %dma_start3A_131 = arith.constant 0 : i32
    %dma_start3A_132 = arith.constant 0 : i32
    %dma_start3A_133 = arith.constant 0 : i32
    %dma_start3A_134 = tpu.memref_slice %arg11[%dma_start3A_131, %dma_start3A_132, %dma_start3A_133] : memref<2x128x128xf32, #tpu.memory_space<vmem>> -> memref<1x128x128xf32, #tpu.memory_space<vmem>>
    %dma_start3A_135 = tpu.memref_squeeze %dma_start3A_134 : memref<1x128x128xf32, #tpu.memory_space<vmem>> -> memref<128x128xf32, #tpu.memory_space<vmem>>
    %dma_start3A_136 = arith.constant 0 : i32
    %dma_start3A_137 = tpu.memref_slice %arg10[%dma_start3A, %dma_start3A_136] : memref<2x128xi32, #tpu.memory_space<vmem>> -> memref<1x128xi32, #tpu.memory_space<vmem>>
    %dma_start3A_138 = tpu.memref_squeeze %dma_start3A_137 : memref<1x128xi32, #tpu.memory_space<vmem>> -> memref<128xi32, #tpu.memory_space<vmem>>
    %dma_start3A_139 = arith.constant 0 : i32
    %dma_start3A_140 = arith.constant 0 : i32
    %dma_start3A_141 = tpu.memref_slice %arg2[%dma_start3A_139, %dma_start3A_140] : memref<20000x128xf32, #tpu.memory_space<hbm>> -> memref<20000x128xf32, #tpu.memory_space<hbm>>
    tpu.enqueue_indirect_dma source(%dma_start3A_141 : memref<20000x128xf32, #tpu.memory_space<hbm>>) target(%dma_start3A_135 : memref<128x128xf32, #tpu.memory_space<vmem>>) offsets(%dma_start3A_138 : memref<128xi32, #tpu.memory_space<vmem>>) semaphore(%arg16 : memref<!tpu.dma_semaphore, #tpu.memory_space<semaphore_mem>>)
    %add3A_142 = arith.constant 128 : i32
    %add3A_143 = arith.addi %mul3A_2, %add3A_142 : i32
    %run_scoped3A_144 = arith.constant 1 : i32
    "tpu.region"() ({
      %run_scoped3A_339 = tpu.sem_alloc : memref<!tpu.dma_semaphore, #tpu.memory_space<semaphore_mem>>
      %dma_start3A_340 = arith.constant 0 : i32
      %dma_start3A_341 = tpu.memref_slice %arg8[%run_scoped3A_144, %dma_start3A_340] : memref<2x128xi32, #tpu.memory_space<vmem>> -> memref<1x128xi32, #tpu.memory_space<vmem>>
      %dma_start3A_342 = tpu.memref_squeeze %dma_start3A_341 : memref<1x128xi32, #tpu.memory_space<vmem>> -> memref<128xi32, #tpu.memory_space<vmem>>
      %dma_start3A_343 = tpu.memref_slice %arg3[%add3A_143] : memref<160000xi32, #tpu.memory_space<hbm>> -> memref<128xi32, #tpu.memory_space<hbm>>
      %dma_start3A_344 = arith.constant 0 : i32
      %dma_start3A_345 = tpu.memref_slice %arg8[%run_scoped3A_144, %dma_start3A_344] : memref<2x128xi32, #tpu.memory_space<vmem>> -> memref<1x128xi32, #tpu.memory_space<vmem>>
      %dma_start3A_346 = tpu.memref_squeeze %dma_start3A_345 : memref<1x128xi32, #tpu.memory_space<vmem>> -> memref<128xi32, #tpu.memory_space<vmem>>
      %dma_start3A_347 = tpu.memref_slice %arg3[%add3A_143] : memref<160000xi32, #tpu.memory_space<hbm>> -> memref<128xi32, #tpu.memory_space<hbm>>
      tpu.enqueue_dma source(%dma_start3A_347 : memref<128xi32, #tpu.memory_space<hbm>>) target(%dma_start3A_346 : memref<128xi32, #tpu.memory_space<vmem>>) target_semaphore(%run_scoped3A_339 : memref<!tpu.dma_semaphore, #tpu.memory_space<semaphore_mem>>)
      %dma_wait3A_348 = arith.constant 0 : i32
      %dma_wait3A_349 = tpu.memref_slice %arg8[%run_scoped3A_144, %dma_wait3A_348] : memref<2x128xi32, #tpu.memory_space<vmem>> -> memref<1x128xi32, #tpu.memory_space<vmem>>
      %dma_wait3A_350 = tpu.memref_squeeze %dma_wait3A_349 : memref<1x128xi32, #tpu.memory_space<vmem>> -> memref<128xi32, #tpu.memory_space<vmem>>
      %dma_wait3A_351 = tpu.memref_slice %arg3[%add3A_143] : memref<160000xi32, #tpu.memory_space<hbm>> -> memref<128xi32, #tpu.memory_space<hbm>>
      %dma_wait3A_352 = arith.constant 0 : i32
      %dma_wait3A_353 = tpu.memref_slice %arg8[%run_scoped3A_144, %dma_wait3A_352] : memref<2x128xi32, #tpu.memory_space<vmem>> -> memref<1x128xi32, #tpu.memory_space<vmem>>
      %dma_wait3A_354 = tpu.memref_squeeze %dma_wait3A_353 : memref<1x128xi32, #tpu.memory_space<vmem>> -> memref<128xi32, #tpu.memory_space<vmem>>
      %dma_wait3A_355 = tpu.memref_slice %arg3[%add3A_143] : memref<160000xi32, #tpu.memory_space<hbm>> -> memref<128xi32, #tpu.memory_space<hbm>>
      tpu.wait_dma2 semaphore(%run_scoped3A_339 : memref<!tpu.dma_semaphore, #tpu.memory_space<semaphore_mem>>) src(%dma_wait3A_355 : memref<128xi32, #tpu.memory_space<hbm>>) dst(%dma_wait3A_354 : memref<128xi32, #tpu.memory_space<vmem>>)
      tpu.yield
    }) : () -> ()
    %run_scoped3A_145 = arith.constant 1 : i32
    "tpu.region"() ({
      %run_scoped3A_339 = tpu.sem_alloc : memref<!tpu.dma_semaphore, #tpu.memory_space<semaphore_mem>>
      %dma_start3A_340 = arith.constant 0 : i32
      %dma_start3A_341 = tpu.memref_slice %arg9[%run_scoped3A_145, %dma_start3A_340] : memref<2x128xi32, #tpu.memory_space<vmem>> -> memref<1x128xi32, #tpu.memory_space<vmem>>
      %dma_start3A_342 = tpu.memref_squeeze %dma_start3A_341 : memref<1x128xi32, #tpu.memory_space<vmem>> -> memref<128xi32, #tpu.memory_space<vmem>>
      %dma_start3A_343 = tpu.memref_slice %arg4[%add3A_143] : memref<160000xi32, #tpu.memory_space<hbm>> -> memref<128xi32, #tpu.memory_space<hbm>>
      %dma_start3A_344 = arith.constant 0 : i32
      %dma_start3A_345 = tpu.memref_slice %arg9[%run_scoped3A_145, %dma_start3A_344] : memref<2x128xi32, #tpu.memory_space<vmem>> -> memref<1x128xi32, #tpu.memory_space<vmem>>
      %dma_start3A_346 = tpu.memref_squeeze %dma_start3A_345 : memref<1x128xi32, #tpu.memory_space<vmem>> -> memref<128xi32, #tpu.memory_space<vmem>>
      %dma_start3A_347 = tpu.memref_slice %arg4[%add3A_143] : memref<160000xi32, #tpu.memory_space<hbm>> -> memref<128xi32, #tpu.memory_space<hbm>>
      tpu.enqueue_dma source(%dma_start3A_347 : memref<128xi32, #tpu.memory_space<hbm>>) target(%dma_start3A_346 : memref<128xi32, #tpu.memory_space<vmem>>) target_semaphore(%run_scoped3A_339 : memref<!tpu.dma_semaphore, #tpu.memory_space<semaphore_mem>>)
      %dma_wait3A_348 = arith.constant 0 : i32
      %dma_wait3A_349 = tpu.memref_slice %arg9[%run_scoped3A_145, %dma_wait3A_348] : memref<2x128xi32, #tpu.memory_space<vmem>> -> memref<1x128xi32, #tpu.memory_space<vmem>>
      %dma_wait3A_350 = tpu.memref_squeeze %dma_wait3A_349 : memref<1x128xi32, #tpu.memory_space<vmem>> -> memref<128xi32, #tpu.memory_space<vmem>>
      %dma_wait3A_351 = tpu.memref_slice %arg4[%add3A_143] : memref<160000xi32, #tpu.memory_space<hbm>> -> memref<128xi32, #tpu.memory_space<hbm>>
      %dma_wait3A_352 = arith.constant 0 : i32
      %dma_wait3A_353 = tpu.memref_slice %arg9[%run_scoped3A_145, %dma_wait3A_352] : memref<2x128xi32, #tpu.memory_space<vmem>> -> memref<1x128xi32, #tpu.memory_space<vmem>>
      %dma_wait3A_354 = tpu.memref_squeeze %dma_wait3A_353 : memref<1x128xi32, #tpu.memory_space<vmem>> -> memref<128xi32, #tpu.memory_space<vmem>>
      %dma_wait3A_355 = tpu.memref_slice %arg4[%add3A_143] : memref<160000xi32, #tpu.memory_space<hbm>> -> memref<128xi32, #tpu.memory_space<hbm>>
      tpu.wait_dma2 semaphore(%run_scoped3A_339 : memref<!tpu.dma_semaphore, #tpu.memory_space<semaphore_mem>>) src(%dma_wait3A_355 : memref<128xi32, #tpu.memory_space<hbm>>) dst(%dma_wait3A_354 : memref<128xi32, #tpu.memory_space<vmem>>)
      tpu.yield
    }) : () -> ()
    %get3A_146 = arith.constant 1 : i32
    %get3A_147 = arith.index_cast %get3A_146 : i32 to index
    %get3A_148 = arith.constant 0 : index
    %get3A_149 = tpu.vector_load %arg8[%get3A_147, %get3A_148] {strides = array<i32>} : memref<2x128xi32, #tpu.memory_space<vmem>>, vector<1x16xi32>,
    %get3A_150 = vector.shape_cast %get3A_149 : vector<1x16xi32> to vector<16xi32>
    %mul3A_151 = arith.constant 2 : i32
    %mul3A_152 = vector.broadcast %mul3A_151 : i32 to vector<16xi32>
    %mul3A_153 = arith.muli %get3A_150, %mul3A_152 : vector<16xi32>
    %add3A_154 = vector.broadcast %arg0 : i32 to vector<16xi32>
    %add3A_155 = arith.addi %mul3A_153, %add3A_154 : vector<16xi32>
    %swap3A_156 = arith.constant 1 : i32
    %swap3A_157 = arith.index_cast %swap3A_156 : i32 to index
    %swap3A_158 = arith.constant 0 : index
    %swap3A_159 = tpu.vector_load %arg10[%swap3A_157, %swap3A_158] {strides = array<i32>} : memref<2x128xi32, #tpu.memory_space<vmem>>, vector<1x16xi32>,
    %swap3A_160 = vector.shape_cast %swap3A_159 : vector<1x16xi32> to vector<16xi32>
    %swap3A_161 = vector.shape_cast %add3A_155 : vector<16xi32> to vector<1x16xi32>
    tpu.vector_store %arg10[%swap3A_157, %swap3A_158], %swap3A_161 {strides = array<i32>} : memref<2x128xi32, #tpu.memory_space<vmem>>, vector<1x16xi32>,
    %get3A_162 = arith.constant 1 : i32
    %get3A_163 = arith.index_cast %get3A_162 : i32 to index
    %get3A_164 = arith.constant 16 : index
    %get3A_165 = tpu.vector_load %arg8[%get3A_163, %get3A_164] {strides = array<i32>} : memref<2x128xi32, #tpu.memory_space<vmem>>, vector<1x16xi32>,
    %get3A_166 = vector.shape_cast %get3A_165 : vector<1x16xi32> to vector<16xi32>
    %mul3A_167 = arith.constant 2 : i32
    %mul3A_168 = vector.broadcast %mul3A_167 : i32 to vector<16xi32>
    %mul3A_169 = arith.muli %get3A_166, %mul3A_168 : vector<16xi32>
    %add3A_170 = vector.broadcast %arg0 : i32 to vector<16xi32>
    %add3A_171 = arith.addi %mul3A_169, %add3A_170 : vector<16xi32>
    %swap3A_172 = arith.constant 1 : i32
    %swap3A_173 = arith.index_cast %swap3A_172 : i32 to index
    %swap3A_174 = arith.constant 16 : index
    %swap3A_175 = tpu.vector_load %arg10[%swap3A_173, %swap3A_174] {strides = array<i32>} : memref<2x128xi32, #tpu.memory_space<vmem>>, vector<1x16xi32>,
    %swap3A_176 = vector.shape_cast %swap3A_175 : vector<1x16xi32> to vector<16xi32>
    %swap3A_177 = vector.shape_cast %add3A_171 : vector<16xi32> to vector<1x16xi32>
    tpu.vector_store %arg10[%swap3A_173, %swap3A_174], %swap3A_177 {strides = array<i32>} : memref<2x128xi32, #tpu.memory_space<vmem>>, vector<1x16xi32>,
    %get3A_178 = arith.constant 1 : i32
    %get3A_179 = arith.index_cast %get3A_178 : i32 to index
    %get3A_180 = arith.constant 32 : index
    %get3A_181 = tpu.vector_load %arg8[%get3A_179, %get3A_180] {strides = array<i32>} : memref<2x128xi32, #tpu.memory_space<vmem>>, vector<1x16xi32>,
    %get3A_182 = vector.shape_cast %get3A_181 : vector<1x16xi32> to vector<16xi32>
    %mul3A_183 = arith.constant 2 : i32
    %mul3A_184 = vector.broadcast %mul3A_183 : i32 to vector<16xi32>
    %mul3A_185 = arith.muli %get3A_182, %mul3A_184 : vector<16xi32>
    %add3A_186 = vector.broadcast %arg0 : i32 to vector<16xi32>
    %add3A_187 = arith.addi %mul3A_185, %add3A_186 : vector<16xi32>
    %swap3A_188 = arith.constant 1 : i32
    %swap3A_189 = arith.index_cast %swap3A_188 : i32 to index
    %swap3A_190 = arith.constant 32 : index
    %swap3A_191 = tpu.vector_load %arg10[%swap3A_189, %swap3A_190] {strides = array<i32>} : memref<2x128xi32, #tpu.memory_space<vmem>>, vector<1x16xi32>,
    %swap3A_192 = vector.shape_cast %swap3A_191 : vector<1x16xi32> to vector<16xi32>
    %swap3A_193 = vector.shape_cast %add3A_187 : vector<16xi32> to vector<1x16xi32>
    tpu.vector_store %arg10[%swap3A_189, %swap3A_190], %swap3A_193 {strides = array<i32>} : memref<2x128xi32, #tpu.memory_space<vmem>>, vector<1x16xi32>,
    %get3A_194 = arith.constant 1 : i32
    %get3A_195 = arith.index_cast %get3A_194 : i32 to index
    %get3A_196 = arith.constant 48 : index
    %get3A_197 = tpu.vector_load %arg8[%get3A_195, %get3A_196] {strides = array<i32>} : memref<2x128xi32, #tpu.memory_space<vmem>>, vector<1x16xi32>,
    %get3A_198 = vector.shape_cast %get3A_197 : vector<1x16xi32> to vector<16xi32>
    %mul3A_199 = arith.constant 2 : i32
    %mul3A_200 = vector.broadcast %mul3A_199 : i32 to vector<16xi32>
    %mul3A_201 = arith.muli %get3A_198, %mul3A_200 : vector<16xi32>
    %add3A_202 = vector.broadcast %arg0 : i32 to vector<16xi32>
    %add3A_203 = arith.addi %mul3A_201, %add3A_202 : vector<16xi32>
    %swap3A_204 = arith.constant 1 : i32
    %swap3A_205 = arith.index_cast %swap3A_204 : i32 to index
    %swap3A_206 = arith.constant 48 : index
    %swap3A_207 = tpu.vector_load %arg10[%swap3A_205, %swap3A_206] {strides = array<i32>} : memref<2x128xi32, #tpu.memory_space<vmem>>, vector<1x16xi32>,
    %swap3A_208 = vector.shape_cast %swap3A_207 : vector<1x16xi32> to vector<16xi32>
    %swap3A_209 = vector.shape_cast %add3A_203 : vector<16xi32> to vector<1x16xi32>
    tpu.vector_store %arg10[%swap3A_205, %swap3A_206], %swap3A_209 {strides = array<i32>} : memref<2x128xi32, #tpu.memory_space<vmem>>, vector<1x16xi32>,
    %get3A_210 = arith.constant 1 : i32
    %get3A_211 = arith.index_cast %get3A_210 : i32 to index
    %get3A_212 = arith.constant 64 : index
    %get3A_213 = tpu.vector_load %arg8[%get3A_211, %get3A_212] {strides = array<i32>} : memref<2x128xi32, #tpu.memory_space<vmem>>, vector<1x16xi32>,
    %get3A_214 = vector.shape_cast %get3A_213 : vector<1x16xi32> to vector<16xi32>
    %mul3A_215 = arith.constant 2 : i32
    %mul3A_216 = vector.broadcast %mul3A_215 : i32 to vector<16xi32>
    %mul3A_217 = arith.muli %get3A_214, %mul3A_216 : vector<16xi32>
    %add3A_218 = vector.broadcast %arg0 : i32 to vector<16xi32>
    %add3A_219 = arith.addi %mul3A_217, %add3A_218 : vector<16xi32>
    %swap3A_220 = arith.constant 1 : i32
    %swap3A_221 = arith.index_cast %swap3A_220 : i32 to index
    %swap3A_222 = arith.constant 64 : index
    %swap3A_223 = tpu.vector_load %arg10[%swap3A_221, %swap3A_222] {strides = array<i32>} : memref<2x128xi32, #tpu.memory_space<vmem>>, vector<1x16xi32>,
    %swap3A_224 = vector.shape_cast %swap3A_223 : vector<1x16xi32> to vector<16xi32>
    %swap3A_225 = vector.shape_cast %add3A_219 : vector<16xi32> to vector<1x16xi32>
    tpu.vector_store %arg10[%swap3A_221, %swap3A_222], %swap3A_225 {strides = array<i32>} : memref<2x128xi32, #tpu.memory_space<vmem>>, vector<1x16xi32>,
    %get3A_226 = arith.constant 1 : i32
    %get3A_227 = arith.index_cast %get3A_226 : i32 to index
    %get3A_228 = arith.constant 80 : index
    %get3A_229 = tpu.vector_load %arg8[%get3A_227, %get3A_228] {strides = array<i32>} : memref<2x128xi32, #tpu.memory_space<vmem>>, vector<1x16xi32>,
    %get3A_230 = vector.shape_cast %get3A_229 : vector<1x16xi32> to vector<16xi32>
    %mul3A_231 = arith.constant 2 : i32
    %mul3A_232 = vector.broadcast %mul3A_231 : i32 to vector<16xi32>
    %mul3A_233 = arith.muli %get3A_230, %mul3A_232 : vector<16xi32>
    %add3A_234 = vector.broadcast %arg0 : i32 to vector<16xi32>
    %add3A_235 = arith.addi %mul3A_233, %add3A_234 : vector<16xi32>
    %swap3A_236 = arith.constant 1 : i32
    %swap3A_237 = arith.index_cast %swap3A_236 : i32 to index
    %swap3A_238 = arith.constant 80 : index
    %swap3A_239 = tpu.vector_load %arg10[%swap3A_237, %swap3A_238] {strides = array<i32>} : memref<2x128xi32, #tpu.memory_space<vmem>>, vector<1x16xi32>,
    %swap3A_240 = vector.shape_cast %swap3A_239 : vector<1x16xi32> to vector<16xi32>
    %swap3A_241 = vector.shape_cast %add3A_235 : vector<16xi32> to vector<1x16xi32>
    tpu.vector_store %arg10[%swap3A_237, %swap3A_238], %swap3A_241 {strides = array<i32>} : memref<2x128xi32, #tpu.memory_space<vmem>>, vector<1x16xi32>,
    %get3A_242 = arith.constant 1 : i32
    %get3A_243 = arith.index_cast %get3A_242 : i32 to index
    %get3A_244 = arith.constant 96 : index
    %get3A_245 = tpu.vector_load %arg8[%get3A_243, %get3A_244] {strides = array<i32>} : memref<2x128xi32, #tpu.memory_space<vmem>>, vector<1x16xi32>,
    %get3A_246 = vector.shape_cast %get3A_245 : vector<1x16xi32> to vector<16xi32>
    %mul3A_247 = arith.constant 2 : i32
    %mul3A_248 = vector.broadcast %mul3A_247 : i32 to vector<16xi32>
    %mul3A_249 = arith.muli %get3A_246, %mul3A_248 : vector<16xi32>
    %add3A_250 = vector.broadcast %arg0 : i32 to vector<16xi32>
    %add3A_251 = arith.addi %mul3A_249, %add3A_250 : vector<16xi32>
    %swap3A_252 = arith.constant 1 : i32
    %swap3A_253 = arith.index_cast %swap3A_252 : i32 to index
    %swap3A_254 = arith.constant 96 : index
    %swap3A_255 = tpu.vector_load %arg10[%swap3A_253, %swap3A_254] {strides = array<i32>} : memref<2x128xi32, #tpu.memory_space<vmem>>, vector<1x16xi32>,
    %swap3A_256 = vector.shape_cast %swap3A_255 : vector<1x16xi32> to vector<16xi32>
    %swap3A_257 = vector.shape_cast %add3A_251 : vector<16xi32> to vector<1x16xi32>
    tpu.vector_store %arg10[%swap3A_253, %swap3A_254], %swap3A_257 {strides = array<i32>} : memref<2x128xi32, #tpu.memory_space<vmem>>, vector<1x16xi32>,
    %get3A_258 = arith.constant 1 : i32
    %get3A_259 = arith.index_cast %get3A_258 : i32 to index
    %get3A_260 = arith.constant 112 : index
    %get3A_261 = tpu.vector_load %arg8[%get3A_259, %get3A_260] {strides = array<i32>} : memref<2x128xi32, #tpu.memory_space<vmem>>, vector<1x16xi32>,
    %get3A_262 = vector.shape_cast %get3A_261 : vector<1x16xi32> to vector<16xi32>
    %mul3A_263 = arith.constant 2 : i32
    %mul3A_264 = vector.broadcast %mul3A_263 : i32 to vector<16xi32>
    %mul3A_265 = arith.muli %get3A_262, %mul3A_264 : vector<16xi32>
    %add3A_266 = vector.broadcast %arg0 : i32 to vector<16xi32>
    %add3A_267 = arith.addi %mul3A_265, %add3A_266 : vector<16xi32>
    %swap3A_268 = arith.constant 1 : i32
    %swap3A_269 = arith.index_cast %swap3A_268 : i32 to index
    %swap3A_270 = arith.constant 112 : index
    %swap3A_271 = tpu.vector_load %arg10[%swap3A_269, %swap3A_270] {strides = array<i32>} : memref<2x128xi32, #tpu.memory_space<vmem>>, vector<1x16xi32>,
    %swap3A_272 = vector.shape_cast %swap3A_271 : vector<1x16xi32> to vector<16xi32>
    %swap3A_273 = vector.shape_cast %add3A_267 : vector<16xi32> to vector<1x16xi32>
    tpu.vector_store %arg10[%swap3A_269, %swap3A_270], %swap3A_273 {strides = array<i32>} : memref<2x128xi32, #tpu.memory_space<vmem>>, vector<1x16xi32>,
    %dma_start3A_274 = arith.constant 1 : i32
    %dma_start3A_275 = arith.constant 1 : i32
    %dma_start3A_276 = arith.constant 0 : i32
    %dma_start3A_277 = arith.constant 0 : i32
    %dma_start3A_278 = tpu.memref_slice %arg11[%dma_start3A_275, %dma_start3A_276, %dma_start3A_277] : memref<2x128x128xf32, #tpu.memory_space<vmem>> -> memref<1x128x128xf32, #tpu.memory_space<vmem>>
    %dma_start3A_279 = tpu.memref_squeeze %dma_start3A_278 : memref<1x128x128xf32, #tpu.memory_space<vmem>> -> memref<128x128xf32, #tpu.memory_space<vmem>>
    %dma_start3A_280 = arith.constant 0 : i32
    %dma_start3A_281 = tpu.memref_slice %arg10[%dma_start3A_274, %dma_start3A_280] : memref<2x128xi32, #tpu.memory_space<vmem>> -> memref<1x128xi32, #tpu.memory_space<vmem>>
    %dma_start3A_282 = tpu.memref_squeeze %dma_start3A_281 : memref<1x128xi32, #tpu.memory_space<vmem>> -> memref<128xi32, #tpu.memory_space<vmem>>
    %dma_start3A_283 = arith.constant 0 : i32
    %dma_start3A_284 = arith.constant 0 : i32
    %dma_start3A_285 = tpu.memref_slice %arg2[%dma_start3A_283, %dma_start3A_284] : memref<20000x128xf32, #tpu.memory_space<hbm>> -> memref<20000x128xf32, #tpu.memory_space<hbm>>
    tpu.enqueue_indirect_dma source(%dma_start3A_285 : memref<20000x128xf32, #tpu.memory_space<hbm>>) target(%dma_start3A_279 : memref<128x128xf32, #tpu.memory_space<vmem>>) offsets(%dma_start3A_282 : memref<128xi32, #tpu.memory_space<vmem>>) semaphore(%arg17 : memref<!tpu.dma_semaphore, #tpu.memory_space<semaphore_mem>>)
    %scan3A = arith.constant 0 : i32
    %scan3A_286 = arith.constant 0 : i32
    %scan3A_287 = arith.constant 38 : i32
    %scan3A_288 = arith.addi %scan3A_286, %scan3A_287 : i32
    %scan3A_289 = arith.constant 1 : i32
    scf.for %scan3A_339 = %scan3A_286 to %scan3A_288 step %scan3A_289  : i32 {
      %dma_wait3A_340 = arith.constant 0 : i32
      %dma_wait3A_341 = arith.constant 0 : i32
      %dma_wait3A_342 = arith.constant 0 : i32
      %dma_wait3A_343 = arith.constant 0 : i32
      %dma_wait3A_344 = tpu.memref_slice %arg11[%dma_wait3A_341, %dma_wait3A_342, %dma_wait3A_343] : memref<2x128x128xf32, #tpu.memory_space<vmem>> -> memref<1x128x128xf32, #tpu.memory_space<vmem>>
      %dma_wait3A_345 = tpu.memref_squeeze %dma_wait3A_344 : memref<1x128x128xf32, #tpu.memory_space<vmem>> -> memref<128x128xf32, #tpu.memory_space<vmem>>
      %dma_wait3A_346 = arith.constant 0 : i32
      %dma_wait3A_347 = tpu.memref_slice %arg10[%dma_wait3A_340, %dma_wait3A_346] : memref<2x128xi32, #tpu.memory_space<vmem>> -> memref<1x128xi32, #tpu.memory_space<vmem>>
      %dma_wait3A_348 = tpu.memref_squeeze %dma_wait3A_347 : memref<1x128xi32, #tpu.memory_space<vmem>> -> memref<128xi32, #tpu.memory_space<vmem>>
      %dma_wait3A_349 = arith.constant 0 : i32
      %dma_wait3A_350 = arith.constant 0 : i32
      %dma_wait3A_351 = tpu.memref_slice %arg2[%dma_wait3A_349, %dma_wait3A_350] : memref<20000x128xf32, #tpu.memory_space<hbm>> -> memref<20000x128xf32, #tpu.memory_space<hbm>>
      tpu.wait_indirect_dma semaphore(%arg16 : memref<!tpu.dma_semaphore, #tpu.memory_space<semaphore_mem>>) src(%dma_wait3A_351 : memref<20000x128xf32, #tpu.memory_space<hbm>>) dst(%dma_wait3A_345 : memref<128x128xf32, #tpu.memory_space<vmem>>)
      %run_scoped3A_352 = arith.constant 0 : i32
      %run_scoped3A_353 = arith.constant 0 : i32
      "tpu.region"() ({
        %run_scoped3A_666 = tpu.sem_alloc : memref<!tpu.dma_semaphore, #tpu.memory_space<semaphore_mem>>
        %dma_start3A_667 = arith.constant 0 : i32
        %dma_start3A_668 = arith.constant 0 : i32
        %dma_start3A_669 = tpu.memref_slice %arg11[%run_scoped3A_352, %dma_start3A_667, %dma_start3A_668] : memref<2x128x128xf32, #tpu.memory_space<vmem>> -> memref<1x128x128xf32, #tpu.memory_space<vmem>>
        %dma_start3A_670 = tpu.memref_squeeze %dma_start3A_669 : memref<1x128x128xf32, #tpu.memory_space<vmem>> -> memref<128x128xf32, #tpu.memory_space<vmem>>
        %dma_start3A_671 = arith.constant 0 : i32
        %dma_start3A_672 = tpu.memref_slice %arg9[%run_scoped3A_353, %dma_start3A_671] : memref<2x128xi32, #tpu.memory_space<vmem>> -> memref<1x128xi32, #tpu.memory_space<vmem>>
        %dma_start3A_673 = tpu.memref_squeeze %dma_start3A_672 : memref<1x128xi32, #tpu.memory_space<vmem>> -> memref<128xi32, #tpu.memory_space<vmem>>
        %dma_start3A_674 = arith.constant 0 : i32
        %dma_start3A_675 = arith.constant 0 : i32
        %dma_start3A_676 = tpu.memref_slice %arg7[%dma_start3A_674, %dma_start3A_675] : memref<10112x128xf32, #tpu.memory_space<vmem_shared>> -> memref<10112x128xf32, #tpu.memory_space<vmem_shared>>
        tpu.enqueue_indirect_dma source(%dma_start3A_670 : memref<128x128xf32, #tpu.memory_space<vmem>>) target(%dma_start3A_676 : memref<10112x128xf32, #tpu.memory_space<vmem_shared>>) offsets(%dma_start3A_673 : memref<128xi32, #tpu.memory_space<vmem>>) semaphore(%run_scoped3A_666 : memref<!tpu.dma_semaphore, #tpu.memory_space<semaphore_mem>>) {add = true}
        %dma_wait3A_677 = arith.constant 0 : i32
        %dma_wait3A_678 = arith.constant 0 : i32
        %dma_wait3A_679 = tpu.memref_slice %arg11[%run_scoped3A_352, %dma_wait3A_677, %dma_wait3A_678] : memref<2x128x128xf32, #tpu.memory_space<vmem>> -> memref<1x128x128xf32, #tpu.memory_space<vmem>>
        %dma_wait3A_680 = tpu.memref_squeeze %dma_wait3A_679 : memref<1x128x128xf32, #tpu.memory_space<vmem>> -> memref<128x128xf32, #tpu.memory_space<vmem>>
        %dma_wait3A_681 = arith.constant 0 : i32
        %dma_wait3A_682 = tpu.memref_slice %arg9[%run_scoped3A_353, %dma_wait3A_681] : memref<2x128xi32, #tpu.memory_space<vmem>> -> memref<1x128xi32, #tpu.memory_space<vmem>>
        %dma_wait3A_683 = tpu.memref_squeeze %dma_wait3A_682 : memref<1x128xi32, #tpu.memory_space<vmem>> -> memref<128xi32, #tpu.memory_space<vmem>>
        %dma_wait3A_684 = arith.constant 0 : i32
        %dma_wait3A_685 = arith.constant 0 : i32
        %dma_wait3A_686 = tpu.memref_slice %arg7[%dma_wait3A_684, %dma_wait3A_685] : memref<10112x128xf32, #tpu.memory_space<vmem_shared>> -> memref<10112x128xf32, #tpu.memory_space<vmem_shared>>
        tpu.wait_indirect_dma semaphore(%run_scoped3A_666 : memref<!tpu.dma_semaphore, #tpu.memory_space<semaphore_mem>>) src(%dma_wait3A_680 : memref<128x128xf32, #tpu.memory_space<vmem>>) dst(%dma_wait3A_686 : memref<10112x128xf32, #tpu.memory_space<vmem_shared>>)
        tpu.yield
      }) : () -> ()
      %mul3A_354 = arith.constant 2 : i32
      %mul3A_355 = arith.muli %mul3A_354, %scan3A_339 : i32
      %add3A_356 = arith.constant 2 : i32
      %add3A_357 = arith.addi %mul3A_355, %add3A_356 : i32
      %mul3A_358 = arith.constant 128 : i32
      %mul3A_359 = arith.muli %add3A_357, %mul3A_358 : i32
      %add3A_360 = arith.addi %mul3A_2, %mul3A_359 : i32
      %run_scoped3A_361 = arith.constant 0 : i32
      "tpu.region"() ({
        %run_scoped3A_666 = tpu.sem_alloc : memref<!tpu.dma_semaphore, #tpu.memory_space<semaphore_mem>>
        %dma_start3A_667 = arith.constant 0 : i32
        %dma_start3A_668 = tpu.memref_slice %arg8[%run_scoped3A_361, %dma_start3A_667] : memref<2x128xi32, #tpu.memory_space<vmem>> -> memref<1x128xi32, #tpu.memory_space<vmem>>
        %dma_start3A_669 = tpu.memref_squeeze %dma_start3A_668 : memref<1x128xi32, #tpu.memory_space<vmem>> -> memref<128xi32, #tpu.memory_space<vmem>>
        %dma_start3A_670 = tpu.memref_slice %arg3[%add3A_360] : memref<160000xi32, #tpu.memory_space<hbm>> -> memref<128xi32, #tpu.memory_space<hbm>>
        %dma_start3A_671 = arith.constant 0 : i32
        %dma_start3A_672 = tpu.memref_slice %arg8[%run_scoped3A_361, %dma_start3A_671] : memref<2x128xi32, #tpu.memory_space<vmem>> -> memref<1x128xi32, #tpu.memory_space<vmem>>
        %dma_start3A_673 = tpu.memref_squeeze %dma_start3A_672 : memref<1x128xi32, #tpu.memory_space<vmem>> -> memref<128xi32, #tpu.memory_space<vmem>>
        %dma_start3A_674 = tpu.memref_slice %arg3[%add3A_360] : memref<160000xi32, #tpu.memory_space<hbm>> -> memref<128xi32, #tpu.memory_space<hbm>>
        tpu.enqueue_dma source(%dma_start3A_674 : memref<128xi32, #tpu.memory_space<hbm>>) target(%dma_start3A_673 : memref<128xi32, #tpu.memory_space<vmem>>) target_semaphore(%run_scoped3A_666 : memref<!tpu.dma_semaphore, #tpu.memory_space<semaphore_mem>>)
        %dma_wait3A_675 = arith.constant 0 : i32
        %dma_wait3A_676 = tpu.memref_slice %arg8[%run_scoped3A_361, %dma_wait3A_675] : memref<2x128xi32, #tpu.memory_space<vmem>> -> memref<1x128xi32, #tpu.memory_space<vmem>>
        %dma_wait3A_677 = tpu.memref_squeeze %dma_wait3A_676 : memref<1x128xi32, #tpu.memory_space<vmem>> -> memref<128xi32, #tpu.memory_space<vmem>>
        %dma_wait3A_678 = tpu.memref_slice %arg3[%add3A_360] : memref<160000xi32, #tpu.memory_space<hbm>> -> memref<128xi32, #tpu.memory_space<hbm>>
        %dma_wait3A_679 = arith.constant 0 : i32
        %dma_wait3A_680 = tpu.memref_slice %arg8[%run_scoped3A_361, %dma_wait3A_679] : memref<2x128xi32, #tpu.memory_space<vmem>> -> memref<1x128xi32, #tpu.memory_space<vmem>>
        %dma_wait3A_681 = tpu.memref_squeeze %dma_wait3A_680 : memref<1x128xi32, #tpu.memory_space<vmem>> -> memref<128xi32, #tpu.memory_space<vmem>>
        %dma_wait3A_682 = tpu.memref_slice %arg3[%add3A_360] : memref<160000xi32, #tpu.memory_space<hbm>> -> memref<128xi32, #tpu.memory_space<hbm>>
        tpu.wait_dma2 semaphore(%run_scoped3A_666 : memref<!tpu.dma_semaphore, #tpu.memory_space<semaphore_mem>>) src(%dma_wait3A_682 : memref<128xi32, #tpu.memory_space<hbm>>) dst(%dma_wait3A_681 : memref<128xi32, #tpu.memory_space<vmem>>)
        tpu.yield
      }) : () -> ()
      %run_scoped3A_362 = arith.constant 0 : i32
      "tpu.region"() ({
        %run_scoped3A_666 = tpu.sem_alloc : memref<!tpu.dma_semaphore, #tpu.memory_space<semaphore_mem>>
        %dma_start3A_667 = arith.constant 0 : i32
        %dma_start3A_668 = tpu.memref_slice %arg9[%run_scoped3A_362, %dma_start3A_667] : memref<2x128xi32, #tpu.memory_space<vmem>> -> memref<1x128xi32, #tpu.memory_space<vmem>>
        %dma_start3A_669 = tpu.memref_squeeze %dma_start3A_668 : memref<1x128xi32, #tpu.memory_space<vmem>> -> memref<128xi32, #tpu.memory_space<vmem>>
        %dma_start3A_670 = tpu.memref_slice %arg4[%add3A_360] : memref<160000xi32, #tpu.memory_space<hbm>> -> memref<128xi32, #tpu.memory_space<hbm>>
        %dma_start3A_671 = arith.constant 0 : i32
        %dma_start3A_672 = tpu.memref_slice %arg9[%run_scoped3A_362, %dma_start3A_671] : memref<2x128xi32, #tpu.memory_space<vmem>> -> memref<1x128xi32, #tpu.memory_space<vmem>>
        %dma_start3A_673 = tpu.memref_squeeze %dma_start3A_672 : memref<1x128xi32, #tpu.memory_space<vmem>> -> memref<128xi32, #tpu.memory_space<vmem>>
        %dma_start3A_674 = tpu.memref_slice %arg4[%add3A_360] : memref<160000xi32, #tpu.memory_space<hbm>> -> memref<128xi32, #tpu.memory_space<hbm>>
        tpu.enqueue_dma source(%dma_start3A_674 : memref<128xi32, #tpu.memory_space<hbm>>) target(%dma_start3A_673 : memref<128xi32, #tpu.memory_space<vmem>>) target_semaphore(%run_scoped3A_666 : memref<!tpu.dma_semaphore, #tpu.memory_space<semaphore_mem>>)
        %dma_wait3A_675 = arith.constant 0 : i32
        %dma_wait3A_676 = tpu.memref_slice %arg9[%run_scoped3A_362, %dma_wait3A_675] : memref<2x128xi32, #tpu.memory_space<vmem>> -> memref<1x128xi32, #tpu.memory_space<vmem>>
        %dma_wait3A_677 = tpu.memref_squeeze %dma_wait3A_676 : memref<1x128xi32, #tpu.memory_space<vmem>> -> memref<128xi32, #tpu.memory_space<vmem>>
        %dma_wait3A_678 = tpu.memref_slice %arg4[%add3A_360] : memref<160000xi32, #tpu.memory_space<hbm>> -> memref<128xi32, #tpu.memory_space<hbm>>
        %dma_wait3A_679 = arith.constant 0 : i32
        %dma_wait3A_680 = tpu.memref_slice %arg9[%run_scoped3A_362, %dma_wait3A_679] : memref<2x128xi32, #tpu.memory_space<vmem>> -> memref<1x128xi32, #tpu.memory_space<vmem>>
        %dma_wait3A_681 = tpu.memref_squeeze %dma_wait3A_680 : memref<1x128xi32, #tpu.memory_space<vmem>> -> memref<128xi32, #tpu.memory_space<vmem>>
        %dma_wait3A_682 = tpu.memref_slice %arg4[%add3A_360] : memref<160000xi32, #tpu.memory_space<hbm>> -> memref<128xi32, #tpu.memory_space<hbm>>
        tpu.wait_dma2 semaphore(%run_scoped3A_666 : memref<!tpu.dma_semaphore, #tpu.memory_space<semaphore_mem>>) src(%dma_wait3A_682 : memref<128xi32, #tpu.memory_space<hbm>>) dst(%dma_wait3A_681 : memref<128xi32, #tpu.memory_space<vmem>>)
        tpu.yield
      }) : () -> ()
      %get3A_363 = arith.constant 0 : i32
      %get3A_364 = arith.index_cast %get3A_363 : i32 to index
      %get3A_365 = arith.constant 0 : index
      %get3A_366 = tpu.vector_load %arg8[%get3A_364, %get3A_365] {strides = array<i32>} : memref<2x128xi32, #tpu.memory_space<vmem>>, vector<1x16xi32>,
      %get3A_367 = vector.shape_cast %get3A_366 : vector<1x16xi32> to vector<16xi32>
      %mul3A_368 = arith.constant 2 : i32
      %mul3A_369 = vector.broadcast %mul3A_368 : i32 to vector<16xi32>
      %mul3A_370 = arith.muli %get3A_367, %mul3A_369 : vector<16xi32>
      %add3A_371 = vector.broadcast %arg0 : i32 to vector<16xi32>
      %add3A_372 = arith.addi %mul3A_370, %add3A_371 : vector<16xi32>
      %swap3A_373 = arith.constant 0 : i32
      %swap3A_374 = arith.index_cast %swap3A_373 : i32 to index
      %swap3A_375 = arith.constant 0 : index
      %swap3A_376 = tpu.vector_load %arg10[%swap3A_374, %swap3A_375] {strides = array<i32>} : memref<2x128xi32, #tpu.memory_space<vmem>>, vector<1x16xi32>,
      %swap3A_377 = vector.shape_cast %swap3A_376 : vector<1x16xi32> to vector<16xi32>
      %swap3A_378 = vector.shape_cast %add3A_372 : vector<16xi32> to vector<1x16xi32>
      tpu.vector_store %arg10[%swap3A_374, %swap3A_375], %swap3A_378 {strides = array<i32>} : memref<2x128xi32, #tpu.memory_space<vmem>>, vector<1x16xi32>,
      %get3A_379 = arith.constant 0 : i32
      %get3A_380 = arith.index_cast %get3A_379 : i32 to index
      %get3A_381 = arith.constant 16 : index
      %get3A_382 = tpu.vector_load %arg8[%get3A_380, %get3A_381] {strides = array<i32>} : memref<2x128xi32, #tpu.memory_space<vmem>>, vector<1x16xi32>,
      %get3A_383 = vector.shape_cast %get3A_382 : vector<1x16xi32> to vector<16xi32>
      %mul3A_384 = arith.constant 2 : i32
      %mul3A_385 = vector.broadcast %mul3A_384 : i32 to vector<16xi32>
      %mul3A_386 = arith.muli %get3A_383, %mul3A_385 : vector<16xi32>
      %add3A_387 = vector.broadcast %arg0 : i32 to vector<16xi32>
      %add3A_388 = arith.addi %mul3A_386, %add3A_387 : vector<16xi32>
      %swap3A_389 = arith.constant 0 : i32
      %swap3A_390 = arith.index_cast %swap3A_389 : i32 to index
      %swap3A_391 = arith.constant 16 : index
      %swap3A_392 = tpu.vector_load %arg10[%swap3A_390, %swap3A_391] {strides = array<i32>} : memref<2x128xi32, #tpu.memory_space<vmem>>, vector<1x16xi32>,
      %swap3A_393 = vector.shape_cast %swap3A_392 : vector<1x16xi32> to vector<16xi32>
      %swap3A_394 = vector.shape_cast %add3A_388 : vector<16xi32> to vector<1x16xi32>
      tpu.vector_store %arg10[%swap3A_390, %swap3A_391], %swap3A_394 {strides = array<i32>} : memref<2x128xi32, #tpu.memory_space<vmem>>, vector<1x16xi32>,
      %get3A_395 = arith.constant 0 : i32
      %get3A_396 = arith.index_cast %get3A_395 : i32 to index
      %get3A_397 = arith.constant 32 : index
      %get3A_398 = tpu.vector_load %arg8[%get3A_396, %get3A_397] {strides = array<i32>} : memref<2x128xi32, #tpu.memory_space<vmem>>, vector<1x16xi32>,
      %get3A_399 = vector.shape_cast %get3A_398 : vector<1x16xi32> to vector<16xi32>
      %mul3A_400 = arith.constant 2 : i32
      %mul3A_401 = vector.broadcast %mul3A_400 : i32 to vector<16xi32>
      %mul3A_402 = arith.muli %get3A_399, %mul3A_401 : vector<16xi32>
      %add3A_403 = vector.broadcast %arg0 : i32 to vector<16xi32>
      %add3A_404 = arith.addi %mul3A_402, %add3A_403 : vector<16xi32>
      %swap3A_405 = arith.constant 0 : i32
      %swap3A_406 = arith.index_cast %swap3A_405 : i32 to index
      %swap3A_407 = arith.constant 32 : index
      %swap3A_408 = tpu.vector_load %arg10[%swap3A_406, %swap3A_407] {strides = array<i32>} : memref<2x128xi32, #tpu.memory_space<vmem>>, vector<1x16xi32>,
      %swap3A_409 = vector.shape_cast %swap3A_408 : vector<1x16xi32> to vector<16xi32>
      %swap3A_410 = vector.shape_cast %add3A_404 : vector<16xi32> to vector<1x16xi32>
      tpu.vector_store %arg10[%swap3A_406, %swap3A_407], %swap3A_410 {strides = array<i32>} : memref<2x128xi32, #tpu.memory_space<vmem>>, vector<1x16xi32>,
      %get3A_411 = arith.constant 0 : i32
      %get3A_412 = arith.index_cast %get3A_411 : i32 to index
      %get3A_413 = arith.constant 48 : index
      %get3A_414 = tpu.vector_load %arg8[%get3A_412, %get3A_413] {strides = array<i32>} : memref<2x128xi32, #tpu.memory_space<vmem>>, vector<1x16xi32>,
      %get3A_415 = vector.shape_cast %get3A_414 : vector<1x16xi32> to vector<16xi32>
      %mul3A_416 = arith.constant 2 : i32
      %mul3A_417 = vector.broadcast %mul3A_416 : i32 to vector<16xi32>
      %mul3A_418 = arith.muli %get3A_415, %mul3A_417 : vector<16xi32>
      %add3A_419 = vector.broadcast %arg0 : i32 to vector<16xi32>
      %add3A_420 = arith.addi %mul3A_418, %add3A_419 : vector<16xi32>
      %swap3A_421 = arith.constant 0 : i32
      %swap3A_422 = arith.index_cast %swap3A_421 : i32 to index
      %swap3A_423 = arith.constant 48 : index
      %swap3A_424 = tpu.vector_load %arg10[%swap3A_422, %swap3A_423] {strides = array<i32>} : memref<2x128xi32, #tpu.memory_space<vmem>>, vector<1x16xi32>,
      %swap3A_425 = vector.shape_cast %swap3A_424 : vector<1x16xi32> to vector<16xi32>
      %swap3A_426 = vector.shape_cast %add3A_420 : vector<16xi32> to vector<1x16xi32>
      tpu.vector_store %arg10[%swap3A_422, %swap3A_423], %swap3A_426 {strides = array<i32>} : memref<2x128xi32, #tpu.memory_space<vmem>>, vector<1x16xi32>,
      %get3A_427 = arith.constant 0 : i32
      %get3A_428 = arith.index_cast %get3A_427 : i32 to index
      %get3A_429 = arith.constant 64 : index
      %get3A_430 = tpu.vector_load %arg8[%get3A_428, %get3A_429] {strides = array<i32>} : memref<2x128xi32, #tpu.memory_space<vmem>>, vector<1x16xi32>,
      %get3A_431 = vector.shape_cast %get3A_430 : vector<1x16xi32> to vector<16xi32>
      %mul3A_432 = arith.constant 2 : i32
      %mul3A_433 = vector.broadcast %mul3A_432 : i32 to vector<16xi32>
      %mul3A_434 = arith.muli %get3A_431, %mul3A_433 : vector<16xi32>
      %add3A_435 = vector.broadcast %arg0 : i32 to vector<16xi32>
      %add3A_436 = arith.addi %mul3A_434, %add3A_435 : vector<16xi32>
      %swap3A_437 = arith.constant 0 : i32
      %swap3A_438 = arith.index_cast %swap3A_437 : i32 to index
      %swap3A_439 = arith.constant 64 : index
      %swap3A_440 = tpu.vector_load %arg10[%swap3A_438, %swap3A_439] {strides = array<i32>} : memref<2x128xi32, #tpu.memory_space<vmem>>, vector<1x16xi32>,
      %swap3A_441 = vector.shape_cast %swap3A_440 : vector<1x16xi32> to vector<16xi32>
      %swap3A_442 = vector.shape_cast %add3A_436 : vector<16xi32> to vector<1x16xi32>
      tpu.vector_store %arg10[%swap3A_438, %swap3A_439], %swap3A_442 {strides = array<i32>} : memref<2x128xi32, #tpu.memory_space<vmem>>, vector<1x16xi32>,
      %get3A_443 = arith.constant 0 : i32
      %get3A_444 = arith.index_cast %get3A_443 : i32 to index
      %get3A_445 = arith.constant 80 : index
      %get3A_446 = tpu.vector_load %arg8[%get3A_444, %get3A_445] {strides = array<i32>} : memref<2x128xi32, #tpu.memory_space<vmem>>, vector<1x16xi32>,
      %get3A_447 = vector.shape_cast %get3A_446 : vector<1x16xi32> to vector<16xi32>
      %mul3A_448 = arith.constant 2 : i32
      %mul3A_449 = vector.broadcast %mul3A_448 : i32 to vector<16xi32>
      %mul3A_450 = arith.muli %get3A_447, %mul3A_449 : vector<16xi32>
      %add3A_451 = vector.broadcast %arg0 : i32 to vector<16xi32>
      %add3A_452 = arith.addi %mul3A_450, %add3A_451 : vector<16xi32>
      %swap3A_453 = arith.constant 0 : i32
      %swap3A_454 = arith.index_cast %swap3A_453 : i32 to index
      %swap3A_455 = arith.constant 80 : index
      %swap3A_456 = tpu.vector_load %arg10[%swap3A_454, %swap3A_455] {strides = array<i32>} : memref<2x128xi32, #tpu.memory_space<vmem>>, vector<1x16xi32>,
      %swap3A_457 = vector.shape_cast %swap3A_456 : vector<1x16xi32> to vector<16xi32>
      %swap3A_458 = vector.shape_cast %add3A_452 : vector<16xi32> to vector<1x16xi32>
      tpu.vector_store %arg10[%swap3A_454, %swap3A_455], %swap3A_458 {strides = array<i32>} : memref<2x128xi32, #tpu.memory_space<vmem>>, vector<1x16xi32>,
      %get3A_459 = arith.constant 0 : i32
      %get3A_460 = arith.index_cast %get3A_459 : i32 to index
      %get3A_461 = arith.constant 96 : index
      %get3A_462 = tpu.vector_load %arg8[%get3A_460, %get3A_461] {strides = array<i32>} : memref<2x128xi32, #tpu.memory_space<vmem>>, vector<1x16xi32>,
      %get3A_463 = vector.shape_cast %get3A_462 : vector<1x16xi32> to vector<16xi32>
      %mul3A_464 = arith.constant 2 : i32
      %mul3A_465 = vector.broadcast %mul3A_464 : i32 to vector<16xi32>
      %mul3A_466 = arith.muli %get3A_463, %mul3A_465 : vector<16xi32>
      %add3A_467 = vector.broadcast %arg0 : i32 to vector<16xi32>
      %add3A_468 = arith.addi %mul3A_466, %add3A_467 : vector<16xi32>
      %swap3A_469 = arith.constant 0 : i32
      %swap3A_470 = arith.index_cast %swap3A_469 : i32 to index
      %swap3A_471 = arith.constant 96 : index
      %swap3A_472 = tpu.vector_load %arg10[%swap3A_470, %swap3A_471] {strides = array<i32>} : memref<2x128xi32, #tpu.memory_space<vmem>>, vector<1x16xi32>,
      %swap3A_473 = vector.shape_cast %swap3A_472 : vector<1x16xi32> to vector<16xi32>
      %swap3A_474 = vector.shape_cast %add3A_468 : vector<16xi32> to vector<1x16xi32>
      tpu.vector_store %arg10[%swap3A_470, %swap3A_471], %swap3A_474 {strides = array<i32>} : memref<2x128xi32, #tpu.memory_space<vmem>>, vector<1x16xi32>,
      %get3A_475 = arith.constant 0 : i32
      %get3A_476 = arith.index_cast %get3A_475 : i32 to index
      %get3A_477 = arith.constant 112 : index
      %get3A_478 = tpu.vector_load %arg8[%get3A_476, %get3A_477] {strides = array<i32>} : memref<2x128xi32, #tpu.memory_space<vmem>>, vector<1x16xi32>,
      %get3A_479 = vector.shape_cast %get3A_478 : vector<1x16xi32> to vector<16xi32>
      %mul3A_480 = arith.constant 2 : i32
      %mul3A_481 = vector.broadcast %mul3A_480 : i32 to vector<16xi32>
      %mul3A_482 = arith.muli %get3A_479, %mul3A_481 : vector<16xi32>
      %add3A_483 = vector.broadcast %arg0 : i32 to vector<16xi32>
      %add3A_484 = arith.addi %mul3A_482, %add3A_483 : vector<16xi32>
      %swap3A_485 = arith.constant 0 : i32
      %swap3A_486 = arith.index_cast %swap3A_485 : i32 to index
      %swap3A_487 = arith.constant 112 : index
      %swap3A_488 = tpu.vector_load %arg10[%swap3A_486, %swap3A_487] {strides = array<i32>} : memref<2x128xi32, #tpu.memory_space<vmem>>, vector<1x16xi32>,
      %swap3A_489 = vector.shape_cast %swap3A_488 : vector<1x16xi32> to vector<16xi32>
      %swap3A_490 = vector.shape_cast %add3A_484 : vector<16xi32> to vector<1x16xi32>
      tpu.vector_store %arg10[%swap3A_486, %swap3A_487], %swap3A_490 {strides = array<i32>} : memref<2x128xi32, #tpu.memory_space<vmem>>, vector<1x16xi32>,
      %dma_start3A_491 = arith.constant 0 : i32
      %dma_start3A_492 = arith.constant 0 : i32
      %dma_start3A_493 = arith.constant 0 : i32
      %dma_start3A_494 = arith.constant 0 : i32
      %dma_start3A_495 = tpu.memref_slice %arg11[%dma_start3A_492, %dma_start3A_493, %dma_start3A_494] : memref<2x128x128xf32, #tpu.memory_space<vmem>> -> memref<1x128x128xf32, #tpu.memory_space<vmem>>
      %dma_start3A_496 = tpu.memref_squeeze %dma_start3A_495 : memref<1x128x128xf32, #tpu.memory_space<vmem>> -> memref<128x128xf32, #tpu.memory_space<vmem>>
      %dma_start3A_497 = arith.constant 0 : i32
      %dma_start3A_498 = tpu.memref_slice %arg10[%dma_start3A_491, %dma_start3A_497] : memref<2x128xi32, #tpu.memory_space<vmem>> -> memref<1x128xi32, #tpu.memory_space<vmem>>
      %dma_start3A_499 = tpu.memref_squeeze %dma_start3A_498 : memref<1x128xi32, #tpu.memory_space<vmem>> -> memref<128xi32, #tpu.memory_space<vmem>>
      %dma_start3A_500 = arith.constant 0 : i32
      %dma_start3A_501 = arith.constant 0 : i32
      %dma_start3A_502 = tpu.memref_slice %arg2[%dma_start3A_500, %dma_start3A_501] : memref<20000x128xf32, #tpu.memory_space<hbm>> -> memref<20000x128xf32, #tpu.memory_space<hbm>>
      tpu.enqueue_indirect_dma source(%dma_start3A_502 : memref<20000x128xf32, #tpu.memory_space<hbm>>) target(%dma_start3A_496 : memref<128x128xf32, #tpu.memory_space<vmem>>) offsets(%dma_start3A_499 : memref<128xi32, #tpu.memory_space<vmem>>) semaphore(%arg16 : memref<!tpu.dma_semaphore, #tpu.memory_space<semaphore_mem>>)
      %dma_wait3A_503 = arith.constant 1 : i32
      %dma_wait3A_504 = arith.constant 1 : i32
      %dma_wait3A_505 = arith.constant 0 : i32
      %dma_wait3A_506 = arith.constant 0 : i32
      %dma_wait3A_507 = tpu.memref_slice %arg11[%dma_wait3A_504, %dma_wait3A_505, %dma_wait3A_506] : memref<2x128x128xf32, #tpu.memory_space<vmem>> -> memref<1x128x128xf32, #tpu.memory_space<vmem>>
      %dma_wait3A_508 = tpu.memref_squeeze %dma_wait3A_507 : memref<1x128x128xf32, #tpu.memory_space<vmem>> -> memref<128x128xf32, #tpu.memory_space<vmem>>
      %dma_wait3A_509 = arith.constant 0 : i32
      %dma_wait3A_510 = tpu.memref_slice %arg10[%dma_wait3A_503, %dma_wait3A_509] : memref<2x128xi32, #tpu.memory_space<vmem>> -> memref<1x128xi32, #tpu.memory_space<vmem>>
      %dma_wait3A_511 = tpu.memref_squeeze %dma_wait3A_510 : memref<1x128xi32, #tpu.memory_space<vmem>> -> memref<128xi32, #tpu.memory_space<vmem>>
      %dma_wait3A_512 = arith.constant 0 : i32
      %dma_wait3A_513 = arith.constant 0 : i32
      %dma_wait3A_514 = tpu.memref_slice %arg2[%dma_wait3A_512, %dma_wait3A_513] : memref<20000x128xf32, #tpu.memory_space<hbm>> -> memref<20000x128xf32, #tpu.memory_space<hbm>>
      tpu.wait_indirect_dma semaphore(%arg17 : memref<!tpu.dma_semaphore, #tpu.memory_space<semaphore_mem>>) src(%dma_wait3A_514 : memref<20000x128xf32, #tpu.memory_space<hbm>>) dst(%dma_wait3A_508 : memref<128x128xf32, #tpu.memory_space<vmem>>)
      %run_scoped3A_515 = arith.constant 1 : i32
      %run_scoped3A_516 = arith.constant 1 : i32
      "tpu.region"() ({
        %run_scoped3A_666 = tpu.sem_alloc : memref<!tpu.dma_semaphore, #tpu.memory_space<semaphore_mem>>
        %dma_start3A_667 = arith.constant 0 : i32
        %dma_start3A_668 = arith.constant 0 : i32
        %dma_start3A_669 = tpu.memref_slice %arg11[%run_scoped3A_515, %dma_start3A_667, %dma_start3A_668] : memref<2x128x128xf32, #tpu.memory_space<vmem>> -> memref<1x128x128xf32, #tpu.memory_space<vmem>>
        %dma_start3A_670 = tpu.memref_squeeze %dma_start3A_669 : memref<1x128x128xf32, #tpu.memory_space<vmem>> -> memref<128x128xf32, #tpu.memory_space<vmem>>
        %dma_start3A_671 = arith.constant 0 : i32
        %dma_start3A_672 = tpu.memref_slice %arg9[%run_scoped3A_516, %dma_start3A_671] : memref<2x128xi32, #tpu.memory_space<vmem>> -> memref<1x128xi32, #tpu.memory_space<vmem>>
        %dma_start3A_673 = tpu.memref_squeeze %dma_start3A_672 : memref<1x128xi32, #tpu.memory_space<vmem>> -> memref<128xi32, #tpu.memory_space<vmem>>
        %dma_start3A_674 = arith.constant 0 : i32
        %dma_start3A_675 = arith.constant 0 : i32
        %dma_start3A_676 = tpu.memref_slice %arg7[%dma_start3A_674, %dma_start3A_675] : memref<10112x128xf32, #tpu.memory_space<vmem_shared>> -> memref<10112x128xf32, #tpu.memory_space<vmem_shared>>
        tpu.enqueue_indirect_dma source(%dma_start3A_670 : memref<128x128xf32, #tpu.memory_space<vmem>>) target(%dma_start3A_676 : memref<10112x128xf32, #tpu.memory_space<vmem_shared>>) offsets(%dma_start3A_673 : memref<128xi32, #tpu.memory_space<vmem>>) semaphore(%run_scoped3A_666 : memref<!tpu.dma_semaphore, #tpu.memory_space<semaphore_mem>>) {add = true}
        %dma_wait3A_677 = arith.constant 0 : i32
        %dma_wait3A_678 = arith.constant 0 : i32
        %dma_wait3A_679 = tpu.memref_slice %arg11[%run_scoped3A_515, %dma_wait3A_677, %dma_wait3A_678] : memref<2x128x128xf32, #tpu.memory_space<vmem>> -> memref<1x128x128xf32, #tpu.memory_space<vmem>>
        %dma_wait3A_680 = tpu.memref_squeeze %dma_wait3A_679 : memref<1x128x128xf32, #tpu.memory_space<vmem>> -> memref<128x128xf32, #tpu.memory_space<vmem>>
        %dma_wait3A_681 = arith.constant 0 : i32
        %dma_wait3A_682 = tpu.memref_slice %arg9[%run_scoped3A_516, %dma_wait3A_681] : memref<2x128xi32, #tpu.memory_space<vmem>> -> memref<1x128xi32, #tpu.memory_space<vmem>>
        %dma_wait3A_683 = tpu.memref_squeeze %dma_wait3A_682 : memref<1x128xi32, #tpu.memory_space<vmem>> -> memref<128xi32, #tpu.memory_space<vmem>>
        %dma_wait3A_684 = arith.constant 0 : i32
        %dma_wait3A_685 = arith.constant 0 : i32
        %dma_wait3A_686 = tpu.memref_slice %arg7[%dma_wait3A_684, %dma_wait3A_685] : memref<10112x128xf32, #tpu.memory_space<vmem_shared>> -> memref<10112x128xf32, #tpu.memory_space<vmem_shared>>
        tpu.wait_indirect_dma semaphore(%run_scoped3A_666 : memref<!tpu.dma_semaphore, #tpu.memory_space<semaphore_mem>>) src(%dma_wait3A_680 : memref<128x128xf32, #tpu.memory_space<vmem>>) dst(%dma_wait3A_686 : memref<10112x128xf32, #tpu.memory_space<vmem_shared>>)
        tpu.yield
      }) : () -> ()
      %mul3A_517 = arith.constant 2 : i32
      %mul3A_518 = arith.muli %mul3A_517, %scan3A_339 : i32
      %add3A_519 = arith.constant 3 : i32
      %add3A_520 = arith.addi %mul3A_518, %add3A_519 : i32
      %mul3A_521 = arith.constant 128 : i32
      %mul3A_522 = arith.muli %add3A_520, %mul3A_521 : i32
      %add3A_523 = arith.addi %mul3A_2, %mul3A_522 : i32
      %run_scoped3A_524 = arith.constant 1 : i32
      "tpu.region"() ({
        %run_scoped3A_666 = tpu.sem_alloc : memref<!tpu.dma_semaphore, #tpu.memory_space<semaphore_mem>>
        %dma_start3A_667 = arith.constant 0 : i32
        %dma_start3A_668 = tpu.memref_slice %arg8[%run_scoped3A_524, %dma_start3A_667] : memref<2x128xi32, #tpu.memory_space<vmem>> -> memref<1x128xi32, #tpu.memory_space<vmem>>
        %dma_start3A_669 = tpu.memref_squeeze %dma_start3A_668 : memref<1x128xi32, #tpu.memory_space<vmem>> -> memref<128xi32, #tpu.memory_space<vmem>>
        %dma_start3A_670 = tpu.memref_slice %arg3[%add3A_523] : memref<160000xi32, #tpu.memory_space<hbm>> -> memref<128xi32, #tpu.memory_space<hbm>>
        %dma_start3A_671 = arith.constant 0 : i32
        %dma_start3A_672 = tpu.memref_slice %arg8[%run_scoped3A_524, %dma_start3A_671] : memref<2x128xi32, #tpu.memory_space<vmem>> -> memref<1x128xi32, #tpu.memory_space<vmem>>
        %dma_start3A_673 = tpu.memref_squeeze %dma_start3A_672 : memref<1x128xi32, #tpu.memory_space<vmem>> -> memref<128xi32, #tpu.memory_space<vmem>>
        %dma_start3A_674 = tpu.memref_slice %arg3[%add3A_523] : memref<160000xi32, #tpu.memory_space<hbm>> -> memref<128xi32, #tpu.memory_space<hbm>>
        tpu.enqueue_dma source(%dma_start3A_674 : memref<128xi32, #tpu.memory_space<hbm>>) target(%dma_start3A_673 : memref<128xi32, #tpu.memory_space<vmem>>) target_semaphore(%run_scoped3A_666 : memref<!tpu.dma_semaphore, #tpu.memory_space<semaphore_mem>>)
        %dma_wait3A_675 = arith.constant 0 : i32
        %dma_wait3A_676 = tpu.memref_slice %arg8[%run_scoped3A_524, %dma_wait3A_675] : memref<2x128xi32, #tpu.memory_space<vmem>> -> memref<1x128xi32, #tpu.memory_space<vmem>>
        %dma_wait3A_677 = tpu.memref_squeeze %dma_wait3A_676 : memref<1x128xi32, #tpu.memory_space<vmem>> -> memref<128xi32, #tpu.memory_space<vmem>>
        %dma_wait3A_678 = tpu.memref_slice %arg3[%add3A_523] : memref<160000xi32, #tpu.memory_space<hbm>> -> memref<128xi32, #tpu.memory_space<hbm>>
        %dma_wait3A_679 = arith.constant 0 : i32
        %dma_wait3A_680 = tpu.memref_slice %arg8[%run_scoped3A_524, %dma_wait3A_679] : memref<2x128xi32, #tpu.memory_space<vmem>> -> memref<1x128xi32, #tpu.memory_space<vmem>>
        %dma_wait3A_681 = tpu.memref_squeeze %dma_wait3A_680 : memref<1x128xi32, #tpu.memory_space<vmem>> -> memref<128xi32, #tpu.memory_space<vmem>>
        %dma_wait3A_682 = tpu.memref_slice %arg3[%add3A_523] : memref<160000xi32, #tpu.memory_space<hbm>> -> memref<128xi32, #tpu.memory_space<hbm>>
        tpu.wait_dma2 semaphore(%run_scoped3A_666 : memref<!tpu.dma_semaphore, #tpu.memory_space<semaphore_mem>>) src(%dma_wait3A_682 : memref<128xi32, #tpu.memory_space<hbm>>) dst(%dma_wait3A_681 : memref<128xi32, #tpu.memory_space<vmem>>)
        tpu.yield
      }) : () -> ()
      %run_scoped3A_525 = arith.constant 1 : i32
      "tpu.region"() ({
        %run_scoped3A_666 = tpu.sem_alloc : memref<!tpu.dma_semaphore, #tpu.memory_space<semaphore_mem>>
        %dma_start3A_667 = arith.constant 0 : i32
        %dma_start3A_668 = tpu.memref_slice %arg9[%run_scoped3A_525, %dma_start3A_667] : memref<2x128xi32, #tpu.memory_space<vmem>> -> memref<1x128xi32, #tpu.memory_space<vmem>>
        %dma_start3A_669 = tpu.memref_squeeze %dma_start3A_668 : memref<1x128xi32, #tpu.memory_space<vmem>> -> memref<128xi32, #tpu.memory_space<vmem>>
        %dma_start3A_670 = tpu.memref_slice %arg4[%add3A_523] : memref<160000xi32, #tpu.memory_space<hbm>> -> memref<128xi32, #tpu.memory_space<hbm>>
        %dma_start3A_671 = arith.constant 0 : i32
        %dma_start3A_672 = tpu.memref_slice %arg9[%run_scoped3A_525, %dma_start3A_671] : memref<2x128xi32, #tpu.memory_space<vmem>> -> memref<1x128xi32, #tpu.memory_space<vmem>>
        %dma_start3A_673 = tpu.memref_squeeze %dma_start3A_672 : memref<1x128xi32, #tpu.memory_space<vmem>> -> memref<128xi32, #tpu.memory_space<vmem>>
        %dma_start3A_674 = tpu.memref_slice %arg4[%add3A_523] : memref<160000xi32, #tpu.memory_space<hbm>> -> memref<128xi32, #tpu.memory_space<hbm>>
        tpu.enqueue_dma source(%dma_start3A_674 : memref<128xi32, #tpu.memory_space<hbm>>) target(%dma_start3A_673 : memref<128xi32, #tpu.memory_space<vmem>>) target_semaphore(%run_scoped3A_666 : memref<!tpu.dma_semaphore, #tpu.memory_space<semaphore_mem>>)
        %dma_wait3A_675 = arith.constant 0 : i32
        %dma_wait3A_676 = tpu.memref_slice %arg9[%run_scoped3A_525, %dma_wait3A_675] : memref<2x128xi32, #tpu.memory_space<vmem>> -> memref<1x128xi32, #tpu.memory_space<vmem>>
        %dma_wait3A_677 = tpu.memref_squeeze %dma_wait3A_676 : memref<1x128xi32, #tpu.memory_space<vmem>> -> memref<128xi32, #tpu.memory_space<vmem>>
        %dma_wait3A_678 = tpu.memref_slice %arg4[%add3A_523] : memref<160000xi32, #tpu.memory_space<hbm>> -> memref<128xi32, #tpu.memory_space<hbm>>
        %dma_wait3A_679 = arith.constant 0 : i32
        %dma_wait3A_680 = tpu.memref_slice %arg9[%run_scoped3A_525, %dma_wait3A_679] : memref<2x128xi32, #tpu.memory_space<vmem>> -> memref<1x128xi32, #tpu.memory_space<vmem>>
        %dma_wait3A_681 = tpu.memref_squeeze %dma_wait3A_680 : memref<1x128xi32, #tpu.memory_space<vmem>> -> memref<128xi32, #tpu.memory_space<vmem>>
        %dma_wait3A_682 = tpu.memref_slice %arg4[%add3A_523] : memref<160000xi32, #tpu.memory_space<hbm>> -> memref<128xi32, #tpu.memory_space<hbm>>
        tpu.wait_dma2 semaphore(%run_scoped3A_666 : memref<!tpu.dma_semaphore, #tpu.memory_space<semaphore_mem>>) src(%dma_wait3A_682 : memref<128xi32, #tpu.memory_space<hbm>>) dst(%dma_wait3A_681 : memref<128xi32, #tpu.memory_space<vmem>>)
        tpu.yield
      }) : () -> ()
      %get3A_526 = arith.constant 1 : i32
      %get3A_527 = arith.index_cast %get3A_526 : i32 to index
      %get3A_528 = arith.constant 0 : index
      %get3A_529 = tpu.vector_load %arg8[%get3A_527, %get3A_528] {strides = array<i32>} : memref<2x128xi32, #tpu.memory_space<vmem>>, vector<1x16xi32>,
      %get3A_530 = vector.shape_cast %get3A_529 : vector<1x16xi32> to vector<16xi32>
      %mul3A_531 = arith.constant 2 : i32
      %mul3A_532 = vector.broadcast %mul3A_531 : i32 to vector<16xi32>
      %mul3A_533 = arith.muli %get3A_530, %mul3A_532 : vector<16xi32>
      %add3A_534 = vector.broadcast %arg0 : i32 to vector<16xi32>
      %add3A_535 = arith.addi %mul3A_533, %add3A_534 : vector<16xi32>
      %swap3A_536 = arith.constant 1 : i32
      %swap3A_537 = arith.index_cast %swap3A_536 : i32 to index
      %swap3A_538 = arith.constant 0 : index
      %swap3A_539 = tpu.vector_load %arg10[%swap3A_537, %swap3A_538] {strides = array<i32>} : memref<2x128xi32, #tpu.memory_space<vmem>>, vector<1x16xi32>,
      %swap3A_540 = vector.shape_cast %swap3A_539 : vector<1x16xi32> to vector<16xi32>
      %swap3A_541 = vector.shape_cast %add3A_535 : vector<16xi32> to vector<1x16xi32>
      tpu.vector_store %arg10[%swap3A_537, %swap3A_538], %swap3A_541 {strides = array<i32>} : memref<2x128xi32, #tpu.memory_space<vmem>>, vector<1x16xi32>,
      %get3A_542 = arith.constant 1 : i32
      %get3A_543 = arith.index_cast %get3A_542 : i32 to index
      %get3A_544 = arith.constant 16 : index
      %get3A_545 = tpu.vector_load %arg8[%get3A_543, %get3A_544] {strides = array<i32>} : memref<2x128xi32, #tpu.memory_space<vmem>>, vector<1x16xi32>,
      %get3A_546 = vector.shape_cast %get3A_545 : vector<1x16xi32> to vector<16xi32>
      %mul3A_547 = arith.constant 2 : i32
      %mul3A_548 = vector.broadcast %mul3A_547 : i32 to vector<16xi32>
      %mul3A_549 = arith.muli %get3A_546, %mul3A_548 : vector<16xi32>
      %add3A_550 = vector.broadcast %arg0 : i32 to vector<16xi32>
      %add3A_551 = arith.addi %mul3A_549, %add3A_550 : vector<16xi32>
      %swap3A_552 = arith.constant 1 : i32
      %swap3A_553 = arith.index_cast %swap3A_552 : i32 to index
      %swap3A_554 = arith.constant 16 : index
      %swap3A_555 = tpu.vector_load %arg10[%swap3A_553, %swap3A_554] {strides = array<i32>} : memref<2x128xi32, #tpu.memory_space<vmem>>, vector<1x16xi32>,
      %swap3A_556 = vector.shape_cast %swap3A_555 : vector<1x16xi32> to vector<16xi32>
      %swap3A_557 = vector.shape_cast %add3A_551 : vector<16xi32> to vector<1x16xi32>
      tpu.vector_store %arg10[%swap3A_553, %swap3A_554], %swap3A_557 {strides = array<i32>} : memref<2x128xi32, #tpu.memory_space<vmem>>, vector<1x16xi32>,
      %get3A_558 = arith.constant 1 : i32
      %get3A_559 = arith.index_cast %get3A_558 : i32 to index
      %get3A_560 = arith.constant 32 : index
      %get3A_561 = tpu.vector_load %arg8[%get3A_559, %get3A_560] {strides = array<i32>} : memref<2x128xi32, #tpu.memory_space<vmem>>, vector<1x16xi32>,
      %get3A_562 = vector.shape_cast %get3A_561 : vector<1x16xi32> to vector<16xi32>
      %mul3A_563 = arith.constant 2 : i32
      %mul3A_564 = vector.broadcast %mul3A_563 : i32 to vector<16xi32>
      %mul3A_565 = arith.muli %get3A_562, %mul3A_564 : vector<16xi32>
      %add3A_566 = vector.broadcast %arg0 : i32 to vector<16xi32>
      %add3A_567 = arith.addi %mul3A_565, %add3A_566 : vector<16xi32>
      %swap3A_568 = arith.constant 1 : i32
      %swap3A_569 = arith.index_cast %swap3A_568 : i32 to index
      %swap3A_570 = arith.constant 32 : index
      %swap3A_571 = tpu.vector_load %arg10[%swap3A_569, %swap3A_570] {strides = array<i32>} : memref<2x128xi32, #tpu.memory_space<vmem>>, vector<1x16xi32>,
      %swap3A_572 = vector.shape_cast %swap3A_571 : vector<1x16xi32> to vector<16xi32>
      %swap3A_573 = vector.shape_cast %add3A_567 : vector<16xi32> to vector<1x16xi32>
      tpu.vector_store %arg10[%swap3A_569, %swap3A_570], %swap3A_573 {strides = array<i32>} : memref<2x128xi32, #tpu.memory_space<vmem>>, vector<1x16xi32>,
      %get3A_574 = arith.constant 1 : i32
      %get3A_575 = arith.index_cast %get3A_574 : i32 to index
      %get3A_576 = arith.constant 48 : index
      %get3A_577 = tpu.vector_load %arg8[%get3A_575, %get3A_576] {strides = array<i32>} : memref<2x128xi32, #tpu.memory_space<vmem>>, vector<1x16xi32>,
      %get3A_578 = vector.shape_cast %get3A_577 : vector<1x16xi32> to vector<16xi32>
      %mul3A_579 = arith.constant 2 : i32
      %mul3A_580 = vector.broadcast %mul3A_579 : i32 to vector<16xi32>
      %mul3A_581 = arith.muli %get3A_578, %mul3A_580 : vector<16xi32>
      %add3A_582 = vector.broadcast %arg0 : i32 to vector<16xi32>
      %add3A_583 = arith.addi %mul3A_581, %add3A_582 : vector<16xi32>
      %swap3A_584 = arith.constant 1 : i32
      %swap3A_585 = arith.index_cast %swap3A_584 : i32 to index
      %swap3A_586 = arith.constant 48 : index
      %swap3A_587 = tpu.vector_load %arg10[%swap3A_585, %swap3A_586] {strides = array<i32>} : memref<2x128xi32, #tpu.memory_space<vmem>>, vector<1x16xi32>,
      %swap3A_588 = vector.shape_cast %swap3A_587 : vector<1x16xi32> to vector<16xi32>
      %swap3A_589 = vector.shape_cast %add3A_583 : vector<16xi32> to vector<1x16xi32>
      tpu.vector_store %arg10[%swap3A_585, %swap3A_586], %swap3A_589 {strides = array<i32>} : memref<2x128xi32, #tpu.memory_space<vmem>>, vector<1x16xi32>,
      %get3A_590 = arith.constant 1 : i32
      %get3A_591 = arith.index_cast %get3A_590 : i32 to index
      %get3A_592 = arith.constant 64 : index
      %get3A_593 = tpu.vector_load %arg8[%get3A_591, %get3A_592] {strides = array<i32>} : memref<2x128xi32, #tpu.memory_space<vmem>>, vector<1x16xi32>,
      %get3A_594 = vector.shape_cast %get3A_593 : vector<1x16xi32> to vector<16xi32>
      %mul3A_595 = arith.constant 2 : i32
      %mul3A_596 = vector.broadcast %mul3A_595 : i32 to vector<16xi32>
      %mul3A_597 = arith.muli %get3A_594, %mul3A_596 : vector<16xi32>
      %add3A_598 = vector.broadcast %arg0 : i32 to vector<16xi32>
      %add3A_599 = arith.addi %mul3A_597, %add3A_598 : vector<16xi32>
      %swap3A_600 = arith.constant 1 : i32
      %swap3A_601 = arith.index_cast %swap3A_600 : i32 to index
      %swap3A_602 = arith.constant 64 : index
      %swap3A_603 = tpu.vector_load %arg10[%swap3A_601, %swap3A_602] {strides = array<i32>} : memref<2x128xi32, #tpu.memory_space<vmem>>, vector<1x16xi32>,
      %swap3A_604 = vector.shape_cast %swap3A_603 : vector<1x16xi32> to vector<16xi32>
      %swap3A_605 = vector.shape_cast %add3A_599 : vector<16xi32> to vector<1x16xi32>
      tpu.vector_store %arg10[%swap3A_601, %swap3A_602], %swap3A_605 {strides = array<i32>} : memref<2x128xi32, #tpu.memory_space<vmem>>, vector<1x16xi32>,
      %get3A_606 = arith.constant 1 : i32
      %get3A_607 = arith.index_cast %get3A_606 : i32 to index
      %get3A_608 = arith.constant 80 : index
      %get3A_609 = tpu.vector_load %arg8[%get3A_607, %get3A_608] {strides = array<i32>} : memref<2x128xi32, #tpu.memory_space<vmem>>, vector<1x16xi32>,
      %get3A_610 = vector.shape_cast %get3A_609 : vector<1x16xi32> to vector<16xi32>
      %mul3A_611 = arith.constant 2 : i32
      %mul3A_612 = vector.broadcast %mul3A_611 : i32 to vector<16xi32>
      %mul3A_613 = arith.muli %get3A_610, %mul3A_612 : vector<16xi32>
      %add3A_614 = vector.broadcast %arg0 : i32 to vector<16xi32>
      %add3A_615 = arith.addi %mul3A_613, %add3A_614 : vector<16xi32>
      %swap3A_616 = arith.constant 1 : i32
      %swap3A_617 = arith.index_cast %swap3A_616 : i32 to index
      %swap3A_618 = arith.constant 80 : index
      %swap3A_619 = tpu.vector_load %arg10[%swap3A_617, %swap3A_618] {strides = array<i32>} : memref<2x128xi32, #tpu.memory_space<vmem>>, vector<1x16xi32>,
      %swap3A_620 = vector.shape_cast %swap3A_619 : vector<1x16xi32> to vector<16xi32>
      %swap3A_621 = vector.shape_cast %add3A_615 : vector<16xi32> to vector<1x16xi32>
      tpu.vector_store %arg10[%swap3A_617, %swap3A_618], %swap3A_621 {strides = array<i32>} : memref<2x128xi32, #tpu.memory_space<vmem>>, vector<1x16xi32>,
      %get3A_622 = arith.constant 1 : i32
      %get3A_623 = arith.index_cast %get3A_622 : i32 to index
      %get3A_624 = arith.constant 96 : index
      %get3A_625 = tpu.vector_load %arg8[%get3A_623, %get3A_624] {strides = array<i32>} : memref<2x128xi32, #tpu.memory_space<vmem>>, vector<1x16xi32>,
      %get3A_626 = vector.shape_cast %get3A_625 : vector<1x16xi32> to vector<16xi32>
      %mul3A_627 = arith.constant 2 : i32
      %mul3A_628 = vector.broadcast %mul3A_627 : i32 to vector<16xi32>
      %mul3A_629 = arith.muli %get3A_626, %mul3A_628 : vector<16xi32>
      %add3A_630 = vector.broadcast %arg0 : i32 to vector<16xi32>
      %add3A_631 = arith.addi %mul3A_629, %add3A_630 : vector<16xi32>
      %swap3A_632 = arith.constant 1 : i32
      %swap3A_633 = arith.index_cast %swap3A_632 : i32 to index
      %swap3A_634 = arith.constant 96 : index
      %swap3A_635 = tpu.vector_load %arg10[%swap3A_633, %swap3A_634] {strides = array<i32>} : memref<2x128xi32, #tpu.memory_space<vmem>>, vector<1x16xi32>,
      %swap3A_636 = vector.shape_cast %swap3A_635 : vector<1x16xi32> to vector<16xi32>
      %swap3A_637 = vector.shape_cast %add3A_631 : vector<16xi32> to vector<1x16xi32>
      tpu.vector_store %arg10[%swap3A_633, %swap3A_634], %swap3A_637 {strides = array<i32>} : memref<2x128xi32, #tpu.memory_space<vmem>>, vector<1x16xi32>,
      %get3A_638 = arith.constant 1 : i32
      %get3A_639 = arith.index_cast %get3A_638 : i32 to index
      %get3A_640 = arith.constant 112 : index
      %get3A_641 = tpu.vector_load %arg8[%get3A_639, %get3A_640] {strides = array<i32>} : memref<2x128xi32, #tpu.memory_space<vmem>>, vector<1x16xi32>,
      %get3A_642 = vector.shape_cast %get3A_641 : vector<1x16xi32> to vector<16xi32>
      %mul3A_643 = arith.constant 2 : i32
      %mul3A_644 = vector.broadcast %mul3A_643 : i32 to vector<16xi32>
      %mul3A_645 = arith.muli %get3A_642, %mul3A_644 : vector<16xi32>
      %add3A_646 = vector.broadcast %arg0 : i32 to vector<16xi32>
      %add3A_647 = arith.addi %mul3A_645, %add3A_646 : vector<16xi32>
      %swap3A_648 = arith.constant 1 : i32
      %swap3A_649 = arith.index_cast %swap3A_648 : i32 to index
      %swap3A_650 = arith.constant 112 : index
      %swap3A_651 = tpu.vector_load %arg10[%swap3A_649, %swap3A_650] {strides = array<i32>} : memref<2x128xi32, #tpu.memory_space<vmem>>, vector<1x16xi32>,
      %swap3A_652 = vector.shape_cast %swap3A_651 : vector<1x16xi32> to vector<16xi32>
      %swap3A_653 = vector.shape_cast %add3A_647 : vector<16xi32> to vector<1x16xi32>
      tpu.vector_store %arg10[%swap3A_649, %swap3A_650], %swap3A_653 {strides = array<i32>} : memref<2x128xi32, #tpu.memory_space<vmem>>, vector<1x16xi32>,
      %dma_start3A_654 = arith.constant 1 : i32
      %dma_start3A_655 = arith.constant 1 : i32
      %dma_start3A_656 = arith.constant 0 : i32
      %dma_start3A_657 = arith.constant 0 : i32
      %dma_start3A_658 = tpu.memref_slice %arg11[%dma_start3A_655, %dma_start3A_656, %dma_start3A_657] : memref<2x128x128xf32, #tpu.memory_space<vmem>> -> memref<1x128x128xf32, #tpu.memory_space<vmem>>
      %dma_start3A_659 = tpu.memref_squeeze %dma_start3A_658 : memref<1x128x128xf32, #tpu.memory_space<vmem>> -> memref<128x128xf32, #tpu.memory_space<vmem>>
      %dma_start3A_660 = arith.constant 0 : i32
      %dma_start3A_661 = tpu.memref_slice %arg10[%dma_start3A_654, %dma_start3A_660] : memref<2x128xi32, #tpu.memory_space<vmem>> -> memref<1x128xi32, #tpu.memory_space<vmem>>
      %dma_start3A_662 = tpu.memref_squeeze %dma_start3A_661 : memref<1x128xi32, #tpu.memory_space<vmem>> -> memref<128xi32, #tpu.memory_space<vmem>>
      %dma_start3A_663 = arith.constant 0 : i32
      %dma_start3A_664 = arith.constant 0 : i32
      %dma_start3A_665 = tpu.memref_slice %arg2[%dma_start3A_663, %dma_start3A_664] : memref<20000x128xf32, #tpu.memory_space<hbm>> -> memref<20000x128xf32, #tpu.memory_space<hbm>>
      tpu.enqueue_indirect_dma source(%dma_start3A_665 : memref<20000x128xf32, #tpu.memory_space<hbm>>) target(%dma_start3A_659 : memref<128x128xf32, #tpu.memory_space<vmem>>) offsets(%dma_start3A_662 : memref<128xi32, #tpu.memory_space<vmem>>) semaphore(%arg17 : memref<!tpu.dma_semaphore, #tpu.memory_space<semaphore_mem>>)
    }
    %scan3A_290 = arith.constant 38 : i32
    %dma_wait3A = arith.constant 0 : i32
    %dma_wait3A_291 = arith.constant 0 : i32
    %dma_wait3A_292 = arith.constant 0 : i32
    %dma_wait3A_293 = arith.constant 0 : i32
    %dma_wait3A_294 = tpu.memref_slice %arg11[%dma_wait3A_291, %dma_wait3A_292, %dma_wait3A_293] : memref<2x128x128xf32, #tpu.memory_space<vmem>> -> memref<1x128x128xf32, #tpu.memory_space<vmem>>
    %dma_wait3A_295 = tpu.memref_squeeze %dma_wait3A_294 : memref<1x128x128xf32, #tpu.memory_space<vmem>> -> memref<128x128xf32, #tpu.memory_space<vmem>>
    %dma_wait3A_296 = arith.constant 0 : i32
    %dma_wait3A_297 = tpu.memref_slice %arg10[%dma_wait3A, %dma_wait3A_296] : memref<2x128xi32, #tpu.memory_space<vmem>> -> memref<1x128xi32, #tpu.memory_space<vmem>>
    %dma_wait3A_298 = tpu.memref_squeeze %dma_wait3A_297 : memref<1x128xi32, #tpu.memory_space<vmem>> -> memref<128xi32, #tpu.memory_space<vmem>>
    %dma_wait3A_299 = arith.constant 0 : i32
    %dma_wait3A_300 = arith.constant 0 : i32
    %dma_wait3A_301 = tpu.memref_slice %arg2[%dma_wait3A_299, %dma_wait3A_300] : memref<20000x128xf32, #tpu.memory_space<hbm>> -> memref<20000x128xf32, #tpu.memory_space<hbm>>
    tpu.wait_indirect_dma semaphore(%arg16 : memref<!tpu.dma_semaphore, #tpu.memory_space<semaphore_mem>>) src(%dma_wait3A_301 : memref<20000x128xf32, #tpu.memory_space<hbm>>) dst(%dma_wait3A_295 : memref<128x128xf32, #tpu.memory_space<vmem>>)
    %run_scoped3A_302 = arith.constant 0 : i32
    %run_scoped3A_303 = arith.constant 0 : i32
    "tpu.region"() ({
      %run_scoped3A_339 = tpu.sem_alloc : memref<!tpu.dma_semaphore, #tpu.memory_space<semaphore_mem>>
      %dma_start3A_340 = arith.constant 0 : i32
      %dma_start3A_341 = arith.constant 0 : i32
      %dma_start3A_342 = tpu.memref_slice %arg11[%run_scoped3A_302, %dma_start3A_340, %dma_start3A_341] : memref<2x128x128xf32, #tpu.memory_space<vmem>> -> memref<1x128x128xf32, #tpu.memory_space<vmem>>
      %dma_start3A_343 = tpu.memref_squeeze %dma_start3A_342 : memref<1x128x128xf32, #tpu.memory_space<vmem>> -> memref<128x128xf32, #tpu.memory_space<vmem>>
      %dma_start3A_344 = arith.constant 0 : i32
      %dma_start3A_345 = tpu.memref_slice %arg9[%run_scoped3A_303, %dma_start3A_344] : memref<2x128xi32, #tpu.memory_space<vmem>> -> memref<1x128xi32, #tpu.memory_space<vmem>>
      %dma_start3A_346 = tpu.memref_squeeze %dma_start3A_345 : memref<1x128xi32, #tpu.memory_space<vmem>> -> memref<128xi32, #tpu.memory_space<vmem>>
      %dma_start3A_347 = arith.constant 0 : i32
      %dma_start3A_348 = arith.constant 0 : i32
      %dma_start3A_349 = tpu.memref_slice %arg7[%dma_start3A_347, %dma_start3A_348] : memref<10112x128xf32, #tpu.memory_space<vmem_shared>> -> memref<10112x128xf32, #tpu.memory_space<vmem_shared>>
      tpu.enqueue_indirect_dma source(%dma_start3A_343 : memref<128x128xf32, #tpu.memory_space<vmem>>) target(%dma_start3A_349 : memref<10112x128xf32, #tpu.memory_space<vmem_shared>>) offsets(%dma_start3A_346 : memref<128xi32, #tpu.memory_space<vmem>>) semaphore(%run_scoped3A_339 : memref<!tpu.dma_semaphore, #tpu.memory_space<semaphore_mem>>) {add = true}
      %dma_wait3A_350 = arith.constant 0 : i32
      %dma_wait3A_351 = arith.constant 0 : i32
      %dma_wait3A_352 = tpu.memref_slice %arg11[%run_scoped3A_302, %dma_wait3A_350, %dma_wait3A_351] : memref<2x128x128xf32, #tpu.memory_space<vmem>> -> memref<1x128x128xf32, #tpu.memory_space<vmem>>
      %dma_wait3A_353 = tpu.memref_squeeze %dma_wait3A_352 : memref<1x128x128xf32, #tpu.memory_space<vmem>> -> memref<128x128xf32, #tpu.memory_space<vmem>>
      %dma_wait3A_354 = arith.constant 0 : i32
      %dma_wait3A_355 = tpu.memref_slice %arg9[%run_scoped3A_303, %dma_wait3A_354] : memref<2x128xi32, #tpu.memory_space<vmem>> -> memref<1x128xi32, #tpu.memory_space<vmem>>
      %dma_wait3A_356 = tpu.memref_squeeze %dma_wait3A_355 : memref<1x128xi32, #tpu.memory_space<vmem>> -> memref<128xi32, #tpu.memory_space<vmem>>
      %dma_wait3A_357 = arith.constant 0 : i32
      %dma_wait3A_358 = arith.constant 0 : i32
      %dma_wait3A_359 = tpu.memref_slice %arg7[%dma_wait3A_357, %dma_wait3A_358] : memref<10112x128xf32, #tpu.memory_space<vmem_shared>> -> memref<10112x128xf32, #tpu.memory_space<vmem_shared>>
      tpu.wait_indirect_dma semaphore(%run_scoped3A_339 : memref<!tpu.dma_semaphore, #tpu.memory_space<semaphore_mem>>) src(%dma_wait3A_353 : memref<128x128xf32, #tpu.memory_space<vmem>>) dst(%dma_wait3A_359 : memref<10112x128xf32, #tpu.memory_space<vmem_shared>>)
      tpu.yield
    }) : () -> ()
    %dma_wait3A_304 = arith.constant 1 : i32
    %dma_wait3A_305 = arith.constant 1 : i32
    %dma_wait3A_306 = arith.constant 0 : i32
    %dma_wait3A_307 = arith.constant 0 : i32
    %dma_wait3A_308 = tpu.memref_slice %arg11[%dma_wait3A_305, %dma_wait3A_306, %dma_wait3A_307] : memref<2x128x128xf32, #tpu.memory_space<vmem>> -> memref<1x128x128xf32, #tpu.memory_space<vmem>>
    %dma_wait3A_309 = tpu.memref_squeeze %dma_wait3A_308 : memref<1x128x128xf32, #tpu.memory_space<vmem>> -> memref<128x128xf32, #tpu.memory_space<vmem>>
    %dma_wait3A_310 = arith.constant 0 : i32
    %dma_wait3A_311 = tpu.memref_slice %arg10[%dma_wait3A_304, %dma_wait3A_310] : memref<2x128xi32, #tpu.memory_space<vmem>> -> memref<1x128xi32, #tpu.memory_space<vmem>>
    %dma_wait3A_312 = tpu.memref_squeeze %dma_wait3A_311 : memref<1x128xi32, #tpu.memory_space<vmem>> -> memref<128xi32, #tpu.memory_space<vmem>>
    %dma_wait3A_313 = arith.constant 0 : i32
    %dma_wait3A_314 = arith.constant 0 : i32
    %dma_wait3A_315 = tpu.memref_slice %arg2[%dma_wait3A_313, %dma_wait3A_314] : memref<20000x128xf32, #tpu.memory_space<hbm>> -> memref<20000x128xf32, #tpu.memory_space<hbm>>
    tpu.wait_indirect_dma semaphore(%arg17 : memref<!tpu.dma_semaphore, #tpu.memory_space<semaphore_mem>>) src(%dma_wait3A_315 : memref<20000x128xf32, #tpu.memory_space<hbm>>) dst(%dma_wait3A_309 : memref<128x128xf32, #tpu.memory_space<vmem>>)
    %run_scoped3A_316 = arith.constant 1 : i32
    %run_scoped3A_317 = arith.constant 1 : i32
    "tpu.region"() ({
      %run_scoped3A_339 = tpu.sem_alloc : memref<!tpu.dma_semaphore, #tpu.memory_space<semaphore_mem>>
      %dma_start3A_340 = arith.constant 0 : i32
      %dma_start3A_341 = arith.constant 0 : i32
      %dma_start3A_342 = tpu.memref_slice %arg11[%run_scoped3A_316, %dma_start3A_340, %dma_start3A_341] : memref<2x128x128xf32, #tpu.memory_space<vmem>> -> memref<1x128x128xf32, #tpu.memory_space<vmem>>
      %dma_start3A_343 = tpu.memref_squeeze %dma_start3A_342 : memref<1x128x128xf32, #tpu.memory_space<vmem>> -> memref<128x128xf32, #tpu.memory_space<vmem>>
      %dma_start3A_344 = arith.constant 0 : i32
      %dma_start3A_345 = tpu.memref_slice %arg9[%run_scoped3A_317, %dma_start3A_344] : memref<2x128xi32, #tpu.memory_space<vmem>> -> memref<1x128xi32, #tpu.memory_space<vmem>>
      %dma_start3A_346 = tpu.memref_squeeze %dma_start3A_345 : memref<1x128xi32, #tpu.memory_space<vmem>> -> memref<128xi32, #tpu.memory_space<vmem>>
      %dma_start3A_347 = arith.constant 0 : i32
      %dma_start3A_348 = arith.constant 0 : i32
      %dma_start3A_349 = tpu.memref_slice %arg7[%dma_start3A_347, %dma_start3A_348] : memref<10112x128xf32, #tpu.memory_space<vmem_shared>> -> memref<10112x128xf32, #tpu.memory_space<vmem_shared>>
      tpu.enqueue_indirect_dma source(%dma_start3A_343 : memref<128x128xf32, #tpu.memory_space<vmem>>) target(%dma_start3A_349 : memref<10112x128xf32, #tpu.memory_space<vmem_shared>>) offsets(%dma_start3A_346 : memref<128xi32, #tpu.memory_space<vmem>>) semaphore(%run_scoped3A_339 : memref<!tpu.dma_semaphore, #tpu.memory_space<semaphore_mem>>) {add = true}
      %dma_wait3A_350 = arith.constant 0 : i32
      %dma_wait3A_351 = arith.constant 0 : i32
      %dma_wait3A_352 = tpu.memref_slice %arg11[%run_scoped3A_316, %dma_wait3A_350, %dma_wait3A_351] : memref<2x128x128xf32, #tpu.memory_space<vmem>> -> memref<1x128x128xf32, #tpu.memory_space<vmem>>
      %dma_wait3A_353 = tpu.memref_squeeze %dma_wait3A_352 : memref<1x128x128xf32, #tpu.memory_space<vmem>> -> memref<128x128xf32, #tpu.memory_space<vmem>>
      %dma_wait3A_354 = arith.constant 0 : i32
      %dma_wait3A_355 = tpu.memref_slice %arg9[%run_scoped3A_317, %dma_wait3A_354] : memref<2x128xi32, #tpu.memory_space<vmem>> -> memref<1x128xi32, #tpu.memory_space<vmem>>
      %dma_wait3A_356 = tpu.memref_squeeze %dma_wait3A_355 : memref<1x128xi32, #tpu.memory_space<vmem>> -> memref<128xi32, #tpu.memory_space<vmem>>
      %dma_wait3A_357 = arith.constant 0 : i32
      %dma_wait3A_358 = arith.constant 0 : i32
      %dma_wait3A_359 = tpu.memref_slice %arg7[%dma_wait3A_357, %dma_wait3A_358] : memref<10112x128xf32, #tpu.memory_space<vmem_shared>> -> memref<10112x128xf32, #tpu.memory_space<vmem_shared>>
      tpu.wait_indirect_dma semaphore(%run_scoped3A_339 : memref<!tpu.dma_semaphore, #tpu.memory_space<semaphore_mem>>) src(%dma_wait3A_353 : memref<128x128xf32, #tpu.memory_space<vmem>>) dst(%dma_wait3A_359 : memref<10112x128xf32, #tpu.memory_space<vmem_shared>>)
      tpu.yield
    }) : () -> ()
    %add3A_318 = arith.constant 9984 : i32
    %add3A_319 = arith.addi %mul3A_2, %add3A_318 : i32
    "tpu.region"() ({
      %run_scoped3A_339 = tpu.sem_alloc : memref<!tpu.dma_semaphore, #tpu.memory_space<semaphore_mem>>
      %dma_start3A_340 = tpu.memref_slice %arg3[%add3A_319] : memref<160000xi32, #tpu.memory_space<hbm>> -> memref<16xi32, #tpu.memory_space<hbm>>
      %dma_start3A_341 = tpu.memref_slice %arg3[%add3A_319] : memref<160000xi32, #tpu.memory_space<hbm>> -> memref<16xi32, #tpu.memory_space<hbm>>
      tpu.enqueue_dma source(%dma_start3A_341 : memref<16xi32, #tpu.memory_space<hbm>>) target(%arg12 : memref<16xi32, #tpu.memory_space<vmem>>) target_semaphore(%run_scoped3A_339 : memref<!tpu.dma_semaphore, #tpu.memory_space<semaphore_mem>>)
      %dma_wait3A_342 = tpu.memref_slice %arg3[%add3A_319] : memref<160000xi32, #tpu.memory_space<hbm>> -> memref<16xi32, #tpu.memory_space<hbm>>
      %dma_wait3A_343 = tpu.memref_slice %arg3[%add3A_319] : memref<160000xi32, #tpu.memory_space<hbm>> -> memref<16xi32, #tpu.memory_space<hbm>>
      tpu.wait_dma2 semaphore(%run_scoped3A_339 : memref<!tpu.dma_semaphore, #tpu.memory_space<semaphore_mem>>) src(%dma_wait3A_343 : memref<16xi32, #tpu.memory_space<hbm>>) dst(%arg12 : memref<16xi32, #tpu.memory_space<vmem>>)
      tpu.yield
    }) : () -> ()
    "tpu.region"() ({
      %run_scoped3A_339 = tpu.sem_alloc : memref<!tpu.dma_semaphore, #tpu.memory_space<semaphore_mem>>
      %dma_start3A_340 = tpu.memref_slice %arg4[%add3A_319] : memref<160000xi32, #tpu.memory_space<hbm>> -> memref<16xi32, #tpu.memory_space<hbm>>
      %dma_start3A_341 = tpu.memref_slice %arg4[%add3A_319] : memref<160000xi32, #tpu.memory_space<hbm>> -> memref<16xi32, #tpu.memory_space<hbm>>
      tpu.enqueue_dma source(%dma_start3A_341 : memref<16xi32, #tpu.memory_space<hbm>>) target(%arg13 : memref<16xi32, #tpu.memory_space<vmem>>) target_semaphore(%run_scoped3A_339 : memref<!tpu.dma_semaphore, #tpu.memory_space<semaphore_mem>>)
      %dma_wait3A_342 = tpu.memref_slice %arg4[%add3A_319] : memref<160000xi32, #tpu.memory_space<hbm>> -> memref<16xi32, #tpu.memory_space<hbm>>
      %dma_wait3A_343 = tpu.memref_slice %arg4[%add3A_319] : memref<160000xi32, #tpu.memory_space<hbm>> -> memref<16xi32, #tpu.memory_space<hbm>>
      tpu.wait_dma2 semaphore(%run_scoped3A_339 : memref<!tpu.dma_semaphore, #tpu.memory_space<semaphore_mem>>) src(%dma_wait3A_343 : memref<16xi32, #tpu.memory_space<hbm>>) dst(%arg13 : memref<16xi32, #tpu.memory_space<vmem>>)
      tpu.yield
    }) : () -> ()
    %get3A_320 = arith.constant 0 : index
    %get3A_321 = tpu.vector_load %arg12[%get3A_320] {strides = array<i32>} : memref<16xi32, #tpu.memory_space<vmem>>, vector<16xi32>,
    %get3A_322 = vector.shape_cast %get3A_321 : vector<16xi32> to vector<16xi32>
    %mul3A_323 = arith.constant 2 : i32
    %mul3A_324 = vector.broadcast %mul3A_323 : i32 to vector<16xi32>
    %mul3A_325 = arith.muli %get3A_322, %mul3A_324 : vector<16xi32>
    %add3A_326 = vector.broadcast %arg0 : i32 to vector<16xi32>
    %add3A_327 = arith.addi %mul3A_325, %add3A_326 : vector<16xi32>
    %swap3A_328 = arith.constant 0 : index
    %swap3A_329 = tpu.vector_load %arg14[%swap3A_328] {strides = array<i32>} : memref<16xi32, #tpu.memory_space<vmem>>, vector<16xi32>,
    %swap3A_330 = vector.shape_cast %swap3A_329 : vector<16xi32> to vector<16xi32>
    %swap3A_331 = vector.shape_cast %add3A_327 : vector<16xi32> to vector<16xi32>
    tpu.vector_store %arg14[%swap3A_328], %swap3A_331 {strides = array<i32>} : memref<16xi32, #tpu.memory_space<vmem>>, vector<16xi32>,
    %dma_start3A_332 = arith.constant 0 : i32
    %dma_start3A_333 = arith.constant 0 : i32
    %dma_start3A_334 = tpu.memref_slice %arg2[%dma_start3A_332, %dma_start3A_333] : memref<20000x128xf32, #tpu.memory_space<hbm>> -> memref<20000x128xf32, #tpu.memory_space<hbm>>
    tpu.enqueue_indirect_dma source(%dma_start3A_334 : memref<20000x128xf32, #tpu.memory_space<hbm>>) target(%arg15 : memref<16x128xf32, #tpu.memory_space<vmem>>) offsets(%arg14 : memref<16xi32, #tpu.memory_space<vmem>>) semaphore(%arg16 : memref<!tpu.dma_semaphore, #tpu.memory_space<semaphore_mem>>)
    %dma_wait3A_335 = arith.constant 0 : i32
    %dma_wait3A_336 = arith.constant 0 : i32
    %dma_wait3A_337 = tpu.memref_slice %arg2[%dma_wait3A_335, %dma_wait3A_336] : memref<20000x128xf32, #tpu.memory_space<hbm>> -> memref<20000x128xf32, #tpu.memory_space<hbm>>
    tpu.wait_indirect_dma semaphore(%arg16 : memref<!tpu.dma_semaphore, #tpu.memory_space<semaphore_mem>>) src(%dma_wait3A_337 : memref<20000x128xf32, #tpu.memory_space<hbm>>) dst(%arg15 : memref<16x128xf32, #tpu.memory_space<vmem>>)
    "tpu.region"() ({
      %run_scoped3A_339 = tpu.sem_alloc : memref<!tpu.dma_semaphore, #tpu.memory_space<semaphore_mem>>
      %dma_start3A_340 = arith.constant 0 : i32
      %dma_start3A_341 = arith.constant 0 : i32
      %dma_start3A_342 = tpu.memref_slice %arg7[%dma_start3A_340, %dma_start3A_341] : memref<10112x128xf32, #tpu.memory_space<vmem_shared>> -> memref<10112x128xf32, #tpu.memory_space<vmem_shared>>
      tpu.enqueue_indirect_dma source(%arg15 : memref<16x128xf32, #tpu.memory_space<vmem>>) target(%dma_start3A_342 : memref<10112x128xf32, #tpu.memory_space<vmem_shared>>) offsets(%arg13 : memref<16xi32, #tpu.memory_space<vmem>>) semaphore(%run_scoped3A_339 : memref<!tpu.dma_semaphore, #tpu.memory_space<semaphore_mem>>) {add = true}
      %dma_wait3A_343 = arith.constant 0 : i32
      %dma_wait3A_344 = arith.constant 0 : i32
      %dma_wait3A_345 = tpu.memref_slice %arg7[%dma_wait3A_343, %dma_wait3A_344] : memref<10112x128xf32, #tpu.memory_space<vmem_shared>> -> memref<10112x128xf32, #tpu.memory_space<vmem_shared>>
      tpu.wait_indirect_dma semaphore(%run_scoped3A_339 : memref<!tpu.dma_semaphore, #tpu.memory_space<semaphore_mem>>) src(%arg15 : memref<16x128xf32, #tpu.memory_space<vmem>>) dst(%dma_wait3A_345 : memref<10112x128xf32, #tpu.memory_space<vmem_shared>>)
      tpu.yield
    }) : () -> ()
    %barrier3A_338 = arith.constant 0 : index
    tpu.barrier barrier_id(%barrier3A_338)
    "tpu.region"() ({
      %run_scoped3A_339 = tpu.sem_alloc : memref<!tpu.dma_semaphore, #tpu.memory_space<semaphore_mem>>
      %dma_start3A_340 = arith.constant 0 : i32
      %dma_start3A_341 = tpu.memref_slice %arg6[%arg0, %mul3A_0, %dma_start3A_340] : memref<2x10112x128xf32, #tpu.memory_space<hbm>> -> memref<1x632x128xf32, #tpu.memory_space<hbm>>
      %dma_start3A_342 = tpu.memref_squeeze %dma_start3A_341 : memref<1x632x128xf32, #tpu.memory_space<hbm>> -> memref<632x128xf32, #tpu.memory_space<hbm>>
      %dma_start3A_343 = arith.constant 0 : i32
      %dma_start3A_344 = tpu.memref_slice %arg7[%mul3A_0, %dma_start3A_343] : memref<10112x128xf32, #tpu.memory_space<vmem_shared>> -> memref<632x128xf32, #tpu.memory_space<vmem_shared>>
      tpu.enqueue_dma source(%dma_start3A_344 : memref<632x128xf32, #tpu.memory_space<vmem_shared>>) target(%dma_start3A_342 : memref<632x128xf32, #tpu.memory_space<hbm>>) target_semaphore(%run_scoped3A_339 : memref<!tpu.dma_semaphore, #tpu.memory_space<semaphore_mem>>)
      %dma_wait3A_345 = arith.constant 0 : i32
      %dma_wait3A_346 = tpu.memref_slice %arg6[%arg0, %mul3A_0, %dma_wait3A_345] : memref<2x10112x128xf32, #tpu.memory_space<hbm>> -> memref<1x632x128xf32, #tpu.memory_space<hbm>>
      %dma_wait3A_347 = tpu.memref_squeeze %dma_wait3A_346 : memref<1x632x128xf32, #tpu.memory_space<hbm>> -> memref<632x128xf32, #tpu.memory_space<hbm>>
      %dma_wait3A_348 = arith.constant 0 : i32
      %dma_wait3A_349 = tpu.memref_slice %arg7[%mul3A_0, %dma_wait3A_348] : memref<10112x128xf32, #tpu.memory_space<vmem_shared>> -> memref<632x128xf32, #tpu.memory_space<vmem_shared>>
      tpu.wait_dma2 semaphore(%run_scoped3A_339 : memref<!tpu.dma_semaphore, #tpu.memory_space<semaphore_mem>>) src(%dma_wait3A_349 : memref<632x128xf32, #tpu.memory_space<vmem_shared>>) dst(%dma_wait3A_347 : memref<632x128xf32, #tpu.memory_space<hbm>>)
      tpu.yield
    }) : () -> ()
    return
  }
}

module attributes {stable_mosaic.version = 14 : i64} {
  func.func @_tc_body(%arg0: i32, %arg1: memref<2x400x128xf32, #tpu.memory_space<vmem>>, %arg2: memref<400x16xf32, #tpu.memory_space<vmem>>, %arg3: memref<400x256xf32, #tpu.memory_space<vmem>>, %arg4: memref<512x512xf32, #tpu.memory_space<vmem>>, %arg5: memref<512x768xf32, #tpu.memory_space<vmem>>, %arg6: memref<256x768xf32, #tpu.memory_space<vmem>>, %arg7: memref<1x512xf32, #tpu.memory_space<vmem>>, %arg8: memref<1x768xf32, #tpu.memory_space<vmem>>, %arg9: memref<1x768xf32, #tpu.memory_space<vmem>>, %arg10: memref<400x256xf32, #tpu.memory_space<vmem>>) attributes {dimension_semantics = [#tpu.dimension_semantics<arbitrary>], iteration_bounds = array<i64: 25>, scalar_prefetch = 0 : i64, scratch_operands = 0 : i64, tpu.core_type = #tpu.core_type<tc>, window_params = [{transform_indices = @transform_0, window_bounds = array<i64: 2, 400, 128>}, {transform_indices = @transform_1, window_bounds = array<i64: 400, 16>}, {transform_indices = @transform_2, window_bounds = array<i64: 400, 256>}, {pipeline_mode = #tpu.pipeline_mode<synchronous>, transform_indices = @transform_3, window_bounds = array<i64: 512, 512>}, {pipeline_mode = #tpu.pipeline_mode<synchronous>, transform_indices = @transform_4, window_bounds = array<i64: 512, 768>}, {pipeline_mode = #tpu.pipeline_mode<synchronous>, transform_indices = @transform_5, window_bounds = array<i64: 256, 768>}, {pipeline_mode = #tpu.pipeline_mode<synchronous>, transform_indices = @transform_6, window_bounds = array<i64: 1, 512>}, {pipeline_mode = #tpu.pipeline_mode<synchronous>, transform_indices = @transform_7, window_bounds = array<i64: 1, 768>}, {pipeline_mode = #tpu.pipeline_mode<synchronous>, transform_indices = @transform_8, window_bounds = array<i64: 1, 768>}, {transform_indices = @transform_9, window_bounds = array<i64: 400, 256>}]} {
    %get3A = arith.constant 0 : index
    %get3A_0 = arith.constant 0 : index
    %get3A_1 = vector.load %arg3[%get3A, %get3A_0] : memref<400x256xf32, #tpu.memory_space<vmem>>, vector<400x256xf32>
    %get3A_2 = arith.constant 0 : index
    %get3A_3 = arith.constant 0 : index
    %get3A_4 = vector.load %arg2[%get3A_2, %get3A_3] : memref<400x16xf32, #tpu.memory_space<vmem>>, vector<400x1xf32>
    %get3A_5 = arith.constant 0 : index
    %get3A_6 = arith.constant 0 : index
    %get3A_7 = vector.load %arg4[%get3A_5, %get3A_6] : memref<512x512xf32, #tpu.memory_space<vmem>>, vector<512x512xf32>
    %get3A_8 = arith.constant 0 : index
    %get3A_9 = arith.constant 0 : index
    %get3A_10 = arith.constant 0 : index
    %get3A_11 = vector.load %arg1[%get3A_8, %get3A_9, %get3A_10] : memref<2x400x128xf32, #tpu.memory_space<vmem>>, vector<1x400x128xf32>
    %get3A_12 = vector.shape_cast %get3A_11 : vector<1x400x128xf32> to vector<400x128xf32>
    %slice3A = vector.extract_strided_slice %get3A_7 {offsets = [0, 0], sizes = [128, 512], strides = [1, 1]} : vector<512x512xf32> to vector<128x512xf32>
    %dot_general3A = arith.constant dense<0.000000e+00> : vector<400x512xf32>
    %dot_general3A_13 = tpu.matmul %get3A_12, %slice3A, %dot_general3A {dimension_numbers = #tpu.dot_dimension_numbers<[1], [0], [0], [1], [0, 0, 1, 1], [], []>, precision = #tpu.contract_precision<fp32>, transpose_lhs_hint = false} : vector<400x128xf32>, vector<128x512xf32>, vector<400x512xf32> -> vector<400x512xf32>
    %get3A_14 = arith.constant 1 : index
    %get3A_15 = arith.constant 0 : index
    %get3A_16 = arith.constant 0 : index
    %get3A_17 = vector.load %arg1[%get3A_14, %get3A_15, %get3A_16] : memref<2x400x128xf32, #tpu.memory_space<vmem>>, vector<1x400x128xf32>
    %get3A_18 = vector.shape_cast %get3A_17 : vector<1x400x128xf32> to vector<400x128xf32>
    %slice3A_19 = vector.extract_strided_slice %get3A_7 {offsets = [128, 0], sizes = [128, 512], strides = [1, 1]} : vector<512x512xf32> to vector<128x512xf32>
    %dot_general3A_20 = arith.constant dense<0.000000e+00> : vector<400x512xf32>
    %dot_general3A_21 = tpu.matmul %get3A_18, %slice3A_19, %dot_general3A_20 {dimension_numbers = #tpu.dot_dimension_numbers<[1], [0], [0], [1], [0, 0, 1, 1], [], []>, precision = #tpu.contract_precision<fp32>, transpose_lhs_hint = false} : vector<400x128xf32>, vector<128x512xf32>, vector<400x512xf32> -> vector<400x512xf32>
    %add3A = arith.addf %dot_general3A_13, %dot_general3A_21 : vector<400x512xf32>
    %slice3A_22 = vector.extract_strided_slice %get3A_7 {offsets = [256, 0], sizes = [256, 512], strides = [1, 1]} : vector<512x512xf32> to vector<256x512xf32>
    %dot_general3A_23 = arith.constant dense<0.000000e+00> : vector<400x512xf32>
    %dot_general3A_24 = tpu.matmul %get3A_1, %slice3A_22, %dot_general3A_23 {dimension_numbers = #tpu.dot_dimension_numbers<[1], [0], [0], [1], [0, 0, 1, 1], [], []>, transpose_lhs_hint = false} : vector<400x256xf32>, vector<256x512xf32>, vector<400x512xf32> -> vector<400x512xf32>
    %get3A_25 = arith.constant 0 : index
    %get3A_26 = arith.constant 0 : index
    %get3A_27 = vector.load %arg7[%get3A_25, %get3A_26] : memref<1x512xf32, #tpu.memory_space<vmem>>, vector<1x512xf32>
    %add3A_28 = vector.broadcast %get3A_27 : vector<1x512xf32> to vector<400x512xf32>
    %add3A_29 = arith.addf %dot_general3A_24, %add3A_28 : vector<400x512xf32>
    %mul3A = vector.broadcast %get3A_4 : vector<400x1xf32> to vector<400x512xf32>
    %mul3A_30 = arith.mulf %mul3A, %add3A_29 : vector<400x512xf32>
    %add3A_31 = arith.addf %add3A, %mul3A_30 : vector<400x512xf32>
    %get3A_32 = arith.constant 0 : index
    %get3A_33 = arith.constant 0 : index
    %get3A_34 = vector.load %arg5[%get3A_32, %get3A_33] : memref<512x768xf32, #tpu.memory_space<vmem>>, vector<512x768xf32>
    %dot_general3A_35 = arith.constant dense<0.000000e+00> : vector<400x768xf32>
    %dot_general3A_36 = tpu.matmul %add3A_31, %get3A_34, %dot_general3A_35 {dimension_numbers = #tpu.dot_dimension_numbers<[1], [0], [0], [1], [0, 0, 1, 1], [], []>, transpose_lhs_hint = false} : vector<400x512xf32>, vector<512x768xf32>, vector<400x768xf32> -> vector<400x768xf32>
    %get3A_37 = arith.constant 0 : index
    %get3A_38 = arith.constant 0 : index
    %get3A_39 = vector.load %arg8[%get3A_37, %get3A_38] : memref<1x768xf32, #tpu.memory_space<vmem>>, vector<1x768xf32>
    %add3A_40 = vector.broadcast %get3A_39 : vector<1x768xf32> to vector<400x768xf32>
    %add3A_41 = arith.addf %dot_general3A_36, %add3A_40 : vector<400x768xf32>
    %get3A_42 = arith.constant 0 : index
    %get3A_43 = arith.constant 0 : index
    %get3A_44 = vector.load %arg6[%get3A_42, %get3A_43] : memref<256x768xf32, #tpu.memory_space<vmem>>, vector<256x768xf32>
    %dot_general3A_45 = arith.constant dense<0.000000e+00> : vector<400x768xf32>
    %dot_general3A_46 = tpu.matmul %get3A_1, %get3A_44, %dot_general3A_45 {dimension_numbers = #tpu.dot_dimension_numbers<[1], [0], [0], [1], [0, 0, 1, 1], [], []>, transpose_lhs_hint = false} : vector<400x256xf32>, vector<256x768xf32>, vector<400x768xf32> -> vector<400x768xf32>
    %get3A_47 = arith.constant 0 : index
    %get3A_48 = arith.constant 0 : index
    %get3A_49 = vector.load %arg9[%get3A_47, %get3A_48] : memref<1x768xf32, #tpu.memory_space<vmem>>, vector<1x768xf32>
    %add3A_50 = vector.broadcast %get3A_49 : vector<1x768xf32> to vector<400x768xf32>
    %add3A_51 = arith.addf %dot_general3A_46, %add3A_50 : vector<400x768xf32>
    %slice3A_52 = vector.extract_strided_slice %add3A_41 {offsets = [0, 0], sizes = [400, 256], strides = [1, 1]} : vector<400x768xf32> to vector<400x256xf32>
    %slice3A_53 = vector.extract_strided_slice %add3A_51 {offsets = [0, 0], sizes = [400, 256], strides = [1, 1]} : vector<400x768xf32> to vector<400x256xf32>
    %add3A_54 = arith.addf %slice3A_52, %slice3A_53 : vector<400x256xf32>
    %logistic3A = arith.negf %add3A_54 : vector<400x256xf32>
    %logistic3A_55 = math.exp %logistic3A : vector<400x256xf32>
    %logistic3A_56 = arith.constant 1.000000e+00 : f32
    %logistic3A_57 = vector.broadcast %logistic3A_56 : f32 to vector<400x256xf32>
    %logistic3A_58 = arith.addf %logistic3A_57, %logistic3A_55 : vector<400x256xf32>
    %logistic3A_59 = arith.divf %logistic3A_57, %logistic3A_58 : vector<400x256xf32>
    %slice3A_60 = vector.extract_strided_slice %add3A_41 {offsets = [0, 256], sizes = [400, 256], strides = [1, 1]} : vector<400x768xf32> to vector<400x256xf32>
    %slice3A_61 = vector.extract_strided_slice %add3A_51 {offsets = [0, 256], sizes = [400, 256], strides = [1, 1]} : vector<400x768xf32> to vector<400x256xf32>
    %add3A_62 = arith.addf %slice3A_60, %slice3A_61 : vector<400x256xf32>
    %logistic3A_63 = arith.negf %add3A_62 : vector<400x256xf32>
    %logistic3A_64 = math.exp %logistic3A_63 : vector<400x256xf32>
    %logistic3A_65 = arith.constant 1.000000e+00 : f32
    %logistic3A_66 = vector.broadcast %logistic3A_65 : f32 to vector<400x256xf32>
    %logistic3A_67 = arith.addf %logistic3A_66, %logistic3A_64 : vector<400x256xf32>
    %logistic3A_68 = arith.divf %logistic3A_66, %logistic3A_67 : vector<400x256xf32>
    %slice3A_69 = vector.extract_strided_slice %add3A_41 {offsets = [0, 512], sizes = [400, 256], strides = [1, 1]} : vector<400x768xf32> to vector<400x256xf32>
    %slice3A_70 = vector.extract_strided_slice %add3A_51 {offsets = [0, 512], sizes = [400, 256], strides = [1, 1]} : vector<400x768xf32> to vector<400x256xf32>
    %mul3A_71 = arith.mulf %logistic3A_59, %slice3A_70 : vector<400x256xf32>
    %add3A_72 = arith.addf %slice3A_69, %mul3A_71 : vector<400x256xf32>
    %tanh3A = math.tanh %add3A_72 : vector<400x256xf32>
    %sub3A = arith.constant 1.000000e+00 : f32
    %sub3A_73 = vector.broadcast %sub3A : f32 to vector<400x256xf32>
    %sub3A_74 = arith.subf %sub3A_73, %logistic3A_68 : vector<400x256xf32>
    %mul3A_75 = arith.mulf %sub3A_74, %tanh3A : vector<400x256xf32>
    %mul3A_76 = arith.mulf %logistic3A_68, %get3A_1 : vector<400x256xf32>
    %add3A_77 = arith.addf %mul3A_75, %mul3A_76 : vector<400x256xf32>
    %swap3A = arith.constant 0 : index
    %swap3A_78 = arith.constant 0 : index
    %swap3A_79 = vector.load %arg10[%swap3A, %swap3A_78] : memref<400x256xf32, #tpu.memory_space<vmem>>, vector<400x256xf32>
    tpu.vector_store %arg10[%swap3A, %swap3A_78], %add3A_77 {strides = array<i32>} : memref<400x256xf32, #tpu.memory_space<vmem>>, vector<400x256xf32>,
    return
  }
  func.func @transform_0(%arg0: i32) -> (i32, i32, i32) {
    %c0_i32 = arith.constant 0 : i32
    %c0_i32_0 = arith.constant 0 : i32
    %c0_i32_1 = arith.constant 0 : i32
    return %c0_i32, %arg0, %c0_i32_0 : i32, i32, i32
  }
  func.func @transform_1(%arg0: i32) -> (i32, i32) {
    %c0_i32 = arith.constant 0 : i32
    %c0_i32_0 = arith.constant 0 : i32
    return %arg0, %c0_i32 : i32, i32
  }
  func.func @transform_2(%arg0: i32) -> (i32, i32) {
    %c0_i32 = arith.constant 0 : i32
    %c0_i32_0 = arith.constant 0 : i32
    return %arg0, %c0_i32 : i32, i32
  }
  func.func @transform_3(%arg0: i32) -> (i32, i32) {
    %c0_i32 = arith.constant 0 : i32
    %c0_i32_0 = arith.constant 0 : i32
    %c0_i32_1 = arith.constant 0 : i32
    return %c0_i32, %c0_i32_0 : i32, i32
  }
  func.func @transform_4(%arg0: i32) -> (i32, i32) {
    %c0_i32 = arith.constant 0 : i32
    %c0_i32_0 = arith.constant 0 : i32
    %c0_i32_1 = arith.constant 0 : i32
    return %c0_i32, %c0_i32_0 : i32, i32
  }
  func.func @transform_5(%arg0: i32) -> (i32, i32) {
    %c0_i32 = arith.constant 0 : i32
    %c0_i32_0 = arith.constant 0 : i32
    %c0_i32_1 = arith.constant 0 : i32
    return %c0_i32, %c0_i32_0 : i32, i32
  }
  func.func @transform_6(%arg0: i32) -> (i32, i32) {
    %c0_i32 = arith.constant 0 : i32
    %c0_i32_0 = arith.constant 0 : i32
    %c0_i32_1 = arith.constant 0 : i32
    return %c0_i32, %c0_i32_0 : i32, i32
  }
  func.func @transform_7(%arg0: i32) -> (i32, i32) {
    %c0_i32 = arith.constant 0 : i32
    %c0_i32_0 = arith.constant 0 : i32
    %c0_i32_1 = arith.constant 0 : i32
    return %c0_i32, %c0_i32_0 : i32, i32
  }
  func.func @transform_8(%arg0: i32) -> (i32, i32) {
    %c0_i32 = arith.constant 0 : i32
    %c0_i32_0 = arith.constant 0 : i32
    %c0_i32_1 = arith.constant 0 : i32
    return %c0_i32, %c0_i32_0 : i32, i32
  }
  func.func @transform_9(%arg0: i32) -> (i32, i32) {
    %c0_i32 = arith.constant 0 : i32
    %c0_i32_0 = arith.constant 0 : i32
    return %arg0, %c0_i32 : i32, i32
  }
}

module attributes {stable_mosaic.version = 14 : i64} {
  func.func @_tc_body(%arg0: i32, %arg1: memref<2x400x128xf32, #tpu.memory_space<vmem>>, %arg2: memref<400x16xf32, #tpu.memory_space<vmem>>, %arg3: memref<400x256xf32, #tpu.memory_space<vmem>>, %arg4: memref<512x512xf32, #tpu.memory_space<vmem>>, %arg5: memref<512x768xf32, #tpu.memory_space<vmem>>, %arg6: memref<256x768xf32, #tpu.memory_space<vmem>>, %arg7: memref<1x512xf32, #tpu.memory_space<vmem>>, %arg8: memref<1x768xf32, #tpu.memory_space<vmem>>, %arg9: memref<1x768xf32, #tpu.memory_space<vmem>>, %arg10: memref<400x256xf32, #tpu.memory_space<vmem>>) attributes {dimension_semantics = [#tpu.dimension_semantics<arbitrary>], iteration_bounds = array<i64: 25>, scalar_prefetch = 0 : i64, scratch_operands = 0 : i64, tpu.core_type = #tpu.core_type<tc>, window_params = [{transform_indices = @transform_0, window_bounds = array<i64: 2, 400, 128>}, {transform_indices = @transform_1, window_bounds = array<i64: 400, 16>}, {transform_indices = @transform_2, window_bounds = array<i64: 400, 256>}, {pipeline_mode = #tpu.pipeline_mode<synchronous>, transform_indices = @transform_3, window_bounds = array<i64: 512, 512>}, {pipeline_mode = #tpu.pipeline_mode<synchronous>, transform_indices = @transform_4, window_bounds = array<i64: 512, 768>}, {pipeline_mode = #tpu.pipeline_mode<synchronous>, transform_indices = @transform_5, window_bounds = array<i64: 256, 768>}, {pipeline_mode = #tpu.pipeline_mode<synchronous>, transform_indices = @transform_6, window_bounds = array<i64: 1, 512>}, {pipeline_mode = #tpu.pipeline_mode<synchronous>, transform_indices = @transform_7, window_bounds = array<i64: 1, 768>}, {pipeline_mode = #tpu.pipeline_mode<synchronous>, transform_indices = @transform_8, window_bounds = array<i64: 1, 768>}, {transform_indices = @transform_9, window_bounds = array<i64: 400, 256>}]} {
    %get3A = arith.constant 0 : index
    %get3A_0 = arith.constant 0 : index
    %get3A_1 = vector.load %arg3[%get3A, %get3A_0] : memref<400x256xf32, #tpu.memory_space<vmem>>, vector<400x256xf32>
    %get3A_2 = arith.constant 0 : index
    %get3A_3 = arith.constant 0 : index
    %get3A_4 = vector.load %arg2[%get3A_2, %get3A_3] : memref<400x16xf32, #tpu.memory_space<vmem>>, vector<400x1xf32>
    %get3A_5 = arith.constant 0 : index
    %get3A_6 = arith.constant 0 : index
    %get3A_7 = vector.load %arg4[%get3A_5, %get3A_6] : memref<512x512xf32, #tpu.memory_space<vmem>>, vector<512x512xf32>
    %get3A_8 = arith.constant 0 : index
    %get3A_9 = arith.constant 0 : index
    %get3A_10 = arith.constant 0 : index
    %get3A_11 = vector.load %arg1[%get3A_8, %get3A_9, %get3A_10] : memref<2x400x128xf32, #tpu.memory_space<vmem>>, vector<1x400x128xf32>
    %get3A_12 = vector.shape_cast %get3A_11 : vector<1x400x128xf32> to vector<400x128xf32>
    %slice3A = vector.extract_strided_slice %get3A_7 {offsets = [0, 0], sizes = [128, 512], strides = [1, 1]} : vector<512x512xf32> to vector<128x512xf32>
    %dot_general3A = arith.constant dense<0.000000e+00> : vector<400x512xf32>
    %dot_general3A_13 = tpu.matmul %get3A_12, %slice3A, %dot_general3A {dimension_numbers = #tpu.dot_dimension_numbers<[1], [0], [0], [1], [0, 0, 1, 1], [], []>, precision = #tpu.contract_precision<fp32>, transpose_lhs_hint = false} : vector<400x128xf32>, vector<128x512xf32>, vector<400x512xf32> -> vector<400x512xf32>
    %get3A_14 = arith.constant 1 : index
    %get3A_15 = arith.constant 0 : index
    %get3A_16 = arith.constant 0 : index
    %get3A_17 = vector.load %arg1[%get3A_14, %get3A_15, %get3A_16] : memref<2x400x128xf32, #tpu.memory_space<vmem>>, vector<1x400x128xf32>
    %get3A_18 = vector.shape_cast %get3A_17 : vector<1x400x128xf32> to vector<400x128xf32>
    %slice3A_19 = vector.extract_strided_slice %get3A_7 {offsets = [128, 0], sizes = [128, 512], strides = [1, 1]} : vector<512x512xf32> to vector<128x512xf32>
    %dot_general3A_20 = arith.constant dense<0.000000e+00> : vector<400x512xf32>
    %dot_general3A_21 = tpu.matmul %get3A_18, %slice3A_19, %dot_general3A_20 {dimension_numbers = #tpu.dot_dimension_numbers<[1], [0], [0], [1], [0, 0, 1, 1], [], []>, precision = #tpu.contract_precision<fp32>, transpose_lhs_hint = false} : vector<400x128xf32>, vector<128x512xf32>, vector<400x512xf32> -> vector<400x512xf32>
    %add3A = arith.addf %dot_general3A_13, %dot_general3A_21 : vector<400x512xf32>
    %slice3A_22 = vector.extract_strided_slice %get3A_7 {offsets = [256, 0], sizes = [256, 512], strides = [1, 1]} : vector<512x512xf32> to vector<256x512xf32>
    %dot_general3A_23 = arith.constant dense<0.000000e+00> : vector<400x512xf32>
    %dot_general3A_24 = tpu.matmul %get3A_1, %slice3A_22, %dot_general3A_23 {dimension_numbers = #tpu.dot_dimension_numbers<[1], [0], [0], [1], [0, 0, 1, 1], [], []>, transpose_lhs_hint = false} : vector<400x256xf32>, vector<256x512xf32>, vector<400x512xf32> -> vector<400x512xf32>
    %get3A_25 = arith.constant 0 : index
    %get3A_26 = arith.constant 0 : index
    %get3A_27 = vector.load %arg7[%get3A_25, %get3A_26] : memref<1x512xf32, #tpu.memory_space<vmem>>, vector<1x512xf32>
    %add3A_28 = vector.broadcast %get3A_27 : vector<1x512xf32> to vector<400x512xf32>
    %add3A_29 = arith.addf %dot_general3A_24, %add3A_28 : vector<400x512xf32>
    %mul3A = vector.broadcast %get3A_4 : vector<400x1xf32> to vector<400x512xf32>
    %mul3A_30 = arith.mulf %mul3A, %add3A_29 : vector<400x512xf32>
    %add3A_31 = arith.addf %add3A, %mul3A_30 : vector<400x512xf32>
    %get3A_32 = arith.constant 0 : index
    %get3A_33 = arith.constant 0 : index
    %get3A_34 = vector.load %arg5[%get3A_32, %get3A_33] : memref<512x768xf32, #tpu.memory_space<vmem>>, vector<512x768xf32>
    %dot_general3A_35 = arith.constant dense<0.000000e+00> : vector<400x768xf32>
    %dot_general3A_36 = tpu.matmul %add3A_31, %get3A_34, %dot_general3A_35 {dimension_numbers = #tpu.dot_dimension_numbers<[1], [0], [0], [1], [0, 0, 1, 1], [], []>, transpose_lhs_hint = false} : vector<400x512xf32>, vector<512x768xf32>, vector<400x768xf32> -> vector<400x768xf32>
    %get3A_37 = arith.constant 0 : index
    %get3A_38 = arith.constant 0 : index
    %get3A_39 = vector.load %arg8[%get3A_37, %get3A_38] : memref<1x768xf32, #tpu.memory_space<vmem>>, vector<1x768xf32>
    %add3A_40 = vector.broadcast %get3A_39 : vector<1x768xf32> to vector<400x768xf32>
    %add3A_41 = arith.addf %dot_general3A_36, %add3A_40 : vector<400x768xf32>
    %get3A_42 = arith.constant 0 : index
    %get3A_43 = arith.constant 0 : index
    %get3A_44 = vector.load %arg6[%get3A_42, %get3A_43] : memref<256x768xf32, #tpu.memory_space<vmem>>, vector<256x768xf32>
    %dot_general3A_45 = arith.constant dense<0.000000e+00> : vector<400x768xf32>
    %dot_general3A_46 = tpu.matmul %get3A_1, %get3A_44, %dot_general3A_45 {dimension_numbers = #tpu.dot_dimension_numbers<[1], [0], [0], [1], [0, 0, 1, 1], [], []>, transpose_lhs_hint = false} : vector<400x256xf32>, vector<256x768xf32>, vector<400x768xf32> -> vector<400x768xf32>
    %get3A_47 = arith.constant 0 : index
    %get3A_48 = arith.constant 0 : index
    %get3A_49 = vector.load %arg9[%get3A_47, %get3A_48] : memref<1x768xf32, #tpu.memory_space<vmem>>, vector<1x768xf32>
    %add3A_50 = vector.broadcast %get3A_49 : vector<1x768xf32> to vector<400x768xf32>
    %add3A_51 = arith.addf %dot_general3A_46, %add3A_50 : vector<400x768xf32>
    %slice3A_52 = vector.extract_strided_slice %add3A_41 {offsets = [0, 0], sizes = [400, 256], strides = [1, 1]} : vector<400x768xf32> to vector<400x256xf32>
    %slice3A_53 = vector.extract_strided_slice %add3A_51 {offsets = [0, 0], sizes = [400, 256], strides = [1, 1]} : vector<400x768xf32> to vector<400x256xf32>
    %add3A_54 = arith.addf %slice3A_52, %slice3A_53 : vector<400x256xf32>
    %logistic3A = arith.negf %add3A_54 : vector<400x256xf32>
    %logistic3A_55 = math.exp %logistic3A : vector<400x256xf32>
    %logistic3A_56 = arith.constant 1.000000e+00 : f32
    %logistic3A_57 = vector.broadcast %logistic3A_56 : f32 to vector<400x256xf32>
    %logistic3A_58 = arith.addf %logistic3A_57, %logistic3A_55 : vector<400x256xf32>
    %logistic3A_59 = arith.divf %logistic3A_57, %logistic3A_58 : vector<400x256xf32>
    %slice3A_60 = vector.extract_strided_slice %add3A_41 {offsets = [0, 256], sizes = [400, 256], strides = [1, 1]} : vector<400x768xf32> to vector<400x256xf32>
    %slice3A_61 = vector.extract_strided_slice %add3A_51 {offsets = [0, 256], sizes = [400, 256], strides = [1, 1]} : vector<400x768xf32> to vector<400x256xf32>
    %add3A_62 = arith.addf %slice3A_60, %slice3A_61 : vector<400x256xf32>
    %logistic3A_63 = arith.negf %add3A_62 : vector<400x256xf32>
    %logistic3A_64 = math.exp %logistic3A_63 : vector<400x256xf32>
    %logistic3A_65 = arith.constant 1.000000e+00 : f32
    %logistic3A_66 = vector.broadcast %logistic3A_65 : f32 to vector<400x256xf32>
    %logistic3A_67 = arith.addf %logistic3A_66, %logistic3A_64 : vector<400x256xf32>
    %logistic3A_68 = arith.divf %logistic3A_66, %logistic3A_67 : vector<400x256xf32>
    %slice3A_69 = vector.extract_strided_slice %add3A_41 {offsets = [0, 512], sizes = [400, 256], strides = [1, 1]} : vector<400x768xf32> to vector<400x256xf32>
    %slice3A_70 = vector.extract_strided_slice %add3A_51 {offsets = [0, 512], sizes = [400, 256], strides = [1, 1]} : vector<400x768xf32> to vector<400x256xf32>
    %mul3A_71 = arith.mulf %logistic3A_59, %slice3A_70 : vector<400x256xf32>
    %add3A_72 = arith.addf %slice3A_69, %mul3A_71 : vector<400x256xf32>
    %tanh3A = math.tanh %add3A_72 : vector<400x256xf32>
    %sub3A = arith.constant 1.000000e+00 : f32
    %sub3A_73 = vector.broadcast %sub3A : f32 to vector<400x256xf32>
    %sub3A_74 = arith.subf %sub3A_73, %logistic3A_68 : vector<400x256xf32>
    %mul3A_75 = arith.mulf %sub3A_74, %tanh3A : vector<400x256xf32>
    %mul3A_76 = arith.mulf %logistic3A_68, %get3A_1 : vector<400x256xf32>
    %add3A_77 = arith.addf %mul3A_75, %mul3A_76 : vector<400x256xf32>
    %swap3A = arith.constant 0 : index
    %swap3A_78 = arith.constant 0 : index
    %swap3A_79 = vector.load %arg10[%swap3A, %swap3A_78] : memref<400x256xf32, #tpu.memory_space<vmem>>, vector<400x256xf32>
    tpu.vector_store %arg10[%swap3A, %swap3A_78], %add3A_77 {strides = array<i32>} : memref<400x256xf32, #tpu.memory_space<vmem>>, vector<400x256xf32>,
    return
  }
  func.func @transform_0(%arg0: i32) -> (i32, i32, i32) {
    %c0_i32 = arith.constant 0 : i32
    %c0_i32_0 = arith.constant 0 : i32
    %c0_i32_1 = arith.constant 0 : i32
    return %c0_i32, %arg0, %c0_i32_0 : i32, i32, i32
  }
  func.func @transform_1(%arg0: i32) -> (i32, i32) {
    %c0_i32 = arith.constant 0 : i32
    %c0_i32_0 = arith.constant 0 : i32
    return %arg0, %c0_i32 : i32, i32
  }
  func.func @transform_2(%arg0: i32) -> (i32, i32) {
    %c0_i32 = arith.constant 0 : i32
    %c0_i32_0 = arith.constant 0 : i32
    return %arg0, %c0_i32 : i32, i32
  }
  func.func @transform_3(%arg0: i32) -> (i32, i32) {
    %c0_i32 = arith.constant 0 : i32
    %c0_i32_0 = arith.constant 0 : i32
    %c0_i32_1 = arith.constant 0 : i32
    return %c0_i32, %c0_i32_0 : i32, i32
  }
  func.func @transform_4(%arg0: i32) -> (i32, i32) {
    %c0_i32 = arith.constant 0 : i32
    %c0_i32_0 = arith.constant 0 : i32
    %c0_i32_1 = arith.constant 0 : i32
    return %c0_i32, %c0_i32_0 : i32, i32
  }
  func.func @transform_5(%arg0: i32) -> (i32, i32) {
    %c0_i32 = arith.constant 0 : i32
    %c0_i32_0 = arith.constant 0 : i32
    %c0_i32_1 = arith.constant 0 : i32
    return %c0_i32, %c0_i32_0 : i32, i32
  }
  func.func @transform_6(%arg0: i32) -> (i32, i32) {
    %c0_i32 = arith.constant 0 : i32
    %c0_i32_0 = arith.constant 0 : i32
    %c0_i32_1 = arith.constant 0 : i32
    return %c0_i32, %c0_i32_0 : i32, i32
  }
  func.func @transform_7(%arg0: i32) -> (i32, i32) {
    %c0_i32 = arith.constant 0 : i32
    %c0_i32_0 = arith.constant 0 : i32
    %c0_i32_1 = arith.constant 0 : i32
    return %c0_i32, %c0_i32_0 : i32, i32
  }
  func.func @transform_8(%arg0: i32) -> (i32, i32) {
    %c0_i32 = arith.constant 0 : i32
    %c0_i32_0 = arith.constant 0 : i32
    %c0_i32_1 = arith.constant 0 : i32
    return %c0_i32, %c0_i32_0 : i32, i32
  }
  func.func @transform_9(%arg0: i32) -> (i32, i32) {
    %c0_i32 = arith.constant 0 : i32
    %c0_i32_0 = arith.constant 0 : i32
    return %arg0, %c0_i32 : i32, i32
  }
}

</mosaic_0001>

<sc_bundles>
// kernel: kernel.10.cloned.1.call-start
scs
__scs_entry_jumppad:
0x0: {  	(pc) =	sbr.rel $0x88, $3  }
0x1: {  	(tag) =	ssettag $0x0;
	lr =	simm.s32 $0x1  }
0x2: {  	[smem:$0x3F93] =	sst lr;
	_ =	strace $0xD0000000  }
0x3: {  	_ = 	snop  }
0x4: {  	_ = 	snop  }
0x5: {  	_ = 	snop  }
0x6: {  	_ = 	snop  }
0x7: {  	_ = 	snop  }
__scs_overlays_trampoline_lowered:
0x8: {  	[smem:$0x3FA2] =	sst s0  }
0x9: {  	[smem:$0x3FA3] =	sst s1  }
0xa: {  	[smem:$0x3FA4] =	sst s2  }
0xb: {  	[smem:$0x3FA5] =	sst s3  }
0xc: {  	[smem:$0x3FA6] =	sst s4  }
0xd: {  	[smem:$0x3FA7] =	sst s5  }
0xe: {  	[smem:$0x3FA8] =	sst s6  }
0xf: {  	[smem:$0x3FA9] =	sst s7  }
0x10: {  	[smem:$0x3FAA] =	sst s8  }
0x11: {  	[smem:$0x3FAB] =	sst s9;
	s0 =	simm.s32 @!p0 $0x0  }
0x12: {  	s1 =	sld [smem:$0x3F91];
	s0 =	simm.s32 @p0 $0x1  }
0x13: {  	[smem:$0x3FAC] =	sst s0;
	s0 =	simm.s32 @!p1 $0x0  }
0x14: {  	s2 =	sld [smem:$0x3F90];
	s0 =	simm.s32 @p1 $0x1  }
0x15: {  	[smem:$0x3FAD] =	sst s0;
	s0 =	simm.s32 @!p2 $0x0  }
0x16: {  	s3 =	sld [smem:$0x3FDB];
	s0 =	simm.s32 @p2 $0x1  }
0x17: {  	s4 =	simm.s32 $0x1BF5;
	[smem:$0x3FAF] =	sst s0  }
0x18: {  	s0 =	sld [smem:$0x3F92];
	_ =	swait.ge [sflag:s4], $0x0  }
0x19: {  	s7 =	sld [smem:$0x3F93]  }
0x1a: {  	s8 =	sadd.s32 $0xFFFFE003, lr  }
0x1b: {  	s9 =	sadd.s32 $0xFFFFFEF7, lr;
	s5 =	simm.s32 $0xFFFFFFFF;
	p2 =	slt.u32 s8, $0xFFFFF086  }
0x1c: {  	p1 =	slt.u32 s9, $0xF7A;
	s5 =	simm.s32 @!p2 $0x0  }
0x1d: {  	s5 =	simm.s32 @p1 $0x1;
	p0 =	seq.s32 s7, s2  }
0x1e: {  	s7 =	smul.u32 @!p0 $0xF7A, s2;
	p2 =	seq.s32 @!p0 s5, $0x0  }
0x1f: {  	s9 =	smul.u32 $0xF7A, s1;
	s8 =	simm.s32 @!p0 $0x1BF5;
	p2 =	por !p2, p0  }
0x20: {  	[sflag:s8] =	ssyncset.s32 @!p0 $0xFFFFF086;
	s6 =	sadd.s32 @!p0 s3, s7;
	s7 =	simm.s32 @!p0 $0x108  }
0x21: {  	s3 =	sadd.s32 s3, s9;
	s6 =	sadd.s32 @!p0 $0x88, s6;
	s7 =	simm.s32 @p2 $0x1082  }
0x22: {  	[simem:s7], [sflag:s8] =	dma.local @!p0 [hbm:s6], $0xF7A  }
0x23: {  	s9 =	sor.u32 $0xD0000000, s2;
	s6 =	simm.s32 $0x108;
	_ =	swait.ge @!p0 [sflag:s8], $0x0  }
0x24: {  	s3 =	sadd.s32 $0x88, s3;
	s6 =	simm.s32 @!p1 $0x1082;
	[sflag:s4] =	ssyncset.s32 $0xFFFFF086  }
0x25: {  	[simem:s6], [sflag:s4] =	dma.local [hbm:s3], $0xF7A  }
0x26: {  	[smem:$0x3F93] =	sst s1;
	(tag) =	ssettag s2;
	_ =	strace s9  }
0x27: {  	s1 =	sld [smem:$0x3FA3]  }
0x28: {  	s2 =	sld [smem:$0x3FA4]  }
0x29: {  	s4 =	sld [smem:$0x3FA6]  }
0x2a: {  	p0 =	seq.s32 s5, $0x0;
	s5 =	sld [smem:$0x3FA7]  }
0x2b: {  	s6 =	sld [smem:$0x3FA8]  }
0x2c: {  	s7 =	sld [smem:$0x3FA9]  }
0x2d: {  	s3 =	simm.s32 $0x108;
	s8 =	sld [smem:$0x3FAA]  }
0x2e: {  	s3 =	simm.s32 @!p0 $0x1082;
	s9 =	sld [smem:$0x3FAB]  }
0x2f: {  	lr =	sadd.s32 s0, s3;
	s0 =	sld [smem:$0x3FA2]  }
0x30: {  	s3 =	sld [smem:$0x3FA5]  }
0x31: {  	[smem:$0x3FAE] =	sst s10  }
0x32: {  	s10 =	sld [smem:$0x3FAC];
	_ =	sdelay $0x3  }
0x33: {  	p0 =	seq.s32 s10, $0x1;
	s10 =	sld [smem:$0x3FAE];
	_ =	sdelay $0x3  }
0x34: {  	[smem:$0x3FAE] =	sst s10  }
0x35: {  	s10 =	sld [smem:$0x3FAD];
	_ =	sdelay $0x3  }
0x36: {  	p1 =	seq.s32 s10, $0x1;
	s10 =	sld [smem:$0x3FAE];
	_ =	sdelay $0x3  }
0x37: {  	[smem:$0x3FAE] =	sst s10  }
0x38: {  	s10 =	sld [smem:$0x3FAF]  }
0x39: {  	_ = 	snop;
	(pc) =	sbr.ind lr, $3  }
0x3a: {  	_ = 	snop  }
0x3b: {  	_ = 	snop  }
0x3c: {  	p2 =	seq.s32 s10, $0x1;
	s10 =	sld [smem:$0x3FAE]  }
0x3d: {  	_ =	shalt  }
0x3e: {  	_ =	shalt  }
0x3f: {  	_ =	shalt  }
0x40: {  	_ =	shalt  }
0x41: {  	_ =	shalt  }
0x42: {  	_ =	shalt  }
0x43: {  	_ =	shalt  }
0x44: {  	_ =	shalt  }
0x45: {  	_ =	shalt  }
0x46: {  	_ =	shalt  }
0x47: {  	_ =	shalt  }
0x48: {  	_ =	shalt  }
0x49: {  	_ =	shalt  }
0x4a: {  	_ =	shalt  }
0x4b: {  	_ =	shalt  }
0x4c: {  	_ =	shalt  }
0x4d: {  	_ =	shalt  }
0x4e: {  	_ =	shalt  }
0x4f: {  	_ =	shalt  }
0x50: {  	_ =	shalt  }
0x51: {  	_ =	shalt  }
0x52: {  	_ =	shalt  }
0x53: {  	_ =	shalt  }
0x54: {  	_ =	shalt  }
0x55: {  	_ =	shalt  }
0x56: {  	_ =	shalt  }
0x57: {  	_ =	shalt  }
0x58: {  	_ =	shalt  }
0x59: {  	_ =	shalt  }
0x5a: {  	_ =	shalt  }
0x5b: {  	_ =	shalt  }
0x5c: {  	_ =	shalt  }
0x5d: {  	_ =	shalt  }
0x5e: {  	_ =	shalt  }
0x5f: {  	_ =	shalt  }
0x60: {  	_ =	shalt  }
0x61: {  	_ =	shalt  }
0x62: {  	_ =	shalt  }
0x63: {  	_ =	shalt  }
0x64: {  	_ =	shalt  }
0x65: {  	_ =	shalt  }
0x66: {  	_ =	shalt  }
0x67: {  	_ =	shalt  }
0x68: {  	_ =	shalt  }
0x69: {  	_ =	shalt  }
0x6a: {  	_ =	shalt  }
0x6b: {  	_ =	shalt  }
0x6c: {  	_ =	shalt  }
0x6d: {  	_ =	shalt  }
0x6e: {  	_ =	shalt  }
0x6f: {  	_ =	shalt  }
0x70: {  	_ =	shalt  }
0x71: {  	_ =	shalt  }
0x72: {  	_ =	shalt  }
0x73: {  	_ =	shalt  }
0x74: {  	_ =	shalt  }
0x75: {  	_ =	shalt  }
0x76: {  	_ =	shalt  }
0x77: {  	_ =	shalt  }
0x78: {  	_ =	shalt  }
0x79: {  	_ =	shalt  }
0x7a: {  	_ =	shalt  }
0x7b: {  	_ =	shalt  }
0x7c: {  	_ =	shalt  }
0x7d: {  	_ =	shalt  }
0x7e: {  	_ =	shalt  }
0x7f: {  	_ =	shalt  }
0x80: {  	_ =	shalt  }
0x81: {  	_ =	shalt  }
0x82: {  	_ =	shalt  }
0x83: {  	_ =	shalt  }
0x84: {  	_ =	shalt  }
0x85: {  	_ =	shalt  }
0x86: {  	_ =	shalt  }
0x87: {  	_ =	shalt  }
.Lfunc_end0:
.L_simem_size_0:
called_computation.1_lowered:
.L_overlay_start_0:
0x88: {  	s2 =	sld [smem:$0x3FD9]  }
0x89: {  	s3 =	sld [smem:$0x3FFE];
	_ =	sdelay $0x1  }
0x8a: {  	s1 =	srdreg.scid  }
0x8b: {  	s0 =	sand.u32 $0x1, s1  }
0x8c: {  	s17 =	sshll.u32 s0, $0xA;
	s2 =	sadd.s32 s3, s2  }
0x8d: {  	s2 =	sadd.s32 s2, s17  }
0x8e: {  	[smem:$0x3FBA] =	sst s2  }
0x8f: {  	_ = 	snop  }
0x90: {  	s18 =	sld [smem:$0x3FD0];
	(tm) =	ssettm $0x1  }
0x91: {  	s19 =	sld [smem:$0x3FFB];
	_ =	sdelay $0x3  }
0x92: {  	_ =	strace s19  }
0x93: {  	s2 =	sld [smem:$0x3FFC];
	_ =	sdelay $0x3  }
0x94: {  	_ =	strace s2  }
0x95: {  	s2 =	sld [smem:$0x3FFD];
	_ =	sdelay $0x3  }
0x96: {  	_ =	strace s2  }
0x97: {  	_ =	strace $0x8FFFFFFF  }
0x98: {  	s20 =	sld [smem:$0x3FDB];
	_ =	sdelay $0x1  }
0x99: {  	s4 =	simm.s32 $_scs_section_size  }
0x9a: {  	s5 =	simm.s32 $_size__tile_overlayer_lowered;
	s6 =	simm.s32 $_tile_overlayer_lowered  }
0x9b: {  	s7 =	simm.s32 $0x1BFF;
	s21 =	sshll.u32 s6, $0x1;
	s4 =	sadd.s32 s4, s20  }
0x9c: {  	s22 =	simm.s32 $0x0;
	s5 =	sshll.u32 s5, $0x1;
	s6 =	sadd.s32 s21, s4  }
0x9d: {  	[timem:s22], [sflag:s7] =	dma.local [hbm:s6], s5  }
0x9e: {  	_ =	swait.ge [sflag:s7], s5  }
0x9f: {  	s5 =	ssub.s32 $0x0, s5;
	[sflag:s7] =	ssyncset.done $0x0  }
0xa0: {  	[sflag:s7] =	ssyncadd.s32 s5;
	_ =	sdelay $0x1  }
0xa1: {  	s23 =	simm.s32 $0x1B8B  }
0xa2: {  	_ =	swait.ge [sflag:s23], $0x1  }
0xa3: {  	[sflag:s23] =	ssyncset.done $0x0  }
0xa4: {  	[sflag:s23] =	ssyncadd.s32 $0xFFFFFFFF  }
0xa5: {  	s5 =	sld [smem:$0x0]  }
0xa6: {  	s6 =	sand.u32 $0xFFFFFFFE, s1  }
0xa7: {  	p0 =	sne.s32 s1, s6  }
0xa8: {  	s6 =	sshll.u32 @p0 s6, $0xE  }
0xa9: {  	s6 =	sadd.s32 @p0 $0x11B8D, s6;
	s7 =	sshll.u32 @p0 s5, $0x11  }
0xaa: {  	s6 =	sor.u32 @p0 s7, s6  }
0xab: {  	[sflag:s6] =	ssyncadd.remote.s32 @p0 $0x1;
	_ =	sdelay $0x1  }
0xac: {  	s6 =	simm.s32 @p0 $0x1B8D  }
0xad: {  	_ =	swait.eq @p0 [sflag:s6], $0x1  }
0xae: {  	[sflag:s6] =	ssyncadd.s32 @p0 $0xFFFFFFFF  }
0xaf: {  	s7 =	sshll.u32 @!p0 s1, $0xE  }
0xb0: {  	s7 =	sor.u32 @!p0 $0x4000, s7;
	s6 =	simm.s32 @!p0 $0x1B8D  }
0xb1: {  	s5 =	sshll.u32 @!p0 s5, $0x11;
	s7 =	sadd.s32 @!p0 $0x11B8D, s7;
	_ =	swait.eq @!p0 [sflag:s6], $0x1  }
0xb2: {  	s5 =	sor.u32 @!p0 s5, s7;
	[sflag:s6] =	ssyncadd.s32 @!p0 $0xFFFFFFFF  }
0xb3: {  	s25 =	simm.s32 $0x1B8E;
	s24 =	sld [smem:$0x3FFE];
	[sflag:s5] =	ssyncadd.remote.s32 @!p0 $0x1  }
0xb4: {  	s26 =	simm.s32 $execute0_lowered;
	[smem:$0x3FD2] =	sst s25  }
0xb5: {  	s6 =	sshll.u32 s26, $0x1;
	_ =	strace $0x80000049;
	[dreg:$0x1] =	wrdreg $0xFFFFFFFF  }
0xb6: {  	s28 =	simm.s32 $_size_execute0_lowered;
	s4 =	sadd.s32 s4, s6;
	[dreg:$0x0] =	wrdreg $0x0  }
0xb7: {  	s6 =	sshll.u32 s28, $0x1;
	[dreg:$0x2] =	wrdreg s4  }
0xb8: {  	[dreg:$0x3] =	wrdreg s6  }
0xb9: {  	[dreg:$0x4] =	wrdreg $0xC0  }
0xba: {  	_ =	task [dreg:s22], $0x5FFFF  }
0xbb: {  	[dreg:$0x1] =	wrdreg $0xFFFFFFFF  }
0xbc: {  	[dreg:$0x0] =	wrdreg $0x60  }
0xbd: {  	[dreg:$0x2] =	wrdreg s18  }
0xbe: {  	[dreg:$0x3] =	wrdreg s24  }
0xbf: {  	[dreg:$0x4] =	wrdreg $0x0  }
0xc0: {  	[dreg:$0x5] =	wrdreg $0xA  }
0xc1: {  	_ =	task.clear_ibuf [dreg:s22], $0x6FFFF;
	_ =	strace $0x90000049  }
0xc2: {  	s29 =	simm.s32 $0xA;
	_ =	strace $0x8000004B  }
0xc3: {  	_ =	swait.ge [sflag:s29], $0x1  }
0xc4: {  	[sflag:s29] =	ssyncadd.s32 $0xFFFFFFFF  }
0xc5: {  	_ =	strace $0x9000004B  }
0xc6: {  	_ =	sfence  }
0xc7: {  	s30 =	sld [smem:$0x0];
	_ =	sdelay $0x2  }
0xc8: {  	s31 =	sshll.u32 s1, $0xD;
	s1 =	sshrl.u32 s1, $0x2  }
0xc9: {  	s4 =	sand.u32 $0x4000, s31;
	s1 =	sadd.s32 s1, s30  }
0xca: {  	s0 =	sor.u32 s4, s0;
	s1 =	sshll.u32 s1, $0x11  }
0xcb: {  	s0 =	sor.u32 s1, s0  }
0xcc: {  	s0 =	sadd.s32 $0x8F2B, s0  }
0xcd: {  	[sflag:s0] =	ssyncadd.remote.s32 $0x1  }
0xce: {  	_ =	sfence.sel $0xFFFF  }
0xcf: {  	[dreg:$0x0] =	wrdreg $0xFFFFFFFF;
	(pc) =	sbr.abs _section_cstart, $3  }
0xd0: {  	[dreg:$0x1] =	wrdreg $0xFFFFFFFF  }
0xd1: {  	_ =	task.clear_ibuf [dreg:s22], $0x2FFFF;
	_ =	strace $0x9FFFFFFF  }
0xd2: {  	(tm) =	ssettm $0x7FFFFFFF  }
0xd3: {  	_ =	shalt  }
tec
execute0_lowered:
.L_overlay_start_1:
0x0: {  	(tag) =	ssettag $0x1  }
0x1: {  	s2 =	rddreg [dreg:$0x0]  }
0x2: {  	s0 =	rddreg [dreg:$0x1]  }
0x3: {  	s3 =	rddreg [dreg:$0x2]  }
0x4: {  	s13 =	stileid.u32;
	s1 =	srdreg.scid  }
0x5: {  	s4 =	simm.s32 $0x0;
	s18 =	simm.s32 $0x3;
	s28 =	simm.s32 $0x17F00  }
0x6: {  	s29 =	simm.s32 $0x1;
	s30 =	simm.s32 $0x2;
	s5 =	smul.u32 $0x13C00, s13  }
0x7: {  	s31 =	simm.s32 $0x1C080;
	s7 =	sand.u32 $0x1, s1;
	s19 =	smul.u32 $0x4F000, s13  }
0x8: {  	[smem:$0x7FF] =	sst s4;
	s8 =	sadd.s32 $0x2A00, s0;
	s12 =	smul.u32 $0x2710, s13  }
0x9: {  	s9 =	sadd.s32 $0x7A00, s0;
	s21 =	sshll.u32 s13, $0x6;
	s16 =	smul.u32 $0x4E2, s13  }
0xa: {  	s1 =	smul.u32 $0x13C000, s7;
	_ =	strace $0x8000004A;
	s10 =	ssub.s32 $0x2, s7  }
0xb: {  	s6 =	sshrl.u32 s5, $0x3;
	s11 =	sshrl.u32 s10, $0x1;
	s22 =	sshrl.u32 s12, $0x3  }
0xc: {  	s15 =	sadd.s32 s16, s9;
	s16 =	sadd.s32 s16, s8;
	s1 =	sadd.s32 s5, s1  }
0xd: {  	s6 =	sadd.s32 s6, s0;
	s5 =	sshrl.u32 s19, $0x2;
	s20 =	ssub.s32 s10, s11  }
0xe: {  	s23 =	sadd.s32 s8, s22;
	s24 =	sadd.s32 $0x10, s22;
	s12 =	sadd.s32 s9, s22  }
0xf: {  	s10 =	sadd.s32 $0x4E0, s22;
	s19 =	simm.s32 $0x13C00;
	s22 =	simm.s32 $0x13E00  }
0x10: {  	s1 =	sshrl.u32 s1, $0x3;
	s5 =	sadd.s32 s5, s3;
	[dreg:$0x5] =	wrdreg s23  }
0x11: {  	s6 =	sadd.s32 $0x11A00, s6;
	[dreg:$0x6] =	wrdreg s12;
	s25 =	sadd.s32 s8, s24  }
0x12: {  	s11 =	sadd.s32 s9, s24;
	s26 =	sadd.s32 s8, s10;
	s12 =	sadd.s32 s9, s10  }
0x13: {  	s14 =	smax.u32 s20, $0x1;
	s20 =	simm.s32 $0x13D00;
	[dreg:$0x4] =	wrdreg s6  }
0x14: {  	s23 =	simm.s32 $0x13F00;
	s24 =	simm.s32 $0x13C80;
	[dreg:$0x7] =	wrdreg s25  }
0x15: {  	s0 =	sadd.s32 s1, s0;
	s6 =	sor.u32 $0x1C03, s21;
	[dreg:$0x8] =	wrdreg s11  }
0x16: {  	[dreg:$0x9] =	wrdreg s26;
	s17 =	sshrl.u32 s5, $0x3;
	s21 =	simm.s32 $0x80  }
0x17: {  	s25 =	simm.s32 $0x13D80;
	s26 =	simm.s32 $0x13E80;
	s1 =	simm.s32 $0x10  }
0x18: {  	v0 =	vmov s7;
	s5 =	simm.s32 $0x0;
	s13 =	sadd.s32 $0x88A00, s0;
	s0 =	simm.s32 $0x1BF80  }
.LBB2_1:
0x19: {  	s7 =	rddreg [dreg:$0x4]  }
0x1a: {  	[spmem:s17], [sflag:s6] =	dma.local [hbm:s7], $0x2780  }
0x1b: {  	_ =	swait.ge [sflag:s18], $0x2780  }
0x1c: {  	[sflag:s18] =	ssyncset.done $0x0  }
0x1d: {  	[sflag:s18] =	ssyncadd.s32 $0xFFFFD880  }
0x1e: {  	[bflag:$0x0] =	sbarrier.arrive $0xFFFF  }
0x1f: {  	s11 =	rddreg [dreg:$0x5]  }
0x20: {  	[tilespmem:s19], [sflag:$0x3] =	stream.linear.gather [hbm4b:s11+s4], $0x80, $0x38;
	[tilespmem:$0x1C880] =	vst v63  }
0x21: {  	_ =	swait.ge [sflag:s18], $0x80  }
0x22: {  	[sflag:s18] =	ssyncset.done $0x0  }
0x23: {  	s8 =	rddreg [dreg:$0x6];
	[sflag:s18] =	ssyncadd.s32 $0xFFFFFF80  }
0x24: {  	[tilespmem:s20], [sflag:$0x3] =	stream.linear.gather [hbm4b:s8+s4], $0x80, $0x38;
	[tilespmem:$0x1C880] =	vst v63  }
0x25: {  	_ =	swait.ge [sflag:s18], $0x80  }
0x26: {  	[sflag:s18] =	ssyncset.done $0x0  }
0x27: {  	[sflag:s18] =	ssyncadd.s32 $0xFFFFFF80  }
0x28: {  	v1 =	vld [tilespmem:$0x13C00]  }
0x29: {  	v2 =	vld [tilespmem:$0x13C10]  }
0x2a: {  	v3 =	vld [tilespmem:$0x13C20]  }
0x2b: {  	v4 =	vld [tilespmem:$0x13C30]  }
0x2c: {  	v5 =	vld [tilespmem:$0x13C40]  }
0x2d: {  	v6 =	vld [tilespmem:$0x13C50];
	v1 =	vshll.u32 v1, $0x1  }
0x2e: {  	v7 =	vld [tilespmem:$0x13C60];
	v2 =	vshll.u32 v2, $0x1;
	v1 =	vor.u32 v0, v1  }
0x2f: {  	[tilespmem:$0x13E00] =	vst v1;
	v1 =	vor.u32 v0, v2;
	v2 =	vshll.u32 v3, $0x1;
	v3 =	vld [tilespmem:$0x13C70]  }
0x30: {  	[tilespmem:$0x13E10] =	vst v1;
	v1 =	vor.u32 v0, v2;
	v2 =	vshll.u32 v4, $0x1  }
0x31: {  	[tilespmem:$0x13E20] =	vst v1;
	v1 =	vor.u32 v0, v2;
	v2 =	vshll.u32 v5, $0x1  }
0x32: {  	[tilespmem:$0x13E30] =	vst v1;
	v1 =	vor.u32 v0, v2;
	v2 =	vshll.u32 v6, $0x1  }
0x33: {  	[tilespmem:$0x13E40] =	vst v1;
	v1 =	vor.u32 v0, v2;
	v2 =	vshll.u32 v7, $0x1  }
0x34: {  	[tilespmem:$0x13E50] =	vst v1;
	v1 =	vor.u32 v0, v2;
	v2 =	vshll.u32 v3, $0x1  }
0x35: {  	[tilespmem:$0x13E60] =	vst v1;
	v1 =	vor.u32 v0, v2  }
0x36: {  	[tilespmem:$0x13E70] =	vst v1  }
0x37: {  	[tilespmem:s23], [sflag:$0x1] =	stream.indirect.gather [hbm4b:s2+s21], $0x80, s22, s21, $0xb8;
	[tilespmem:$0x1C880] =	vst v63  }
0x38: {  	s9 =	rddreg [dreg:$0x7]  }
0x39: {  	[tilespmem:s24], [sflag:$0x3] =	stream.linear.gather [hbm4b:s9+s4], $0x80, $0x38;
	[tilespmem:$0x1C880] =	vst v63  }
0x3a: {  	_ =	swait.ge [sflag:s18], $0x80  }
0x3b: {  	[sflag:s18] =	ssyncset.done $0x0  }
0x3c: {  	s10 =	rddreg [dreg:$0x8];
	[sflag:s18] =	ssyncadd.s32 $0xFFFFFF80  }
0x3d: {  	[tilespmem:s25], [sflag:$0x3] =	stream.linear.gather [hbm4b:s10+s4], $0x80, $0x38;
	[tilespmem:$0x1C880] =	vst v63  }
0x3e: {  	_ =	swait.ge [sflag:s18], $0x80  }
0x3f: {  	[sflag:s18] =	ssyncset.done $0x0  }
0x40: {  	[sflag:s18] =	ssyncadd.s32 $0xFFFFFF80  }
0x41: {  	v1 =	vld [tilespmem:$0x13C80]  }
0x42: {  	v2 =	vld [tilespmem:$0x13C90]  }
0x43: {  	v3 =	vld [tilespmem:$0x13CA0]  }
0x44: {  	v4 =	vld [tilespmem:$0x13CB0]  }
0x45: {  	v5 =	vld [tilespmem:$0x13CC0]  }
0x46: {  	v57 =	vld [tilespmem:$0x13CD0];
	v1 =	vshll.u32 v1, $0x1  }
0x47: {  	v58 =	vld [tilespmem:$0x13CE0];
	v2 =	vshll.u32 v2, $0x1;
	v1 =	vor.u32 v0, v1  }
0x48: {  	[tilespmem:$0x13E80] =	vst v1;
	v1 =	vor.u32 v0, v2;
	v2 =	vshll.u32 v3, $0x1;
	v3 =	vld [tilespmem:$0x13CF0]  }
0x49: {  	[tilespmem:$0x13E90] =	vst v1;
	v1 =	vor.u32 v0, v2;
	v2 =	vshll.u32 v4, $0x1  }
0x4a: {  	[tilespmem:$0x13EA0] =	vst v1;
	v1 =	vor.u32 v0, v2;
	v2 =	vshll.u32 v5, $0x1  }
0x4b: {  	[tilespmem:$0x13EB0] =	vst v1;
	v1 =	vor.u32 v0, v2;
	v2 =	vshll.u32 v57, $0x1  }
0x4c: {  	[tilespmem:$0x13EC0] =	vst v1;
	v1 =	vor.u32 v0, v2;
	v2 =	vshll.u32 v58, $0x1  }
0x4d: {  	[tilespmem:$0x13ED0] =	vst v1;
	v1 =	vor.u32 v0, v2;
	v2 =	vshll.u32 v3, $0x1  }
0x4e: {  	[tilespmem:$0x13EE0] =	vst v1;
	v1 =	vor.u32 v0, v2  }
0x4f: {  	[tilespmem:$0x13EF0] =	vst v1  }
0x50: {  	[tilespmem:s28], [sflag:$0x2] =	stream.indirect.gather [hbm4b:s2+s21], $0x80, s26, s21, $0xb8;
	[tilespmem:$0x1C880] =	vst v63  }
0x51: {  	_ =	swait.ge [sflag:s29], $0x4000  }
0x52: {  	[sflag:s29] =	ssyncset.done $0x0  }
0x53: {  	[sflag:s29] =	ssyncadd.s32 $0xFFFFC000  }
0x54: {  	[spmem:s3] =	stream.indirect.scatter.add.f32 [tilespmem:s23], [sflag:$0x3], $0x80, s20, s21, $0xb8;
	[tilespmem:$0x1C880] =	vst v63  }
0x55: {  	_ =	swait.ge [sflag:s18], $0x4000  }
0x56: {  	s11 =	sadd.s32 $0xFFFFFB40, s16;
	[sflag:s18] =	ssyncset.done $0x0  }
0x57: {  	s8 =	sadd.s32 $0x4E0, s11;
	[sflag:s18] =	ssyncadd.s32 $0xFFFFC000  }
0x58: {  	[tilespmem:s19], [sflag:$0x3] =	stream.linear.gather [hbm4b:s8+s4], $0x80, $0x38;
	[tilespmem:$0x1C880] =	vst v63  }
0x59: {  	_ =	swait.ge [sflag:s18], $0x80  }
0x5a: {  	s10 =	sadd.s32 $0xFFFFFB40, s15;
	[sflag:s18] =	ssyncset.done $0x0  }
0x5b: {  	s9 =	sadd.s32 $0x4E0, s10;
	[sflag:s18] =	ssyncadd.s32 $0xFFFFFF80  }
0x5c: {  	[tilespmem:s20], [sflag:$0x3] =	stream.linear.gather [hbm4b:s9+s4], $0x80, $0x38;
	[tilespmem:$0x1C880] =	vst v63  }
0x5d: {  	_ =	swait.ge [sflag:s18], $0x80  }
0x5e: {  	[sflag:s18] =	ssyncset.done $0x0  }
0x5f: {  	[sflag:s18] =	ssyncadd.s32 $0xFFFFFF80  }
0x60: {  	v1 =	vld [tilespmem:$0x13C60]  }
0x61: {  	v2 =	vld [tilespmem:$0x13C30]  }
0x62: {  	v3 =	vld [tilespmem:$0x13C70]  }
0x63: {  	v4 =	vld [tilespmem:$0x13C50]  }
0x64: {  	v5 =	vld [tilespmem:$0x13C20]  }
0x65: {  	v59 =	vld [tilespmem:$0x13C40];
	v1 =	vshll.u32 v1, $0x1  }
0x66: {  	v60 =	vld [tilespmem:$0x13C10];
	v2 =	vshll.u32 v2, $0x1;
	v1 =	vor.u32 v0, v1  }
0x67: {  	v8 =	vld [tilespmem:$0x13C00];
	v2 =	vor.u32 v0, v2;
	[tilespmem:$0x13E60] =	vst v1;
	v1 =	vshll.u32 v3, $0x1  }
0x68: {  	[tilespmem:$0x13E30] =	vst v2;
	v2 =	vshll.u32 v4, $0x1;
	v1 =	vor.u32 v0, v1  }
0x69: {  	v3 =	vshll.u32 v5, $0x1;
	v2 =	vor.u32 v0, v2;
	[tilespmem:$0x13E70] =	vst v1  }
0x6a: {  	v1 =	vor.u32 v0, v3;
	v3 =	vshll.u32 v59, $0x1;
	[tilespmem:$0x13E50] =	vst v2  }
0x6b: {  	v2 =	vshll.u32 v60, $0x1;
	[tilespmem:$0x13E20] =	vst v1;
	v1 =	vor.u32 v0, v3  }
0x6c: {  	v3 =	vshll.u32 v8, $0x1;
	v2 =	vor.u32 v0, v2;
	[tilespmem:$0x13E40] =	vst v1  }
0x6d: {  	v1 =	vor.u32 v0, v3;
	[tilespmem:$0x13E10] =	vst v2  }
0x6e: {  	[tilespmem:$0x13E00] =	vst v1  }
0x6f: {  	[tilespmem:s23], [sflag:$0x1] =	stream.indirect.gather [hbm4b:s2+s21], $0x80, s22, s21, $0xb8;
	[tilespmem:$0x1C880] =	vst v63  }
0x70: {  	_ =	swait.ge [sflag:s30], $0x4000  }
0x71: {  	[sflag:s30] =	ssyncset.done $0x0  }
0x72: {  	[sflag:s30] =	ssyncadd.s32 $0xFFFFC000  }
0x73: {  	[spmem:s3] =	stream.indirect.scatter.add.f32 [tilespmem:s28], [sflag:$0x3], $0x80, s25, s21, $0xb8;
	[tilespmem:$0x1C880] =	vst v63  }
0x74: {  	_ =	swait.ge [sflag:s18], $0x4000  }
0x75: {  	[sflag:s18] =	ssyncset.done $0x0  }
0x76: {  	s7 =	sadd.s32 $0x4F0, s11;
	[sflag:s18] =	ssyncadd.s32 $0xFFFFC000  }
0x77: {  	[tilespmem:s24], [sflag:$0x3] =	stream.linear.gather [hbm4b:s7+s4], $0x80, $0x38;
	[tilespmem:$0x1C880] =	vst v63  }
0x78: {  	_ =	swait.ge [sflag:s18], $0x80  }
0x79: {  	[sflag:s18] =	ssyncset.done $0x0  }
0x7a: {  	s11 =	sadd.s32 $0x4F0, s10;
	[sflag:s18] =	ssyncadd.s32 $0xFFFFFF80  }
0x7b: {  	[tilespmem:s25], [sflag:$0x3] =	stream.linear.gather [hbm4b:s11+s4], $0x80, $0x38;
	[tilespmem:$0x1C880] =	vst v63  }
0x7c: {  	_ =	swait.ge [sflag:s18], $0x80  }
0x7d: {  	[sflag:s18] =	ssyncset.done $0x0  }
0x7e: {  	[sflag:s18] =	ssyncadd.s32 $0xFFFFFF80  }
0x7f: {  	v1 =	vld [tilespmem:$0x13CA0]  }
0x80: {  	v2 =	vld [tilespmem:$0x13C90]  }
0x81: {  	v3 =	vld [tilespmem:$0x13CD0]  }
0x82: {  	v4 =	vld [tilespmem:$0x13CB0]  }
0x83: {  	v5 =	vld [tilespmem:$0x13CC0]  }
0x84: {  	v61 =	vld [tilespmem:$0x13C80]  }
0x85: {  	v62 =	vld [tilespmem:$0x13CE0];
	v2 =	vshll.u32 v2, $0x1  }
0x86: {  	v63 =	vld [tilespmem:$0x13CF0];
	v1 =	vshll.u32 v1, $0x1;
	v2 =	vor.u32 v0, v2  }
0x87: {  	v3 =	vshll.u32 v3, $0x1;
	v1 =	vor.u32 v0, v1;
	[tilespmem:$0x13E90] =	vst v2  }
0x88: {  	v2 =	vor.u32 v0, v3;
	v3 =	vshll.u32 v4, $0x1;
	[tilespmem:$0x13EA0] =	vst v1  }
0x89: {  	[tilespmem:$0x13ED0] =	vst v2;
	v2 =	vor.u32 v0, v3;
	v3 =	vshll.u32 v5, $0x1  }
0x8a: {  	v1 =	vshll.u32 v61, $0x1;
	v4 =	vor.u32 v0, v3;
	[tilespmem:$0x13EB0] =	vst v2;
	v2 =	vshll.u32 v62, $0x1  }
0x8b: {  	s8 =	simm.s32 $0xFFFFFB80;
	s7 =	simm.s32 $0xFFFFFB60;
	v3 =	vor.u32 v0, v1;
	[tilespmem:$0x13EC0] =	vst v4;
	v1 =	vor.u32 v0, v2;
	v2 =	vshll.u32 v63, $0x1  }
.LBB2_2:
0x8c: {  	p0 =	sne.s32 s8, $0xFFFFFFE0;
	[tilespmem:$0x13E80] =	vst v3;
	s11 =	smov.u32 s8;
	s8 =	sadd.s32 $0x20, s8  }
0x8d: {  	[tilespmem:$0x13EE0] =	vst v1;
	v1 =	vor.u32 v0, v2  }
0x8e: {  	[tilespmem:$0x13EF0] =	vst v1  }
0x8f: {  	[tilespmem:s28], [sflag:$0x2] =	stream.indirect.gather [hbm4b:s2+s21], $0x80, s26, s21, $0xb8;
	[tilespmem:$0x1C880] =	vst v63  }
0x90: {  	_ =	swait.ge [sflag:s29], $0x4000  }
0x91: {  	[sflag:s29] =	ssyncset.done $0x0  }
0x92: {  	[sflag:s29] =	ssyncadd.s32 $0xFFFFC000  }
0x93: {  	[spmem:s3] =	stream.indirect.scatter.add.f32 [tilespmem:s23], [sflag:$0x3], $0x80, s20, s21, $0xb8;
	[tilespmem:$0x1C880] =	vst v63  }
0x94: {  	_ =	swait.ge [sflag:s18], $0x4000  }
0x95: {  	s9 =	sadd.s32 s7, s16;
	[sflag:s18] =	ssyncset.done $0x0  }
0x96: {  	s10 =	sadd.s32 $0x4E0, s9;
	[sflag:s18] =	ssyncadd.s32 $0xFFFFC000  }
0x97: {  	[tilespmem:s19], [sflag:$0x3] =	stream.linear.gather [hbm4b:s10+s4], $0x80, $0x38;
	[tilespmem:$0x1C880] =	vst v63  }
0x98: {  	_ =	swait.ge [sflag:s18], $0x80  }
0x99: {  	s10 =	sadd.s32 s7, s15;
	s7 =	smov.u32 s11;
	[sflag:s18] =	ssyncset.done $0x0  }
0x9a: {  	s11 =	sadd.s32 $0x4E0, s10;
	[sflag:s18] =	ssyncadd.s32 $0xFFFFFF80  }
0x9b: {  	[tilespmem:s20], [sflag:$0x3] =	stream.linear.gather [hbm4b:s11+s4], $0x80, $0x38;
	[tilespmem:$0x1C880] =	vst v63  }
0x9c: {  	_ =	swait.ge [sflag:s18], $0x80  }
0x9d: {  	[sflag:s18] =	ssyncset.done $0x0  }
0x9e: {  	[sflag:s18] =	ssyncadd.s32 $0xFFFFFF80  }
0x9f: {  	v1 =	vld [tilespmem:$0x13C60]  }
0xa0: {  	v2 =	vld [tilespmem:$0x13C30]  }
0xa1: {  	v3 =	vld [tilespmem:$0x13C70]  }
0xa2: {  	v4 =	vld [tilespmem:$0x13C50]  }
0xa3: {  	v5 =	vld [tilespmem:$0x13C20]  }
0xa4: {  	v6 =	vld [tilespmem:$0x13C40];
	v1 =	vshll.u32 v1, $0x1  }
0xa5: {  	v7 =	vld [tilespmem:$0x13C10];
	v2 =	vshll.u32 v2, $0x1;
	v1 =	vor.u32 v0, v1  }
0xa6: {  	v8 =	vld [tilespmem:$0x13C00];
	v2 =	vor.u32 v0, v2;
	[tilespmem:$0x13E60] =	vst v1;
	v1 =	vshll.u32 v3, $0x1  }
0xa7: {  	[tilespmem:$0x13E30] =	vst v2;
	v2 =	vshll.u32 v4, $0x1;
	v1 =	vor.u32 v0, v1  }
0xa8: {  	v3 =	vshll.u32 v5, $0x1;
	v2 =	vor.u32 v0, v2;
	[tilespmem:$0x13E70] =	vst v1  }
0xa9: {  	v1 =	vor.u32 v0, v3;
	v3 =	vshll.u32 v6, $0x1;
	[tilespmem:$0x13E50] =	vst v2  }
0xaa: {  	v2 =	vshll.u32 v7, $0x1;
	[tilespmem:$0x13E20] =	vst v1;
	v1 =	vor.u32 v0, v3  }
0xab: {  	v3 =	vshll.u32 v8, $0x1;
	v2 =	vor.u32 v0, v2;
	[tilespmem:$0x13E40] =	vst v1  }
0xac: {  	v1 =	vor.u32 v0, v3;
	[tilespmem:$0x13E10] =	vst v2  }
0xad: {  	[tilespmem:$0x13E00] =	vst v1  }
0xae: {  	[tilespmem:s23], [sflag:$0x1] =	stream.indirect.gather [hbm4b:s2+s21], $0x80, s22, s21, $0xb8;
	[tilespmem:$0x1C880] =	vst v63  }
0xaf: {  	_ =	swait.ge [sflag:s30], $0x4000  }
0xb0: {  	[sflag:s30] =	ssyncset.done $0x0  }
0xb1: {  	[sflag:s30] =	ssyncadd.s32 $0xFFFFC000  }
0xb2: {  	[spmem:s3] =	stream.indirect.scatter.add.f32 [tilespmem:s28], [sflag:$0x3], $0x80, s25, s21, $0xb8;
	[tilespmem:$0x1C880] =	vst v63  }
0xb3: {  	_ =	swait.ge [sflag:s18], $0x4000  }
0xb4: {  	[sflag:s18] =	ssyncset.done $0x0  }
0xb5: {  	s9 =	sadd.s32 $0x4F0, s9;
	[sflag:s18] =	ssyncadd.s32 $0xFFFFC000  }
0xb6: {  	[tilespmem:s24], [sflag:$0x3] =	stream.linear.gather [hbm4b:s9+s4], $0x80, $0x38;
	[tilespmem:$0x1C880] =	vst v63  }
0xb7: {  	_ =	swait.ge [sflag:s18], $0x80  }
0xb8: {  	[sflag:s18] =	ssyncset.done $0x0  }
0xb9: {  	s9 =	sadd.s32 $0x4F0, s10;
	[sflag:s18] =	ssyncadd.s32 $0xFFFFFF80  }
0xba: {  	[tilespmem:s25], [sflag:$0x3] =	stream.linear.gather [hbm4b:s9+s4], $0x80, $0x38;
	[tilespmem:$0x1C880] =	vst v63  }
0xbb: {  	_ =	swait.ge [sflag:s18], $0x80  }
0xbc: {  	[sflag:s18] =	ssyncset.done $0x0  }
0xbd: {  	[sflag:s18] =	ssyncadd.s32 $0xFFFFFF80  }
0xbe: {  	v1 =	vld [tilespmem:$0x13CA0]  }
0xbf: {  	v2 =	vld [tilespmem:$0x13C90]  }
0xc0: {  	v3 =	vld [tilespmem:$0x13CD0]  }
0xc1: {  	v4 =	vld [tilespmem:$0x13CB0]  }
0xc2: {  	v5 =	vld [tilespmem:$0x13CC0]  }
0xc3: {  	v6 =	vld [tilespmem:$0x13C80]  }
0xc4: {  	v2 =	vshll.u32 v2, $0x1;
	v7 =	vld [tilespmem:$0x13CE0]  }
0xc5: {  	v1 =	vshll.u32 v1, $0x1;
	v2 =	vor.u32 v0, v2;
	v3 =	vshll.u32 v3, $0x1;
	v8 =	vld [tilespmem:$0x13CF0]  }
.Ltmp0:
0xc6: {  	v1 =	vor.u32 v0, v1;
	[tilespmem:$0x13E90] =	vst v2;
	v2 =	vshll.u32 v4, $0x1;
	v3 =	vor.u32 v0, v3;
	(pc) =	sbr.rel @p0 .LBB2_2-.Ltmp0, $4  }
0xc7: {  	v2 =	vor.u32 v0, v2;
	v4 =	vshll.u32 v5, $0x1;
	[tilespmem:$0x13ED0] =	vst v3  }
0xc8: {  	v3 =	vshll.u32 v6, $0x1;
	[tilespmem:$0x13EA0] =	vst v1;
	v1 =	vor.u32 v0, v4  }
0xc9: {  	[tilespmem:$0x13EB0] =	vst v2;
	v2 =	vshll.u32 v7, $0x1  }
0xca: {  	v3 =	vor.u32 v0, v3;
	[tilespmem:$0x13EC0] =	vst v1;
	v1 =	vor.u32 v0, v2;
	v2 =	vshll.u32 v8, $0x1  }
0xcb: {  	[tilespmem:$0x13E80] =	vst v3  }
0xcc: {  	[tilespmem:$0x13EE0] =	vst v1;
	v1 =	vor.u32 v0, v2  }
0xcd: {  	[tilespmem:$0x13EF0] =	vst v1  }
0xce: {  	[tilespmem:s28], [sflag:$0x2] =	stream.indirect.gather [hbm4b:s2+s21], $0x80, s26, s21, $0xb8;
	[tilespmem:$0x1C880] =	vst v63  }
0xcf: {  	_ =	swait.ge [sflag:s29], $0x4000  }
0xd0: {  	[sflag:s29] =	ssyncset.done $0x0  }
0xd1: {  	[sflag:s29] =	ssyncadd.s32 $0xFFFFC000  }
0xd2: {  	[spmem:s3] =	stream.indirect.scatter.add.f32 [tilespmem:s23], [sflag:$0x3], $0x80, s20, s21, $0xb8;
	[tilespmem:$0x1C880] =	vst v63  }
0xd3: {  	_ =	swait.ge [sflag:s18], $0x4000  }
0xd4: {  	s8 =	sadd.s32 s7, s16;
	[sflag:s18] =	ssyncset.done $0x0  }
0xd5: {  	s9 =	sadd.s32 $0x4E0, s8;
	[sflag:s18] =	ssyncadd.s32 $0xFFFFC000  }
0xd6: {  	[tilespmem:s19], [sflag:$0x3] =	stream.linear.gather [hbm4b:s9+s4], $0x80, $0x38;
	[tilespmem:$0x1C880] =	vst v63  }
0xd7: {  	_ =	swait.ge [sflag:s18], $0x80  }
0xd8: {  	s10 =	sadd.s32 s7, s15;
	[sflag:s18] =	ssyncset.done $0x0  }
0xd9: {  	s11 =	sadd.s32 $0x4E0, s10;
	[sflag:s18] =	ssyncadd.s32 $0xFFFFFF80  }
0xda: {  	[tilespmem:s20], [sflag:$0x3] =	stream.linear.gather [hbm4b:s11+s4], $0x80, $0x38;
	[tilespmem:$0x1C880] =	vst v63  }
0xdb: {  	_ =	swait.ge [sflag:s18], $0x80  }
0xdc: {  	[sflag:s18] =	ssyncset.done $0x0  }
0xdd: {  	[sflag:s18] =	ssyncadd.s32 $0xFFFFFF80  }
0xde: {  	v1 =	vld [tilespmem:$0x13C60]  }
0xdf: {  	v2 =	vld [tilespmem:$0x13C30]  }
0xe0: {  	v3 =	vld [tilespmem:$0x13C70]  }
0xe1: {  	v4 =	vld [tilespmem:$0x13C50]  }
0xe2: {  	v5 =	vld [tilespmem:$0x13C20]  }
0xe3: {  	v6 =	vld [tilespmem:$0x13C40];
	v1 =	vshll.u32 v1, $0x1  }
0xe4: {  	v7 =	vld [tilespmem:$0x13C10];
	v2 =	vshll.u32 v2, $0x1;
	v1 =	vor.u32 v0, v1  }
0xe5: {  	v8 =	vld [tilespmem:$0x13C00];
	v2 =	vor.u32 v0, v2;
	[tilespmem:$0x13E60] =	vst v1;
	v1 =	vshll.u32 v3, $0x1  }
0xe6: {  	[tilespmem:$0x13E30] =	vst v2;
	v2 =	vshll.u32 v4, $0x1;
	v1 =	vor.u32 v0, v1  }
0xe7: {  	v3 =	vshll.u32 v5, $0x1;
	v2 =	vor.u32 v0, v2;
	[tilespmem:$0x13E70] =	vst v1  }
0xe8: {  	v1 =	vor.u32 v0, v3;
	v3 =	vshll.u32 v6, $0x1;
	[tilespmem:$0x13E50] =	vst v2  }
0xe9: {  	v2 =	vshll.u32 v7, $0x1;
	[tilespmem:$0x13E20] =	vst v1;
	v1 =	vor.u32 v0, v3  }
0xea: {  	v3 =	vshll.u32 v8, $0x1;
	v2 =	vor.u32 v0, v2;
	[tilespmem:$0x13E40] =	vst v1  }
0xeb: {  	v1 =	vor.u32 v0, v3;
	[tilespmem:$0x13E10] =	vst v2  }
0xec: {  	[tilespmem:$0x13E00] =	vst v1  }
0xed: {  	[tilespmem:s23], [sflag:$0x1] =	stream.indirect.gather [hbm4b:s2+s21], $0x80, s22, s21, $0xb8;
	[tilespmem:$0x1C880] =	vst v63  }
0xee: {  	_ =	swait.ge [sflag:s30], $0x4000  }
0xef: {  	[sflag:s30] =	ssyncset.done $0x0  }
0xf0: {  	[sflag:s30] =	ssyncadd.s32 $0xFFFFC000  }
0xf1: {  	[spmem:s3] =	stream.indirect.scatter.add.f32 [tilespmem:s28], [sflag:$0x3], $0x80, s25, s21, $0xb8;
	[tilespmem:$0x1C880] =	vst v63  }
0xf2: {  	_ =	swait.ge [sflag:s18], $0x4000  }
0xf3: {  	[sflag:s18] =	ssyncset.done $0x0  }
0xf4: {  	s8 =	sadd.s32 $0x4F0, s8;
	[sflag:s18] =	ssyncadd.s32 $0xFFFFC000  }
0xf5: {  	[tilespmem:s24], [sflag:$0x3] =	stream.linear.gather [hbm4b:s8+s4], $0x80, $0x38;
	[tilespmem:$0x1C880] =	vst v63  }
0xf6: {  	_ =	swait.ge [sflag:s18], $0x80  }
0xf7: {  	[sflag:s18] =	ssyncset.done $0x0  }
0xf8: {  	s7 =	sadd.s32 $0x4F0, s10;
	[sflag:s18] =	ssyncadd.s32 $0xFFFFFF80  }
0xf9: {  	[tilespmem:s25], [sflag:$0x3] =	stream.linear.gather [hbm4b:s7+s4], $0x80, $0x38;
	[tilespmem:$0x1C880] =	vst v63  }
0xfa: {  	_ =	swait.ge [sflag:s18], $0x80  }
0xfb: {  	[sflag:s18] =	ssyncset.done $0x0  }
0xfc: {  	[sflag:s18] =	ssyncadd.s32 $0xFFFFFF80  }
0xfd: {  	v1 =	vld [tilespmem:$0x13C90]  }
0xfe: {  	v2 =	vld [tilespmem:$0x13CD0]  }
0xff: {  	v3 =	vld [tilespmem:$0x13CA0]  }
0x100: {  	v59 =	vld [tilespmem:$0x13CB0]  }
0x101: {  	v60 =	vld [tilespmem:$0x13CC0]  }
0x102: {  	v61 =	vld [tilespmem:$0x13C80];
	v1 =	vshll.u32 v1, $0x1  }
0x103: {  	v62 =	vld [tilespmem:$0x13CE0];
	v2 =	vshll.u32 v2, $0x1;
	v1 =	vor.u32 v0, v1  }
0x104: {  	v63 =	vld [tilespmem:$0x13CF0];
	v3 =	vshll.u32 v3, $0x1;
	[tilespmem:$0x13E90] =	vst v1;
	v1 =	vor.u32 v0, v2  }
0x105: {  	v2 =	vor.u32 v0, v3;
	v3 =	vshll.u32 v59, $0x1;
	[tilespmem:$0x13ED0] =	vst v1  }
0x106: {  	v1 =	vor.u32 v0, v3;
	v3 =	vshll.u32 v60, $0x1;
	[tilespmem:$0x13EA0] =	vst v2  }
0x107: {  	v2 =	vshll.u32 v61, $0x1;
	v3 =	vor.u32 v0, v3;
	[tilespmem:$0x13EB0] =	vst v1  }
0x108: {  	v1 =	vshll.u32 v62, $0x1;
	v2 =	vor.u32 v0, v2;
	[tilespmem:$0x13EC0] =	vst v3  }
0x109: {  	v1 =	vor.u32 v0, v1;
	v3 =	vshll.u32 v63, $0x1;
	[tilespmem:$0x13E80] =	vst v2  }
0x10a: {  	[tilespmem:$0x13EE0] =	vst v1;
	v1 =	vor.u32 v0, v3  }
0x10b: {  	[tilespmem:$0x13EF0] =	vst v1  }
0x10c: {  	[tilespmem:s28], [sflag:$0x2] =	stream.indirect.gather [hbm4b:s2+s21], $0x80, s26, s21, $0xb8;
	[tilespmem:$0x1C880] =	vst v63  }
0x10d: {  	_ =	swait.ge [sflag:s29], $0x4000  }
0x10e: {  	[sflag:s29] =	ssyncset.done $0x0  }
0x10f: {  	[sflag:s29] =	ssyncadd.s32 $0xFFFFC000  }
0x110: {  	[spmem:s3] =	stream.indirect.scatter.add.f32 [tilespmem:s23], [sflag:$0x3], $0x80, s20, s21, $0xb8;
	[tilespmem:$0x1C880] =	vst v63  }
0x111: {  	_ =	swait.ge [sflag:s18], $0x4000  }
0x112: {  	[sflag:s18] =	ssyncset.done $0x0  }
0x113: {  	[sflag:s18] =	ssyncadd.s32 $0xFFFFC000  }
0x114: {  	_ =	swait.ge [sflag:s30], $0x4000  }
0x115: {  	[sflag:s30] =	ssyncset.done $0x0  }
0x116: {  	[sflag:s30] =	ssyncadd.s32 $0xFFFFC000  }
0x117: {  	[spmem:s3] =	stream.indirect.scatter.add.f32 [tilespmem:s28], [sflag:$0x3], $0x80, s25, s21, $0xb8;
	[tilespmem:$0x1C880] =	vst v63  }
0x118: {  	_ =	swait.ge [sflag:s18], $0x4000  }
0x119: {  	[sflag:s18] =	ssyncset.done $0x0  }
0x11a: {  	s10 =	simm.s32 $0x1BF00;
	s9 =	rddreg [dreg:$0x9];
	[sflag:s18] =	ssyncadd.s32 $0xFFFFC000  }
0x11b: {  	[tilespmem:s10], [sflag:$0x3] =	stream.linear.gather [hbm4b:s9+s4], $0x10, $0x38;
	[tilespmem:$0x1C880] =	vst v63  }
0x11c: {  	_ =	swait.ge [sflag:s18], $0x10  }
0x11d: {  	[sflag:s18] =	ssyncset.done $0x0  }
0x11e: {  	[sflag:s18] =	ssyncadd.s32 $0xFFFFFFF0  }
0x11f: {  	[tilespmem:s0], [sflag:$0x3] =	stream.linear.gather [hbm4b:s12+s4], $0x10, $0x38;
	[tilespmem:$0x1C880] =	vst v63  }
0x120: {  	_ =	swait.ge [sflag:s18], $0x10  }
0x121: {  	[sflag:s18] =	ssyncset.done $0x0  }
0x122: {  	[sflag:s18] =	ssyncadd.s32 $0xFFFFFFF0  }
0x123: {  	v1 =	vld [tilespmem:$0x1BF00];
	_ =	sdelay $0x4  }
0x124: {  	v1 =	vshll.u32 v1, $0x1  }
0x125: {  	v1 =	vor.u32 v0, v1  }
0x126: {  	s11 =	simm.s32 $0x1C000;
	[tilespmem:$0x1C000] =	vst v1  }
0x127: {  	[tilespmem:s31], [sflag:$0x1] =	stream.indirect.gather [hbm4b:s2+s1], $0x80, s11, s1, $0xb8;
	[tilespmem:$0x1C880] =	vst v63  }
0x128: {  	_ =	swait.ge [sflag:s29], $0x800  }
0x129: {  	[sflag:s29] =	ssyncset.done $0x0  }
0x12a: {  	[sflag:s29] =	ssyncadd.s32 $0xFFFFF800  }
0x12b: {  	[spmem:s3] =	stream.indirect.scatter.add.f32 [tilespmem:s31], [sflag:$0x3], $0x80, s0, s1, $0xb8;
	[tilespmem:$0x1C880] =	vst v63  }
0x12c: {  	_ =	swait.ge [sflag:s18], $0x800  }
0x12d: {  	s5 =	sadd.s32 $0x1, s5;
	[sflag:s18] =	ssyncset.done $0x0  }
0x12e: {  	p0 =	sne.s32 s5, s14;
	[sflag:s18] =	ssyncadd.s32 $0xFFFFF800  }
.Ltmp1:
0x12f: {  	[bflag:$0x0] =	sbarrier.arrive $0xFFFF;
	(pc) =	sbr.rel @p0 .LBB2_1-.Ltmp1, $4  }
0x130: {  	[hbm:s13], [sflag:s6] =	dma.local [spmem:s17], $0x2780  }
0x131: {  	_ =	swait.ge [sflag:s18], $0x2780  }
0x132: {  	[sflag:s18] =	ssyncset.done $0x0  }
0x133: {  	[sflag:s18] =	ssyncadd.s32 $0xFFFFD880  }
0x134: {  	_ =	sfence.sel $0x180000  }
0x135: {  	[bflag:$0x0] =	sbarrier.arrive $0xFFFF  }
0x136: {  	_ =	strace $0x9000004A  }
0x137: {  	s0 =	stileid.u32;
	[bflag:$0x2] =	sbarrier.arrive $0xFFFF  }
0x138: {  	p0 =	sne.s32 s0, $0x0;
	s0 =	rddreg [dreg:$0x3]  }
0x139: {  	s0 =	sadd.s32 @!p0 $0x100000, s0  }
0x13a: {  	[sflag:s0] =	ssyncadd.tile.s32 @!p0 $0x1;
	_ =	shalt  }
.Lfunc_end2:
_tile_overlayer_lowered:
.L_overlay_start_2:
0x13b: {  	(tag) =	ssettag $0x2  }
0x13c: {  	s0 =	rddreg [dreg:$0x0];
	s2 =	stileid.u32  }
0x13d: {  	s1 =	rddreg [dreg:$0x1];
	p0 =	sne.s32 s2, $0x0  }
0x13e: {  	s3 =	rddreg [dreg:$0x2];
	[bflag:$0x3] =	sbarrier.arrive $0xFFFF;
	s2 =	simm.s32 @!p0 $0x1C03  }
0x13f: {  	[timem:s3], [sflag:s2] =	dma.local @!p0 [hbm:s0], s1  }
0x140: {  	s0 =	simm.s32 @!p0 $0x3  }
0x141: {  	_ =	swait.ge @!p0 [sflag:s0], s1  }
0x142: {  	s1 =	ssub.s32 @!p0 $0x0, s1;
	[sflag:s0] =	ssyncset.done @!p0 $0x0  }
0x143: {  	[sflag:s0] =	ssyncadd.s32 @!p0 s1  }
0x144: {  	[bflag:$0x3] =	sbarrier.arrive $0xFFFF  }
0x145: {  	_ =	shalt  }

// kernel: kernel.13.cloned.1.call-start
scs
__scs_entry_jumppad:
0x0: {  	(pc) =	sbr.rel $0x88, $3  }
0x1: {  	(tag) =	ssettag $0x0;
	lr =	simm.s32 $0x1  }
0x2: {  	[smem:$0x3F93] =	sst lr;
	_ =	strace $0xD0000000  }
0x3: {  	_ = 	snop  }
0x4: {  	_ = 	snop  }
0x5: {  	_ = 	snop  }
0x6: {  	_ = 	snop  }
0x7: {  	_ = 	snop  }
__scs_overlays_trampoline_lowered:
0x8: {  	[smem:$0x3FA2] =	sst s0  }
0x9: {  	[smem:$0x3FA3] =	sst s1  }
0xa: {  	[smem:$0x3FA4] =	sst s2  }
0xb: {  	[smem:$0x3FA5] =	sst s3  }
0xc: {  	[smem:$0x3FA6] =	sst s4  }
0xd: {  	[smem:$0x3FA7] =	sst s5  }
0xe: {  	[smem:$0x3FA8] =	sst s6  }
0xf: {  	[smem:$0x3FA9] =	sst s7  }
0x10: {  	[smem:$0x3FAA] =	sst s8  }
0x11: {  	[smem:$0x3FAB] =	sst s9;
	s0 =	simm.s32 @!p0 $0x0  }
0x12: {  	s1 =	sld [smem:$0x3F91];
	s0 =	simm.s32 @p0 $0x1  }
0x13: {  	[smem:$0x3FAC] =	sst s0;
	s0 =	simm.s32 @!p1 $0x0  }
0x14: {  	s2 =	sld [smem:$0x3F90];
	s0 =	simm.s32 @p1 $0x1  }
0x15: {  	[smem:$0x3FAD] =	sst s0;
	s0 =	simm.s32 @!p2 $0x0  }
0x16: {  	s3 =	sld [smem:$0x3FDB];
	s0 =	simm.s32 @p2 $0x1  }
0x17: {  	s4 =	simm.s32 $0x1BF5;
	[smem:$0x3FAF] =	sst s0  }
0x18: {  	s0 =	sld [smem:$0x3F92];
	_ =	swait.ge [sflag:s4], $0x0  }
0x19: {  	s7 =	sld [smem:$0x3F93]  }
0x1a: {  	s8 =	sadd.s32 $0xFFFFE003, lr  }
0x1b: {  	s9 =	sadd.s32 $0xFFFFFEF7, lr;
	s5 =	simm.s32 $0xFFFFFFFF;
	p2 =	slt.u32 s8, $0xFFFFF086  }
0x1c: {  	p1 =	slt.u32 s9, $0xF7A;
	s5 =	simm.s32 @!p2 $0x0  }
0x1d: {  	s5 =	simm.s32 @p1 $0x1;
	p0 =	seq.s32 s7, s2  }
0x1e: {  	s7 =	smul.u32 @!p0 $0xF7A, s2;
	p2 =	seq.s32 @!p0 s5, $0x0  }
0x1f: {  	s9 =	smul.u32 $0xF7A, s1;
	s8 =	simm.s32 @!p0 $0x1BF5;
	p2 =	por !p2, p0  }
0x20: {  	[sflag:s8] =	ssyncset.s32 @!p0 $0xFFFFF086;
	s6 =	sadd.s32 @!p0 s3, s7;
	s7 =	simm.s32 @!p0 $0x108  }
0x21: {  	s3 =	sadd.s32 s3, s9;
	s6 =	sadd.s32 @!p0 $0x88, s6;
	s7 =	simm.s32 @p2 $0x1082  }
0x22: {  	[simem:s7], [sflag:s8] =	dma.local @!p0 [hbm:s6], $0xF7A  }
0x23: {  	s9 =	sor.u32 $0xD0000000, s2;
	s6 =	simm.s32 $0x108;
	_ =	swait.ge @!p0 [sflag:s8], $0x0  }
0x24: {  	s3 =	sadd.s32 $0x88, s3;
	s6 =	simm.s32 @!p1 $0x1082;
	[sflag:s4] =	ssyncset.s32 $0xFFFFF086  }
0x25: {  	[simem:s6], [sflag:s4] =	dma.local [hbm:s3], $0xF7A  }
0x26: {  	[smem:$0x3F93] =	sst s1;
	(tag) =	ssettag s2;
	_ =	strace s9  }
0x27: {  	s1 =	sld [smem:$0x3FA3]  }
0x28: {  	s2 =	sld [smem:$0x3FA4]  }
0x29: {  	s4 =	sld [smem:$0x3FA6]  }
0x2a: {  	p0 =	seq.s32 s5, $0x0;
	s5 =	sld [smem:$0x3FA7]  }
0x2b: {  	s6 =	sld [smem:$0x3FA8]  }
0x2c: {  	s7 =	sld [smem:$0x3FA9]  }
0x2d: {  	s3 =	simm.s32 $0x108;
	s8 =	sld [smem:$0x3FAA]  }
0x2e: {  	s3 =	simm.s32 @!p0 $0x1082;
	s9 =	sld [smem:$0x3FAB]  }
0x2f: {  	lr =	sadd.s32 s0, s3;
	s0 =	sld [smem:$0x3FA2]  }
0x30: {  	s3 =	sld [smem:$0x3FA5]  }
0x31: {  	[smem:$0x3FAE] =	sst s10  }
0x32: {  	s10 =	sld [smem:$0x3FAC];
	_ =	sdelay $0x3  }
0x33: {  	p0 =	seq.s32 s10, $0x1;
	s10 =	sld [smem:$0x3FAE];
	_ =	sdelay $0x3  }
0x34: {  	[smem:$0x3FAE] =	sst s10  }
0x35: {  	s10 =	sld [smem:$0x3FAD];
	_ =	sdelay $0x3  }
0x36: {  	p1 =	seq.s32 s10, $0x1;
	s10 =	sld [smem:$0x3FAE];
	_ =	sdelay $0x3  }
0x37: {  	[smem:$0x3FAE] =	sst s10  }
0x38: {  	s10 =	sld [smem:$0x3FAF]  }
0x39: {  	_ = 	snop;
	(pc) =	sbr.ind lr, $3  }
0x3a: {  	_ = 	snop  }
0x3b: {  	_ = 	snop  }
0x3c: {  	p2 =	seq.s32 s10, $0x1;
	s10 =	sld [smem:$0x3FAE]  }
0x3d: {  	_ =	shalt  }
0x3e: {  	_ =	shalt  }
0x3f: {  	_ =	shalt  }
0x40: {  	_ =	shalt  }
0x41: {  	_ =	shalt  }
0x42: {  	_ =	shalt  }
0x43: {  	_ =	shalt  }
0x44: {  	_ =	shalt  }
0x45: {  	_ =	shalt  }
0x46: {  	_ =	shalt  }
0x47: {  	_ =	shalt  }
0x48: {  	_ =	shalt  }
0x49: {  	_ =	shalt  }
0x4a: {  	_ =	shalt  }
0x4b: {  	_ =	shalt  }
0x4c: {  	_ =	shalt  }
0x4d: {  	_ =	shalt  }
0x4e: {  	_ =	shalt  }
0x4f: {  	_ =	shalt  }
0x50: {  	_ =	shalt  }
0x51: {  	_ =	shalt  }
0x52: {  	_ =	shalt  }
0x53: {  	_ =	shalt  }
0x54: {  	_ =	shalt  }
0x55: {  	_ =	shalt  }
0x56: {  	_ =	shalt  }
0x57: {  	_ =	shalt  }
0x58: {  	_ =	shalt  }
0x59: {  	_ =	shalt  }
0x5a: {  	_ =	shalt  }
0x5b: {  	_ =	shalt  }
0x5c: {  	_ =	shalt  }
0x5d: {  	_ =	shalt  }
0x5e: {  	_ =	shalt  }
0x5f: {  	_ =	shalt  }
0x60: {  	_ =	shalt  }
0x61: {  	_ =	shalt  }
0x62: {  	_ =	shalt  }
0x63: {  	_ =	shalt  }
0x64: {  	_ =	shalt  }
0x65: {  	_ =	shalt  }
0x66: {  	_ =	shalt  }
0x67: {  	_ =	shalt  }
0x68: {  	_ =	shalt  }
0x69: {  	_ =	shalt  }
0x6a: {  	_ =	shalt  }
0x6b: {  	_ =	shalt  }
0x6c: {  	_ =	shalt  }
0x6d: {  	_ =	shalt  }
0x6e: {  	_ =	shalt  }
0x6f: {  	_ =	shalt  }
0x70: {  	_ =	shalt  }
0x71: {  	_ =	shalt  }
0x72: {  	_ =	shalt  }
0x73: {  	_ =	shalt  }
0x74: {  	_ =	shalt  }
0x75: {  	_ =	shalt  }
0x76: {  	_ =	shalt  }
0x77: {  	_ =	shalt  }
0x78: {  	_ =	shalt  }
0x79: {  	_ =	shalt  }
0x7a: {  	_ =	shalt  }
0x7b: {  	_ =	shalt  }
0x7c: {  	_ =	shalt  }
0x7d: {  	_ =	shalt  }
0x7e: {  	_ =	shalt  }
0x7f: {  	_ =	shalt  }
0x80: {  	_ =	shalt  }
0x81: {  	_ =	shalt  }
0x82: {  	_ =	shalt  }
0x83: {  	_ =	shalt  }
0x84: {  	_ =	shalt  }
0x85: {  	_ =	shalt  }
0x86: {  	_ =	shalt  }
0x87: {  	_ =	shalt  }
.Lfunc_end0:
.L_simem_size_0:
called_computation.2_lowered:
.L_overlay_start_0:
0x88: {  	s2 =	sld [smem:$0x3FD9]  }
0x89: {  	s3 =	sld [smem:$0x3FFE];
	_ =	sdelay $0x1  }
0x8a: {  	s1 =	srdreg.scid  }
0x8b: {  	s0 =	sand.u32 $0x1, s1  }
0x8c: {  	s17 =	sshll.u32 s0, $0xA;
	s2 =	sadd.s32 s3, s2  }
0x8d: {  	s2 =	sadd.s32 s2, s17  }
0x8e: {  	[smem:$0x3FBA] =	sst s2  }
0x8f: {  	_ = 	snop  }
0x90: {  	s2 =	sld [smem:$0x3FD0];
	(tm) =	ssettm $0x1  }
0x91: {  	s18 =	sld [smem:$0x3FFB];
	_ =	sdelay $0x3  }
0x92: {  	_ =	strace s18  }
0x93: {  	s3 =	sld [smem:$0x3FFC];
	_ =	sdelay $0x3  }
0x94: {  	_ =	strace s3  }
0x95: {  	s3 =	sld [smem:$0x3FFD];
	_ =	sdelay $0x3  }
0x96: {  	_ =	strace s3  }
0x97: {  	_ =	strace $0x8FFFFFFF  }
0x98: {  	s19 =	sld [smem:$0x3FDB];
	_ =	sdelay $0x1  }
0x99: {  	s4 =	simm.s32 $_scs_section_size  }
0x9a: {  	s5 =	simm.s32 $_size__tile_overlayer_lowered;
	s6 =	simm.s32 $_tile_overlayer_lowered  }
0x9b: {  	s22 =	simm.s32 $0x1BFF;
	s21 =	sshll.u32 s6, $0x1;
	s3 =	sadd.s32 s4, s19  }
0x9c: {  	s7 =	simm.s32 $0x0;
	s20 =	sshll.u32 s5, $0x1;
	s5 =	sadd.s32 s21, s3  }
0x9d: {  	[timem:s7], [sflag:s22] =	dma.local [hbm:s5], s20  }
0x9e: {  	_ =	swait.ge [sflag:s22], s20  }
0x9f: {  	s4 =	ssub.s32 $0x0, s20;
	[sflag:s22] =	ssyncset.done $0x0  }
0xa0: {  	[sflag:s22] =	ssyncadd.s32 s4;
	_ =	sdelay $0x1  }
0xa1: {  	s23 =	simm.s32 $0x1B8B  }
0xa2: {  	_ =	swait.ge [sflag:s23], $0x1  }
0xa3: {  	[sflag:s23] =	ssyncset.done $0x0  }
0xa4: {  	s25 =	simm.s32 $0x1B8E;
	s24 =	sld [smem:$0x3FFE];
	[sflag:s23] =	ssyncadd.s32 $0xFFFFFFFF  }
0xa5: {  	s26 =	simm.s32 $execute0_lowered;
	[smem:$0x3FD2] =	sst s25  }
0xa6: {  	s5 =	sshll.u32 s26, $0x1;
	_ =	strace $0x8000004C;
	[dreg:$0x1] =	wrdreg $0xFFFFFFFF  }
0xa7: {  	s28 =	simm.s32 $_size_execute0_lowered;
	s3 =	sadd.s32 s3, s5;
	[dreg:$0x0] =	wrdreg $0x0  }
0xa8: {  	s5 =	sshll.u32 s28, $0x1;
	[dreg:$0x2] =	wrdreg s3  }
0xa9: {  	[dreg:$0x3] =	wrdreg s5  }
0xaa: {  	[dreg:$0x4] =	wrdreg $0xC0  }
0xab: {  	_ =	task [dreg:s7], $0x5FFFF  }
0xac: {  	[dreg:$0x1] =	wrdreg $0xFFFFFFFF  }
0xad: {  	[dreg:$0x0] =	wrdreg $0x60  }
0xae: {  	[dreg:$0x2] =	wrdreg s2  }
0xaf: {  	[dreg:$0x3] =	wrdreg s24  }
0xb0: {  	[dreg:$0x4] =	wrdreg $0x0  }
0xb1: {  	[dreg:$0x5] =	wrdreg $0x9  }
0xb2: {  	_ =	task.clear_ibuf [dreg:s7], $0x6FFFF;
	_ =	strace $0x9000004C  }
0xb3: {  	s29 =	simm.s32 $0x9;
	_ =	strace $0x8000004E  }
0xb4: {  	_ =	swait.ge [sflag:s29], $0x1  }
0xb5: {  	[sflag:s29] =	ssyncadd.s32 $0xFFFFFFFF  }
0xb6: {  	_ =	strace $0x9000004E  }
0xb7: {  	_ =	sfence  }
0xb8: {  	s30 =	sld [smem:$0x0];
	_ =	sdelay $0x2  }
0xb9: {  	s31 =	sshll.u32 s1, $0xD;
	s1 =	sshrl.u32 s1, $0x2  }
0xba: {  	s3 =	sand.u32 $0x4000, s31;
	s1 =	sadd.s32 s1, s30  }
0xbb: {  	s0 =	sor.u32 s3, s0;
	s1 =	sshll.u32 s1, $0x11  }
0xbc: {  	s0 =	sor.u32 s1, s0  }
0xbd: {  	s0 =	sadd.s32 $0x8F2B, s0  }
0xbe: {  	[sflag:s0] =	ssyncadd.remote.s32 $0x1  }
0xbf: {  	_ =	sfence.sel $0xFFFF  }
0xc0: {  	[dreg:$0x0] =	wrdreg $0xFFFFFFFF;
	(pc) =	sbr.abs _section_cstart, $3  }
0xc1: {  	[dreg:$0x1] =	wrdreg $0xFFFFFFFF  }
0xc2: {  	_ =	task.clear_ibuf [dreg:s7], $0x2FFFF;
	_ =	strace $0x9FFFFFFF  }
0xc3: {  	(tm) =	ssettm $0x7FFFFFFF  }
tec
execute0_lowered:
.L_overlay_start_1:
0x0: {  	(tag) =	ssettag $0x1  }
0x1: {  	s2 =	rddreg [dreg:$0x0]  }
0x2: {  	s0 =	rddreg [dreg:$0x1]  }
0x3: {  	s3 =	rddreg [dreg:$0x2]  }
0x4: {  	s13 =	stileid.u32;
	s1 =	srdreg.scid  }
0x5: {  	s4 =	simm.s32 $0x0;
	s18 =	simm.s32 $0x3;
	s28 =	simm.s32 $0x17F00  }
0x6: {  	s29 =	simm.s32 $0x1;
	s30 =	simm.s32 $0x2;
	s5 =	smul.u32 $0x13C00, s13  }
0x7: {  	s31 =	simm.s32 $0x1C080;
	s7 =	sand.u32 $0x1, s1;
	s19 =	smul.u32 $0x4F000, s13  }
0x8: {  	[smem:$0x7FF] =	sst s4;
	s8 =	sadd.s32 $0x2A00, s0;
	s12 =	smul.u32 $0x2710, s13  }
0x9: {  	s9 =	sadd.s32 $0x7A00, s0;
	s21 =	sshll.u32 s13, $0x6;
	s16 =	smul.u32 $0x4E2, s13  }
0xa: {  	s1 =	smul.u32 $0x13C000, s7;
	_ =	strace $0x8000004D;
	s10 =	ssub.s32 $0x2, s7  }
0xb: {  	s6 =	sshrl.u32 s5, $0x3;
	s11 =	sshrl.u32 s10, $0x1;
	s22 =	sshrl.u32 s12, $0x3  }
0xc: {  	s15 =	sadd.s32 s16, s9;
	s16 =	sadd.s32 s16, s8;
	s1 =	sadd.s32 s5, s1  }
0xd: {  	s6 =	sadd.s32 s6, s0;
	s5 =	sshrl.u32 s19, $0x2;
	s20 =	ssub.s32 s10, s11  }
0xe: {  	s23 =	sadd.s32 s8, s22;
	s24 =	sadd.s32 $0x10, s22;
	s12 =	sadd.s32 s9, s22  }
0xf: {  	s10 =	sadd.s32 $0x4E0, s22;
	s19 =	simm.s32 $0x13C00;
	s22 =	simm.s32 $0x13E00  }
0x10: {  	s1 =	sshrl.u32 s1, $0x3;
	s5 =	sadd.s32 s5, s3;
	[dreg:$0x5] =	wrdreg s23  }
0x11: {  	s6 =	sadd.s32 $0x11A00, s6;
	[dreg:$0x6] =	wrdreg s12;
	s25 =	sadd.s32 s8, s24  }
0x12: {  	s11 =	sadd.s32 s9, s24;
	s26 =	sadd.s32 s8, s10;
	s12 =	sadd.s32 s9, s10  }
0x13: {  	s14 =	smax.u32 s20, $0x1;
	s20 =	simm.s32 $0x13D00;
	[dreg:$0x4] =	wrdreg s6  }
0x14: {  	s23 =	simm.s32 $0x13F00;
	s24 =	simm.s32 $0x13C80;
	[dreg:$0x7] =	wrdreg s25  }
0x15: {  	s0 =	sadd.s32 s1, s0;
	s6 =	sor.u32 $0x1C03, s21;
	[dreg:$0x8] =	wrdreg s11  }
0x16: {  	[dreg:$0x9] =	wrdreg s26;
	s17 =	sshrl.u32 s5, $0x3;
	s21 =	simm.s32 $0x80  }
0x17: {  	s25 =	simm.s32 $0x13D80;
	s26 =	simm.s32 $0x13E80;
	s1 =	simm.s32 $0x10  }
0x18: {  	v0 =	vmov s7;
	s5 =	simm.s32 $0x0;
	s13 =	sadd.s32 $0x39200, s0;
	s0 =	simm.s32 $0x1BF80  }
.LBB2_1:
0x19: {  	s7 =	rddreg [dreg:$0x4]  }
0x1a: {  	[spmem:s17], [sflag:s6] =	dma.local [hbm:s7], $0x2780  }
0x1b: {  	_ =	swait.ge [sflag:s18], $0x2780  }
0x1c: {  	[sflag:s18] =	ssyncset.done $0x0  }
0x1d: {  	[sflag:s18] =	ssyncadd.s32 $0xFFFFD880  }
0x1e: {  	[bflag:$0x0] =	sbarrier.arrive $0xFFFF  }
0x1f: {  	s11 =	rddreg [dreg:$0x5]  }
0x20: {  	[tilespmem:s19], [sflag:$0x3] =	stream.linear.gather [hbm4b:s11+s4], $0x80, $0x38;
	[tilespmem:$0x1C880] =	vst v63  }
0x21: {  	_ =	swait.ge [sflag:s18], $0x80  }
0x22: {  	[sflag:s18] =	ssyncset.done $0x0  }
0x23: {  	s8 =	rddreg [dreg:$0x6];
	[sflag:s18] =	ssyncadd.s32 $0xFFFFFF80  }
0x24: {  	[tilespmem:s20], [sflag:$0x3] =	stream.linear.gather [hbm4b:s8+s4], $0x80, $0x38;
	[tilespmem:$0x1C880] =	vst v63  }
0x25: {  	_ =	swait.ge [sflag:s18], $0x80  }
0x26: {  	[sflag:s18] =	ssyncset.done $0x0  }
0x27: {  	[sflag:s18] =	ssyncadd.s32 $0xFFFFFF80  }
0x28: {  	v1 =	vld [tilespmem:$0x13C00]  }
0x29: {  	v2 =	vld [tilespmem:$0x13C10]  }
0x2a: {  	v3 =	vld [tilespmem:$0x13C20]  }
0x2b: {  	v4 =	vld [tilespmem:$0x13C30]  }
0x2c: {  	v5 =	vld [tilespmem:$0x13C40]  }
0x2d: {  	v6 =	vld [tilespmem:$0x13C50];
	v1 =	vshll.u32 v1, $0x1  }
0x2e: {  	v7 =	vld [tilespmem:$0x13C60];
	v2 =	vshll.u32 v2, $0x1;
	v1 =	vor.u32 v0, v1  }
0x2f: {  	[tilespmem:$0x13E00] =	vst v1;
	v1 =	vor.u32 v0, v2;
	v2 =	vshll.u32 v3, $0x1;
	v3 =	vld [tilespmem:$0x13C70]  }
0x30: {  	[tilespmem:$0x13E10] =	vst v1;
	v1 =	vor.u32 v0, v2;
	v2 =	vshll.u32 v4, $0x1  }
0x31: {  	[tilespmem:$0x13E20] =	vst v1;
	v1 =	vor.u32 v0, v2;
	v2 =	vshll.u32 v5, $0x1  }
0x32: {  	[tilespmem:$0x13E30] =	vst v1;
	v1 =	vor.u32 v0, v2;
	v2 =	vshll.u32 v6, $0x1  }
0x33: {  	[tilespmem:$0x13E40] =	vst v1;
	v1 =	vor.u32 v0, v2;
	v2 =	vshll.u32 v7, $0x1  }
0x34: {  	[tilespmem:$0x13E50] =	vst v1;
	v1 =	vor.u32 v0, v2;
	v2 =	vshll.u32 v3, $0x1  }
0x35: {  	[tilespmem:$0x13E60] =	vst v1;
	v1 =	vor.u32 v0, v2  }
0x36: {  	[tilespmem:$0x13E70] =	vst v1  }
0x37: {  	[tilespmem:s23], [sflag:$0x1] =	stream.indirect.gather [hbm4b:s2+s21], $0x80, s22, s21, $0xb8;
	[tilespmem:$0x1C880] =	vst v63  }
0x38: {  	s9 =	rddreg [dreg:$0x7]  }
0x39: {  	[tilespmem:s24], [sflag:$0x3] =	stream.linear.gather [hbm4b:s9+s4], $0x80, $0x38;
	[tilespmem:$0x1C880] =	vst v63  }
0x3a: {  	_ =	swait.ge [sflag:s18], $0x80  }
0x3b: {  	[sflag:s18] =	ssyncset.done $0x0  }
0x3c: {  	s10 =	rddreg [dreg:$0x8];
	[sflag:s18] =	ssyncadd.s32 $0xFFFFFF80  }
0x3d: {  	[tilespmem:s25], [sflag:$0x3] =	stream.linear.gather [hbm4b:s10+s4], $0x80, $0x38;
	[tilespmem:$0x1C880] =	vst v63  }
0x3e: {  	_ =	swait.ge [sflag:s18], $0x80  }
0x3f: {  	[sflag:s18] =	ssyncset.done $0x0  }
0x40: {  	[sflag:s18] =	ssyncadd.s32 $0xFFFFFF80  }
0x41: {  	v1 =	vld [tilespmem:$0x13C80]  }
0x42: {  	v2 =	vld [tilespmem:$0x13C90]  }
0x43: {  	v3 =	vld [tilespmem:$0x13CA0]  }
0x44: {  	v4 =	vld [tilespmem:$0x13CB0]  }
0x45: {  	v5 =	vld [tilespmem:$0x13CC0]  }
0x46: {  	v57 =	vld [tilespmem:$0x13CD0];
	v1 =	vshll.u32 v1, $0x1  }
0x47: {  	v58 =	vld [tilespmem:$0x13CE0];
	v2 =	vshll.u32 v2, $0x1;
	v1 =	vor.u32 v0, v1  }
0x48: {  	[tilespmem:$0x13E80] =	vst v1;
	v1 =	vor.u32 v0, v2;
	v2 =	vshll.u32 v3, $0x1;
	v3 =	vld [tilespmem:$0x13CF0]  }
0x49: {  	[tilespmem:$0x13E90] =	vst v1;
	v1 =	vor.u32 v0, v2;
	v2 =	vshll.u32 v4, $0x1  }
0x4a: {  	[tilespmem:$0x13EA0] =	vst v1;
	v1 =	vor.u32 v0, v2;
	v2 =	vshll.u32 v5, $0x1  }
0x4b: {  	[tilespmem:$0x13EB0] =	vst v1;
	v1 =	vor.u32 v0, v2;
	v2 =	vshll.u32 v57, $0x1  }
0x4c: {  	[tilespmem:$0x13EC0] =	vst v1;
	v1 =	vor.u32 v0, v2;
	v2 =	vshll.u32 v58, $0x1  }
0x4d: {  	[tilespmem:$0x13ED0] =	vst v1;
	v1 =	vor.u32 v0, v2;
	v2 =	vshll.u32 v3, $0x1  }
0x4e: {  	[tilespmem:$0x13EE0] =	vst v1;
	v1 =	vor.u32 v0, v2  }
0x4f: {  	[tilespmem:$0x13EF0] =	vst v1  }
0x50: {  	[tilespmem:s28], [sflag:$0x2] =	stream.indirect.gather [hbm4b:s2+s21], $0x80, s26, s21, $0xb8;
	[tilespmem:$0x1C880] =	vst v63  }
0x51: {  	_ =	swait.ge [sflag:s29], $0x4000  }
0x52: {  	[sflag:s29] =	ssyncset.done $0x0  }
0x53: {  	[sflag:s29] =	ssyncadd.s32 $0xFFFFC000  }
0x54: {  	[spmem:s3] =	stream.indirect.scatter.add.f32 [tilespmem:s23], [sflag:$0x3], $0x80, s20, s21, $0xb8;
	[tilespmem:$0x1C880] =	vst v63  }
0x55: {  	_ =	swait.ge [sflag:s18], $0x4000  }
0x56: {  	s11 =	sadd.s32 $0xFFFFFB40, s16;
	[sflag:s18] =	ssyncset.done $0x0  }
0x57: {  	s8 =	sadd.s32 $0x4E0, s11;
	[sflag:s18] =	ssyncadd.s32 $0xFFFFC000  }
0x58: {  	[tilespmem:s19], [sflag:$0x3] =	stream.linear.gather [hbm4b:s8+s4], $0x80, $0x38;
	[tilespmem:$0x1C880] =	vst v63  }
0x59: {  	_ =	swait.ge [sflag:s18], $0x80  }
0x5a: {  	s10 =	sadd.s32 $0xFFFFFB40, s15;
	[sflag:s18] =	ssyncset.done $0x0  }
0x5b: {  	s9 =	sadd.s32 $0x4E0, s10;
	[sflag:s18] =	ssyncadd.s32 $0xFFFFFF80  }
0x5c: {  	[tilespmem:s20], [sflag:$0x3] =	stream.linear.gather [hbm4b:s9+s4], $0x80, $0x38;
	[tilespmem:$0x1C880] =	vst v63  }
0x5d: {  	_ =	swait.ge [sflag:s18], $0x80  }
0x5e: {  	[sflag:s18] =	ssyncset.done $0x0  }
0x5f: {  	[sflag:s18] =	ssyncadd.s32 $0xFFFFFF80  }
0x60: {  	v1 =	vld [tilespmem:$0x13C60]  }
0x61: {  	v2 =	vld [tilespmem:$0x13C30]  }
0x62: {  	v3 =	vld [tilespmem:$0x13C70]  }
0x63: {  	v4 =	vld [tilespmem:$0x13C50]  }
0x64: {  	v5 =	vld [tilespmem:$0x13C20]  }
0x65: {  	v59 =	vld [tilespmem:$0x13C40];
	v1 =	vshll.u32 v1, $0x1  }
0x66: {  	v60 =	vld [tilespmem:$0x13C10];
	v2 =	vshll.u32 v2, $0x1;
	v1 =	vor.u32 v0, v1  }
0x67: {  	v8 =	vld [tilespmem:$0x13C00];
	v2 =	vor.u32 v0, v2;
	[tilespmem:$0x13E60] =	vst v1;
	v1 =	vshll.u32 v3, $0x1  }
0x68: {  	[tilespmem:$0x13E30] =	vst v2;
	v2 =	vshll.u32 v4, $0x1;
	v1 =	vor.u32 v0, v1  }
0x69: {  	v3 =	vshll.u32 v5, $0x1;
	v2 =	vor.u32 v0, v2;
	[tilespmem:$0x13E70] =	vst v1  }
0x6a: {  	v1 =	vor.u32 v0, v3;
	v3 =	vshll.u32 v59, $0x1;
	[tilespmem:$0x13E50] =	vst v2  }
0x6b: {  	v2 =	vshll.u32 v60, $0x1;
	[tilespmem:$0x13E20] =	vst v1;
	v1 =	vor.u32 v0, v3  }
0x6c: {  	v3 =	vshll.u32 v8, $0x1;
	v2 =	vor.u32 v0, v2;
	[tilespmem:$0x13E40] =	vst v1  }
0x6d: {  	v1 =	vor.u32 v0, v3;
	[tilespmem:$0x13E10] =	vst v2  }
0x6e: {  	[tilespmem:$0x13E00] =	vst v1  }
0x6f: {  	[tilespmem:s23], [sflag:$0x1] =	stream.indirect.gather [hbm4b:s2+s21], $0x80, s22, s21, $0xb8;
	[tilespmem:$0x1C880] =	vst v63  }
0x70: {  	_ =	swait.ge [sflag:s30], $0x4000  }
0x71: {  	[sflag:s30] =	ssyncset.done $0x0  }
0x72: {  	[sflag:s30] =	ssyncadd.s32 $0xFFFFC000  }
0x73: {  	[spmem:s3] =	stream.indirect.scatter.add.f32 [tilespmem:s28], [sflag:$0x3], $0x80, s25, s21, $0xb8;
	[tilespmem:$0x1C880] =	vst v63  }
0x74: {  	_ =	swait.ge [sflag:s18], $0x4000  }
0x75: {  	[sflag:s18] =	ssyncset.done $0x0  }
0x76: {  	s7 =	sadd.s32 $0x4F0, s11;
	[sflag:s18] =	ssyncadd.s32 $0xFFFFC000  }
0x77: {  	[tilespmem:s24], [sflag:$0x3] =	stream.linear.gather [hbm4b:s7+s4], $0x80, $0x38;
	[tilespmem:$0x1C880] =	vst v63  }
0x78: {  	_ =	swait.ge [sflag:s18], $0x80  }
0x79: {  	[sflag:s18] =	ssyncset.done $0x0  }
0x7a: {  	s11 =	sadd.s32 $0x4F0, s10;
	[sflag:s18] =	ssyncadd.s32 $0xFFFFFF80  }
0x7b: {  	[tilespmem:s25], [sflag:$0x3] =	stream.linear.gather [hbm4b:s11+s4], $0x80, $0x38;
	[tilespmem:$0x1C880] =	vst v63  }
0x7c: {  	_ =	swait.ge [sflag:s18], $0x80  }
0x7d: {  	[sflag:s18] =	ssyncset.done $0x0  }
0x7e: {  	[sflag:s18] =	ssyncadd.s32 $0xFFFFFF80  }
0x7f: {  	v1 =	vld [tilespmem:$0x13CA0]  }
0x80: {  	v2 =	vld [tilespmem:$0x13C90]  }
0x81: {  	v3 =	vld [tilespmem:$0x13CD0]  }
0x82: {  	v4 =	vld [tilespmem:$0x13CB0]  }
0x83: {  	v5 =	vld [tilespmem:$0x13CC0]  }
0x84: {  	v61 =	vld [tilespmem:$0x13C80]  }
0x85: {  	v62 =	vld [tilespmem:$0x13CE0];
	v2 =	vshll.u32 v2, $0x1  }
0x86: {  	v63 =	vld [tilespmem:$0x13CF0];
	v1 =	vshll.u32 v1, $0x1;
	v2 =	vor.u32 v0, v2  }
0x87: {  	v3 =	vshll.u32 v3, $0x1;
	v1 =	vor.u32 v0, v1;
	[tilespmem:$0x13E90] =	vst v2  }
0x88: {  	v2 =	vor.u32 v0, v3;
	v3 =	vshll.u32 v4, $0x1;
	[tilespmem:$0x13EA0] =	vst v1  }
0x89: {  	[tilespmem:$0x13ED0] =	vst v2;
	v2 =	vor.u32 v0, v3;
	v3 =	vshll.u32 v5, $0x1  }
0x8a: {  	v1 =	vshll.u32 v61, $0x1;
	v4 =	vor.u32 v0, v3;
	[tilespmem:$0x13EB0] =	vst v2;
	v2 =	vshll.u32 v62, $0x1  }
0x8b: {  	s8 =	simm.s32 $0xFFFFFB80;
	s7 =	simm.s32 $0xFFFFFB60;
	v3 =	vor.u32 v0, v1;
	[tilespmem:$0x13EC0] =	vst v4;
	v1 =	vor.u32 v0, v2;
	v2 =	vshll.u32 v63, $0x1  }
.LBB2_2:
0x8c: {  	p0 =	sne.s32 s8, $0xFFFFFFE0;
	[tilespmem:$0x13E80] =	vst v3;
	s11 =	smov.u32 s8;
	s8 =	sadd.s32 $0x20, s8  }
0x8d: {  	[tilespmem:$0x13EE0] =	vst v1;
	v1 =	vor.u32 v0, v2  }
0x8e: {  	[tilespmem:$0x13EF0] =	vst v1  }
0x8f: {  	[tilespmem:s28], [sflag:$0x2] =	stream.indirect.gather [hbm4b:s2+s21], $0x80, s26, s21, $0xb8;
	[tilespmem:$0x1C880] =	vst v63  }
0x90: {  	_ =	swait.ge [sflag:s29], $0x4000  }
0x91: {  	[sflag:s29] =	ssyncset.done $0x0  }
0x92: {  	[sflag:s29] =	ssyncadd.s32 $0xFFFFC000  }
0x93: {  	[spmem:s3] =	stream.indirect.scatter.add.f32 [tilespmem:s23], [sflag:$0x3], $0x80, s20, s21, $0xb8;
	[tilespmem:$0x1C880] =	vst v63  }
0x94: {  	_ =	swait.ge [sflag:s18], $0x4000  }
0x95: {  	s9 =	sadd.s32 s7, s16;
	[sflag:s18] =	ssyncset.done $0x0  }
0x96: {  	s10 =	sadd.s32 $0x4E0, s9;
	[sflag:s18] =	ssyncadd.s32 $0xFFFFC000  }
0x97: {  	[tilespmem:s19], [sflag:$0x3] =	stream.linear.gather [hbm4b:s10+s4], $0x80, $0x38;
	[tilespmem:$0x1C880] =	vst v63  }
0x98: {  	_ =	swait.ge [sflag:s18], $0x80  }
0x99: {  	s10 =	sadd.s32 s7, s15;
	s7 =	smov.u32 s11;
	[sflag:s18] =	ssyncset.done $0x0  }
0x9a: {  	s11 =	sadd.s32 $0x4E0, s10;
	[sflag:s18] =	ssyncadd.s32 $0xFFFFFF80  }
0x9b: {  	[tilespmem:s20], [sflag:$0x3] =	stream.linear.gather [hbm4b:s11+s4], $0x80, $0x38;
	[tilespmem:$0x1C880] =	vst v63  }
0x9c: {  	_ =	swait.ge [sflag:s18], $0x80  }
0x9d: {  	[sflag:s18] =	ssyncset.done $0x0  }
0x9e: {  	[sflag:s18] =	ssyncadd.s32 $0xFFFFFF80  }
0x9f: {  	v1 =	vld [tilespmem:$0x13C60]  }
0xa0: {  	v2 =	vld [tilespmem:$0x13C30]  }
0xa1: {  	v3 =	vld [tilespmem:$0x13C70]  }
0xa2: {  	v4 =	vld [tilespmem:$0x13C50]  }
0xa3: {  	v5 =	vld [tilespmem:$0x13C20]  }
0xa4: {  	v6 =	vld [tilespmem:$0x13C40];
	v1 =	vshll.u32 v1, $0x1  }
0xa5: {  	v7 =	vld [tilespmem:$0x13C10];
	v2 =	vshll.u32 v2, $0x1;
	v1 =	vor.u32 v0, v1  }
0xa6: {  	v8 =	vld [tilespmem:$0x13C00];
	v2 =	vor.u32 v0, v2;
	[tilespmem:$0x13E60] =	vst v1;
	v1 =	vshll.u32 v3, $0x1  }
0xa7: {  	[tilespmem:$0x13E30] =	vst v2;
	v2 =	vshll.u32 v4, $0x1;
	v1 =	vor.u32 v0, v1  }
0xa8: {  	v3 =	vshll.u32 v5, $0x1;
	v2 =	vor.u32 v0, v2;
	[tilespmem:$0x13E70] =	vst v1  }
0xa9: {  	v1 =	vor.u32 v0, v3;
	v3 =	vshll.u32 v6, $0x1;
	[tilespmem:$0x13E50] =	vst v2  }
0xaa: {  	v2 =	vshll.u32 v7, $0x1;
	[tilespmem:$0x13E20] =	vst v1;
	v1 =	vor.u32 v0, v3  }
0xab: {  	v3 =	vshll.u32 v8, $0x1;
	v2 =	vor.u32 v0, v2;
	[tilespmem:$0x13E40] =	vst v1  }
0xac: {  	v1 =	vor.u32 v0, v3;
	[tilespmem:$0x13E10] =	vst v2  }
0xad: {  	[tilespmem:$0x13E00] =	vst v1  }
0xae: {  	[tilespmem:s23], [sflag:$0x1] =	stream.indirect.gather [hbm4b:s2+s21], $0x80, s22, s21, $0xb8;
	[tilespmem:$0x1C880] =	vst v63  }
0xaf: {  	_ =	swait.ge [sflag:s30], $0x4000  }
0xb0: {  	[sflag:s30] =	ssyncset.done $0x0  }
0xb1: {  	[sflag:s30] =	ssyncadd.s32 $0xFFFFC000  }
0xb2: {  	[spmem:s3] =	stream.indirect.scatter.add.f32 [tilespmem:s28], [sflag:$0x3], $0x80, s25, s21, $0xb8;
	[tilespmem:$0x1C880] =	vst v63  }
0xb3: {  	_ =	swait.ge [sflag:s18], $0x4000  }
0xb4: {  	[sflag:s18] =	ssyncset.done $0x0  }
0xb5: {  	s9 =	sadd.s32 $0x4F0, s9;
	[sflag:s18] =	ssyncadd.s32 $0xFFFFC000  }
0xb6: {  	[tilespmem:s24], [sflag:$0x3] =	stream.linear.gather [hbm4b:s9+s4], $0x80, $0x38;
	[tilespmem:$0x1C880] =	vst v63  }
0xb7: {  	_ =	swait.ge [sflag:s18], $0x80  }
0xb8: {  	[sflag:s18] =	ssyncset.done $0x0  }
0xb9: {  	s9 =	sadd.s32 $0x4F0, s10;
	[sflag:s18] =	ssyncadd.s32 $0xFFFFFF80  }
0xba: {  	[tilespmem:s25], [sflag:$0x3] =	stream.linear.gather [hbm4b:s9+s4], $0x80, $0x38;
	[tilespmem:$0x1C880] =	vst v63  }
0xbb: {  	_ =	swait.ge [sflag:s18], $0x80  }
0xbc: {  	[sflag:s18] =	ssyncset.done $0x0  }
0xbd: {  	[sflag:s18] =	ssyncadd.s32 $0xFFFFFF80  }
0xbe: {  	v1 =	vld [tilespmem:$0x13CA0]  }
0xbf: {  	v2 =	vld [tilespmem:$0x13C90]  }
0xc0: {  	v3 =	vld [tilespmem:$0x13CD0]  }
0xc1: {  	v4 =	vld [tilespmem:$0x13CB0]  }
0xc2: {  	v5 =	vld [tilespmem:$0x13CC0]  }
0xc3: {  	v6 =	vld [tilespmem:$0x13C80]  }
0xc4: {  	v2 =	vshll.u32 v2, $0x1;
	v7 =	vld [tilespmem:$0x13CE0]  }
0xc5: {  	v1 =	vshll.u32 v1, $0x1;
	v2 =	vor.u32 v0, v2;
	v3 =	vshll.u32 v3, $0x1;
	v8 =	vld [tilespmem:$0x13CF0]  }
.Ltmp0:
0xc6: {  	v1 =	vor.u32 v0, v1;
	[tilespmem:$0x13E90] =	vst v2;
	v2 =	vshll.u32 v4, $0x1;
	v3 =	vor.u32 v0, v3;
	(pc) =	sbr.rel @p0 .LBB2_2-.Ltmp0, $4  }
0xc7: {  	v2 =	vor.u32 v0, v2;
	v4 =	vshll.u32 v5, $0x1;
	[tilespmem:$0x13ED0] =	vst v3  }
0xc8: {  	v3 =	vshll.u32 v6, $0x1;
	[tilespmem:$0x13EA0] =	vst v1;
	v1 =	vor.u32 v0, v4  }
0xc9: {  	[tilespmem:$0x13EB0] =	vst v2;
	v2 =	vshll.u32 v7, $0x1  }
0xca: {  	v3 =	vor.u32 v0, v3;
	[tilespmem:$0x13EC0] =	vst v1;
	v1 =	vor.u32 v0, v2;
	v2 =	vshll.u32 v8, $0x1  }
0xcb: {  	[tilespmem:$0x13E80] =	vst v3  }
0xcc: {  	[tilespmem:$0x13EE0] =	vst v1;
	v1 =	vor.u32 v0, v2  }
0xcd: {  	[tilespmem:$0x13EF0] =	vst v1  }
0xce: {  	[tilespmem:s28], [sflag:$0x2] =	stream.indirect.gather [hbm4b:s2+s21], $0x80, s26, s21, $0xb8;
	[tilespmem:$0x1C880] =	vst v63  }
0xcf: {  	_ =	swait.ge [sflag:s29], $0x4000  }
0xd0: {  	[sflag:s29] =	ssyncset.done $0x0  }
0xd1: {  	[sflag:s29] =	ssyncadd.s32 $0xFFFFC000  }
0xd2: {  	[spmem:s3] =	stream.indirect.scatter.add.f32 [tilespmem:s23], [sflag:$0x3], $0x80, s20, s21, $0xb8;
	[tilespmem:$0x1C880] =	vst v63  }
0xd3: {  	_ =	swait.ge [sflag:s18], $0x4000  }
0xd4: {  	s8 =	sadd.s32 s7, s16;
	[sflag:s18] =	ssyncset.done $0x0  }
0xd5: {  	s9 =	sadd.s32 $0x4E0, s8;
	[sflag:s18] =	ssyncadd.s32 $0xFFFFC000  }
0xd6: {  	[tilespmem:s19], [sflag:$0x3] =	stream.linear.gather [hbm4b:s9+s4], $0x80, $0x38;
	[tilespmem:$0x1C880] =	vst v63  }
0xd7: {  	_ =	swait.ge [sflag:s18], $0x80  }
0xd8: {  	s10 =	sadd.s32 s7, s15;
	[sflag:s18] =	ssyncset.done $0x0  }
0xd9: {  	s11 =	sadd.s32 $0x4E0, s10;
	[sflag:s18] =	ssyncadd.s32 $0xFFFFFF80  }
0xda: {  	[tilespmem:s20], [sflag:$0x3] =	stream.linear.gather [hbm4b:s11+s4], $0x80, $0x38;
	[tilespmem:$0x1C880] =	vst v63  }
0xdb: {  	_ =	swait.ge [sflag:s18], $0x80  }
0xdc: {  	[sflag:s18] =	ssyncset.done $0x0  }
0xdd: {  	[sflag:s18] =	ssyncadd.s32 $0xFFFFFF80  }
0xde: {  	v1 =	vld [tilespmem:$0x13C60]  }
0xdf: {  	v2 =	vld [tilespmem:$0x13C30]  }
0xe0: {  	v3 =	vld [tilespmem:$0x13C70]  }
0xe1: {  	v4 =	vld [tilespmem:$0x13C50]  }
0xe2: {  	v5 =	vld [tilespmem:$0x13C20]  }
0xe3: {  	v6 =	vld [tilespmem:$0x13C40];
	v1 =	vshll.u32 v1, $0x1  }
0xe4: {  	v7 =	vld [tilespmem:$0x13C10];
	v2 =	vshll.u32 v2, $0x1;
	v1 =	vor.u32 v0, v1  }
0xe5: {  	v8 =	vld [tilespmem:$0x13C00];
	v2 =	vor.u32 v0, v2;
	[tilespmem:$0x13E60] =	vst v1;
	v1 =	vshll.u32 v3, $0x1  }
0xe6: {  	[tilespmem:$0x13E30] =	vst v2;
	v2 =	vshll.u32 v4, $0x1;
	v1 =	vor.u32 v0, v1  }
0xe7: {  	v3 =	vshll.u32 v5, $0x1;
	v2 =	vor.u32 v0, v2;
	[tilespmem:$0x13E70] =	vst v1  }
0xe8: {  	v1 =	vor.u32 v0, v3;
	v3 =	vshll.u32 v6, $0x1;
	[tilespmem:$0x13E50] =	vst v2  }
0xe9: {  	v2 =	vshll.u32 v7, $0x1;
	[tilespmem:$0x13E20] =	vst v1;
	v1 =	vor.u32 v0, v3  }
0xea: {  	v3 =	vshll.u32 v8, $0x1;
	v2 =	vor.u32 v0, v2;
	[tilespmem:$0x13E40] =	vst v1  }
0xeb: {  	v1 =	vor.u32 v0, v3;
	[tilespmem:$0x13E10] =	vst v2  }
0xec: {  	[tilespmem:$0x13E00] =	vst v1  }
0xed: {  	[tilespmem:s23], [sflag:$0x1] =	stream.indirect.gather [hbm4b:s2+s21], $0x80, s22, s21, $0xb8;
	[tilespmem:$0x1C880] =	vst v63  }
0xee: {  	_ =	swait.ge [sflag:s30], $0x4000  }
0xef: {  	[sflag:s30] =	ssyncset.done $0x0  }
0xf0: {  	[sflag:s30] =	ssyncadd.s32 $0xFFFFC000  }
0xf1: {  	[spmem:s3] =	stream.indirect.scatter.add.f32 [tilespmem:s28], [sflag:$0x3], $0x80, s25, s21, $0xb8;
	[tilespmem:$0x1C880] =	vst v63  }
0xf2: {  	_ =	swait.ge [sflag:s18], $0x4000  }
0xf3: {  	[sflag:s18] =	ssyncset.done $0x0  }
0xf4: {  	s8 =	sadd.s32 $0x4F0, s8;
	[sflag:s18] =	ssyncadd.s32 $0xFFFFC000  }
0xf5: {  	[tilespmem:s24], [sflag:$0x3] =	stream.linear.gather [hbm4b:s8+s4], $0x80, $0x38;
	[tilespmem:$0x1C880] =	vst v63  }
0xf6: {  	_ =	swait.ge [sflag:s18], $0x80  }
0xf7: {  	[sflag:s18] =	ssyncset.done $0x0  }
0xf8: {  	s7 =	sadd.s32 $0x4F0, s10;
	[sflag:s18] =	ssyncadd.s32 $0xFFFFFF80  }
0xf9: {  	[tilespmem:s25], [sflag:$0x3] =	stream.linear.gather [hbm4b:s7+s4], $0x80, $0x38;
	[tilespmem:$0x1C880] =	vst v63  }
0xfa: {  	_ =	swait.ge [sflag:s18], $0x80  }
0xfb: {  	[sflag:s18] =	ssyncset.done $0x0  }
0xfc: {  	[sflag:s18] =	ssyncadd.s32 $0xFFFFFF80  }
0xfd: {  	v1 =	vld [tilespmem:$0x13C90]  }
0xfe: {  	v2 =	vld [tilespmem:$0x13CD0]  }
0xff: {  	v3 =	vld [tilespmem:$0x13CA0]  }
0x100: {  	v59 =	vld [tilespmem:$0x13CB0]  }
0x101: {  	v60 =	vld [tilespmem:$0x13CC0]  }
0x102: {  	v61 =	vld [tilespmem:$0x13C80];
	v1 =	vshll.u32 v1, $0x1  }
0x103: {  	v62 =	vld [tilespmem:$0x13CE0];
	v2 =	vshll.u32 v2, $0x1;
	v1 =	vor.u32 v0, v1  }
0x104: {  	v63 =	vld [tilespmem:$0x13CF0];
	v3 =	vshll.u32 v3, $0x1;
	[tilespmem:$0x13E90] =	vst v1;
	v1 =	vor.u32 v0, v2  }
0x105: {  	v2 =	vor.u32 v0, v3;
	v3 =	vshll.u32 v59, $0x1;
	[tilespmem:$0x13ED0] =	vst v1  }
0x106: {  	v1 =	vor.u32 v0, v3;
	v3 =	vshll.u32 v60, $0x1;
	[tilespmem:$0x13EA0] =	vst v2  }
0x107: {  	v2 =	vshll.u32 v61, $0x1;
	v3 =	vor.u32 v0, v3;
	[tilespmem:$0x13EB0] =	vst v1  }
0x108: {  	v1 =	vshll.u32 v62, $0x1;
	v2 =	vor.u32 v0, v2;
	[tilespmem:$0x13EC0] =	vst v3  }
0x109: {  	v1 =	vor.u32 v0, v1;
	v3 =	vshll.u32 v63, $0x1;
	[tilespmem:$0x13E80] =	vst v2  }
0x10a: {  	[tilespmem:$0x13EE0] =	vst v1;
	v1 =	vor.u32 v0, v3  }
0x10b: {  	[tilespmem:$0x13EF0] =	vst v1  }
0x10c: {  	[tilespmem:s28], [sflag:$0x2] =	stream.indirect.gather [hbm4b:s2+s21], $0x80, s26, s21, $0xb8;
	[tilespmem:$0x1C880] =	vst v63  }
0x10d: {  	_ =	swait.ge [sflag:s29], $0x4000  }
0x10e: {  	[sflag:s29] =	ssyncset.done $0x0  }
0x10f: {  	[sflag:s29] =	ssyncadd.s32 $0xFFFFC000  }
0x110: {  	[spmem:s3] =	stream.indirect.scatter.add.f32 [tilespmem:s23], [sflag:$0x3], $0x80, s20, s21, $0xb8;
	[tilespmem:$0x1C880] =	vst v63  }
0x111: {  	_ =	swait.ge [sflag:s18], $0x4000  }
0x112: {  	[sflag:s18] =	ssyncset.done $0x0  }
0x113: {  	[sflag:s18] =	ssyncadd.s32 $0xFFFFC000  }
0x114: {  	_ =	swait.ge [sflag:s30], $0x4000  }
0x115: {  	[sflag:s30] =	ssyncset.done $0x0  }
0x116: {  	[sflag:s30] =	ssyncadd.s32 $0xFFFFC000  }
0x117: {  	[spmem:s3] =	stream.indirect.scatter.add.f32 [tilespmem:s28], [sflag:$0x3], $0x80, s25, s21, $0xb8;
	[tilespmem:$0x1C880] =	vst v63  }
0x118: {  	_ =	swait.ge [sflag:s18], $0x4000  }
0x119: {  	[sflag:s18] =	ssyncset.done $0x0  }
0x11a: {  	s10 =	simm.s32 $0x1BF00;
	s9 =	rddreg [dreg:$0x9];
	[sflag:s18] =	ssyncadd.s32 $0xFFFFC000  }
0x11b: {  	[tilespmem:s10], [sflag:$0x3] =	stream.linear.gather [hbm4b:s9+s4], $0x10, $0x38;
	[tilespmem:$0x1C880] =	vst v63  }
0x11c: {  	_ =	swait.ge [sflag:s18], $0x10  }
0x11d: {  	[sflag:s18] =	ssyncset.done $0x0  }
0x11e: {  	[sflag:s18] =	ssyncadd.s32 $0xFFFFFFF0  }
0x11f: {  	[tilespmem:s0], [sflag:$0x3] =	stream.linear.gather [hbm4b:s12+s4], $0x10, $0x38;
	[tilespmem:$0x1C880] =	vst v63  }
0x120: {  	_ =	swait.ge [sflag:s18], $0x10  }
0x121: {  	[sflag:s18] =	ssyncset.done $0x0  }
0x122: {  	[sflag:s18] =	ssyncadd.s32 $0xFFFFFFF0  }
0x123: {  	v1 =	vld [tilespmem:$0x1BF00];
	_ =	sdelay $0x4  }
0x124: {  	v1 =	vshll.u32 v1, $0x1  }
0x125: {  	v1 =	vor.u32 v0, v1  }
0x126: {  	s11 =	simm.s32 $0x1C000;
	[tilespmem:$0x1C000] =	vst v1  }
0x127: {  	[tilespmem:s31], [sflag:$0x1] =	stream.indirect.gather [hbm4b:s2+s1], $0x80, s11, s1, $0xb8;
	[tilespmem:$0x1C880] =	vst v63  }
0x128: {  	_ =	swait.ge [sflag:s29], $0x800  }
0x129: {  	[sflag:s29] =	ssyncset.done $0x0  }
0x12a: {  	[sflag:s29] =	ssyncadd.s32 $0xFFFFF800  }
0x12b: {  	[spmem:s3] =	stream.indirect.scatter.add.f32 [tilespmem:s31], [sflag:$0x3], $0x80, s0, s1, $0xb8;
	[tilespmem:$0x1C880] =	vst v63  }
0x12c: {  	_ =	swait.ge [sflag:s18], $0x800  }
0x12d: {  	s5 =	sadd.s32 $0x1, s5;
	[sflag:s18] =	ssyncset.done $0x0  }
0x12e: {  	p0 =	sne.s32 s5, s14;
	[sflag:s18] =	ssyncadd.s32 $0xFFFFF800  }
.Ltmp1:
0x12f: {  	[bflag:$0x0] =	sbarrier.arrive $0xFFFF;
	(pc) =	sbr.rel @p0 .LBB2_1-.Ltmp1, $4  }
0x130: {  	[hbm:s13], [sflag:s6] =	dma.local [spmem:s17], $0x2780  }
0x131: {  	_ =	swait.ge [sflag:s18], $0x2780  }
0x132: {  	[sflag:s18] =	ssyncset.done $0x0  }
0x133: {  	[sflag:s18] =	ssyncadd.s32 $0xFFFFD880  }
0x134: {  	_ =	sfence.sel $0x180000  }
0x135: {  	[bflag:$0x0] =	sbarrier.arrive $0xFFFF  }
0x136: {  	_ =	strace $0x9000004D  }
0x137: {  	s0 =	stileid.u32;
	[bflag:$0x2] =	sbarrier.arrive $0xFFFF  }
0x138: {  	p0 =	sne.s32 s0, $0x0;
	s0 =	rddreg [dreg:$0x3]  }
0x139: {  	s0 =	sadd.s32 @!p0 $0x100000, s0  }
0x13a: {  	[sflag:s0] =	ssyncadd.tile.s32 @!p0 $0x1;
	_ =	shalt  }
.Lfunc_end2:
_tile_overlayer_lowered:
.L_overlay_start_2:
0x13b: {  	(tag) =	ssettag $0x2  }
0x13c: {  	s0 =	rddreg [dreg:$0x0];
	s2 =	stileid.u32  }
0x13d: {  	s1 =	rddreg [dreg:$0x1];
	p0 =	sne.s32 s2, $0x0  }
0x13e: {  	s3 =	rddreg [dreg:$0x2];
	[bflag:$0x3] =	sbarrier.arrive $0xFFFF;
	s2 =	simm.s32 @!p0 $0x1C03  }
0x13f: {  	[timem:s3], [sflag:s2] =	dma.local @!p0 [hbm:s0], s1  }
0x140: {  	s0 =	simm.s32 @!p0 $0x3  }
0x141: {  	_ =	swait.ge @!p0 [sflag:s0], s1  }
0x142: {  	s1 =	ssub.s32 @!p0 $0x0, s1;
	[sflag:s0] =	ssyncset.done @!p0 $0x0  }
0x143: {  	[sflag:s0] =	ssyncadd.s32 @!p0 s1  }
0x144: {  	[bflag:$0x3] =	sbarrier.arrive $0xFFFF  }
0x145: {  	_ =	shalt  }

// kernel: kernel.7.cloned.1.call-start
scs
__scs_entry_jumppad:
0x0: {  	(pc) =	sbr.rel $0x88, $3  }
0x1: {  	(tag) =	ssettag $0x0;
	lr =	simm.s32 $0x1  }
0x2: {  	[smem:$0x3F93] =	sst lr;
	_ =	strace $0xD0000000  }
0x3: {  	_ = 	snop  }
0x4: {  	_ = 	snop  }
0x5: {  	_ = 	snop  }
0x6: {  	_ = 	snop  }
0x7: {  	_ = 	snop  }
__scs_overlays_trampoline_lowered:
0x8: {  	[smem:$0x3FA2] =	sst s0  }
0x9: {  	[smem:$0x3FA3] =	sst s1  }
0xa: {  	[smem:$0x3FA4] =	sst s2  }
0xb: {  	[smem:$0x3FA5] =	sst s3  }
0xc: {  	[smem:$0x3FA6] =	sst s4  }
0xd: {  	[smem:$0x3FA7] =	sst s5  }
0xe: {  	[smem:$0x3FA8] =	sst s6  }
0xf: {  	[smem:$0x3FA9] =	sst s7  }
0x10: {  	[smem:$0x3FAA] =	sst s8  }
0x11: {  	[smem:$0x3FAB] =	sst s9;
	s0 =	simm.s32 @!p0 $0x0  }
0x12: {  	s1 =	sld [smem:$0x3F91];
	s0 =	simm.s32 @p0 $0x1  }
0x13: {  	[smem:$0x3FAC] =	sst s0;
	s0 =	simm.s32 @!p1 $0x0  }
0x14: {  	s2 =	sld [smem:$0x3F90];
	s0 =	simm.s32 @p1 $0x1  }
0x15: {  	[smem:$0x3FAD] =	sst s0;
	s0 =	simm.s32 @!p2 $0x0  }
0x16: {  	s3 =	sld [smem:$0x3FDB];
	s0 =	simm.s32 @p2 $0x1  }
0x17: {  	s4 =	simm.s32 $0x1BF5;
	[smem:$0x3FAF] =	sst s0  }
0x18: {  	s0 =	sld [smem:$0x3F92];
	_ =	swait.ge [sflag:s4], $0x0  }
0x19: {  	s7 =	sld [smem:$0x3F93]  }
0x1a: {  	s8 =	sadd.s32 $0xFFFFE003, lr  }
0x1b: {  	s9 =	sadd.s32 $0xFFFFFEF7, lr;
	s5 =	simm.s32 $0xFFFFFFFF;
	p2 =	slt.u32 s8, $0xFFFFF086  }
0x1c: {  	p1 =	slt.u32 s9, $0xF7A;
	s5 =	simm.s32 @!p2 $0x0  }
0x1d: {  	s5 =	simm.s32 @p1 $0x1;
	p0 =	seq.s32 s7, s2  }
0x1e: {  	s7 =	smul.u32 @!p0 $0xF7A, s2;
	p2 =	seq.s32 @!p0 s5, $0x0  }
0x1f: {  	s9 =	smul.u32 $0xF7A, s1;
	s8 =	simm.s32 @!p0 $0x1BF5;
	p2 =	por !p2, p0  }
0x20: {  	[sflag:s8] =	ssyncset.s32 @!p0 $0xFFFFF086;
	s6 =	sadd.s32 @!p0 s3, s7;
	s7 =	simm.s32 @!p0 $0x108  }
0x21: {  	s3 =	sadd.s32 s3, s9;
	s6 =	sadd.s32 @!p0 $0x88, s6;
	s7 =	simm.s32 @p2 $0x1082  }
0x22: {  	[simem:s7], [sflag:s8] =	dma.local @!p0 [hbm:s6], $0xF7A  }
0x23: {  	s9 =	sor.u32 $0xD0000000, s2;
	s6 =	simm.s32 $0x108;
	_ =	swait.ge @!p0 [sflag:s8], $0x0  }
0x24: {  	s3 =	sadd.s32 $0x88, s3;
	s6 =	simm.s32 @!p1 $0x1082;
	[sflag:s4] =	ssyncset.s32 $0xFFFFF086  }
0x25: {  	[simem:s6], [sflag:s4] =	dma.local [hbm:s3], $0xF7A  }
0x26: {  	[smem:$0x3F93] =	sst s1;
	(tag) =	ssettag s2;
	_ =	strace s9  }
0x27: {  	s1 =	sld [smem:$0x3FA3]  }
0x28: {  	s2 =	sld [smem:$0x3FA4]  }
0x29: {  	s4 =	sld [smem:$0x3FA6]  }
0x2a: {  	p0 =	seq.s32 s5, $0x0;
	s5 =	sld [smem:$0x3FA7]  }
0x2b: {  	s6 =	sld [smem:$0x3FA8]  }
0x2c: {  	s7 =	sld [smem:$0x3FA9]  }
0x2d: {  	s3 =	simm.s32 $0x108;
	s8 =	sld [smem:$0x3FAA]  }
0x2e: {  	s3 =	simm.s32 @!p0 $0x1082;
	s9 =	sld [smem:$0x3FAB]  }
0x2f: {  	lr =	sadd.s32 s0, s3;
	s0 =	sld [smem:$0x3FA2]  }
0x30: {  	s3 =	sld [smem:$0x3FA5]  }
0x31: {  	[smem:$0x3FAE] =	sst s10  }
0x32: {  	s10 =	sld [smem:$0x3FAC];
	_ =	sdelay $0x3  }
0x33: {  	p0 =	seq.s32 s10, $0x1;
	s10 =	sld [smem:$0x3FAE];
	_ =	sdelay $0x3  }
0x34: {  	[smem:$0x3FAE] =	sst s10  }
0x35: {  	s10 =	sld [smem:$0x3FAD];
	_ =	sdelay $0x3  }
0x36: {  	p1 =	seq.s32 s10, $0x1;
	s10 =	sld [smem:$0x3FAE];
	_ =	sdelay $0x3  }
0x37: {  	[smem:$0x3FAE] =	sst s10  }
0x38: {  	s10 =	sld [smem:$0x3FAF]  }
0x39: {  	_ = 	snop;
	(pc) =	sbr.ind lr, $3  }
0x3a: {  	_ = 	snop  }
0x3b: {  	_ = 	snop  }
0x3c: {  	p2 =	seq.s32 s10, $0x1;
	s10 =	sld [smem:$0x3FAE]  }
0x3d: {  	_ =	shalt  }
0x3e: {  	_ =	shalt  }
0x3f: {  	_ =	shalt  }
0x40: {  	_ =	shalt  }
0x41: {  	_ =	shalt  }
0x42: {  	_ =	shalt  }
0x43: {  	_ =	shalt  }
0x44: {  	_ =	shalt  }
0x45: {  	_ =	shalt  }
0x46: {  	_ =	shalt  }
0x47: {  	_ =	shalt  }
0x48: {  	_ =	shalt  }
0x49: {  	_ =	shalt  }
0x4a: {  	_ =	shalt  }
0x4b: {  	_ =	shalt  }
0x4c: {  	_ =	shalt  }
0x4d: {  	_ =	shalt  }
0x4e: {  	_ =	shalt  }
0x4f: {  	_ =	shalt  }
0x50: {  	_ =	shalt  }
0x51: {  	_ =	shalt  }
0x52: {  	_ =	shalt  }
0x53: {  	_ =	shalt  }
0x54: {  	_ =	shalt  }
0x55: {  	_ =	shalt  }
0x56: {  	_ =	shalt  }
0x57: {  	_ =	shalt  }
0x58: {  	_ =	shalt  }
0x59: {  	_ =	shalt  }
0x5a: {  	_ =	shalt  }
0x5b: {  	_ =	shalt  }
0x5c: {  	_ =	shalt  }
0x5d: {  	_ =	shalt  }
0x5e: {  	_ =	shalt  }
0x5f: {  	_ =	shalt  }
0x60: {  	_ =	shalt  }
0x61: {  	_ =	shalt  }
0x62: {  	_ =	shalt  }
0x63: {  	_ =	shalt  }
0x64: {  	_ =	shalt  }
0x65: {  	_ =	shalt  }
0x66: {  	_ =	shalt  }
0x67: {  	_ =	shalt  }
0x68: {  	_ =	shalt  }
0x69: {  	_ =	shalt  }
0x6a: {  	_ =	shalt  }
0x6b: {  	_ =	shalt  }
0x6c: {  	_ =	shalt  }
0x6d: {  	_ =	shalt  }
0x6e: {  	_ =	shalt  }
0x6f: {  	_ =	shalt  }
0x70: {  	_ =	shalt  }
0x71: {  	_ =	shalt  }
0x72: {  	_ =	shalt  }
0x73: {  	_ =	shalt  }
0x74: {  	_ =	shalt  }
0x75: {  	_ =	shalt  }
0x76: {  	_ =	shalt  }
0x77: {  	_ =	shalt  }
0x78: {  	_ =	shalt  }
0x79: {  	_ =	shalt  }
0x7a: {  	_ =	shalt  }
0x7b: {  	_ =	shalt  }
0x7c: {  	_ =	shalt  }
0x7d: {  	_ =	shalt  }
0x7e: {  	_ =	shalt  }
0x7f: {  	_ =	shalt  }
0x80: {  	_ =	shalt  }
0x81: {  	_ =	shalt  }
0x82: {  	_ =	shalt  }
0x83: {  	_ =	shalt  }
0x84: {  	_ =	shalt  }
0x85: {  	_ =	shalt  }
0x86: {  	_ =	shalt  }
0x87: {  	_ =	shalt  }
.Lfunc_end0:
.L_simem_size_0:
called_computation_lowered:
.L_overlay_start_0:
0x88: {  	s2 =	sld [smem:$0x3FD9]  }
0x89: {  	s3 =	sld [smem:$0x3FFE];
	_ =	sdelay $0x1  }
0x8a: {  	s1 =	srdreg.scid  }
0x8b: {  	s0 =	sand.u32 $0x1, s1  }
0x8c: {  	s16 =	sshll.u32 s0, $0xA;
	s2 =	sadd.s32 s3, s2  }
0x8d: {  	s2 =	sadd.s32 s2, s16  }
0x8e: {  	[smem:$0x3FBA] =	sst s2  }
0x8f: {  	_ = 	snop  }
0x90: {  	(tm) =	ssettm $0x1  }
0x91: {  	s17 =	sld [smem:$0x3FFB];
	_ =	sdelay $0x3  }
0x92: {  	_ =	strace s17  }
0x93: {  	s2 =	sld [smem:$0x3FFC];
	_ =	sdelay $0x3  }
0x94: {  	_ =	strace s2  }
0x95: {  	s2 =	sld [smem:$0x3FFD];
	_ =	sdelay $0x3  }
0x96: {  	_ =	strace s2  }
0x97: {  	_ =	strace $0x8FFFFFFF  }
0x98: {  	s18 =	sld [smem:$0x3FDB];
	_ =	sdelay $0x1  }
0x99: {  	s19 =	simm.s32 $_scs_section_size  }
0x9a: {  	s4 =	simm.s32 $_size__tile_overlayer_lowered;
	s5 =	simm.s32 $_tile_overlayer_lowered  }
0x9b: {  	s22 =	simm.s32 $0x1BFF;
	s21 =	sshll.u32 s5, $0x1;
	s2 =	sadd.s32 s19, s18  }
0x9c: {  	s6 =	simm.s32 $0x0;
	s20 =	sshll.u32 s4, $0x1;
	s4 =	sadd.s32 s21, s2  }
0x9d: {  	[timem:s6], [sflag:s22] =	dma.local [hbm:s4], s20  }
0x9e: {  	_ =	swait.ge [sflag:s22], s20  }
0x9f: {  	s3 =	ssub.s32 $0x0, s20;
	[sflag:s22] =	ssyncset.done $0x0  }
0xa0: {  	[sflag:s22] =	ssyncadd.s32 s3;
	_ =	sdelay $0x1  }
0xa1: {  	s23 =	simm.s32 $0x1B8B  }
0xa2: {  	_ =	swait.ge [sflag:s23], $0x1  }
0xa3: {  	[sflag:s23] =	ssyncset.done $0x0  }
0xa4: {  	s25 =	simm.s32 $0x1B8E;
	s24 =	sld [smem:$0x3FFE];
	[sflag:s23] =	ssyncadd.s32 $0xFFFFFFFF  }
0xa5: {  	s26 =	simm.s32 $execute0_lowered;
	[smem:$0x3FD2] =	sst s25  }
0xa6: {  	s4 =	sshll.u32 s26, $0x1;
	_ =	strace $0x80000046;
	[dreg:$0x1] =	wrdreg $0xFFFFFFFF  }
0xa7: {  	s28 =	simm.s32 $_size_execute0_lowered;
	s2 =	sadd.s32 s2, s4;
	[dreg:$0x0] =	wrdreg $0x0  }
0xa8: {  	s4 =	sshll.u32 s28, $0x1;
	[dreg:$0x2] =	wrdreg s2  }
0xa9: {  	[dreg:$0x3] =	wrdreg s4  }
0xaa: {  	[dreg:$0x4] =	wrdreg $0xC0  }
0xab: {  	_ =	task [dreg:s6], $0x5FFFF  }
0xac: {  	[dreg:$0x1] =	wrdreg $0xFFFFFFFF  }
0xad: {  	[dreg:$0x0] =	wrdreg $0x60  }
0xae: {  	[dreg:$0x2] =	wrdreg s24  }
0xaf: {  	[dreg:$0x3] =	wrdreg $0x0  }
0xb0: {  	[dreg:$0x4] =	wrdreg $0x9  }
0xb1: {  	_ =	task.clear_ibuf [dreg:s6], $0x5FFFF;
	_ =	strace $0x90000046  }
0xb2: {  	s29 =	simm.s32 $0x9;
	_ =	strace $0x80000048  }
0xb3: {  	_ =	swait.ge [sflag:s29], $0x1  }
0xb4: {  	[sflag:s29] =	ssyncadd.s32 $0xFFFFFFFF  }
0xb5: {  	_ =	strace $0x90000048  }
0xb6: {  	_ =	sfence  }
0xb7: {  	s30 =	sld [smem:$0x0];
	_ =	sdelay $0x2  }
0xb8: {  	s31 =	sshll.u32 s1, $0xD;
	s1 =	sshrl.u32 s1, $0x2  }
0xb9: {  	s3 =	sand.u32 $0x4000, s31;
	s1 =	sadd.s32 s1, s30  }
0xba: {  	s0 =	sor.u32 s3, s0;
	s1 =	sshll.u32 s1, $0x11  }
0xbb: {  	s0 =	sor.u32 s1, s0  }
0xbc: {  	s0 =	sadd.s32 $0x8F2B, s0  }
0xbd: {  	[sflag:s0] =	ssyncadd.remote.s32 $0x1  }
0xbe: {  	_ =	sfence.sel $0xFFFF  }
0xbf: {  	[dreg:$0x0] =	wrdreg $0xFFFFFFFF;
	(pc) =	sbr.abs _section_cstart, $3  }
0xc0: {  	[dreg:$0x1] =	wrdreg $0xFFFFFFFF  }
0xc1: {  	_ =	task.clear_ibuf [dreg:s6], $0x2FFFF;
	_ =	strace $0x9FFFFFFF  }
0xc2: {  	(tm) =	ssettm $0x7FFFFFFF  }
0xc3: {  	_ =	shalt  }
tec
execute0_lowered:
.L_overlay_start_1:
0x0: {  	(tag) =	ssettag $0x1  }
0x1: {  	s0 =	srdreg.scid  }
0x2: {  	s11 =	stileid.u32;
	s5 =	rddreg [dreg:$0x0]  }
0x3: {  	s2 =	rddreg [dreg:$0x1];
	s3 =	simm.s32 $0x0;
	s12 =	simm.s32 $0x15000  }
0x4: {  	s13 =	simm.s32 $0x13C00;
	s14 =	simm.s32 $0x80;
	s21 =	simm.s32 $0x14880  }
0x5: {  	s22 =	simm.s32 $0x14900;
	s23 =	simm.s32 $0x14980;
	s28 =	simm.s32 $0x14B80  }
0x6: {  	s29 =	simm.s32 $0x14C00;
	s30 =	simm.s32 $0x14C80;
	s31 =	simm.s32 $0x14D00  }
0x7: {  	s15 =	simm.s32 $0x14E80;
	s16 =	simm.s32 $0x14F00;
	s17 =	simm.s32 $0x14F80  }
0x8: {  	s18 =	simm.s32 $0x1;
	s19 =	simm.s32 $0x0;
	s4 =	smul.u32 $0x13C00, s11  }
0x9: {  	s0 =	sand.u32 $0x1, s0;
	[smem:$0x7FF] =	sst s3;
	s8 =	smul.u32 $0x4F000, s11  }
0xa: {  	s26 =	sshll.u32 s11, $0x6;
	s1 =	sshll.u32 s0, $0x4;
	s6 =	smul.u32 $0x13C000, s0  }
0xb: {  	_ =	strace $0x80000047;
	s0 =	ssub.s32 $0x2, s0;
	s1 =	sor.u32 s11, s1  }
0xc: {  	s7 =	sshrl.u32 s4, $0x3;
	s24 =	sshrl.u32 s0, $0x1;
	s25 =	sshrl.u32 s8, $0x2  }
0xd: {  	s11 =	simm.s32 $0x2;
	s1 =	smul.u32 $0x280, s1;
	s7 =	sadd.s32 s7, s5  }
0xe: {  	s6 =	sadd.s32 s4, s6;
	s4 =	sadd.s32 $0x39200, s5;
	s0 =	ssub.s32 s0, s24  }
0xf: {  	s10 =	sadd.s32 s25, s2;
	s24 =	simm.s32 $0x14A00;
	s25 =	simm.s32 $0x14A80  }
0x10: {  	s6 =	sshrl.u32 s6, $0x3;
	s10 =	sshrl.u32 s10, $0x3;
	s1 =	sadd.s32 s1, s5  }
0x11: {  	s9 =	sadd.s32 s6, s5;
	s5 =	sadd.s32 $0x11A00, s7;
	s6 =	sor.u32 $0x1C02, s26  }
0x12: {  	s26 =	simm.s32 $0x14B00;
	s7 =	sadd.s32 $0xCA00, s1;
	s8 =	sadd.s32 $0x39A00, s9  }
0x13: {  	s9 =	smax.u32 s0, $0x1;
	s1 =	simm.s32 $0x14D80;
	s0 =	simm.s32 $0x14E00  }
.LBB2_1:
0x14: {  	[spmem:s10], [sflag:s6] =	dma.local [hbm:s5], $0x2780  }
0x15: {  	_ =	swait.ge [sflag:s11], $0x2780  }
0x16: {  	[sflag:s11] =	ssyncset.done $0x0  }
0x17: {  	[sflag:s11] =	ssyncadd.s32 $0xFFFFD880  }
0x18: {  	[tilespmem:s12], [sflag:$0x2] =	stream.linear.gather [hbm4b:s4+s3], $0x4000, $0x38;
	[tilespmem:$0x19000] =	vst v63  }
0x19: {  	_ =	swait.ge [sflag:s11], $0x4000  }
0x1a: {  	[sflag:s11] =	ssyncset.done $0x0  }
0x1b: {  	[sflag:s11] =	ssyncadd.s32 $0xFFFFC000  }
0x1c: {  	[tilespmem:s13], [sflag:$0x2] =	stream.linear.gather [hbm4b:s7+s3], $0x1400, $0x38;
	[tilespmem:$0x19000] =	vst v63  }
0x1d: {  	_ =	swait.ge [sflag:s11], $0x1400  }
0x1e: {  	[sflag:s11] =	ssyncset.done $0x0  }
0x1f: {  	[sflag:s11] =	ssyncadd.s32 $0xFFFFEC00  }
0x20: {  	[bflag:$0x0] =	sbarrier.arrive $0xFFFF  }
0x21: {  	[spmem:s2] =	stream.indirect.scatter.add.f32 [tilespmem:s12], [sflag:$0x1], $0x80, s13, s14, $0xb8;
	[tilespmem:$0x19000] =	vst v63  }
0x22: {  	s20 =	simm.s32 $0x13C80  }
0x23: {  	[spmem:s2] =	stream.indirect.scatter.add.f32 [tilespmem:s12], [sflag:$0x1], $0x80, s20, s14, $0xb8;
	[tilespmem:$0x19000] =	vst v63  }
0x24: {  	s20 =	simm.s32 $0x13D00  }
0x25: {  	[spmem:s2] =	stream.indirect.scatter.add.f32 [tilespmem:s12], [sflag:$0x1], $0x80, s20, s14, $0xb8;
	[tilespmem:$0x19000] =	vst v63  }
0x26: {  	s20 =	simm.s32 $0x13D80  }
0x27: {  	[spmem:s2] =	stream.indirect.scatter.add.f32 [tilespmem:s12], [sflag:$0x1], $0x80, s20, s14, $0xb8;
	[tilespmem:$0x19000] =	vst v63  }
0x28: {  	s20 =	simm.s32 $0x13E00  }
0x29: {  	[spmem:s2] =	stream.indirect.scatter.add.f32 [tilespmem:s12], [sflag:$0x1], $0x80, s20, s14, $0xb8;
	[tilespmem:$0x19000] =	vst v63  }
0x2a: {  	s20 =	simm.s32 $0x13E80  }
0x2b: {  	[spmem:s2] =	stream.indirect.scatter.add.f32 [tilespmem:s12], [sflag:$0x1], $0x80, s20, s14, $0xb8;
	[tilespmem:$0x19000] =	vst v63  }
0x2c: {  	s20 =	simm.s32 $0x13F00  }
0x2d: {  	[spmem:s2] =	stream.indirect.scatter.add.f32 [tilespmem:s12], [sflag:$0x1], $0x80, s20, s14, $0xb8;
	[tilespmem:$0x19000] =	vst v63  }
0x2e: {  	s20 =	simm.s32 $0x13F80  }
0x2f: {  	[spmem:s2] =	stream.indirect.scatter.add.f32 [tilespmem:s12], [sflag:$0x1], $0x80, s20, s14, $0xb8;
	[tilespmem:$0x19000] =	vst v63  }
0x30: {  	s20 =	simm.s32 $0x14000  }
0x31: {  	[spmem:s2] =	stream.indirect.scatter.add.f32 [tilespmem:s12], [sflag:$0x1], $0x80, s20, s14, $0xb8;
	[tilespmem:$0x19000] =	vst v63  }
0x32: {  	s20 =	simm.s32 $0x14080  }
0x33: {  	[spmem:s2] =	stream.indirect.scatter.add.f32 [tilespmem:s12], [sflag:$0x1], $0x80, s20, s14, $0xb8;
	[tilespmem:$0x19000] =	vst v63  }
0x34: {  	s20 =	simm.s32 $0x14100  }
0x35: {  	[spmem:s2] =	stream.indirect.scatter.add.f32 [tilespmem:s12], [sflag:$0x1], $0x80, s20, s14, $0xb8;
	[tilespmem:$0x19000] =	vst v63  }
0x36: {  	s20 =	simm.s32 $0x14180  }
0x37: {  	[spmem:s2] =	stream.indirect.scatter.add.f32 [tilespmem:s12], [sflag:$0x1], $0x80, s20, s14, $0xb8;
	[tilespmem:$0x19000] =	vst v63  }
0x38: {  	s20 =	simm.s32 $0x14200  }
0x39: {  	[spmem:s2] =	stream.indirect.scatter.add.f32 [tilespmem:s12], [sflag:$0x1], $0x80, s20, s14, $0xb8;
	[tilespmem:$0x19000] =	vst v63  }
0x3a: {  	s20 =	simm.s32 $0x14280  }
0x3b: {  	[spmem:s2] =	stream.indirect.scatter.add.f32 [tilespmem:s12], [sflag:$0x1], $0x80, s20, s14, $0xb8;
	[tilespmem:$0x19000] =	vst v63  }
0x3c: {  	s20 =	simm.s32 $0x14300  }
0x3d: {  	[spmem:s2] =	stream.indirect.scatter.add.f32 [tilespmem:s12], [sflag:$0x1], $0x80, s20, s14, $0xb8;
	[tilespmem:$0x19000] =	vst v63  }
0x3e: {  	s20 =	simm.s32 $0x14380  }
0x3f: {  	[spmem:s2] =	stream.indirect.scatter.add.f32 [tilespmem:s12], [sflag:$0x1], $0x80, s20, s14, $0xb8;
	[tilespmem:$0x19000] =	vst v63  }
0x40: {  	s20 =	simm.s32 $0x14400  }
0x41: {  	[spmem:s2] =	stream.indirect.scatter.add.f32 [tilespmem:s12], [sflag:$0x1], $0x80, s20, s14, $0xb8;
	[tilespmem:$0x19000] =	vst v63  }
0x42: {  	s20 =	simm.s32 $0x14480  }
0x43: {  	[spmem:s2] =	stream.indirect.scatter.add.f32 [tilespmem:s12], [sflag:$0x1], $0x80, s20, s14, $0xb8;
	[tilespmem:$0x19000] =	vst v63  }
0x44: {  	s20 =	simm.s32 $0x14500  }
0x45: {  	[spmem:s2] =	stream.indirect.scatter.add.f32 [tilespmem:s12], [sflag:$0x1], $0x80, s20, s14, $0xb8;
	[tilespmem:$0x19000] =	vst v63  }
0x46: {  	s20 =	simm.s32 $0x14580  }
0x47: {  	[spmem:s2] =	stream.indirect.scatter.add.f32 [tilespmem:s12], [sflag:$0x1], $0x80, s20, s14, $0xb8;
	[tilespmem:$0x19000] =	vst v63  }
0x48: {  	s20 =	simm.s32 $0x14600  }
0x49: {  	[spmem:s2] =	stream.indirect.scatter.add.f32 [tilespmem:s12], [sflag:$0x1], $0x80, s20, s14, $0xb8;
	[tilespmem:$0x19000] =	vst v63  }
0x4a: {  	s20 =	simm.s32 $0x14680  }
0x4b: {  	[spmem:s2] =	stream.indirect.scatter.add.f32 [tilespmem:s12], [sflag:$0x1], $0x80, s20, s14, $0xb8;
	[tilespmem:$0x19000] =	vst v63  }
0x4c: {  	s20 =	simm.s32 $0x14700  }
0x4d: {  	[spmem:s2] =	stream.indirect.scatter.add.f32 [tilespmem:s12], [sflag:$0x1], $0x80, s20, s14, $0xb8;
	[tilespmem:$0x19000] =	vst v63  }
0x4e: {  	s20 =	simm.s32 $0x14780  }
0x4f: {  	[spmem:s2] =	stream.indirect.scatter.add.f32 [tilespmem:s12], [sflag:$0x1], $0x80, s20, s14, $0xb8;
	[tilespmem:$0x19000] =	vst v63  }
0x50: {  	s20 =	simm.s32 $0x14800  }
0x51: {  	[spmem:s2] =	stream.indirect.scatter.add.f32 [tilespmem:s12], [sflag:$0x1], $0x80, s20, s14, $0xb8;
	[tilespmem:$0x19000] =	vst v63  }
0x52: {  	_ = 	snop  }
0x53: {  	[spmem:s2] =	stream.indirect.scatter.add.f32 [tilespmem:s12], [sflag:$0x1], $0x80, s21, s14, $0xb8;
	[tilespmem:$0x19000] =	vst v63  }
0x54: {  	_ = 	snop  }
0x55: {  	[spmem:s2] =	stream.indirect.scatter.add.f32 [tilespmem:s12], [sflag:$0x1], $0x80, s22, s14, $0xb8;
	[tilespmem:$0x19000] =	vst v63  }
0x56: {  	_ = 	snop  }
0x57: {  	[spmem:s2] =	stream.indirect.scatter.add.f32 [tilespmem:s12], [sflag:$0x1], $0x80, s23, s14, $0xb8;
	[tilespmem:$0x19000] =	vst v63  }
0x58: {  	_ = 	snop  }
0x59: {  	[spmem:s2] =	stream.indirect.scatter.add.f32 [tilespmem:s12], [sflag:$0x1], $0x80, s24, s14, $0xb8;
	[tilespmem:$0x19000] =	vst v63  }
0x5a: {  	_ = 	snop  }
0x5b: {  	[spmem:s2] =	stream.indirect.scatter.add.f32 [tilespmem:s12], [sflag:$0x1], $0x80, s25, s14, $0xb8;
	[tilespmem:$0x19000] =	vst v63  }
0x5c: {  	_ = 	snop  }
0x5d: {  	[spmem:s2] =	stream.indirect.scatter.add.f32 [tilespmem:s12], [sflag:$0x1], $0x80, s26, s14, $0xb8;
	[tilespmem:$0x19000] =	vst v63  }
0x5e: {  	_ = 	snop  }
0x5f: {  	[spmem:s2] =	stream.indirect.scatter.add.f32 [tilespmem:s12], [sflag:$0x1], $0x80, s28, s14, $0xb8;
	[tilespmem:$0x19000] =	vst v63  }
0x60: {  	_ = 	snop  }
0x61: {  	[spmem:s2] =	stream.indirect.scatter.add.f32 [tilespmem:s12], [sflag:$0x1], $0x80, s29, s14, $0xb8;
	[tilespmem:$0x19000] =	vst v63  }
0x62: {  	_ = 	snop  }
0x63: {  	[spmem:s2] =	stream.indirect.scatter.add.f32 [tilespmem:s12], [sflag:$0x1], $0x80, s30, s14, $0xb8;
	[tilespmem:$0x19000] =	vst v63  }
0x64: {  	_ = 	snop  }
0x65: {  	[spmem:s2] =	stream.indirect.scatter.add.f32 [tilespmem:s12], [sflag:$0x1], $0x80, s31, s14, $0xb8;
	[tilespmem:$0x19000] =	vst v63  }
0x66: {  	_ = 	snop  }
0x67: {  	[spmem:s2] =	stream.indirect.scatter.add.f32 [tilespmem:s12], [sflag:$0x1], $0x80, s1, s14, $0xb8;
	[tilespmem:$0x19000] =	vst v63  }
0x68: {  	_ = 	snop  }
0x69: {  	[spmem:s2] =	stream.indirect.scatter.add.f32 [tilespmem:s12], [sflag:$0x1], $0x80, s0, s14, $0xb8;
	[tilespmem:$0x19000] =	vst v63  }
0x6a: {  	_ = 	snop  }
0x6b: {  	[spmem:s2] =	stream.indirect.scatter.add.f32 [tilespmem:s12], [sflag:$0x1], $0x80, s15, s14, $0xb8;
	[tilespmem:$0x19000] =	vst v63  }
0x6c: {  	_ = 	snop  }
0x6d: {  	[spmem:s2] =	stream.indirect.scatter.add.f32 [tilespmem:s12], [sflag:$0x1], $0x80, s16, s14, $0xb8;
	[tilespmem:$0x19000] =	vst v63  }
0x6e: {  	_ = 	snop  }
0x6f: {  	[spmem:s2] =	stream.indirect.scatter.add.f32 [tilespmem:s12], [sflag:$0x1], $0x80, s17, s14, $0xb8;
	[tilespmem:$0x19000] =	vst v63  }
0x70: {  	_ =	swait.ge [sflag:s18], $0x4000  }
0x71: {  	s20 =	simm.s32 $0x27;
	[sflag:s18] =	ssyncset.done $0x0  }
.LBB2_2:
0x72: {  	p0 =	sne.s32 s20, $0x1;
	s20 =	sadd.s32 $0xFFFFFFFF, s20;
	[sflag:s18] =	ssyncadd.s32 $0xFFFFC000  }
.Ltmp0:
0x73: {  	(pc) =	sbr.rel @p0 .LBB2_2-.Ltmp0, $3  }
0x74: {  	_ =	sdelay $0x1  }
0x75: {  	_ =	swait.ge [sflag:s18], $0x4000  }
0x76: {  	[sflag:s18] =	ssyncset.done $0x0  }
0x77: {  	s19 =	sadd.s32 $0x1, s19  }
0x78: {  	[sflag:s18] =	ssyncadd.s32 $0xFFFFC000;
	p0 =	sne.s32 s19, s9  }
.Ltmp1:
0x79: {  	[bflag:$0x0] =	sbarrier.arrive $0xFFFF;
	(pc) =	sbr.rel @p0 .LBB2_1-.Ltmp1, $4  }
0x7a: {  	[hbm:s8], [sflag:s6] =	dma.local [spmem:s10], $0x2780  }
0x7b: {  	_ =	swait.ge [sflag:s11], $0x2780  }
0x7c: {  	[sflag:s11] =	ssyncset.done $0x0  }
0x7d: {  	[sflag:s11] =	ssyncadd.s32 $0xFFFFD880  }
0x7e: {  	_ =	sfence.sel $0x180000  }
0x7f: {  	[bflag:$0x0] =	sbarrier.arrive $0xFFFF  }
0x80: {  	_ =	strace $0x90000047  }
0x81: {  	s0 =	stileid.u32;
	[bflag:$0x2] =	sbarrier.arrive $0xFFFF  }
0x82: {  	p0 =	sne.s32 s0, $0x0;
	s0 =	rddreg [dreg:$0x2]  }
0x83: {  	s0 =	sadd.s32 @!p0 $0x100000, s0  }
0x84: {  	[sflag:s0] =	ssyncadd.tile.s32 @!p0 $0x1;
	_ =	shalt  }
.Lfunc_end2:
_tile_overlayer_lowered:
.L_overlay_start_2:
0x85: {  	(tag) =	ssettag $0x2  }
0x86: {  	s0 =	rddreg [dreg:$0x0];
	s2 =	stileid.u32  }
0x87: {  	s1 =	rddreg [dreg:$0x1];
	p0 =	sne.s32 s2, $0x0  }
0x88: {  	s3 =	rddreg [dreg:$0x2];
	[bflag:$0x3] =	sbarrier.arrive $0xFFFF;
	s2 =	simm.s32 @!p0 $0x1C02  }
0x89: {  	[timem:s3], [sflag:s2] =	dma.local @!p0 [hbm:s0], s1  }
0x8a: {  	s0 =	simm.s32 @!p0 $0x2  }
0x8b: {  	_ =	swait.ge @!p0 [sflag:s0], s1  }
0x8c: {  	s1 =	ssub.s32 @!p0 $0x0, s1;
	[sflag:s0] =	ssyncset.done @!p0 $0x0  }
0x8d: {  	[sflag:s0] =	ssyncadd.s32 @!p0 s1  }
0x8e: {  	[bflag:$0x3] =	sbarrier.arrive $0xFFFF  }
0x8f: {  	_ =	shalt  }

</sc_bundles>
